<compile_context>
chip_gen: v7x
topology: tpu7x:2x2x1
jax: 0.10.2.dev20260603
libtpu: 0.0.44.dev20260713+nightly
codegen_flags: <defaults>
</compile_context>

<pallas_src>
import functools

import jax
import jax.numpy as jnp
from jax import lax
from jax.experimental import pallas as pl
from jax.experimental.pallas import tpu as pltpu
from jax.experimental.pallas import tpu_sc as plsc

_K = 1024
_B = 64
_N = 32768
_NC, _NS, _L = 2, 16, 16
_NW = _NC * _NS
_RPW = _B // _NW
_NCHUNK = _N // _L
_HB = 4096
_CB = 256
_WBLK = 8192


def _bits_of(xv):
    return lax.bitcast_convert_type(xv, jnp.int32) & jnp.int32(0x7FFFFFFF)


def _splat_total(v):
    return plsc.cummax(lax.rev(plsc.cumsum(v), (0,)))


def _pcnt(m):
    return plsc.all_reduce_population_count(m)


def _scan_chunk(v, base_cum, jvec):
    rv = lax.rev(v, (0,))
    tot = base_cum + plsc.cumsum(rv)
    hit = tot >= _K
    t = plsc.all_reduce_ffs(hit)
    b1 = jvec - t
    above = base_cum + _splat_total(jnp.where(hit, 0, rv))
    return _pcnt(hit) > 0, b1, above, _splat_total(rv)


def _row_select_and_mask(x_hbm, row, row_v, wtmps, wsems, isems, w_hbm,
                         hist_v, chist_v, cb_v, ci_v):
    lanes = lax.iota(jnp.int32, _L)
    ones = jnp.ones((_L,), jnp.int32)
    zsplat = jnp.zeros((_L,), jnp.int32)

    nblk = _N // _WBLK
    handles = [None, None]
    in_handles = [None, None]
    handles[0] = pltpu.async_copy(w_hbm.at[pl.ds(0, _WBLK)], wtmps[0],
                                  wsems[0])
    in_handles[0] = pltpu.async_copy(
        x_hbm.at[row, pl.ds(0, _WBLK)], row_v.at[pl.ds(0, _WBLK)], isems[0])

    @plsc.parallel_loop(0, _HB // _L, unroll=8)
    def hz(j):
        hist_v[pl.ds(j * _L, _L)] = jnp.zeros((_L,), jnp.int32)

    for blk in range(nblk):
        handles[blk % 2].wait()
        in_handles[blk % 2].wait()
        if blk + 1 < nblk:
            handles[(blk + 1) % 2] = pltpu.async_copy(
                w_hbm.at[pl.ds((blk + 1) * _WBLK, _WBLK)],
                wtmps[(blk + 1) % 2], wsems[(blk + 1) % 2])
            in_handles[(blk + 1) % 2] = pltpu.async_copy(
                x_hbm.at[row, pl.ds((blk + 1) * _WBLK, _WBLK)],
                row_v.at[pl.ds((blk + 1) * _WBLK, _WBLK)],
                isems[(blk + 1) % 2])
        wtmp_v = wtmps[blk % 2]

        @plsc.parallel_loop(0, _WBLK // _L, unroll=8)
        def ha(i, blk=blk, wtmp_v=wtmp_v):
            sl = pl.ds(blk * _WBLK + i * _L, _L)
            xv = row_v[sl] * wtmp_v[pl.ds(i * _L, _L)]
            row_v[sl] = xv
            b = _bits_of(xv)
            plsc.addupdate_scatter(
                hist_v, [lax.shift_right_logical(b, 19)], ones)

    @plsc.parallel_loop(0, _CB // _L, unroll=2)
    def cred(j):
        acc = zsplat
        for c in range(_L):
            tot = _splat_total(hist_v[pl.ds(j * (_L * _L) + c * _L, _L)])
            acc = jnp.where(lanes == c, tot, acc)
        chist_v[pl.ds(j * _L, _L)] = acc

    def csc(jj, carry):
        cum, c1, cabove, jvec = carry
        v = chist_v[pl.ds((_CB // _L - 1 - jj) * _L, _L)]
        hit_any, b1_c, above_c, total = _scan_chunk(v, cum, jvec)
        pred = hit_any & (c1 < 0)
        c1 = jnp.where(pred, b1_c, c1)
        cabove = jnp.where(pred, above_c, cabove)
        return cum + total, c1, cabove, jvec - _L

    _, c1, cabove, _ = lax.fori_loop(
        0, _CB // _L, csc, (zsplat, zsplat - 1, zsplat, zsplat + (_CB - 1)))

    fine = hist_v[pl.ds(c1[0] * _L, _L)]
    _, b1, above, _ = _scan_chunk(fine, cabove, c1 * _L + (_L - 1))
    need = _K - above

    hi_bound = lax.shift_left(b1 + 1, 19)
    lo_bound = lax.shift_left(b1, 19)

    @plsc.parallel_loop(0, _NCHUNK, unroll=8, carry=(zsplat, lanes))
    def collect(i, carry):
        ptr_v, idxv = carry
        sl = pl.ds(i * _L, _L)
        xv = row_v[sl]
        b = _bits_of(xv)
        z0 = b >= hi_bound
        row_v[sl] = jnp.where(z0, 0.0, xv)
        m = (b >= lo_bound) & ~z0
        pos = ptr_v + plsc.cumsum(m.astype(jnp.int32)) - 1
        plsc.store_scatter(cb_v, [pos], b, mask=m)
        plsc.store_scatter(ci_v, [pos], idxv, mask=m)
        return ptr_v + _pcnt(m), idxv + _L

    cnt_v, _ = collect
    nch = lax.div(cnt_v[0] + (_L - 1), _L)

    def cge(mid):
        def csum(c, carry):
            acc, idxv = carry
            v = cb_v[pl.ds(c * _L, _L)]
            ok = (v >= mid) & (idxv < cnt_v)
            return acc + _pcnt(ok), idxv + _L

        return lax.fori_loop(0, nch, csum, (zsplat, lanes))[0]

    def bs_body(_, lohi):
        lo, hi = lohi
        mid = lax.shift_right_logical(lo + hi, 1)
        ge = cge(mid) >= need
        return jnp.where(ge, mid, lo), jnp.where(ge, hi, mid)

    t_thr, _ = lax.fori_loop(
        0, 19, bs_body,
        (lax.shift_left(b1, 19), lax.shift_left(b1 + 1, 19)))

    m_ties = need - cge(t_thr + 1)

    zerosf = jnp.zeros((_L,), jnp.float32)

    def fx_body(c, carry):
        cumeq, idxv = carry
        v = cb_v[pl.ds(c * _L, _L)]
        valid = idxv < cnt_v
        ok = (v == t_thr) & valid
        pref = plsc.cumsum(ok.astype(jnp.int32)) + cumeq
        z = ((v > t_thr) & valid) | (ok & (pref <= m_ties))
        civ = ci_v[pl.ds(c * _L, _L)]
        plsc.store_scatter(row_v, [civ], zerosf, mask=z)
        return cumeq + _pcnt(ok), idxv + _L

    lax.fori_loop(0, nch, fx_body, (zsplat, lanes))


def _sc_kernel(x_hbm, w_hbm, out_hbm, row_v, wtmp0_v, wtmp1_v, hist_v,
               chist_v, cb_v, ci_v, w_spm, wsem0, wsem1, osem0, osem1,
               isem0, isem1):
    sid = lax.axis_index("s")
    wid = sid * _NC + lax.axis_index("c")
    wtmps = (wtmp0_v, wtmp1_v)
    wsems = (wsem0, wsem1)
    osems = (osem0, osem1)
    isems = (isem0, isem1)
    hw = _N // 2
    stripe = _N // _NS
    pltpu.sync_copy(w_hbm.at[pl.ds(sid * stripe, stripe)],
                    w_spm.at[pl.ds(sid * stripe, stripe)])
    plsc.subcore_barrier()
    out_handles = []
    for r in range(_RPW):
        row = wid * _RPW + r
        for h in out_handles:
            h.wait()
        _row_select_and_mask(
            x_hbm, row, row_v, wtmps, wsems, isems, w_spm, hist_v, chist_v,
            cb_v, ci_v)
        out_handles = [
            pltpu.async_copy(
                row_v.at[pl.ds(h * hw, hw)],
                out_hbm.at[row, pl.ds(h * hw, hw)], osems[h])
            for h in range(2)]
    for h in out_handles:
        h.wait()


@functools.partial(jax.jit, donate_argnums=())
def kernel(x, weight):
    mesh = plsc.VectorSubcoreMesh(
        core_axis_name="c", subcore_axis_name="s",
        num_cores=_NC, num_subcores=_NS)
    return pl.kernel(
        _sc_kernel,
        out_type=jax.ShapeDtypeStruct((_B, _N), jnp.float32),
        mesh=mesh,
        compiler_params=pltpu.CompilerParams(needs_layout_passes=False),
        scratch_types=[
            pltpu.VMEM((_N,), jnp.float32),
            pltpu.VMEM((_WBLK,), jnp.float32),
            pltpu.VMEM((_WBLK,), jnp.float32),
            pltpu.VMEM((_HB,), jnp.int32),
            pltpu.VMEM((_CB,), jnp.int32),
            pltpu.VMEM((_N + _L,), jnp.int32),
            pltpu.VMEM((_N + _L,), jnp.int32),
            pltpu.VMEM_SHARED((_N,), jnp.float32),
            pltpu.SemaphoreType.DMA,
            pltpu.SemaphoreType.DMA,
            pltpu.SemaphoreType.DMA,
            pltpu.SemaphoreType.DMA,
            pltpu.SemaphoreType.DMA,
            pltpu.SemaphoreType.DMA,
        ],
    )(x, weight)

# --- scband reference (transcript-rebuilt; emitter-appended) ---
"""Pipeline reference for scband-trunc-simple-abs-73985106641588 (READ-ONLY COPY).

The authoritative reference and input builder live on the scoring server;
editing this copy changes nothing except your own understanding.
"""

import jax, jax.numpy as jnp
import numpy as np

K = 1024  # from init kwarg k
IN_FEATURES = 32768

def setup_inputs(seed: int = 0) -> dict:
    key = jax.random.key(seed)
    x = jax.random.normal(key, (64, IN_FEATURES), dtype=jnp.float32)
    # reset_parameters initializes weight to ones
    weight = jnp.ones((IN_FEATURES,), dtype=jnp.float32)
    return {"x": x, "weight": weight}

def reference(x, weight):
    # x = x * self.weight
    xw = x * weight
    # x_vals = x.clone().detach()
    x_vals = jax.lax.stop_gradient(xw)
    # _, idx_top = torch.topk(torch.abs(x_vals), k)  -> per-row top-k over last dim
    _, idx_top = jax.lax.top_k(jnp.abs(x_vals), K)  # [B, K]
    # z = ones_like(x); z[arange(B), idx_top.T] = 0  -> zero the top-k positions per row
    B = xw.shape[0]
    z = jnp.ones_like(xw)
    z = z.at[jnp.arange(B)[:, None], idx_top].set(0.0)
    return xw * z

if __name__ == "__main__":
    import jax
    _d = setup_inputs()
    print(jax.jit(kernel)(*tuple(_d.values())))

</pallas_src>

<mosaic_0001>
#map = affine_map<(d0, d1) -> (0, 0)>
#map1 = affine_map<(d0, d1) -> (0)>
module attributes {stable_mosaic.version = 14 : i64} {
  func.func @_sc_kernel(%arg0: i32, %arg1: i32, %arg2: memref<64x32768xf32, #tpu.memory_space<hbm>>, %arg3: memref<32768xf32, #tpu.memory_space<hbm>>, %arg4: memref<64x32768xf32, #tpu.memory_space<hbm>>, %arg5: memref<32768xf32, #tpu.memory_space<vmem>>, %arg6: memref<8192xf32, #tpu.memory_space<vmem>>, %arg7: memref<8192xf32, #tpu.memory_space<vmem>>, %arg8: memref<4096xi32, #tpu.memory_space<vmem>>, %arg9: memref<256xi32, #tpu.memory_space<vmem>>, %arg10: memref<32784xi32, #tpu.memory_space<vmem>>, %arg11: memref<32784xi32, #tpu.memory_space<vmem>>, %arg12: memref<32768xf32, #tpu.memory_space<vmem_shared>>, %arg13: memref<!tpu.dma_semaphore, #tpu.memory_space<semaphore_mem>>, %arg14: memref<!tpu.dma_semaphore, #tpu.memory_space<semaphore_mem>>, %arg15: memref<!tpu.dma_semaphore, #tpu.memory_space<semaphore_mem>>, %arg16: memref<!tpu.dma_semaphore, #tpu.memory_space<semaphore_mem>>, %arg17: memref<!tpu.dma_semaphore, #tpu.memory_space<semaphore_mem>>, %arg18: memref<!tpu.dma_semaphore, #tpu.memory_space<semaphore_mem>>) attributes {dimension_semantics = [#tpu.dimension_semantics<core_parallel>, #tpu.dimension_semantics<subcore_parallel>], iteration_bounds = array<i64: 2, 16>, scalar_prefetch = 0 : i64, scratch_operands = 14 : i64, tpu.core_type = #tpu.core_type<sc_vector_subcore>, window_params = [{transform_indices = #map}, {transform_indices = #map1}, {transform_indices = #map}]} {
    %mul3A = arith.constant 2 : i32
    %mul3A_0 = arith.muli %arg1, %mul3A : i32
    %add3A = arith.addi %mul3A_0, %arg0 : i32
    %mul3A_1 = arith.constant 2048 : i32
    %mul3A_2 = arith.muli %arg1, %mul3A_1 : i32
    %mul3A_3 = arith.constant 2048 : i32
    %mul3A_4 = arith.muli %arg1, %mul3A_3 : i32
    "tpu.region"() ({
      %run_scoped3A = tpu.sem_alloc : memref<!tpu.dma_semaphore, #tpu.memory_space<semaphore_mem>>
      %dma_start3A_623 = tpu.memref_slice %arg12[%mul3A_4] : memref<32768xf32, #tpu.memory_space<vmem_shared>> -> memref<2048xf32, #tpu.memory_space<vmem_shared>>
      %dma_start3A_624 = tpu.memref_slice %arg3[%mul3A_2] : memref<32768xf32, #tpu.memory_space<hbm>> -> memref<2048xf32, #tpu.memory_space<hbm>>
      tpu.enqueue_dma source(%dma_start3A_624 : memref<2048xf32, #tpu.memory_space<hbm>>) target(%dma_start3A_623 : memref<2048xf32, #tpu.memory_space<vmem_shared>>) target_semaphore(%run_scoped3A : memref<!tpu.dma_semaphore, #tpu.memory_space<semaphore_mem>>)
      %dma_wait3A_625 = tpu.memref_slice %arg12[%mul3A_4] : memref<32768xf32, #tpu.memory_space<vmem_shared>> -> memref<2048xf32, #tpu.memory_space<vmem_shared>>
      %dma_wait3A_626 = tpu.memref_slice %arg3[%mul3A_2] : memref<32768xf32, #tpu.memory_space<hbm>> -> memref<2048xf32, #tpu.memory_space<hbm>>
      tpu.wait_dma2 semaphore(%run_scoped3A : memref<!tpu.dma_semaphore, #tpu.memory_space<semaphore_mem>>) src(%dma_wait3A_626 : memref<2048xf32, #tpu.memory_space<hbm>>) dst(%dma_wait3A_625 : memref<2048xf32, #tpu.memory_space<vmem_shared>>)
      tpu.yield
    }) : () -> ()
    %barrier3A = arith.constant 0 : index
    tpu.barrier barrier_id(%barrier3A)
    %mul3A_5 = arith.constant 2 : i32
    %mul3A_6 = arith.muli %add3A, %mul3A_5 : i32
    %add3A_7 = arith.constant 0 : i32
    %add3A_8 = arith.addi %mul3A_6, %add3A_7 : i32
    %iota3A = tpu.iota {dimensions = array<i32: 0>} : vector<16xi32>
    %broadcast_in_dim3A = arith.constant 1 : i32
    %broadcast_in_dim3A_9 = vector.broadcast %broadcast_in_dim3A : i32 to vector<16xi32>
    %broadcast_in_dim3A_10 = arith.constant 0 : i32
    %broadcast_in_dim3A_11 = vector.broadcast %broadcast_in_dim3A_10 : i32 to vector<16xi32>
    %dma_start3A = arith.constant 0 : i32
    %dma_start3A_12 = tpu.memref_slice %arg12[%dma_start3A] : memref<32768xf32, #tpu.memory_space<vmem_shared>> -> memref<8192xf32, #tpu.memory_space<vmem_shared>>
    %dma_start3A_13 = arith.constant 0 : i32
    %dma_start3A_14 = tpu.memref_slice %arg12[%dma_start3A_13] : memref<32768xf32, #tpu.memory_space<vmem_shared>> -> memref<8192xf32, #tpu.memory_space<vmem_shared>>
    tpu.enqueue_dma source(%dma_start3A_14 : memref<8192xf32, #tpu.memory_space<vmem_shared>>) target(%arg6 : memref<8192xf32, #tpu.memory_space<vmem>>) target_semaphore(%arg13 : memref<!tpu.dma_semaphore, #tpu.memory_space<semaphore_mem>>)
    %dma_start3A_15 = arith.constant 0 : i32
    %dma_start3A_16 = tpu.memref_slice %arg5[%dma_start3A_15] : memref<32768xf32, #tpu.memory_space<vmem>> -> memref<8192xf32, #tpu.memory_space<vmem>>
    %dma_start3A_17 = arith.constant 0 : i32
    %dma_start3A_18 = tpu.memref_slice %arg2[%add3A_8, %dma_start3A_17] : memref<64x32768xf32, #tpu.memory_space<hbm>> -> memref<1x8192xf32, #tpu.memory_space<hbm>>
    %dma_start3A_19 = tpu.memref_squeeze %dma_start3A_18 : memref<1x8192xf32, #tpu.memory_space<hbm>> -> memref<8192xf32, #tpu.memory_space<hbm>>
    %dma_start3A_20 = arith.constant 0 : i32
    %dma_start3A_21 = tpu.memref_slice %arg5[%dma_start3A_20] : memref<32768xf32, #tpu.memory_space<vmem>> -> memref<8192xf32, #tpu.memory_space<vmem>>
    %dma_start3A_22 = arith.constant 0 : i32
    %dma_start3A_23 = tpu.memref_slice %arg2[%add3A_8, %dma_start3A_22] : memref<64x32768xf32, #tpu.memory_space<hbm>> -> memref<1x8192xf32, #tpu.memory_space<hbm>>
    %dma_start3A_24 = tpu.memref_squeeze %dma_start3A_23 : memref<1x8192xf32, #tpu.memory_space<hbm>> -> memref<8192xf32, #tpu.memory_space<hbm>>
    tpu.enqueue_dma source(%dma_start3A_24 : memref<8192xf32, #tpu.memory_space<hbm>>) target(%dma_start3A_21 : memref<8192xf32, #tpu.memory_space<vmem>>) target_semaphore(%arg17 : memref<!tpu.dma_semaphore, #tpu.memory_space<semaphore_mem>>)
    %parallel_loop3A = arith.constant 0 : i32
    %parallel_loop3A_25 = arith.constant 256 : i32
    %parallel_loop3A_26 = arith.constant 1 : i32
    scf.for %parallel_loop3A_623 = %parallel_loop3A to %parallel_loop3A_25 step %parallel_loop3A_26  : i32 {
      %parallel_loop3A_624 = arith.constant 0 : i32
      %parallel_loop3A_625 = vector.broadcast %parallel_loop3A_624 : i32 to vector<16xi32>
      %parallel_loop3A_626 = arith.constant 16 : i32
      %parallel_loop3A_627 = arith.muli %parallel_loop3A_623, %parallel_loop3A_626 : i32
      %parallel_loop3A_628 = arith.index_cast %parallel_loop3A_627 : i32 to index
      %parallel_loop3A_629 = tpu.vector_load %arg8[%parallel_loop3A_628] {strides = array<i32>} : memref<4096xi32, #tpu.memory_space<vmem>>, vector<16xi32>,
      tpu.vector_store %arg8[%parallel_loop3A_628], %parallel_loop3A_625 {strides = array<i32>} : memref<4096xi32, #tpu.memory_space<vmem>>, vector<16xi32>,
    } {sc.loop_unroll_factor = 8 : i64, sc.parallel_access}
    %dma_wait3A = arith.constant 0 : i32
    %dma_wait3A_27 = tpu.memref_slice %arg12[%dma_wait3A] : memref<32768xf32, #tpu.memory_space<vmem_shared>> -> memref<8192xf32, #tpu.memory_space<vmem_shared>>
    %dma_wait3A_28 = arith.constant 0 : i32
    %dma_wait3A_29 = tpu.memref_slice %arg12[%dma_wait3A_28] : memref<32768xf32, #tpu.memory_space<vmem_shared>> -> memref<8192xf32, #tpu.memory_space<vmem_shared>>
    tpu.wait_dma2 semaphore(%arg13 : memref<!tpu.dma_semaphore, #tpu.memory_space<semaphore_mem>>) src(%dma_wait3A_29 : memref<8192xf32, #tpu.memory_space<vmem_shared>>) dst(%arg6 : memref<8192xf32, #tpu.memory_space<vmem>>)
    %dma_wait3A_30 = arith.constant 0 : i32
    %dma_wait3A_31 = tpu.memref_slice %arg5[%dma_wait3A_30] : memref<32768xf32, #tpu.memory_space<vmem>> -> memref<8192xf32, #tpu.memory_space<vmem>>
    %dma_wait3A_32 = arith.constant 0 : i32
    %dma_wait3A_33 = tpu.memref_slice %arg2[%add3A_8, %dma_wait3A_32] : memref<64x32768xf32, #tpu.memory_space<hbm>> -> memref<1x8192xf32, #tpu.memory_space<hbm>>
    %dma_wait3A_34 = tpu.memref_squeeze %dma_wait3A_33 : memref<1x8192xf32, #tpu.memory_space<hbm>> -> memref<8192xf32, #tpu.memory_space<hbm>>
    %dma_wait3A_35 = arith.constant 0 : i32
    %dma_wait3A_36 = tpu.memref_slice %arg5[%dma_wait3A_35] : memref<32768xf32, #tpu.memory_space<vmem>> -> memref<8192xf32, #tpu.memory_space<vmem>>
    %dma_wait3A_37 = arith.constant 0 : i32
    %dma_wait3A_38 = tpu.memref_slice %arg2[%add3A_8, %dma_wait3A_37] : memref<64x32768xf32, #tpu.memory_space<hbm>> -> memref<1x8192xf32, #tpu.memory_space<hbm>>
    %dma_wait3A_39 = tpu.memref_squeeze %dma_wait3A_38 : memref<1x8192xf32, #tpu.memory_space<hbm>> -> memref<8192xf32, #tpu.memory_space<hbm>>
    tpu.wait_dma2 semaphore(%arg17 : memref<!tpu.dma_semaphore, #tpu.memory_space<semaphore_mem>>) src(%dma_wait3A_39 : memref<8192xf32, #tpu.memory_space<hbm>>) dst(%dma_wait3A_36 : memref<8192xf32, #tpu.memory_space<vmem>>)
    %dma_start3A_40 = arith.constant 8192 : i32
    %dma_start3A_41 = tpu.memref_slice %arg12[%dma_start3A_40] : memref<32768xf32, #tpu.memory_space<vmem_shared>> -> memref<8192xf32, #tpu.memory_space<vmem_shared>>
    %dma_start3A_42 = arith.constant 8192 : i32
    %dma_start3A_43 = tpu.memref_slice %arg12[%dma_start3A_42] : memref<32768xf32, #tpu.memory_space<vmem_shared>> -> memref<8192xf32, #tpu.memory_space<vmem_shared>>
    tpu.enqueue_dma source(%dma_start3A_43 : memref<8192xf32, #tpu.memory_space<vmem_shared>>) target(%arg7 : memref<8192xf32, #tpu.memory_space<vmem>>) target_semaphore(%arg14 : memref<!tpu.dma_semaphore, #tpu.memory_space<semaphore_mem>>)
    %dma_start3A_44 = arith.constant 8192 : i32
    %dma_start3A_45 = tpu.memref_slice %arg5[%dma_start3A_44] : memref<32768xf32, #tpu.memory_space<vmem>> -> memref<8192xf32, #tpu.memory_space<vmem>>
    %dma_start3A_46 = arith.constant 8192 : i32
    %dma_start3A_47 = tpu.memref_slice %arg2[%add3A_8, %dma_start3A_46] : memref<64x32768xf32, #tpu.memory_space<hbm>> -> memref<1x8192xf32, #tpu.memory_space<hbm>>
    %dma_start3A_48 = tpu.memref_squeeze %dma_start3A_47 : memref<1x8192xf32, #tpu.memory_space<hbm>> -> memref<8192xf32, #tpu.memory_space<hbm>>
    %dma_start3A_49 = arith.constant 8192 : i32
    %dma_start3A_50 = tpu.memref_slice %arg5[%dma_start3A_49] : memref<32768xf32, #tpu.memory_space<vmem>> -> memref<8192xf32, #tpu.memory_space<vmem>>
    %dma_start3A_51 = arith.constant 8192 : i32
    %dma_start3A_52 = tpu.memref_slice %arg2[%add3A_8, %dma_start3A_51] : memref<64x32768xf32, #tpu.memory_space<hbm>> -> memref<1x8192xf32, #tpu.memory_space<hbm>>
    %dma_start3A_53 = tpu.memref_squeeze %dma_start3A_52 : memref<1x8192xf32, #tpu.memory_space<hbm>> -> memref<8192xf32, #tpu.memory_space<hbm>>
    tpu.enqueue_dma source(%dma_start3A_53 : memref<8192xf32, #tpu.memory_space<hbm>>) target(%dma_start3A_50 : memref<8192xf32, #tpu.memory_space<vmem>>) target_semaphore(%arg18 : memref<!tpu.dma_semaphore, #tpu.memory_space<semaphore_mem>>)
    %parallel_loop3A_54 = arith.constant 0 : i32
    %parallel_loop3A_55 = arith.constant 512 : i32
    %parallel_loop3A_56 = arith.constant 1 : i32
    scf.for %parallel_loop3A_623 = %parallel_loop3A_54 to %parallel_loop3A_55 step %parallel_loop3A_56  : i32 {
      %parallel_loop3A_624 = arith.constant 16 : i32
      %parallel_loop3A_625 = arith.muli %parallel_loop3A_623, %parallel_loop3A_624 : i32
      %parallel_loop3A_626 = arith.constant 0 : i32
      %parallel_loop3A_627 = arith.addi %parallel_loop3A_626, %parallel_loop3A_625 : i32
      %parallel_loop3A_628 = arith.index_cast %parallel_loop3A_627 : i32 to index
      %parallel_loop3A_629 = tpu.vector_load %arg5[%parallel_loop3A_628] {strides = array<i32>} : memref<32768xf32, #tpu.memory_space<vmem>>, vector<16xf32>,
      %parallel_loop3A_630 = arith.constant 16 : i32
      %parallel_loop3A_631 = arith.muli %parallel_loop3A_623, %parallel_loop3A_630 : i32
      %parallel_loop3A_632 = arith.index_cast %parallel_loop3A_631 : i32 to index
      %parallel_loop3A_633 = tpu.vector_load %arg6[%parallel_loop3A_632] {strides = array<i32>} : memref<8192xf32, #tpu.memory_space<vmem>>, vector<16xf32>,
      %parallel_loop3A_634 = arith.mulf %parallel_loop3A_629, %parallel_loop3A_633 : vector<16xf32>
      %parallel_loop3A_635 = arith.index_cast %parallel_loop3A_627 : i32 to index
      %parallel_loop3A_636 = tpu.vector_load %arg5[%parallel_loop3A_635] {strides = array<i32>} : memref<32768xf32, #tpu.memory_space<vmem>>, vector<16xf32>,
      tpu.vector_store %arg5[%parallel_loop3A_635], %parallel_loop3A_634 {strides = array<i32>} : memref<32768xf32, #tpu.memory_space<vmem>>, vector<16xf32>,
      %parallel_loop3A_637 = tpu.bitcast %parallel_loop3A_634 : vector<16xf32> -> vector<16xi32>
      %parallel_loop3A_638 = arith.constant 2147483647 : i32
      %parallel_loop3A_639 = vector.broadcast %parallel_loop3A_638 : i32 to vector<16xi32>
      %parallel_loop3A_640 = arith.andi %parallel_loop3A_637, %parallel_loop3A_639 : vector<16xi32>
      %parallel_loop3A_641 = arith.constant 19 : i32
      %parallel_loop3A_642 = vector.broadcast %parallel_loop3A_641 : i32 to vector<16xi32>
      %parallel_loop3A_643 = arith.shrui %parallel_loop3A_640, %parallel_loop3A_642 : vector<16xi32>
      tpu.vector_store_idx %arg8[%parallel_loop3A_643], %broadcast_in_dim3A_9 {add = true} : memref<4096xi32, #tpu.memory_space<vmem>>[vector<16xi32>], vector<16xi32>,
    } {sc.loop_unroll_factor = 8 : i64, sc.parallel_access}
    %dma_wait3A_57 = arith.constant 8192 : i32
    %dma_wait3A_58 = tpu.memref_slice %arg12[%dma_wait3A_57] : memref<32768xf32, #tpu.memory_space<vmem_shared>> -> memref<8192xf32, #tpu.memory_space<vmem_shared>>
    %dma_wait3A_59 = arith.constant 8192 : i32
    %dma_wait3A_60 = tpu.memref_slice %arg12[%dma_wait3A_59] : memref<32768xf32, #tpu.memory_space<vmem_shared>> -> memref<8192xf32, #tpu.memory_space<vmem_shared>>
    tpu.wait_dma2 semaphore(%arg14 : memref<!tpu.dma_semaphore, #tpu.memory_space<semaphore_mem>>) src(%dma_wait3A_60 : memref<8192xf32, #tpu.memory_space<vmem_shared>>) dst(%arg7 : memref<8192xf32, #tpu.memory_space<vmem>>)
    %dma_wait3A_61 = arith.constant 8192 : i32
    %dma_wait3A_62 = tpu.memref_slice %arg5[%dma_wait3A_61] : memref<32768xf32, #tpu.memory_space<vmem>> -> memref<8192xf32, #tpu.memory_space<vmem>>
    %dma_wait3A_63 = arith.constant 8192 : i32
    %dma_wait3A_64 = tpu.memref_slice %arg2[%add3A_8, %dma_wait3A_63] : memref<64x32768xf32, #tpu.memory_space<hbm>> -> memref<1x8192xf32, #tpu.memory_space<hbm>>
    %dma_wait3A_65 = tpu.memref_squeeze %dma_wait3A_64 : memref<1x8192xf32, #tpu.memory_space<hbm>> -> memref<8192xf32, #tpu.memory_space<hbm>>
    %dma_wait3A_66 = arith.constant 8192 : i32
    %dma_wait3A_67 = tpu.memref_slice %arg5[%dma_wait3A_66] : memref<32768xf32, #tpu.memory_space<vmem>> -> memref<8192xf32, #tpu.memory_space<vmem>>
    %dma_wait3A_68 = arith.constant 8192 : i32
    %dma_wait3A_69 = tpu.memref_slice %arg2[%add3A_8, %dma_wait3A_68] : memref<64x32768xf32, #tpu.memory_space<hbm>> -> memref<1x8192xf32, #tpu.memory_space<hbm>>
    %dma_wait3A_70 = tpu.memref_squeeze %dma_wait3A_69 : memref<1x8192xf32, #tpu.memory_space<hbm>> -> memref<8192xf32, #tpu.memory_space<hbm>>
    tpu.wait_dma2 semaphore(%arg18 : memref<!tpu.dma_semaphore, #tpu.memory_space<semaphore_mem>>) src(%dma_wait3A_70 : memref<8192xf32, #tpu.memory_space<hbm>>) dst(%dma_wait3A_67 : memref<8192xf32, #tpu.memory_space<vmem>>)
    %dma_start3A_71 = arith.constant 16384 : i32
    %dma_start3A_72 = tpu.memref_slice %arg12[%dma_start3A_71] : memref<32768xf32, #tpu.memory_space<vmem_shared>> -> memref<8192xf32, #tpu.memory_space<vmem_shared>>
    %dma_start3A_73 = arith.constant 16384 : i32
    %dma_start3A_74 = tpu.memref_slice %arg12[%dma_start3A_73] : memref<32768xf32, #tpu.memory_space<vmem_shared>> -> memref<8192xf32, #tpu.memory_space<vmem_shared>>
    tpu.enqueue_dma source(%dma_start3A_74 : memref<8192xf32, #tpu.memory_space<vmem_shared>>) target(%arg6 : memref<8192xf32, #tpu.memory_space<vmem>>) target_semaphore(%arg13 : memref<!tpu.dma_semaphore, #tpu.memory_space<semaphore_mem>>)
    %dma_start3A_75 = arith.constant 16384 : i32
    %dma_start3A_76 = tpu.memref_slice %arg5[%dma_start3A_75] : memref<32768xf32, #tpu.memory_space<vmem>> -> memref<8192xf32, #tpu.memory_space<vmem>>
    %dma_start3A_77 = arith.constant 16384 : i32
    %dma_start3A_78 = tpu.memref_slice %arg2[%add3A_8, %dma_start3A_77] : memref<64x32768xf32, #tpu.memory_space<hbm>> -> memref<1x8192xf32, #tpu.memory_space<hbm>>
    %dma_start3A_79 = tpu.memref_squeeze %dma_start3A_78 : memref<1x8192xf32, #tpu.memory_space<hbm>> -> memref<8192xf32, #tpu.memory_space<hbm>>
    %dma_start3A_80 = arith.constant 16384 : i32
    %dma_start3A_81 = tpu.memref_slice %arg5[%dma_start3A_80] : memref<32768xf32, #tpu.memory_space<vmem>> -> memref<8192xf32, #tpu.memory_space<vmem>>
    %dma_start3A_82 = arith.constant 16384 : i32
    %dma_start3A_83 = tpu.memref_slice %arg2[%add3A_8, %dma_start3A_82] : memref<64x32768xf32, #tpu.memory_space<hbm>> -> memref<1x8192xf32, #tpu.memory_space<hbm>>
    %dma_start3A_84 = tpu.memref_squeeze %dma_start3A_83 : memref<1x8192xf32, #tpu.memory_space<hbm>> -> memref<8192xf32, #tpu.memory_space<hbm>>
    tpu.enqueue_dma source(%dma_start3A_84 : memref<8192xf32, #tpu.memory_space<hbm>>) target(%dma_start3A_81 : memref<8192xf32, #tpu.memory_space<vmem>>) target_semaphore(%arg17 : memref<!tpu.dma_semaphore, #tpu.memory_space<semaphore_mem>>)
    %parallel_loop3A_85 = arith.constant 0 : i32
    %parallel_loop3A_86 = arith.constant 512 : i32
    %parallel_loop3A_87 = arith.constant 1 : i32
    scf.for %parallel_loop3A_623 = %parallel_loop3A_85 to %parallel_loop3A_86 step %parallel_loop3A_87  : i32 {
      %parallel_loop3A_624 = arith.constant 16 : i32
      %parallel_loop3A_625 = arith.muli %parallel_loop3A_623, %parallel_loop3A_624 : i32
      %parallel_loop3A_626 = arith.constant 8192 : i32
      %parallel_loop3A_627 = arith.addi %parallel_loop3A_626, %parallel_loop3A_625 : i32
      %parallel_loop3A_628 = arith.index_cast %parallel_loop3A_627 : i32 to index
      %parallel_loop3A_629 = tpu.vector_load %arg5[%parallel_loop3A_628] {strides = array<i32>} : memref<32768xf32, #tpu.memory_space<vmem>>, vector<16xf32>,
      %parallel_loop3A_630 = arith.constant 16 : i32
      %parallel_loop3A_631 = arith.muli %parallel_loop3A_623, %parallel_loop3A_630 : i32
      %parallel_loop3A_632 = arith.index_cast %parallel_loop3A_631 : i32 to index
      %parallel_loop3A_633 = tpu.vector_load %arg7[%parallel_loop3A_632] {strides = array<i32>} : memref<8192xf32, #tpu.memory_space<vmem>>, vector<16xf32>,
      %parallel_loop3A_634 = arith.mulf %parallel_loop3A_629, %parallel_loop3A_633 : vector<16xf32>
      %parallel_loop3A_635 = arith.index_cast %parallel_loop3A_627 : i32 to index
      %parallel_loop3A_636 = tpu.vector_load %arg5[%parallel_loop3A_635] {strides = array<i32>} : memref<32768xf32, #tpu.memory_space<vmem>>, vector<16xf32>,
      tpu.vector_store %arg5[%parallel_loop3A_635], %parallel_loop3A_634 {strides = array<i32>} : memref<32768xf32, #tpu.memory_space<vmem>>, vector<16xf32>,
      %parallel_loop3A_637 = tpu.bitcast %parallel_loop3A_634 : vector<16xf32> -> vector<16xi32>
      %parallel_loop3A_638 = arith.constant 2147483647 : i32
      %parallel_loop3A_639 = vector.broadcast %parallel_loop3A_638 : i32 to vector<16xi32>
      %parallel_loop3A_640 = arith.andi %parallel_loop3A_637, %parallel_loop3A_639 : vector<16xi32>
      %parallel_loop3A_641 = arith.constant 19 : i32
      %parallel_loop3A_642 = vector.broadcast %parallel_loop3A_641 : i32 to vector<16xi32>
      %parallel_loop3A_643 = arith.shrui %parallel_loop3A_640, %parallel_loop3A_642 : vector<16xi32>
      tpu.vector_store_idx %arg8[%parallel_loop3A_643], %broadcast_in_dim3A_9 {add = true} : memref<4096xi32, #tpu.memory_space<vmem>>[vector<16xi32>], vector<16xi32>,
    } {sc.loop_unroll_factor = 8 : i64, sc.parallel_access}
    %dma_wait3A_88 = arith.constant 16384 : i32
    %dma_wait3A_89 = tpu.memref_slice %arg12[%dma_wait3A_88] : memref<32768xf32, #tpu.memory_space<vmem_shared>> -> memref<8192xf32, #tpu.memory_space<vmem_shared>>
    %dma_wait3A_90 = arith.constant 16384 : i32
    %dma_wait3A_91 = tpu.memref_slice %arg12[%dma_wait3A_90] : memref<32768xf32, #tpu.memory_space<vmem_shared>> -> memref<8192xf32, #tpu.memory_space<vmem_shared>>
    tpu.wait_dma2 semaphore(%arg13 : memref<!tpu.dma_semaphore, #tpu.memory_space<semaphore_mem>>) src(%dma_wait3A_91 : memref<8192xf32, #tpu.memory_space<vmem_shared>>) dst(%arg6 : memref<8192xf32, #tpu.memory_space<vmem>>)
    %dma_wait3A_92 = arith.constant 16384 : i32
    %dma_wait3A_93 = tpu.memref_slice %arg5[%dma_wait3A_92] : memref<32768xf32, #tpu.memory_space<vmem>> -> memref<8192xf32, #tpu.memory_space<vmem>>
    %dma_wait3A_94 = arith.constant 16384 : i32
    %dma_wait3A_95 = tpu.memref_slice %arg2[%add3A_8, %dma_wait3A_94] : memref<64x32768xf32, #tpu.memory_space<hbm>> -> memref<1x8192xf32, #tpu.memory_space<hbm>>
    %dma_wait3A_96 = tpu.memref_squeeze %dma_wait3A_95 : memref<1x8192xf32, #tpu.memory_space<hbm>> -> memref<8192xf32, #tpu.memory_space<hbm>>
    %dma_wait3A_97 = arith.constant 16384 : i32
    %dma_wait3A_98 = tpu.memref_slice %arg5[%dma_wait3A_97] : memref<32768xf32, #tpu.memory_space<vmem>> -> memref<8192xf32, #tpu.memory_space<vmem>>
    %dma_wait3A_99 = arith.constant 16384 : i32
    %dma_wait3A_100 = tpu.memref_slice %arg2[%add3A_8, %dma_wait3A_99] : memref<64x32768xf32, #tpu.memory_space<hbm>> -> memref<1x8192xf32, #tpu.memory_space<hbm>>
    %dma_wait3A_101 = tpu.memref_squeeze %dma_wait3A_100 : memref<1x8192xf32, #tpu.memory_space<hbm>> -> memref<8192xf32, #tpu.memory_space<hbm>>
    tpu.wait_dma2 semaphore(%arg17 : memref<!tpu.dma_semaphore, #tpu.memory_space<semaphore_mem>>) src(%dma_wait3A_101 : memref<8192xf32, #tpu.memory_space<hbm>>) dst(%dma_wait3A_98 : memref<8192xf32, #tpu.memory_space<vmem>>)
    %dma_start3A_102 = arith.constant 24576 : i32
    %dma_start3A_103 = tpu.memref_slice %arg12[%dma_start3A_102] : memref<32768xf32, #tpu.memory_space<vmem_shared>> -> memref<8192xf32, #tpu.memory_space<vmem_shared>>
    %dma_start3A_104 = arith.constant 24576 : i32
    %dma_start3A_105 = tpu.memref_slice %arg12[%dma_start3A_104] : memref<32768xf32, #tpu.memory_space<vmem_shared>> -> memref<8192xf32, #tpu.memory_space<vmem_shared>>
    tpu.enqueue_dma source(%dma_start3A_105 : memref<8192xf32, #tpu.memory_space<vmem_shared>>) target(%arg7 : memref<8192xf32, #tpu.memory_space<vmem>>) target_semaphore(%arg14 : memref<!tpu.dma_semaphore, #tpu.memory_space<semaphore_mem>>)
    %dma_start3A_106 = arith.constant 24576 : i32
    %dma_start3A_107 = tpu.memref_slice %arg5[%dma_start3A_106] : memref<32768xf32, #tpu.memory_space<vmem>> -> memref<8192xf32, #tpu.memory_space<vmem>>
    %dma_start3A_108 = arith.constant 24576 : i32
    %dma_start3A_109 = tpu.memref_slice %arg2[%add3A_8, %dma_start3A_108] : memref<64x32768xf32, #tpu.memory_space<hbm>> -> memref<1x8192xf32, #tpu.memory_space<hbm>>
    %dma_start3A_110 = tpu.memref_squeeze %dma_start3A_109 : memref<1x8192xf32, #tpu.memory_space<hbm>> -> memref<8192xf32, #tpu.memory_space<hbm>>
    %dma_start3A_111 = arith.constant 24576 : i32
    %dma_start3A_112 = tpu.memref_slice %arg5[%dma_start3A_111] : memref<32768xf32, #tpu.memory_space<vmem>> -> memref<8192xf32, #tpu.memory_space<vmem>>
    %dma_start3A_113 = arith.constant 24576 : i32
    %dma_start3A_114 = tpu.memref_slice %arg2[%add3A_8, %dma_start3A_113] : memref<64x32768xf32, #tpu.memory_space<hbm>> -> memref<1x8192xf32, #tpu.memory_space<hbm>>
    %dma_start3A_115 = tpu.memref_squeeze %dma_start3A_114 : memref<1x8192xf32, #tpu.memory_space<hbm>> -> memref<8192xf32, #tpu.memory_space<hbm>>
    tpu.enqueue_dma source(%dma_start3A_115 : memref<8192xf32, #tpu.memory_space<hbm>>) target(%dma_start3A_112 : memref<8192xf32, #tpu.memory_space<vmem>>) target_semaphore(%arg18 : memref<!tpu.dma_semaphore, #tpu.memory_space<semaphore_mem>>)
    %parallel_loop3A_116 = arith.constant 0 : i32
    %parallel_loop3A_117 = arith.constant 512 : i32
    %parallel_loop3A_118 = arith.constant 1 : i32
    scf.for %parallel_loop3A_623 = %parallel_loop3A_116 to %parallel_loop3A_117 step %parallel_loop3A_118  : i32 {
      %parallel_loop3A_624 = arith.constant 16 : i32
      %parallel_loop3A_625 = arith.muli %parallel_loop3A_623, %parallel_loop3A_624 : i32
      %parallel_loop3A_626 = arith.constant 16384 : i32
      %parallel_loop3A_627 = arith.addi %parallel_loop3A_626, %parallel_loop3A_625 : i32
      %parallel_loop3A_628 = arith.index_cast %parallel_loop3A_627 : i32 to index
      %parallel_loop3A_629 = tpu.vector_load %arg5[%parallel_loop3A_628] {strides = array<i32>} : memref<32768xf32, #tpu.memory_space<vmem>>, vector<16xf32>,
      %parallel_loop3A_630 = arith.constant 16 : i32
      %parallel_loop3A_631 = arith.muli %parallel_loop3A_623, %parallel_loop3A_630 : i32
      %parallel_loop3A_632 = arith.index_cast %parallel_loop3A_631 : i32 to index
      %parallel_loop3A_633 = tpu.vector_load %arg6[%parallel_loop3A_632] {strides = array<i32>} : memref<8192xf32, #tpu.memory_space<vmem>>, vector<16xf32>,
      %parallel_loop3A_634 = arith.mulf %parallel_loop3A_629, %parallel_loop3A_633 : vector<16xf32>
      %parallel_loop3A_635 = arith.index_cast %parallel_loop3A_627 : i32 to index
      %parallel_loop3A_636 = tpu.vector_load %arg5[%parallel_loop3A_635] {strides = array<i32>} : memref<32768xf32, #tpu.memory_space<vmem>>, vector<16xf32>,
      tpu.vector_store %arg5[%parallel_loop3A_635], %parallel_loop3A_634 {strides = array<i32>} : memref<32768xf32, #tpu.memory_space<vmem>>, vector<16xf32>,
      %parallel_loop3A_637 = tpu.bitcast %parallel_loop3A_634 : vector<16xf32> -> vector<16xi32>
      %parallel_loop3A_638 = arith.constant 2147483647 : i32
      %parallel_loop3A_639 = vector.broadcast %parallel_loop3A_638 : i32 to vector<16xi32>
      %parallel_loop3A_640 = arith.andi %parallel_loop3A_637, %parallel_loop3A_639 : vector<16xi32>
      %parallel_loop3A_641 = arith.constant 19 : i32
      %parallel_loop3A_642 = vector.broadcast %parallel_loop3A_641 : i32 to vector<16xi32>
      %parallel_loop3A_643 = arith.shrui %parallel_loop3A_640, %parallel_loop3A_642 : vector<16xi32>
      tpu.vector_store_idx %arg8[%parallel_loop3A_643], %broadcast_in_dim3A_9 {add = true} : memref<4096xi32, #tpu.memory_space<vmem>>[vector<16xi32>], vector<16xi32>,
    } {sc.loop_unroll_factor = 8 : i64, sc.parallel_access}
    %dma_wait3A_119 = arith.constant 24576 : i32
    %dma_wait3A_120 = tpu.memref_slice %arg12[%dma_wait3A_119] : memref<32768xf32, #tpu.memory_space<vmem_shared>> -> memref<8192xf32, #tpu.memory_space<vmem_shared>>
    %dma_wait3A_121 = arith.constant 24576 : i32
    %dma_wait3A_122 = tpu.memref_slice %arg12[%dma_wait3A_121] : memref<32768xf32, #tpu.memory_space<vmem_shared>> -> memref<8192xf32, #tpu.memory_space<vmem_shared>>
    tpu.wait_dma2 semaphore(%arg14 : memref<!tpu.dma_semaphore, #tpu.memory_space<semaphore_mem>>) src(%dma_wait3A_122 : memref<8192xf32, #tpu.memory_space<vmem_shared>>) dst(%arg7 : memref<8192xf32, #tpu.memory_space<vmem>>)
    %dma_wait3A_123 = arith.constant 24576 : i32
    %dma_wait3A_124 = tpu.memref_slice %arg5[%dma_wait3A_123] : memref<32768xf32, #tpu.memory_space<vmem>> -> memref<8192xf32, #tpu.memory_space<vmem>>
    %dma_wait3A_125 = arith.constant 24576 : i32
    %dma_wait3A_126 = tpu.memref_slice %arg2[%add3A_8, %dma_wait3A_125] : memref<64x32768xf32, #tpu.memory_space<hbm>> -> memref<1x8192xf32, #tpu.memory_space<hbm>>
    %dma_wait3A_127 = tpu.memref_squeeze %dma_wait3A_126 : memref<1x8192xf32, #tpu.memory_space<hbm>> -> memref<8192xf32, #tpu.memory_space<hbm>>
    %dma_wait3A_128 = arith.constant 24576 : i32
    %dma_wait3A_129 = tpu.memref_slice %arg5[%dma_wait3A_128] : memref<32768xf32, #tpu.memory_space<vmem>> -> memref<8192xf32, #tpu.memory_space<vmem>>
    %dma_wait3A_130 = arith.constant 24576 : i32
    %dma_wait3A_131 = tpu.memref_slice %arg2[%add3A_8, %dma_wait3A_130] : memref<64x32768xf32, #tpu.memory_space<hbm>> -> memref<1x8192xf32, #tpu.memory_space<hbm>>
    %dma_wait3A_132 = tpu.memref_squeeze %dma_wait3A_131 : memref<1x8192xf32, #tpu.memory_space<hbm>> -> memref<8192xf32, #tpu.memory_space<hbm>>
    tpu.wait_dma2 semaphore(%arg18 : memref<!tpu.dma_semaphore, #tpu.memory_space<semaphore_mem>>) src(%dma_wait3A_132 : memref<8192xf32, #tpu.memory_space<hbm>>) dst(%dma_wait3A_129 : memref<8192xf32, #tpu.memory_space<vmem>>)
    %parallel_loop3A_133 = arith.constant 0 : i32
    %parallel_loop3A_134 = arith.constant 512 : i32
    %parallel_loop3A_135 = arith.constant 1 : i32
    scf.for %parallel_loop3A_623 = %parallel_loop3A_133 to %parallel_loop3A_134 step %parallel_loop3A_135  : i32 {
      %parallel_loop3A_624 = arith.constant 16 : i32
      %parallel_loop3A_625 = arith.muli %parallel_loop3A_623, %parallel_loop3A_624 : i32
      %parallel_loop3A_626 = arith.constant 24576 : i32
      %parallel_loop3A_627 = arith.addi %parallel_loop3A_626, %parallel_loop3A_625 : i32
      %parallel_loop3A_628 = arith.index_cast %parallel_loop3A_627 : i32 to index
      %parallel_loop3A_629 = tpu.vector_load %arg5[%parallel_loop3A_628] {strides = array<i32>} : memref<32768xf32, #tpu.memory_space<vmem>>, vector<16xf32>,
      %parallel_loop3A_630 = arith.constant 16 : i32
      %parallel_loop3A_631 = arith.muli %parallel_loop3A_623, %parallel_loop3A_630 : i32
      %parallel_loop3A_632 = arith.index_cast %parallel_loop3A_631 : i32 to index
      %parallel_loop3A_633 = tpu.vector_load %arg7[%parallel_loop3A_632] {strides = array<i32>} : memref<8192xf32, #tpu.memory_space<vmem>>, vector<16xf32>,
      %parallel_loop3A_634 = arith.mulf %parallel_loop3A_629, %parallel_loop3A_633 : vector<16xf32>
      %parallel_loop3A_635 = arith.index_cast %parallel_loop3A_627 : i32 to index
      %parallel_loop3A_636 = tpu.vector_load %arg5[%parallel_loop3A_635] {strides = array<i32>} : memref<32768xf32, #tpu.memory_space<vmem>>, vector<16xf32>,
      tpu.vector_store %arg5[%parallel_loop3A_635], %parallel_loop3A_634 {strides = array<i32>} : memref<32768xf32, #tpu.memory_space<vmem>>, vector<16xf32>,
      %parallel_loop3A_637 = tpu.bitcast %parallel_loop3A_634 : vector<16xf32> -> vector<16xi32>
      %parallel_loop3A_638 = arith.constant 2147483647 : i32
      %parallel_loop3A_639 = vector.broadcast %parallel_loop3A_638 : i32 to vector<16xi32>
      %parallel_loop3A_640 = arith.andi %parallel_loop3A_637, %parallel_loop3A_639 : vector<16xi32>
      %parallel_loop3A_641 = arith.constant 19 : i32
      %parallel_loop3A_642 = vector.broadcast %parallel_loop3A_641 : i32 to vector<16xi32>
      %parallel_loop3A_643 = arith.shrui %parallel_loop3A_640, %parallel_loop3A_642 : vector<16xi32>
      tpu.vector_store_idx %arg8[%parallel_loop3A_643], %broadcast_in_dim3A_9 {add = true} : memref<4096xi32, #tpu.memory_space<vmem>>[vector<16xi32>], vector<16xi32>,
    } {sc.loop_unroll_factor = 8 : i64, sc.parallel_access}
    %parallel_loop3A_136 = arith.constant 0 : i32
    %parallel_loop3A_137 = arith.constant 16 : i32
    %parallel_loop3A_138 = arith.constant 1 : i32
    scf.for %parallel_loop3A_623 = %parallel_loop3A_136 to %parallel_loop3A_137 step %parallel_loop3A_138  : i32 {
      %parallel_loop3A_624 = arith.constant 256 : i32
      %parallel_loop3A_625 = arith.muli %parallel_loop3A_623, %parallel_loop3A_624 : i32
      %parallel_loop3A_626 = arith.constant 0 : i32
      %parallel_loop3A_627 = arith.addi %parallel_loop3A_625, %parallel_loop3A_626 : i32
      %parallel_loop3A_628 = arith.index_cast %parallel_loop3A_627 : i32 to index
      %parallel_loop3A_629 = tpu.vector_load %arg8[%parallel_loop3A_628] {strides = array<i32>} : memref<4096xi32, #tpu.memory_space<vmem>>, vector<16xi32>,
      %parallel_loop3A_630 = arith.constant true
      %parallel_loop3A_631 = vector.broadcast %parallel_loop3A_630 : i1 to vector<16xi1>
      %parallel_loop3A_632 = tpu.scan <sum>, %parallel_loop3A_629 masked %parallel_loop3A_631 : vector<16xi32>, vector<16xi1> -> vector<16xi32>
      %parallel_loop3A_633 = arith.constant 15 : i32
      %parallel_loop3A_634 = vector.broadcast %parallel_loop3A_633 : i32 to vector<16xi32>
      %parallel_loop3A_635 = tpu.iota {dimensions = array<i32: 0>} : vector<16xi32>
      %parallel_loop3A_636 = arith.subi %parallel_loop3A_634, %parallel_loop3A_635 : vector<16xi32>
      %parallel_loop3A_637 = tpu.dynamic_gather %parallel_loop3A_632[%parallel_loop3A_636] in [0] : vector<16xi32>, vector<16xi32> -> vector<16xi32>
      %parallel_loop3A_638 = arith.constant true
      %parallel_loop3A_639 = vector.broadcast %parallel_loop3A_638 : i1 to vector<16xi1>
      %parallel_loop3A_640 = arith.constant -2147483648 : i32
      %parallel_loop3A_641 = vector.broadcast %parallel_loop3A_640 : i32 to vector<16xi32>
      %parallel_loop3A_642 = arith.xori %parallel_loop3A_637, %parallel_loop3A_641 : vector<16xi32>
      %parallel_loop3A_643 = tpu.scan <max>, %parallel_loop3A_642 masked %parallel_loop3A_639 : vector<16xi32>, vector<16xi1> -> vector<16xi32>
      %parallel_loop3A_644 = arith.xori %parallel_loop3A_643, %parallel_loop3A_641 : vector<16xi32>
      %parallel_loop3A_645 = arith.constant 0 : i32
      %parallel_loop3A_646 = vector.broadcast %parallel_loop3A_645 : i32 to vector<16xi32>
      %parallel_loop3A_647 = arith.cmpi eq, %iota3A, %parallel_loop3A_646 : vector<16xi32>
      %parallel_loop3A_648 = arith.select %parallel_loop3A_647, %parallel_loop3A_644, %broadcast_in_dim3A_11 : vector<16xi1>, vector<16xi32>
      %parallel_loop3A_649 = arith.constant 256 : i32
      %parallel_loop3A_650 = arith.muli %parallel_loop3A_623, %parallel_loop3A_649 : i32
      %parallel_loop3A_651 = arith.constant 16 : i32
      %parallel_loop3A_652 = arith.addi %parallel_loop3A_650, %parallel_loop3A_651 : i32
      %parallel_loop3A_653 = arith.index_cast %parallel_loop3A_652 : i32 to index
      %parallel_loop3A_654 = tpu.vector_load %arg8[%parallel_loop3A_653] {strides = array<i32>} : memref<4096xi32, #tpu.memory_space<vmem>>, vector<16xi32>,
      %parallel_loop3A_655 = arith.constant true
      %parallel_loop3A_656 = vector.broadcast %parallel_loop3A_655 : i1 to vector<16xi1>
      %parallel_loop3A_657 = tpu.scan <sum>, %parallel_loop3A_654 masked %parallel_loop3A_656 : vector<16xi32>, vector<16xi1> -> vector<16xi32>
      %parallel_loop3A_658 = arith.constant 15 : i32
      %parallel_loop3A_659 = vector.broadcast %parallel_loop3A_658 : i32 to vector<16xi32>
      %parallel_loop3A_660 = tpu.iota {dimensions = array<i32: 0>} : vector<16xi32>
      %parallel_loop3A_661 = arith.subi %parallel_loop3A_659, %parallel_loop3A_660 : vector<16xi32>
      %parallel_loop3A_662 = tpu.dynamic_gather %parallel_loop3A_657[%parallel_loop3A_661] in [0] : vector<16xi32>, vector<16xi32> -> vector<16xi32>
      %parallel_loop3A_663 = arith.constant true
      %parallel_loop3A_664 = vector.broadcast %parallel_loop3A_663 : i1 to vector<16xi1>
      %parallel_loop3A_665 = arith.constant -2147483648 : i32
      %parallel_loop3A_666 = vector.broadcast %parallel_loop3A_665 : i32 to vector<16xi32>
      %parallel_loop3A_667 = arith.xori %parallel_loop3A_662, %parallel_loop3A_666 : vector<16xi32>
      %parallel_loop3A_668 = tpu.scan <max>, %parallel_loop3A_667 masked %parallel_loop3A_664 : vector<16xi32>, vector<16xi1> -> vector<16xi32>
      %parallel_loop3A_669 = arith.xori %parallel_loop3A_668, %parallel_loop3A_666 : vector<16xi32>
      %parallel_loop3A_670 = arith.constant 1 : i32
      %parallel_loop3A_671 = vector.broadcast %parallel_loop3A_670 : i32 to vector<16xi32>
      %parallel_loop3A_672 = arith.cmpi eq, %iota3A, %parallel_loop3A_671 : vector<16xi32>
      %parallel_loop3A_673 = arith.select %parallel_loop3A_672, %parallel_loop3A_669, %parallel_loop3A_648 : vector<16xi1>, vector<16xi32>
      %parallel_loop3A_674 = arith.constant 256 : i32
      %parallel_loop3A_675 = arith.muli %parallel_loop3A_623, %parallel_loop3A_674 : i32
      %parallel_loop3A_676 = arith.constant 32 : i32
      %parallel_loop3A_677 = arith.addi %parallel_loop3A_675, %parallel_loop3A_676 : i32
      %parallel_loop3A_678 = arith.index_cast %parallel_loop3A_677 : i32 to index
      %parallel_loop3A_679 = tpu.vector_load %arg8[%parallel_loop3A_678] {strides = array<i32>} : memref<4096xi32, #tpu.memory_space<vmem>>, vector<16xi32>,
      %parallel_loop3A_680 = arith.constant true
      %parallel_loop3A_681 = vector.broadcast %parallel_loop3A_680 : i1 to vector<16xi1>
      %parallel_loop3A_682 = tpu.scan <sum>, %parallel_loop3A_679 masked %parallel_loop3A_681 : vector<16xi32>, vector<16xi1> -> vector<16xi32>
      %parallel_loop3A_683 = arith.constant 15 : i32
      %parallel_loop3A_684 = vector.broadcast %parallel_loop3A_683 : i32 to vector<16xi32>
      %parallel_loop3A_685 = tpu.iota {dimensions = array<i32: 0>} : vector<16xi32>
      %parallel_loop3A_686 = arith.subi %parallel_loop3A_684, %parallel_loop3A_685 : vector<16xi32>
      %parallel_loop3A_687 = tpu.dynamic_gather %parallel_loop3A_682[%parallel_loop3A_686] in [0] : vector<16xi32>, vector<16xi32> -> vector<16xi32>
      %parallel_loop3A_688 = arith.constant true
      %parallel_loop3A_689 = vector.broadcast %parallel_loop3A_688 : i1 to vector<16xi1>
      %parallel_loop3A_690 = arith.constant -2147483648 : i32
      %parallel_loop3A_691 = vector.broadcast %parallel_loop3A_690 : i32 to vector<16xi32>
      %parallel_loop3A_692 = arith.xori %parallel_loop3A_687, %parallel_loop3A_691 : vector<16xi32>
      %parallel_loop3A_693 = tpu.scan <max>, %parallel_loop3A_692 masked %parallel_loop3A_689 : vector<16xi32>, vector<16xi1> -> vector<16xi32>
      %parallel_loop3A_694 = arith.xori %parallel_loop3A_693, %parallel_loop3A_691 : vector<16xi32>
      %parallel_loop3A_695 = arith.constant 2 : i32
      %parallel_loop3A_696 = vector.broadcast %parallel_loop3A_695 : i32 to vector<16xi32>
      %parallel_loop3A_697 = arith.cmpi eq, %iota3A, %parallel_loop3A_696 : vector<16xi32>
      %parallel_loop3A_698 = arith.select %parallel_loop3A_697, %parallel_loop3A_694, %parallel_loop3A_673 : vector<16xi1>, vector<16xi32>
      %parallel_loop3A_699 = arith.constant 256 : i32
      %parallel_loop3A_700 = arith.muli %parallel_loop3A_623, %parallel_loop3A_699 : i32
      %parallel_loop3A_701 = arith.constant 48 : i32
      %parallel_loop3A_702 = arith.addi %parallel_loop3A_700, %parallel_loop3A_701 : i32
      %parallel_loop3A_703 = arith.index_cast %parallel_loop3A_702 : i32 to index
      %parallel_loop3A_704 = tpu.vector_load %arg8[%parallel_loop3A_703] {strides = array<i32>} : memref<4096xi32, #tpu.memory_space<vmem>>, vector<16xi32>,
      %parallel_loop3A_705 = arith.constant true
      %parallel_loop3A_706 = vector.broadcast %parallel_loop3A_705 : i1 to vector<16xi1>
      %parallel_loop3A_707 = tpu.scan <sum>, %parallel_loop3A_704 masked %parallel_loop3A_706 : vector<16xi32>, vector<16xi1> -> vector<16xi32>
      %parallel_loop3A_708 = arith.constant 15 : i32
      %parallel_loop3A_709 = vector.broadcast %parallel_loop3A_708 : i32 to vector<16xi32>
      %parallel_loop3A_710 = tpu.iota {dimensions = array<i32: 0>} : vector<16xi32>
      %parallel_loop3A_711 = arith.subi %parallel_loop3A_709, %parallel_loop3A_710 : vector<16xi32>
      %parallel_loop3A_712 = tpu.dynamic_gather %parallel_loop3A_707[%parallel_loop3A_711] in [0] : vector<16xi32>, vector<16xi32> -> vector<16xi32>
      %parallel_loop3A_713 = arith.constant true
      %parallel_loop3A_714 = vector.broadcast %parallel_loop3A_713 : i1 to vector<16xi1>
      %parallel_loop3A_715 = arith.constant -2147483648 : i32
      %parallel_loop3A_716 = vector.broadcast %parallel_loop3A_715 : i32 to vector<16xi32>
      %parallel_loop3A_717 = arith.xori %parallel_loop3A_712, %parallel_loop3A_716 : vector<16xi32>
      %parallel_loop3A_718 = tpu.scan <max>, %parallel_loop3A_717 masked %parallel_loop3A_714 : vector<16xi32>, vector<16xi1> -> vector<16xi32>
      %parallel_loop3A_719 = arith.xori %parallel_loop3A_718, %parallel_loop3A_716 : vector<16xi32>
      %parallel_loop3A_720 = arith.constant 3 : i32
      %parallel_loop3A_721 = vector.broadcast %parallel_loop3A_720 : i32 to vector<16xi32>
      %parallel_loop3A_722 = arith.cmpi eq, %iota3A, %parallel_loop3A_721 : vector<16xi32>
      %parallel_loop3A_723 = arith.select %parallel_loop3A_722, %parallel_loop3A_719, %parallel_loop3A_698 : vector<16xi1>, vector<16xi32>
      %parallel_loop3A_724 = arith.constant 256 : i32
      %parallel_loop3A_725 = arith.muli %parallel_loop3A_623, %parallel_loop3A_724 : i32
      %parallel_loop3A_726 = arith.constant 64 : i32
      %parallel_loop3A_727 = arith.addi %parallel_loop3A_725, %parallel_loop3A_726 : i32
      %parallel_loop3A_728 = arith.index_cast %parallel_loop3A_727 : i32 to index
      %parallel_loop3A_729 = tpu.vector_load %arg8[%parallel_loop3A_728] {strides = array<i32>} : memref<4096xi32, #tpu.memory_space<vmem>>, vector<16xi32>,
      %parallel_loop3A_730 = arith.constant true
      %parallel_loop3A_731 = vector.broadcast %parallel_loop3A_730 : i1 to vector<16xi1>
      %parallel_loop3A_732 = tpu.scan <sum>, %parallel_loop3A_729 masked %parallel_loop3A_731 : vector<16xi32>, vector<16xi1> -> vector<16xi32>
      %parallel_loop3A_733 = arith.constant 15 : i32
      %parallel_loop3A_734 = vector.broadcast %parallel_loop3A_733 : i32 to vector<16xi32>
      %parallel_loop3A_735 = tpu.iota {dimensions = array<i32: 0>} : vector<16xi32>
      %parallel_loop3A_736 = arith.subi %parallel_loop3A_734, %parallel_loop3A_735 : vector<16xi32>
      %parallel_loop3A_737 = tpu.dynamic_gather %parallel_loop3A_732[%parallel_loop3A_736] in [0] : vector<16xi32>, vector<16xi32> -> vector<16xi32>
      %parallel_loop3A_738 = arith.constant true
      %parallel_loop3A_739 = vector.broadcast %parallel_loop3A_738 : i1 to vector<16xi1>
      %parallel_loop3A_740 = arith.constant -2147483648 : i32
      %parallel_loop3A_741 = vector.broadcast %parallel_loop3A_740 : i32 to vector<16xi32>
      %parallel_loop3A_742 = arith.xori %parallel_loop3A_737, %parallel_loop3A_741 : vector<16xi32>
      %parallel_loop3A_743 = tpu.scan <max>, %parallel_loop3A_742 masked %parallel_loop3A_739 : vector<16xi32>, vector<16xi1> -> vector<16xi32>
      %parallel_loop3A_744 = arith.xori %parallel_loop3A_743, %parallel_loop3A_741 : vector<16xi32>
      %parallel_loop3A_745 = arith.constant 4 : i32
      %parallel_loop3A_746 = vector.broadcast %parallel_loop3A_745 : i32 to vector<16xi32>
      %parallel_loop3A_747 = arith.cmpi eq, %iota3A, %parallel_loop3A_746 : vector<16xi32>
      %parallel_loop3A_748 = arith.select %parallel_loop3A_747, %parallel_loop3A_744, %parallel_loop3A_723 : vector<16xi1>, vector<16xi32>
      %parallel_loop3A_749 = arith.constant 256 : i32
      %parallel_loop3A_750 = arith.muli %parallel_loop3A_623, %parallel_loop3A_749 : i32
      %parallel_loop3A_751 = arith.constant 80 : i32
      %parallel_loop3A_752 = arith.addi %parallel_loop3A_750, %parallel_loop3A_751 : i32
      %parallel_loop3A_753 = arith.index_cast %parallel_loop3A_752 : i32 to index
      %parallel_loop3A_754 = tpu.vector_load %arg8[%parallel_loop3A_753] {strides = array<i32>} : memref<4096xi32, #tpu.memory_space<vmem>>, vector<16xi32>,
      %parallel_loop3A_755 = arith.constant true
      %parallel_loop3A_756 = vector.broadcast %parallel_loop3A_755 : i1 to vector<16xi1>
      %parallel_loop3A_757 = tpu.scan <sum>, %parallel_loop3A_754 masked %parallel_loop3A_756 : vector<16xi32>, vector<16xi1> -> vector<16xi32>
      %parallel_loop3A_758 = arith.constant 15 : i32
      %parallel_loop3A_759 = vector.broadcast %parallel_loop3A_758 : i32 to vector<16xi32>
      %parallel_loop3A_760 = tpu.iota {dimensions = array<i32: 0>} : vector<16xi32>
      %parallel_loop3A_761 = arith.subi %parallel_loop3A_759, %parallel_loop3A_760 : vector<16xi32>
      %parallel_loop3A_762 = tpu.dynamic_gather %parallel_loop3A_757[%parallel_loop3A_761] in [0] : vector<16xi32>, vector<16xi32> -> vector<16xi32>
      %parallel_loop3A_763 = arith.constant true
      %parallel_loop3A_764 = vector.broadcast %parallel_loop3A_763 : i1 to vector<16xi1>
      %parallel_loop3A_765 = arith.constant -2147483648 : i32
      %parallel_loop3A_766 = vector.broadcast %parallel_loop3A_765 : i32 to vector<16xi32>
      %parallel_loop3A_767 = arith.xori %parallel_loop3A_762, %parallel_loop3A_766 : vector<16xi32>
      %parallel_loop3A_768 = tpu.scan <max>, %parallel_loop3A_767 masked %parallel_loop3A_764 : vector<16xi32>, vector<16xi1> -> vector<16xi32>
      %parallel_loop3A_769 = arith.xori %parallel_loop3A_768, %parallel_loop3A_766 : vector<16xi32>
      %parallel_loop3A_770 = arith.constant 5 : i32
      %parallel_loop3A_771 = vector.broadcast %parallel_loop3A_770 : i32 to vector<16xi32>
      %parallel_loop3A_772 = arith.cmpi eq, %iota3A, %parallel_loop3A_771 : vector<16xi32>
      %parallel_loop3A_773 = arith.select %parallel_loop3A_772, %parallel_loop3A_769, %parallel_loop3A_748 : vector<16xi1>, vector<16xi32>
      %parallel_loop3A_774 = arith.constant 256 : i32
      %parallel_loop3A_775 = arith.muli %parallel_loop3A_623, %parallel_loop3A_774 : i32
      %parallel_loop3A_776 = arith.constant 96 : i32
      %parallel_loop3A_777 = arith.addi %parallel_loop3A_775, %parallel_loop3A_776 : i32
      %parallel_loop3A_778 = arith.index_cast %parallel_loop3A_777 : i32 to index
      %parallel_loop3A_779 = tpu.vector_load %arg8[%parallel_loop3A_778] {strides = array<i32>} : memref<4096xi32, #tpu.memory_space<vmem>>, vector<16xi32>,
      %parallel_loop3A_780 = arith.constant true
      %parallel_loop3A_781 = vector.broadcast %parallel_loop3A_780 : i1 to vector<16xi1>
      %parallel_loop3A_782 = tpu.scan <sum>, %parallel_loop3A_779 masked %parallel_loop3A_781 : vector<16xi32>, vector<16xi1> -> vector<16xi32>
      %parallel_loop3A_783 = arith.constant 15 : i32
      %parallel_loop3A_784 = vector.broadcast %parallel_loop3A_783 : i32 to vector<16xi32>
      %parallel_loop3A_785 = tpu.iota {dimensions = array<i32: 0>} : vector<16xi32>
      %parallel_loop3A_786 = arith.subi %parallel_loop3A_784, %parallel_loop3A_785 : vector<16xi32>
      %parallel_loop3A_787 = tpu.dynamic_gather %parallel_loop3A_782[%parallel_loop3A_786] in [0] : vector<16xi32>, vector<16xi32> -> vector<16xi32>
      %parallel_loop3A_788 = arith.constant true
      %parallel_loop3A_789 = vector.broadcast %parallel_loop3A_788 : i1 to vector<16xi1>
      %parallel_loop3A_790 = arith.constant -2147483648 : i32
      %parallel_loop3A_791 = vector.broadcast %parallel_loop3A_790 : i32 to vector<16xi32>
      %parallel_loop3A_792 = arith.xori %parallel_loop3A_787, %parallel_loop3A_791 : vector<16xi32>
      %parallel_loop3A_793 = tpu.scan <max>, %parallel_loop3A_792 masked %parallel_loop3A_789 : vector<16xi32>, vector<16xi1> -> vector<16xi32>
      %parallel_loop3A_794 = arith.xori %parallel_loop3A_793, %parallel_loop3A_791 : vector<16xi32>
      %parallel_loop3A_795 = arith.constant 6 : i32
      %parallel_loop3A_796 = vector.broadcast %parallel_loop3A_795 : i32 to vector<16xi32>
      %parallel_loop3A_797 = arith.cmpi eq, %iota3A, %parallel_loop3A_796 : vector<16xi32>
      %parallel_loop3A_798 = arith.select %parallel_loop3A_797, %parallel_loop3A_794, %parallel_loop3A_773 : vector<16xi1>, vector<16xi32>
      %parallel_loop3A_799 = arith.constant 256 : i32
      %parallel_loop3A_800 = arith.muli %parallel_loop3A_623, %parallel_loop3A_799 : i32
      %parallel_loop3A_801 = arith.constant 112 : i32
      %parallel_loop3A_802 = arith.addi %parallel_loop3A_800, %parallel_loop3A_801 : i32
      %parallel_loop3A_803 = arith.index_cast %parallel_loop3A_802 : i32 to index
      %parallel_loop3A_804 = tpu.vector_load %arg8[%parallel_loop3A_803] {strides = array<i32>} : memref<4096xi32, #tpu.memory_space<vmem>>, vector<16xi32>,
      %parallel_loop3A_805 = arith.constant true
      %parallel_loop3A_806 = vector.broadcast %parallel_loop3A_805 : i1 to vector<16xi1>
      %parallel_loop3A_807 = tpu.scan <sum>, %parallel_loop3A_804 masked %parallel_loop3A_806 : vector<16xi32>, vector<16xi1> -> vector<16xi32>
      %parallel_loop3A_808 = arith.constant 15 : i32
      %parallel_loop3A_809 = vector.broadcast %parallel_loop3A_808 : i32 to vector<16xi32>
      %parallel_loop3A_810 = tpu.iota {dimensions = array<i32: 0>} : vector<16xi32>
      %parallel_loop3A_811 = arith.subi %parallel_loop3A_809, %parallel_loop3A_810 : vector<16xi32>
      %parallel_loop3A_812 = tpu.dynamic_gather %parallel_loop3A_807[%parallel_loop3A_811] in [0] : vector<16xi32>, vector<16xi32> -> vector<16xi32>
      %parallel_loop3A_813 = arith.constant true
      %parallel_loop3A_814 = vector.broadcast %parallel_loop3A_813 : i1 to vector<16xi1>
      %parallel_loop3A_815 = arith.constant -2147483648 : i32
      %parallel_loop3A_816 = vector.broadcast %parallel_loop3A_815 : i32 to vector<16xi32>
      %parallel_loop3A_817 = arith.xori %parallel_loop3A_812, %parallel_loop3A_816 : vector<16xi32>
      %parallel_loop3A_818 = tpu.scan <max>, %parallel_loop3A_817 masked %parallel_loop3A_814 : vector<16xi32>, vector<16xi1> -> vector<16xi32>
      %parallel_loop3A_819 = arith.xori %parallel_loop3A_818, %parallel_loop3A_816 : vector<16xi32>
      %parallel_loop3A_820 = arith.constant 7 : i32
      %parallel_loop3A_821 = vector.broadcast %parallel_loop3A_820 : i32 to vector<16xi32>
      %parallel_loop3A_822 = arith.cmpi eq, %iota3A, %parallel_loop3A_821 : vector<16xi32>
      %parallel_loop3A_823 = arith.select %parallel_loop3A_822, %parallel_loop3A_819, %parallel_loop3A_798 : vector<16xi1>, vector<16xi32>
      %parallel_loop3A_824 = arith.constant 256 : i32
      %parallel_loop3A_825 = arith.muli %parallel_loop3A_623, %parallel_loop3A_824 : i32
      %parallel_loop3A_826 = arith.constant 128 : i32
      %parallel_loop3A_827 = arith.addi %parallel_loop3A_825, %parallel_loop3A_826 : i32
      %parallel_loop3A_828 = arith.index_cast %parallel_loop3A_827 : i32 to index
      %parallel_loop3A_829 = tpu.vector_load %arg8[%parallel_loop3A_828] {strides = array<i32>} : memref<4096xi32, #tpu.memory_space<vmem>>, vector<16xi32>,
      %parallel_loop3A_830 = arith.constant true
      %parallel_loop3A_831 = vector.broadcast %parallel_loop3A_830 : i1 to vector<16xi1>
      %parallel_loop3A_832 = tpu.scan <sum>, %parallel_loop3A_829 masked %parallel_loop3A_831 : vector<16xi32>, vector<16xi1> -> vector<16xi32>
      %parallel_loop3A_833 = arith.constant 15 : i32
      %parallel_loop3A_834 = vector.broadcast %parallel_loop3A_833 : i32 to vector<16xi32>
      %parallel_loop3A_835 = tpu.iota {dimensions = array<i32: 0>} : vector<16xi32>
      %parallel_loop3A_836 = arith.subi %parallel_loop3A_834, %parallel_loop3A_835 : vector<16xi32>
      %parallel_loop3A_837 = tpu.dynamic_gather %parallel_loop3A_832[%parallel_loop3A_836] in [0] : vector<16xi32>, vector<16xi32> -> vector<16xi32>
      %parallel_loop3A_838 = arith.constant true
      %parallel_loop3A_839 = vector.broadcast %parallel_loop3A_838 : i1 to vector<16xi1>
      %parallel_loop3A_840 = arith.constant -2147483648 : i32
      %parallel_loop3A_841 = vector.broadcast %parallel_loop3A_840 : i32 to vector<16xi32>
      %parallel_loop3A_842 = arith.xori %parallel_loop3A_837, %parallel_loop3A_841 : vector<16xi32>
      %parallel_loop3A_843 = tpu.scan <max>, %parallel_loop3A_842 masked %parallel_loop3A_839 : vector<16xi32>, vector<16xi1> -> vector<16xi32>
      %parallel_loop3A_844 = arith.xori %parallel_loop3A_843, %parallel_loop3A_841 : vector<16xi32>
      %parallel_loop3A_845 = arith.constant 8 : i32
      %parallel_loop3A_846 = vector.broadcast %parallel_loop3A_845 : i32 to vector<16xi32>
      %parallel_loop3A_847 = arith.cmpi eq, %iota3A, %parallel_loop3A_846 : vector<16xi32>
      %parallel_loop3A_848 = arith.select %parallel_loop3A_847, %parallel_loop3A_844, %parallel_loop3A_823 : vector<16xi1>, vector<16xi32>
      %parallel_loop3A_849 = arith.constant 256 : i32
      %parallel_loop3A_850 = arith.muli %parallel_loop3A_623, %parallel_loop3A_849 : i32
      %parallel_loop3A_851 = arith.constant 144 : i32
      %parallel_loop3A_852 = arith.addi %parallel_loop3A_850, %parallel_loop3A_851 : i32
      %parallel_loop3A_853 = arith.index_cast %parallel_loop3A_852 : i32 to index
      %parallel_loop3A_854 = tpu.vector_load %arg8[%parallel_loop3A_853] {strides = array<i32>} : memref<4096xi32, #tpu.memory_space<vmem>>, vector<16xi32>,
      %parallel_loop3A_855 = arith.constant true
      %parallel_loop3A_856 = vector.broadcast %parallel_loop3A_855 : i1 to vector<16xi1>
      %parallel_loop3A_857 = tpu.scan <sum>, %parallel_loop3A_854 masked %parallel_loop3A_856 : vector<16xi32>, vector<16xi1> -> vector<16xi32>
      %parallel_loop3A_858 = arith.constant 15 : i32
      %parallel_loop3A_859 = vector.broadcast %parallel_loop3A_858 : i32 to vector<16xi32>
      %parallel_loop3A_860 = tpu.iota {dimensions = array<i32: 0>} : vector<16xi32>
      %parallel_loop3A_861 = arith.subi %parallel_loop3A_859, %parallel_loop3A_860 : vector<16xi32>
      %parallel_loop3A_862 = tpu.dynamic_gather %parallel_loop3A_857[%parallel_loop3A_861] in [0] : vector<16xi32>, vector<16xi32> -> vector<16xi32>
      %parallel_loop3A_863 = arith.constant true
      %parallel_loop3A_864 = vector.broadcast %parallel_loop3A_863 : i1 to vector<16xi1>
      %parallel_loop3A_865 = arith.constant -2147483648 : i32
      %parallel_loop3A_866 = vector.broadcast %parallel_loop3A_865 : i32 to vector<16xi32>
      %parallel_loop3A_867 = arith.xori %parallel_loop3A_862, %parallel_loop3A_866 : vector<16xi32>
      %parallel_loop3A_868 = tpu.scan <max>, %parallel_loop3A_867 masked %parallel_loop3A_864 : vector<16xi32>, vector<16xi1> -> vector<16xi32>
      %parallel_loop3A_869 = arith.xori %parallel_loop3A_868, %parallel_loop3A_866 : vector<16xi32>
      %parallel_loop3A_870 = arith.constant 9 : i32
      %parallel_loop3A_871 = vector.broadcast %parallel_loop3A_870 : i32 to vector<16xi32>
      %parallel_loop3A_872 = arith.cmpi eq, %iota3A, %parallel_loop3A_871 : vector<16xi32>
      %parallel_loop3A_873 = arith.select %parallel_loop3A_872, %parallel_loop3A_869, %parallel_loop3A_848 : vector<16xi1>, vector<16xi32>
      %parallel_loop3A_874 = arith.constant 256 : i32
      %parallel_loop3A_875 = arith.muli %parallel_loop3A_623, %parallel_loop3A_874 : i32
      %parallel_loop3A_876 = arith.constant 160 : i32
      %parallel_loop3A_877 = arith.addi %parallel_loop3A_875, %parallel_loop3A_876 : i32
      %parallel_loop3A_878 = arith.index_cast %parallel_loop3A_877 : i32 to index
      %parallel_loop3A_879 = tpu.vector_load %arg8[%parallel_loop3A_878] {strides = array<i32>} : memref<4096xi32, #tpu.memory_space<vmem>>, vector<16xi32>,
      %parallel_loop3A_880 = arith.constant true
      %parallel_loop3A_881 = vector.broadcast %parallel_loop3A_880 : i1 to vector<16xi1>
      %parallel_loop3A_882 = tpu.scan <sum>, %parallel_loop3A_879 masked %parallel_loop3A_881 : vector<16xi32>, vector<16xi1> -> vector<16xi32>
      %parallel_loop3A_883 = arith.constant 15 : i32
      %parallel_loop3A_884 = vector.broadcast %parallel_loop3A_883 : i32 to vector<16xi32>
      %parallel_loop3A_885 = tpu.iota {dimensions = array<i32: 0>} : vector<16xi32>
      %parallel_loop3A_886 = arith.subi %parallel_loop3A_884, %parallel_loop3A_885 : vector<16xi32>
      %parallel_loop3A_887 = tpu.dynamic_gather %parallel_loop3A_882[%parallel_loop3A_886] in [0] : vector<16xi32>, vector<16xi32> -> vector<16xi32>
      %parallel_loop3A_888 = arith.constant true
      %parallel_loop3A_889 = vector.broadcast %parallel_loop3A_888 : i1 to vector<16xi1>
      %parallel_loop3A_890 = arith.constant -2147483648 : i32
      %parallel_loop3A_891 = vector.broadcast %parallel_loop3A_890 : i32 to vector<16xi32>
      %parallel_loop3A_892 = arith.xori %parallel_loop3A_887, %parallel_loop3A_891 : vector<16xi32>
      %parallel_loop3A_893 = tpu.scan <max>, %parallel_loop3A_892 masked %parallel_loop3A_889 : vector<16xi32>, vector<16xi1> -> vector<16xi32>
      %parallel_loop3A_894 = arith.xori %parallel_loop3A_893, %parallel_loop3A_891 : vector<16xi32>
      %parallel_loop3A_895 = arith.constant 10 : i32
      %parallel_loop3A_896 = vector.broadcast %parallel_loop3A_895 : i32 to vector<16xi32>
      %parallel_loop3A_897 = arith.cmpi eq, %iota3A, %parallel_loop3A_896 : vector<16xi32>
      %parallel_loop3A_898 = arith.select %parallel_loop3A_897, %parallel_loop3A_894, %parallel_loop3A_873 : vector<16xi1>, vector<16xi32>
      %parallel_loop3A_899 = arith.constant 256 : i32
      %parallel_loop3A_900 = arith.muli %parallel_loop3A_623, %parallel_loop3A_899 : i32
      %parallel_loop3A_901 = arith.constant 176 : i32
      %parallel_loop3A_902 = arith.addi %parallel_loop3A_900, %parallel_loop3A_901 : i32
      %parallel_loop3A_903 = arith.index_cast %parallel_loop3A_902 : i32 to index
      %parallel_loop3A_904 = tpu.vector_load %arg8[%parallel_loop3A_903] {strides = array<i32>} : memref<4096xi32, #tpu.memory_space<vmem>>, vector<16xi32>,
      %parallel_loop3A_905 = arith.constant true
      %parallel_loop3A_906 = vector.broadcast %parallel_loop3A_905 : i1 to vector<16xi1>
      %parallel_loop3A_907 = tpu.scan <sum>, %parallel_loop3A_904 masked %parallel_loop3A_906 : vector<16xi32>, vector<16xi1> -> vector<16xi32>
      %parallel_loop3A_908 = arith.constant 15 : i32
      %parallel_loop3A_909 = vector.broadcast %parallel_loop3A_908 : i32 to vector<16xi32>
      %parallel_loop3A_910 = tpu.iota {dimensions = array<i32: 0>} : vector<16xi32>
      %parallel_loop3A_911 = arith.subi %parallel_loop3A_909, %parallel_loop3A_910 : vector<16xi32>
      %parallel_loop3A_912 = tpu.dynamic_gather %parallel_loop3A_907[%parallel_loop3A_911] in [0] : vector<16xi32>, vector<16xi32> -> vector<16xi32>
      %parallel_loop3A_913 = arith.constant true
      %parallel_loop3A_914 = vector.broadcast %parallel_loop3A_913 : i1 to vector<16xi1>
      %parallel_loop3A_915 = arith.constant -2147483648 : i32
      %parallel_loop3A_916 = vector.broadcast %parallel_loop3A_915 : i32 to vector<16xi32>
      %parallel_loop3A_917 = arith.xori %parallel_loop3A_912, %parallel_loop3A_916 : vector<16xi32>
      %parallel_loop3A_918 = tpu.scan <max>, %parallel_loop3A_917 masked %parallel_loop3A_914 : vector<16xi32>, vector<16xi1> -> vector<16xi32>
      %parallel_loop3A_919 = arith.xori %parallel_loop3A_918, %parallel_loop3A_916 : vector<16xi32>
      %parallel_loop3A_920 = arith.constant 11 : i32
      %parallel_loop3A_921 = vector.broadcast %parallel_loop3A_920 : i32 to vector<16xi32>
      %parallel_loop3A_922 = arith.cmpi eq, %iota3A, %parallel_loop3A_921 : vector<16xi32>
      %parallel_loop3A_923 = arith.select %parallel_loop3A_922, %parallel_loop3A_919, %parallel_loop3A_898 : vector<16xi1>, vector<16xi32>
      %parallel_loop3A_924 = arith.constant 256 : i32
      %parallel_loop3A_925 = arith.muli %parallel_loop3A_623, %parallel_loop3A_924 : i32
      %parallel_loop3A_926 = arith.constant 192 : i32
      %parallel_loop3A_927 = arith.addi %parallel_loop3A_925, %parallel_loop3A_926 : i32
      %parallel_loop3A_928 = arith.index_cast %parallel_loop3A_927 : i32 to index
      %parallel_loop3A_929 = tpu.vector_load %arg8[%parallel_loop3A_928] {strides = array<i32>} : memref<4096xi32, #tpu.memory_space<vmem>>, vector<16xi32>,
      %parallel_loop3A_930 = arith.constant true
      %parallel_loop3A_931 = vector.broadcast %parallel_loop3A_930 : i1 to vector<16xi1>
      %parallel_loop3A_932 = tpu.scan <sum>, %parallel_loop3A_929 masked %parallel_loop3A_931 : vector<16xi32>, vector<16xi1> -> vector<16xi32>
      %parallel_loop3A_933 = arith.constant 15 : i32
      %parallel_loop3A_934 = vector.broadcast %parallel_loop3A_933 : i32 to vector<16xi32>
      %parallel_loop3A_935 = tpu.iota {dimensions = array<i32: 0>} : vector<16xi32>
      %parallel_loop3A_936 = arith.subi %parallel_loop3A_934, %parallel_loop3A_935 : vector<16xi32>
      %parallel_loop3A_937 = tpu.dynamic_gather %parallel_loop3A_932[%parallel_loop3A_936] in [0] : vector<16xi32>, vector<16xi32> -> vector<16xi32>
      %parallel_loop3A_938 = arith.constant true
      %parallel_loop3A_939 = vector.broadcast %parallel_loop3A_938 : i1 to vector<16xi1>
      %parallel_loop3A_940 = arith.constant -2147483648 : i32
      %parallel_loop3A_941 = vector.broadcast %parallel_loop3A_940 : i32 to vector<16xi32>
      %parallel_loop3A_942 = arith.xori %parallel_loop3A_937, %parallel_loop3A_941 : vector<16xi32>
      %parallel_loop3A_943 = tpu.scan <max>, %parallel_loop3A_942 masked %parallel_loop3A_939 : vector<16xi32>, vector<16xi1> -> vector<16xi32>
      %parallel_loop3A_944 = arith.xori %parallel_loop3A_943, %parallel_loop3A_941 : vector<16xi32>
      %parallel_loop3A_945 = arith.constant 12 : i32
      %parallel_loop3A_946 = vector.broadcast %parallel_loop3A_945 : i32 to vector<16xi32>
      %parallel_loop3A_947 = arith.cmpi eq, %iota3A, %parallel_loop3A_946 : vector<16xi32>
      %parallel_loop3A_948 = arith.select %parallel_loop3A_947, %parallel_loop3A_944, %parallel_loop3A_923 : vector<16xi1>, vector<16xi32>
      %parallel_loop3A_949 = arith.constant 256 : i32
      %parallel_loop3A_950 = arith.muli %parallel_loop3A_623, %parallel_loop3A_949 : i32
      %parallel_loop3A_951 = arith.constant 208 : i32
      %parallel_loop3A_952 = arith.addi %parallel_loop3A_950, %parallel_loop3A_951 : i32
      %parallel_loop3A_953 = arith.index_cast %parallel_loop3A_952 : i32 to index
      %parallel_loop3A_954 = tpu.vector_load %arg8[%parallel_loop3A_953] {strides = array<i32>} : memref<4096xi32, #tpu.memory_space<vmem>>, vector<16xi32>,
      %parallel_loop3A_955 = arith.constant true
      %parallel_loop3A_956 = vector.broadcast %parallel_loop3A_955 : i1 to vector<16xi1>
      %parallel_loop3A_957 = tpu.scan <sum>, %parallel_loop3A_954 masked %parallel_loop3A_956 : vector<16xi32>, vector<16xi1> -> vector<16xi32>
      %parallel_loop3A_958 = arith.constant 15 : i32
      %parallel_loop3A_959 = vector.broadcast %parallel_loop3A_958 : i32 to vector<16xi32>
      %parallel_loop3A_960 = tpu.iota {dimensions = array<i32: 0>} : vector<16xi32>
      %parallel_loop3A_961 = arith.subi %parallel_loop3A_959, %parallel_loop3A_960 : vector<16xi32>
      %parallel_loop3A_962 = tpu.dynamic_gather %parallel_loop3A_957[%parallel_loop3A_961] in [0] : vector<16xi32>, vector<16xi32> -> vector<16xi32>
      %parallel_loop3A_963 = arith.constant true
      %parallel_loop3A_964 = vector.broadcast %parallel_loop3A_963 : i1 to vector<16xi1>
      %parallel_loop3A_965 = arith.constant -2147483648 : i32
      %parallel_loop3A_966 = vector.broadcast %parallel_loop3A_965 : i32 to vector<16xi32>
      %parallel_loop3A_967 = arith.xori %parallel_loop3A_962, %parallel_loop3A_966 : vector<16xi32>
      %parallel_loop3A_968 = tpu.scan <max>, %parallel_loop3A_967 masked %parallel_loop3A_964 : vector<16xi32>, vector<16xi1> -> vector<16xi32>
      %parallel_loop3A_969 = arith.xori %parallel_loop3A_968, %parallel_loop3A_966 : vector<16xi32>
      %parallel_loop3A_970 = arith.constant 13 : i32
      %parallel_loop3A_971 = vector.broadcast %parallel_loop3A_970 : i32 to vector<16xi32>
      %parallel_loop3A_972 = arith.cmpi eq, %iota3A, %parallel_loop3A_971 : vector<16xi32>
      %parallel_loop3A_973 = arith.select %parallel_loop3A_972, %parallel_loop3A_969, %parallel_loop3A_948 : vector<16xi1>, vector<16xi32>
      %parallel_loop3A_974 = arith.constant 256 : i32
      %parallel_loop3A_975 = arith.muli %parallel_loop3A_623, %parallel_loop3A_974 : i32
      %parallel_loop3A_976 = arith.constant 224 : i32
      %parallel_loop3A_977 = arith.addi %parallel_loop3A_975, %parallel_loop3A_976 : i32
      %parallel_loop3A_978 = arith.index_cast %parallel_loop3A_977 : i32 to index
      %parallel_loop3A_979 = tpu.vector_load %arg8[%parallel_loop3A_978] {strides = array<i32>} : memref<4096xi32, #tpu.memory_space<vmem>>, vector<16xi32>,
      %parallel_loop3A_980 = arith.constant true
      %parallel_loop3A_981 = vector.broadcast %parallel_loop3A_980 : i1 to vector<16xi1>
      %parallel_loop3A_982 = tpu.scan <sum>, %parallel_loop3A_979 masked %parallel_loop3A_981 : vector<16xi32>, vector<16xi1> -> vector<16xi32>
      %parallel_loop3A_983 = arith.constant 15 : i32
      %parallel_loop3A_984 = vector.broadcast %parallel_loop3A_983 : i32 to vector<16xi32>
      %parallel_loop3A_985 = tpu.iota {dimensions = array<i32: 0>} : vector<16xi32>
      %parallel_loop3A_986 = arith.subi %parallel_loop3A_984, %parallel_loop3A_985 : vector<16xi32>
      %parallel_loop3A_987 = tpu.dynamic_gather %parallel_loop3A_982[%parallel_loop3A_986] in [0] : vector<16xi32>, vector<16xi32> -> vector<16xi32>
      %parallel_loop3A_988 = arith.constant true
      %parallel_loop3A_989 = vector.broadcast %parallel_loop3A_988 : i1 to vector<16xi1>
      %parallel_loop3A_990 = arith.constant -2147483648 : i32
      %parallel_loop3A_991 = vector.broadcast %parallel_loop3A_990 : i32 to vector<16xi32>
      %parallel_loop3A_992 = arith.xori %parallel_loop3A_987, %parallel_loop3A_991 : vector<16xi32>
      %parallel_loop3A_993 = tpu.scan <max>, %parallel_loop3A_992 masked %parallel_loop3A_989 : vector<16xi32>, vector<16xi1> -> vector<16xi32>
      %parallel_loop3A_994 = arith.xori %parallel_loop3A_993, %parallel_loop3A_991 : vector<16xi32>
      %parallel_loop3A_995 = arith.constant 14 : i32
      %parallel_loop3A_996 = vector.broadcast %parallel_loop3A_995 : i32 to vector<16xi32>
      %parallel_loop3A_997 = arith.cmpi eq, %iota3A, %parallel_loop3A_996 : vector<16xi32>
      %parallel_loop3A_998 = arith.select %parallel_loop3A_997, %parallel_loop3A_994, %parallel_loop3A_973 : vector<16xi1>, vector<16xi32>
      %parallel_loop3A_999 = arith.constant 256 : i32
      %parallel_loop3A_1000 = arith.muli %parallel_loop3A_623, %parallel_loop3A_999 : i32
      %parallel_loop3A_1001 = arith.constant 240 : i32
      %parallel_loop3A_1002 = arith.addi %parallel_loop3A_1000, %parallel_loop3A_1001 : i32
      %parallel_loop3A_1003 = arith.index_cast %parallel_loop3A_1002 : i32 to index
      %parallel_loop3A_1004 = tpu.vector_load %arg8[%parallel_loop3A_1003] {strides = array<i32>} : memref<4096xi32, #tpu.memory_space<vmem>>, vector<16xi32>,
      %parallel_loop3A_1005 = arith.constant true
      %parallel_loop3A_1006 = vector.broadcast %parallel_loop3A_1005 : i1 to vector<16xi1>
      %parallel_loop3A_1007 = tpu.scan <sum>, %parallel_loop3A_1004 masked %parallel_loop3A_1006 : vector<16xi32>, vector<16xi1> -> vector<16xi32>
      %parallel_loop3A_1008 = arith.constant 15 : i32
      %parallel_loop3A_1009 = vector.broadcast %parallel_loop3A_1008 : i32 to vector<16xi32>
      %parallel_loop3A_1010 = tpu.iota {dimensions = array<i32: 0>} : vector<16xi32>
      %parallel_loop3A_1011 = arith.subi %parallel_loop3A_1009, %parallel_loop3A_1010 : vector<16xi32>
      %parallel_loop3A_1012 = tpu.dynamic_gather %parallel_loop3A_1007[%parallel_loop3A_1011] in [0] : vector<16xi32>, vector<16xi32> -> vector<16xi32>
      %parallel_loop3A_1013 = arith.constant true
      %parallel_loop3A_1014 = vector.broadcast %parallel_loop3A_1013 : i1 to vector<16xi1>
      %parallel_loop3A_1015 = arith.constant -2147483648 : i32
      %parallel_loop3A_1016 = vector.broadcast %parallel_loop3A_1015 : i32 to vector<16xi32>
      %parallel_loop3A_1017 = arith.xori %parallel_loop3A_1012, %parallel_loop3A_1016 : vector<16xi32>
      %parallel_loop3A_1018 = tpu.scan <max>, %parallel_loop3A_1017 masked %parallel_loop3A_1014 : vector<16xi32>, vector<16xi1> -> vector<16xi32>
      %parallel_loop3A_1019 = arith.xori %parallel_loop3A_1018, %parallel_loop3A_1016 : vector<16xi32>
      %parallel_loop3A_1020 = arith.constant 15 : i32
      %parallel_loop3A_1021 = vector.broadcast %parallel_loop3A_1020 : i32 to vector<16xi32>
      %parallel_loop3A_1022 = arith.cmpi eq, %iota3A, %parallel_loop3A_1021 : vector<16xi32>
      %parallel_loop3A_1023 = arith.select %parallel_loop3A_1022, %parallel_loop3A_1019, %parallel_loop3A_998 : vector<16xi1>, vector<16xi32>
      %parallel_loop3A_1024 = arith.constant 16 : i32
      %parallel_loop3A_1025 = arith.muli %parallel_loop3A_623, %parallel_loop3A_1024 : i32
      %parallel_loop3A_1026 = arith.index_cast %parallel_loop3A_1025 : i32 to index
      %parallel_loop3A_1027 = tpu.vector_load %arg9[%parallel_loop3A_1026] {strides = array<i32>} : memref<256xi32, #tpu.memory_space<vmem>>, vector<16xi32>,
      tpu.vector_store %arg9[%parallel_loop3A_1026], %parallel_loop3A_1023 {strides = array<i32>} : memref<256xi32, #tpu.memory_space<vmem>>, vector<16xi32>,
    } {sc.loop_unroll_factor = 2 : i64, sc.parallel_access}
    %sub3A = arith.constant 1 : i32
    %sub3A_139 = vector.broadcast %sub3A : i32 to vector<16xi32>
    %sub3A_140 = arith.subi %broadcast_in_dim3A_11, %sub3A_139 : vector<16xi32>
    %add3A_141 = arith.constant 255 : i32
    %add3A_142 = vector.broadcast %add3A_141 : i32 to vector<16xi32>
    %add3A_143 = arith.addi %broadcast_in_dim3A_11, %add3A_142 : vector<16xi32>
    %scan3A = arith.constant 0 : i32
    %scan3A_144 = arith.constant 16 : i32
    %scan3A_145 = arith.addi %scan3A, %scan3A_144 : i32
    %scan3A_146 = arith.constant 1 : i32
    %scan3A_147:4 = scf.for %scan3A_623 = %scan3A to %scan3A_145 step %scan3A_146 iter_args(%scan3A_624 = %broadcast_in_dim3A_11, %scan3A_625 = %sub3A_140, %scan3A_626 = %broadcast_in_dim3A_11, %scan3A_627 = %add3A_143) -> (vector<16xi32>, vector<16xi32>, vector<16xi32>, vector<16xi32>)  : i32 {
      %sub3A_628 = arith.constant 15 : i32
      %sub3A_629 = arith.subi %sub3A_628, %scan3A_623 : i32
      %mul3A_630 = arith.constant 16 : i32
      %mul3A_631 = arith.muli %sub3A_629, %mul3A_630 : i32
      %get3A_632 = arith.index_cast %mul3A_631 : i32 to index
      %get3A_633 = tpu.vector_load %arg9[%get3A_632] {strides = array<i32>} : memref<256xi32, #tpu.memory_space<vmem>>, vector<16xi32>,
      %rev3A_634 = arith.constant 15 : i32
      %rev3A_635 = vector.broadcast %rev3A_634 : i32 to vector<16xi32>
      %rev3A_636 = tpu.iota {dimensions = array<i32: 0>} : vector<16xi32>
      %rev3A_637 = arith.subi %rev3A_635, %rev3A_636 : vector<16xi32>
      %rev3A_638 = tpu.dynamic_gather %get3A_633[%rev3A_637] in [0] : vector<16xi32>, vector<16xi32> -> vector<16xi32>
      %broadcast_in_dim3A_639 = arith.constant true
      %broadcast_in_dim3A_640 = vector.broadcast %broadcast_in_dim3A_639 : i1 to vector<16xi1>
      %masked_cumsum3A_641 = tpu.scan <sum>, %rev3A_638 masked %broadcast_in_dim3A_640 : vector<16xi32>, vector<16xi1> -> vector<16xi32>
      %add3A_642 = arith.addi %scan3A_624, %masked_cumsum3A_641 : vector<16xi32>
      %ge3A_643 = arith.constant 1024 : i32
      %ge3A_644 = vector.broadcast %ge3A_643 : i32 to vector<16xi32>
      %ge3A_645 = arith.cmpi sge, %add3A_642, %ge3A_644 : vector<16xi32>
      %all_reduce_ffs3A_646 = tpu.all_reduce %ge3A_645 {dim = 0 : i64, kind = #tpu.reduction_kind<find_first_set>} : vector<16xi1> -> vector<16xi32>
      %sub3A_647 = arith.subi %scan3A_627, %all_reduce_ffs3A_646 : vector<16xi32>
      %jit3A_648 = arith.constant 0 : i32
      %broadcast_in_dim3A_649 = vector.broadcast %jit3A_648 : i32 to vector<16xi32>
      %select_n3A_650 = arith.select %ge3A_645, %broadcast_in_dim3A_649, %rev3A_638 : vector<16xi1>, vector<16xi32>
      %broadcast_in_dim3A_651 = arith.constant true
      %broadcast_in_dim3A_652 = vector.broadcast %broadcast_in_dim3A_651 : i1 to vector<16xi1>
      %masked_cumsum3A_653 = tpu.scan <sum>, %select_n3A_650 masked %broadcast_in_dim3A_652 : vector<16xi32>, vector<16xi1> -> vector<16xi32>
      %rev3A_654 = arith.constant 15 : i32
      %rev3A_655 = vector.broadcast %rev3A_654 : i32 to vector<16xi32>
      %rev3A_656 = tpu.iota {dimensions = array<i32: 0>} : vector<16xi32>
      %rev3A_657 = arith.subi %rev3A_655, %rev3A_656 : vector<16xi32>
      %rev3A_658 = tpu.dynamic_gather %masked_cumsum3A_653[%rev3A_657] in [0] : vector<16xi32>, vector<16xi32> -> vector<16xi32>
      %broadcast_in_dim3A_659 = arith.constant true
      %broadcast_in_dim3A_660 = vector.broadcast %broadcast_in_dim3A_659 : i1 to vector<16xi1>
      %masked_cummax3A_661 = arith.constant -2147483648 : i32
      %masked_cummax3A_662 = vector.broadcast %masked_cummax3A_661 : i32 to vector<16xi32>
      %masked_cummax3A_663 = arith.xori %rev3A_658, %masked_cummax3A_662 : vector<16xi32>
      %masked_cummax3A_664 = tpu.scan <max>, %masked_cummax3A_663 masked %broadcast_in_dim3A_660 : vector<16xi32>, vector<16xi1> -> vector<16xi32>
      %masked_cummax3A_665 = arith.xori %masked_cummax3A_664, %masked_cummax3A_662 : vector<16xi32>
      %add3A_666 = arith.addi %scan3A_624, %masked_cummax3A_665 : vector<16xi32>
      %all_reduce_population_count3A_667 = tpu.all_reduce %ge3A_645 {dim = 0 : i64, kind = #tpu.reduction_kind<sum>} : vector<16xi1> -> vector<16xi32>
      %gt3A_668 = arith.constant 0 : i32
      %gt3A_669 = vector.broadcast %gt3A_668 : i32 to vector<16xi32>
      %gt3A_670 = arith.cmpi sgt, %all_reduce_population_count3A_667, %gt3A_669 : vector<16xi32>
      %broadcast_in_dim3A_671 = arith.constant true
      %broadcast_in_dim3A_672 = vector.broadcast %broadcast_in_dim3A_671 : i1 to vector<16xi1>
      %masked_cumsum3A_673 = tpu.scan <sum>, %rev3A_638 masked %broadcast_in_dim3A_672 : vector<16xi32>, vector<16xi1> -> vector<16xi32>
      %rev3A_674 = arith.constant 15 : i32
      %rev3A_675 = vector.broadcast %rev3A_674 : i32 to vector<16xi32>
      %rev3A_676 = tpu.iota {dimensions = array<i32: 0>} : vector<16xi32>
      %rev3A_677 = arith.subi %rev3A_675, %rev3A_676 : vector<16xi32>
      %rev3A_678 = tpu.dynamic_gather %masked_cumsum3A_673[%rev3A_677] in [0] : vector<16xi32>, vector<16xi32> -> vector<16xi32>
      %broadcast_in_dim3A_679 = arith.constant true
      %broadcast_in_dim3A_680 = vector.broadcast %broadcast_in_dim3A_679 : i1 to vector<16xi1>
      %masked_cummax3A_681 = arith.constant -2147483648 : i32
      %masked_cummax3A_682 = vector.broadcast %masked_cummax3A_681 : i32 to vector<16xi32>
      %masked_cummax3A_683 = arith.xori %rev3A_678, %masked_cummax3A_682 : vector<16xi32>
      %masked_cummax3A_684 = tpu.scan <max>, %masked_cummax3A_683 masked %broadcast_in_dim3A_680 : vector<16xi32>, vector<16xi1> -> vector<16xi32>
      %masked_cummax3A_685 = arith.xori %masked_cummax3A_684, %masked_cummax3A_682 : vector<16xi32>
      %lt3A = arith.constant 0 : i32
      %lt3A_686 = vector.broadcast %lt3A : i32 to vector<16xi32>
      %lt3A_687 = arith.cmpi slt, %scan3A_625, %lt3A_686 : vector<16xi32>
      %and3A = arith.andi %gt3A_670, %lt3A_687 : vector<16xi1>
      %select_n3A_688 = arith.select %and3A, %sub3A_647, %scan3A_625 : vector<16xi1>, vector<16xi32>
      %select_n3A_689 = arith.select %and3A, %add3A_666, %scan3A_626 : vector<16xi1>, vector<16xi32>
      %add3A_690 = arith.addi %scan3A_624, %masked_cummax3A_685 : vector<16xi32>
      %sub3A_691 = arith.constant 16 : i32
      %sub3A_692 = vector.broadcast %sub3A_691 : i32 to vector<16xi32>
      %sub3A_693 = arith.subi %scan3A_627, %sub3A_692 : vector<16xi32>
      scf.yield %add3A_690, %select_n3A_688, %select_n3A_689, %sub3A_693 : vector<16xi32>, vector<16xi32>, vector<16xi32>, vector<16xi32>
    }
    %scan3A_148 = arith.constant 16 : i32
    %slice3A = vector.extract_strided_slice %scan3A_147#1 {offsets = [0], sizes = [1], strides = [1]} : vector<16xi32> to vector<1xi32>
    %squeeze3A = vector.extract %slice3A[0] : i32 from vector<1xi32>
    %mul3A_149 = arith.constant 16 : i32
    %mul3A_150 = arith.muli %squeeze3A, %mul3A_149 : i32
    %get3A = arith.index_cast %mul3A_150 : i32 to index
    %get3A_151 = tpu.vector_load %arg8[%get3A] {strides = array<i32>} : memref<4096xi32, #tpu.memory_space<vmem>>, vector<16xi32>,
    %mul3A_152 = arith.constant 16 : i32
    %mul3A_153 = vector.broadcast %mul3A_152 : i32 to vector<16xi32>
    %mul3A_154 = arith.muli %scan3A_147#1, %mul3A_153 : vector<16xi32>
    %add3A_155 = arith.constant 15 : i32
    %add3A_156 = vector.broadcast %add3A_155 : i32 to vector<16xi32>
    %add3A_157 = arith.addi %mul3A_154, %add3A_156 : vector<16xi32>
    %rev3A = arith.constant 15 : i32
    %rev3A_158 = vector.broadcast %rev3A : i32 to vector<16xi32>
    %rev3A_159 = tpu.iota {dimensions = array<i32: 0>} : vector<16xi32>
    %rev3A_160 = arith.subi %rev3A_158, %rev3A_159 : vector<16xi32>
    %rev3A_161 = tpu.dynamic_gather %get3A_151[%rev3A_160] in [0] : vector<16xi32>, vector<16xi32> -> vector<16xi32>
    %broadcast_in_dim3A_162 = arith.constant true
    %broadcast_in_dim3A_163 = vector.broadcast %broadcast_in_dim3A_162 : i1 to vector<16xi1>
    %masked_cumsum3A = tpu.scan <sum>, %rev3A_161 masked %broadcast_in_dim3A_163 : vector<16xi32>, vector<16xi1> -> vector<16xi32>
    %add3A_164 = arith.addi %scan3A_147#2, %masked_cumsum3A : vector<16xi32>
    %ge3A = arith.constant 1024 : i32
    %ge3A_165 = vector.broadcast %ge3A : i32 to vector<16xi32>
    %ge3A_166 = arith.cmpi sge, %add3A_164, %ge3A_165 : vector<16xi32>
    %all_reduce_ffs3A = tpu.all_reduce %ge3A_166 {dim = 0 : i64, kind = #tpu.reduction_kind<find_first_set>} : vector<16xi1> -> vector<16xi32>
    %sub3A_167 = arith.subi %add3A_157, %all_reduce_ffs3A : vector<16xi32>
    %jit3A = arith.constant 0 : i32
    %broadcast_in_dim3A_168 = vector.broadcast %jit3A : i32 to vector<16xi32>
    %select_n3A = arith.select %ge3A_166, %broadcast_in_dim3A_168, %rev3A_161 : vector<16xi1>, vector<16xi32>
    %broadcast_in_dim3A_169 = arith.constant true
    %broadcast_in_dim3A_170 = vector.broadcast %broadcast_in_dim3A_169 : i1 to vector<16xi1>
    %masked_cumsum3A_171 = tpu.scan <sum>, %select_n3A masked %broadcast_in_dim3A_170 : vector<16xi32>, vector<16xi1> -> vector<16xi32>
    %rev3A_172 = arith.constant 15 : i32
    %rev3A_173 = vector.broadcast %rev3A_172 : i32 to vector<16xi32>
    %rev3A_174 = tpu.iota {dimensions = array<i32: 0>} : vector<16xi32>
    %rev3A_175 = arith.subi %rev3A_173, %rev3A_174 : vector<16xi32>
    %rev3A_176 = tpu.dynamic_gather %masked_cumsum3A_171[%rev3A_175] in [0] : vector<16xi32>, vector<16xi32> -> vector<16xi32>
    %broadcast_in_dim3A_177 = arith.constant true
    %broadcast_in_dim3A_178 = vector.broadcast %broadcast_in_dim3A_177 : i1 to vector<16xi1>
    %masked_cummax3A = arith.constant -2147483648 : i32
    %masked_cummax3A_179 = vector.broadcast %masked_cummax3A : i32 to vector<16xi32>
    %masked_cummax3A_180 = arith.xori %rev3A_176, %masked_cummax3A_179 : vector<16xi32>
    %masked_cummax3A_181 = tpu.scan <max>, %masked_cummax3A_180 masked %broadcast_in_dim3A_178 : vector<16xi32>, vector<16xi1> -> vector<16xi32>
    %masked_cummax3A_182 = arith.xori %masked_cummax3A_181, %masked_cummax3A_179 : vector<16xi32>
    %add3A_183 = arith.addi %scan3A_147#2, %masked_cummax3A_182 : vector<16xi32>
    %all_reduce_population_count3A = tpu.all_reduce %ge3A_166 {dim = 0 : i64, kind = #tpu.reduction_kind<sum>} : vector<16xi1> -> vector<16xi32>
    %gt3A = arith.constant 0 : i32
    %gt3A_184 = vector.broadcast %gt3A : i32 to vector<16xi32>
    %gt3A_185 = arith.cmpi sgt, %all_reduce_population_count3A, %gt3A_184 : vector<16xi32>
    %broadcast_in_dim3A_186 = arith.constant true
    %broadcast_in_dim3A_187 = vector.broadcast %broadcast_in_dim3A_186 : i1 to vector<16xi1>
    %masked_cumsum3A_188 = tpu.scan <sum>, %rev3A_161 masked %broadcast_in_dim3A_187 : vector<16xi32>, vector<16xi1> -> vector<16xi32>
    %rev3A_189 = arith.constant 15 : i32
    %rev3A_190 = vector.broadcast %rev3A_189 : i32 to vector<16xi32>
    %rev3A_191 = tpu.iota {dimensions = array<i32: 0>} : vector<16xi32>
    %rev3A_192 = arith.subi %rev3A_190, %rev3A_191 : vector<16xi32>
    %rev3A_193 = tpu.dynamic_gather %masked_cumsum3A_188[%rev3A_192] in [0] : vector<16xi32>, vector<16xi32> -> vector<16xi32>
    %broadcast_in_dim3A_194 = arith.constant true
    %broadcast_in_dim3A_195 = vector.broadcast %broadcast_in_dim3A_194 : i1 to vector<16xi1>
    %masked_cummax3A_196 = arith.constant -2147483648 : i32
    %masked_cummax3A_197 = vector.broadcast %masked_cummax3A_196 : i32 to vector<16xi32>
    %masked_cummax3A_198 = arith.xori %rev3A_193, %masked_cummax3A_197 : vector<16xi32>
    %masked_cummax3A_199 = tpu.scan <max>, %masked_cummax3A_198 masked %broadcast_in_dim3A_195 : vector<16xi32>, vector<16xi1> -> vector<16xi32>
    %masked_cummax3A_200 = arith.xori %masked_cummax3A_199, %masked_cummax3A_197 : vector<16xi32>
    %sub3A_201 = arith.constant 1024 : i32
    %sub3A_202 = vector.broadcast %sub3A_201 : i32 to vector<16xi32>
    %sub3A_203 = arith.subi %sub3A_202, %add3A_183 : vector<16xi32>
    %add3A_204 = arith.constant 1 : i32
    %add3A_205 = vector.broadcast %add3A_204 : i32 to vector<16xi32>
    %add3A_206 = arith.addi %sub3A_167, %add3A_205 : vector<16xi32>
    %shift_left3A = arith.constant 19 : i32
    %shift_left3A_207 = vector.broadcast %shift_left3A : i32 to vector<16xi32>
    %shift_left3A_208 = arith.shli %add3A_206, %shift_left3A_207 : vector<16xi32>
    %shift_left3A_209 = arith.constant 19 : i32
    %shift_left3A_210 = vector.broadcast %shift_left3A_209 : i32 to vector<16xi32>
    %shift_left3A_211 = arith.shli %sub3A_167, %shift_left3A_210 : vector<16xi32>
    %parallel_loop3A_212 = arith.constant 0 : i32
    %parallel_loop3A_213 = arith.constant 2048 : i32
    %parallel_loop3A_214 = arith.constant 1 : i32
    %parallel_loop3A_215:2 = scf.for %parallel_loop3A_623 = %parallel_loop3A_212 to %parallel_loop3A_213 step %parallel_loop3A_214 iter_args(%parallel_loop3A_624 = %broadcast_in_dim3A_11, %parallel_loop3A_625 = %iota3A) -> (vector<16xi32>, vector<16xi32>)  : i32 {
      %parallel_loop3A_626 = arith.constant 16 : i32
      %parallel_loop3A_627 = arith.muli %parallel_loop3A_623, %parallel_loop3A_626 : i32
      %parallel_loop3A_628 = arith.index_cast %parallel_loop3A_627 : i32 to index
      %parallel_loop3A_629 = tpu.vector_load %arg5[%parallel_loop3A_628] {strides = array<i32>} : memref<32768xf32, #tpu.memory_space<vmem>>, vector<16xf32>,
      %parallel_loop3A_630 = tpu.bitcast %parallel_loop3A_629 : vector<16xf32> -> vector<16xi32>
      %parallel_loop3A_631 = arith.constant 2147483647 : i32
      %parallel_loop3A_632 = vector.broadcast %parallel_loop3A_631 : i32 to vector<16xi32>
      %parallel_loop3A_633 = arith.andi %parallel_loop3A_630, %parallel_loop3A_632 : vector<16xi32>
      %parallel_loop3A_634 = arith.cmpi sge, %parallel_loop3A_633, %shift_left3A_208 : vector<16xi32>
      %parallel_loop3A_635 = arith.constant 0.000000e+00 : f32
      %parallel_loop3A_636 = vector.broadcast %parallel_loop3A_635 : f32 to vector<16xf32>
      %parallel_loop3A_637 = arith.select %parallel_loop3A_634, %parallel_loop3A_636, %parallel_loop3A_629 : vector<16xi1>, vector<16xf32>
      %parallel_loop3A_638 = arith.index_cast %parallel_loop3A_627 : i32 to index
      %parallel_loop3A_639 = tpu.vector_load %arg5[%parallel_loop3A_638] {strides = array<i32>} : memref<32768xf32, #tpu.memory_space<vmem>>, vector<16xf32>,
      tpu.vector_store %arg5[%parallel_loop3A_638], %parallel_loop3A_637 {strides = array<i32>} : memref<32768xf32, #tpu.memory_space<vmem>>, vector<16xf32>,
      %parallel_loop3A_640 = arith.cmpi sge, %parallel_loop3A_633, %shift_left3A_211 : vector<16xi32>
      %parallel_loop3A_641 = arith.constant dense<true> : vector<16xi1>
      %parallel_loop3A_642 = arith.xori %parallel_loop3A_634, %parallel_loop3A_641 : vector<16xi1>
      %parallel_loop3A_643 = arith.andi %parallel_loop3A_640, %parallel_loop3A_642 : vector<16xi1>
      %parallel_loop3A_644 = arith.extui %parallel_loop3A_643 : vector<16xi1> to vector<16xi32>
      %parallel_loop3A_645 = arith.constant true
      %parallel_loop3A_646 = vector.broadcast %parallel_loop3A_645 : i1 to vector<16xi1>
      %parallel_loop3A_647 = tpu.scan <sum>, %parallel_loop3A_644 masked %parallel_loop3A_646 : vector<16xi32>, vector<16xi1> -> vector<16xi32>
      %parallel_loop3A_648 = arith.addi %parallel_loop3A_624, %parallel_loop3A_647 : vector<16xi32>
      %parallel_loop3A_649 = arith.constant 1 : i32
      %parallel_loop3A_650 = vector.broadcast %parallel_loop3A_649 : i32 to vector<16xi32>
      %parallel_loop3A_651 = arith.subi %parallel_loop3A_648, %parallel_loop3A_650 : vector<16xi32>
      tpu.vector_store_idx %arg10[%parallel_loop3A_651], %parallel_loop3A_633 masked %parallel_loop3A_643 : memref<32784xi32, #tpu.memory_space<vmem>>[vector<16xi32>], vector<16xi32>, vector<16xi1>
      tpu.vector_store_idx %arg11[%parallel_loop3A_651], %parallel_loop3A_625 masked %parallel_loop3A_643 : memref<32784xi32, #tpu.memory_space<vmem>>[vector<16xi32>], vector<16xi32>, vector<16xi1>
      %parallel_loop3A_652 = tpu.all_reduce %parallel_loop3A_643 {dim = 0 : i64, kind = #tpu.reduction_kind<sum>} : vector<16xi1> -> vector<16xi32>
      %parallel_loop3A_653 = arith.addi %parallel_loop3A_624, %parallel_loop3A_652 : vector<16xi32>
      %parallel_loop3A_654 = arith.constant 16 : i32
      %parallel_loop3A_655 = vector.broadcast %parallel_loop3A_654 : i32 to vector<16xi32>
      %parallel_loop3A_656 = arith.addi %parallel_loop3A_625, %parallel_loop3A_655 : vector<16xi32>
      scf.yield %parallel_loop3A_653, %parallel_loop3A_656 : vector<16xi32>, vector<16xi32>
    } {sc.loop_unroll_factor = 8 : i64, sc.parallel_access}
    %slice3A_216 = vector.extract_strided_slice %parallel_loop3A_215#0 {offsets = [0], sizes = [1], strides = [1]} : vector<16xi32> to vector<1xi32>
    %squeeze3A_217 = vector.extract %slice3A_216[0] : i32 from vector<1xi32>
    %add3A_218 = arith.constant 15 : i32
    %add3A_219 = arith.addi %squeeze3A_217, %add3A_218 : i32
    %div3A = arith.constant 16 : i32
    %div3A_220 = arith.divsi %add3A_219, %div3A : i32
    %shift_left3A_221 = arith.constant 19 : i32
    %shift_left3A_222 = vector.broadcast %shift_left3A_221 : i32 to vector<16xi32>
    %shift_left3A_223 = arith.shli %sub3A_167, %shift_left3A_222 : vector<16xi32>
    %add3A_224 = arith.constant 1 : i32
    %add3A_225 = vector.broadcast %add3A_224 : i32 to vector<16xi32>
    %add3A_226 = arith.addi %sub3A_167, %add3A_225 : vector<16xi32>
    %shift_left3A_227 = arith.constant 19 : i32
    %shift_left3A_228 = vector.broadcast %shift_left3A_227 : i32 to vector<16xi32>
    %shift_left3A_229 = arith.shli %add3A_226, %shift_left3A_228 : vector<16xi32>
    %scan3A_230 = arith.constant 0 : i32
    %scan3A_231 = arith.constant 19 : i32
    %scan3A_232 = arith.addi %scan3A_230, %scan3A_231 : i32
    %scan3A_233 = arith.constant 1 : i32
    %scan3A_234:2 = scf.for %scan3A_623 = %scan3A_230 to %scan3A_232 step %scan3A_233 iter_args(%scan3A_624 = %shift_left3A_223, %scan3A_625 = %shift_left3A_229) -> (vector<16xi32>, vector<16xi32>)  : i32 {
      %add3A_626 = arith.addi %scan3A_624, %scan3A_625 : vector<16xi32>
      %shift_right_logical3A = arith.constant 1 : i32
      %shift_right_logical3A_627 = vector.broadcast %shift_right_logical3A : i32 to vector<16xi32>
      %shift_right_logical3A_628 = arith.shrui %add3A_626, %shift_right_logical3A_627 : vector<16xi32>
      %while3A_629 = arith.constant 0 : i32
      %while3A_630 = arith.subi %div3A_220, %while3A_629 : i32
      %while3A_631 = arith.addi %while3A_629, %while3A_630 : i32
      %while3A_632 = arith.constant 1 : i32
      %while3A_633 = arith.divsi %while3A_630, %while3A_632 : i32
      %while3A_634 = arith.muli %while3A_633, %while3A_632 : i32
      %while3A_635 = arith.addi %while3A_629, %while3A_634 : i32
      %while3A_636 = arith.constant 1 : i32
      %while3A_637:2 = scf.for %while3A_643 = %while3A_629 to %while3A_635 step %while3A_636 iter_args(%while3A_644 = %broadcast_in_dim3A_11, %while3A_645 = %iota3A) -> (vector<16xi32>, vector<16xi32>)  : i32 {
        %mul3A_646 = arith.constant 16 : i32
        %mul3A_647 = arith.muli %while3A_643, %mul3A_646 : i32
        %get3A_648 = arith.index_cast %mul3A_647 : i32 to index
        %get3A_649 = tpu.vector_load %arg10[%get3A_648] {strides = array<i32>} : memref<32784xi32, #tpu.memory_space<vmem>>, vector<16xi32>,
        %ge3A_650 = arith.cmpi sge, %get3A_649, %shift_right_logical3A_628 : vector<16xi32>
        %lt3A = arith.cmpi slt, %while3A_645, %parallel_loop3A_215#0 : vector<16xi32>
        %and3A = arith.andi %ge3A_650, %lt3A : vector<16xi1>
        %all_reduce_population_count3A_651 = tpu.all_reduce %and3A {dim = 0 : i64, kind = #tpu.reduction_kind<sum>} : vector<16xi1> -> vector<16xi32>
        %add3A_652 = arith.addi %while3A_644, %all_reduce_population_count3A_651 : vector<16xi32>
        %add3A_653 = arith.constant 16 : i32
        %add3A_654 = vector.broadcast %add3A_653 : i32 to vector<16xi32>
        %add3A_655 = arith.addi %while3A_645, %add3A_654 : vector<16xi32>
        scf.yield %add3A_652, %add3A_655 : vector<16xi32>, vector<16xi32>
      }
      %while3A_638 = arith.constant 1 : i32
      %while3A_639:2 = scf.for %while3A_643 = %while3A_635 to %while3A_631 step %while3A_638 iter_args(%while3A_644 = %while3A_637#0, %while3A_645 = %while3A_637#1) -> (vector<16xi32>, vector<16xi32>)  : i32 {
        %mul3A_646 = arith.constant 16 : i32
        %mul3A_647 = arith.muli %while3A_643, %mul3A_646 : i32
        %get3A_648 = arith.index_cast %mul3A_647 : i32 to index
        %get3A_649 = tpu.vector_load %arg10[%get3A_648] {strides = array<i32>} : memref<32784xi32, #tpu.memory_space<vmem>>, vector<16xi32>,
        %ge3A_650 = arith.cmpi sge, %get3A_649, %shift_right_logical3A_628 : vector<16xi32>
        %lt3A = arith.cmpi slt, %while3A_645, %parallel_loop3A_215#0 : vector<16xi32>
        %and3A = arith.andi %ge3A_650, %lt3A : vector<16xi1>
        %all_reduce_population_count3A_651 = tpu.all_reduce %and3A {dim = 0 : i64, kind = #tpu.reduction_kind<sum>} : vector<16xi1> -> vector<16xi32>
        %add3A_652 = arith.addi %while3A_644, %all_reduce_population_count3A_651 : vector<16xi32>
        %add3A_653 = arith.constant 16 : i32
        %add3A_654 = vector.broadcast %add3A_653 : i32 to vector<16xi32>
        %add3A_655 = arith.addi %while3A_645, %add3A_654 : vector<16xi32>
        scf.yield %add3A_652, %add3A_655 : vector<16xi32>, vector<16xi32>
      }
      %ge3A_640 = arith.cmpi sge, %while3A_639#0, %sub3A_203 : vector<16xi32>
      %select_n3A_641 = arith.select %ge3A_640, %shift_right_logical3A_628, %scan3A_624 : vector<16xi1>, vector<16xi32>
      %select_n3A_642 = arith.select %ge3A_640, %scan3A_625, %shift_right_logical3A_628 : vector<16xi1>, vector<16xi32>
      scf.yield %select_n3A_641, %select_n3A_642 : vector<16xi32>, vector<16xi32>
    }
    %scan3A_235 = arith.constant 19 : i32
    %add3A_236 = arith.constant 1 : i32
    %add3A_237 = vector.broadcast %add3A_236 : i32 to vector<16xi32>
    %add3A_238 = arith.addi %scan3A_234#0, %add3A_237 : vector<16xi32>
    %while3A = arith.constant 0 : i32
    %while3A_239 = arith.subi %div3A_220, %while3A : i32
    %while3A_240 = arith.addi %while3A, %while3A_239 : i32
    %while3A_241 = arith.constant 1 : i32
    %while3A_242 = arith.divsi %while3A_239, %while3A_241 : i32
    %while3A_243 = arith.muli %while3A_242, %while3A_241 : i32
    %while3A_244 = arith.addi %while3A, %while3A_243 : i32
    %while3A_245 = arith.constant 1 : i32
    %while3A_246:2 = scf.for %while3A_623 = %while3A to %while3A_244 step %while3A_245 iter_args(%while3A_624 = %broadcast_in_dim3A_11, %while3A_625 = %iota3A) -> (vector<16xi32>, vector<16xi32>)  : i32 {
      %mul3A_626 = arith.constant 16 : i32
      %mul3A_627 = arith.muli %while3A_623, %mul3A_626 : i32
      %get3A_628 = arith.index_cast %mul3A_627 : i32 to index
      %get3A_629 = tpu.vector_load %arg10[%get3A_628] {strides = array<i32>} : memref<32784xi32, #tpu.memory_space<vmem>>, vector<16xi32>,
      %ge3A_630 = arith.cmpi sge, %get3A_629, %add3A_238 : vector<16xi32>
      %lt3A = arith.cmpi slt, %while3A_625, %parallel_loop3A_215#0 : vector<16xi32>
      %and3A = arith.andi %ge3A_630, %lt3A : vector<16xi1>
      %all_reduce_population_count3A_631 = tpu.all_reduce %and3A {dim = 0 : i64, kind = #tpu.reduction_kind<sum>} : vector<16xi1> -> vector<16xi32>
      %add3A_632 = arith.addi %while3A_624, %all_reduce_population_count3A_631 : vector<16xi32>
      %add3A_633 = arith.constant 16 : i32
      %add3A_634 = vector.broadcast %add3A_633 : i32 to vector<16xi32>
      %add3A_635 = arith.addi %while3A_625, %add3A_634 : vector<16xi32>
      scf.yield %add3A_632, %add3A_635 : vector<16xi32>, vector<16xi32>
    }
    %while3A_247 = arith.constant 1 : i32
    %while3A_248:2 = scf.for %while3A_623 = %while3A_244 to %while3A_240 step %while3A_247 iter_args(%while3A_624 = %while3A_246#0, %while3A_625 = %while3A_246#1) -> (vector<16xi32>, vector<16xi32>)  : i32 {
      %mul3A_626 = arith.constant 16 : i32
      %mul3A_627 = arith.muli %while3A_623, %mul3A_626 : i32
      %get3A_628 = arith.index_cast %mul3A_627 : i32 to index
      %get3A_629 = tpu.vector_load %arg10[%get3A_628] {strides = array<i32>} : memref<32784xi32, #tpu.memory_space<vmem>>, vector<16xi32>,
      %ge3A_630 = arith.cmpi sge, %get3A_629, %add3A_238 : vector<16xi32>
      %lt3A = arith.cmpi slt, %while3A_625, %parallel_loop3A_215#0 : vector<16xi32>
      %and3A = arith.andi %ge3A_630, %lt3A : vector<16xi1>
      %all_reduce_population_count3A_631 = tpu.all_reduce %and3A {dim = 0 : i64, kind = #tpu.reduction_kind<sum>} : vector<16xi1> -> vector<16xi32>
      %add3A_632 = arith.addi %while3A_624, %all_reduce_population_count3A_631 : vector<16xi32>
      %add3A_633 = arith.constant 16 : i32
      %add3A_634 = vector.broadcast %add3A_633 : i32 to vector<16xi32>
      %add3A_635 = arith.addi %while3A_625, %add3A_634 : vector<16xi32>
      scf.yield %add3A_632, %add3A_635 : vector<16xi32>, vector<16xi32>
    }
    %sub3A_249 = arith.subi %sub3A_203, %while3A_248#0 : vector<16xi32>
    %broadcast_in_dim3A_250 = arith.constant 0.000000e+00 : f32
    %broadcast_in_dim3A_251 = vector.broadcast %broadcast_in_dim3A_250 : f32 to vector<16xf32>
    %while3A_252 = arith.constant 0 : i32
    %while3A_253 = arith.subi %div3A_220, %while3A_252 : i32
    %while3A_254 = arith.addi %while3A_252, %while3A_253 : i32
    %while3A_255 = arith.constant 1 : i32
    %while3A_256 = arith.divsi %while3A_253, %while3A_255 : i32
    %while3A_257 = arith.muli %while3A_256, %while3A_255 : i32
    %while3A_258 = arith.addi %while3A_252, %while3A_257 : i32
    %while3A_259 = arith.constant 1 : i32
    %while3A_260:2 = scf.for %while3A_623 = %while3A_252 to %while3A_258 step %while3A_259 iter_args(%while3A_624 = %broadcast_in_dim3A_11, %while3A_625 = %iota3A) -> (vector<16xi32>, vector<16xi32>)  : i32 {
      %mul3A_626 = arith.constant 16 : i32
      %mul3A_627 = arith.muli %while3A_623, %mul3A_626 : i32
      %get3A_628 = arith.index_cast %mul3A_627 : i32 to index
      %get3A_629 = tpu.vector_load %arg10[%get3A_628] {strides = array<i32>} : memref<32784xi32, #tpu.memory_space<vmem>>, vector<16xi32>,
      %lt3A = arith.cmpi slt, %while3A_625, %parallel_loop3A_215#0 : vector<16xi32>
      %eq3A = arith.cmpi eq, %get3A_629, %scan3A_234#0 : vector<16xi32>
      %and3A = arith.andi %eq3A, %lt3A : vector<16xi1>
      %convert_element_type3A = arith.extui %and3A : vector<16xi1> to vector<16xi32>
      %broadcast_in_dim3A_630 = arith.constant true
      %broadcast_in_dim3A_631 = vector.broadcast %broadcast_in_dim3A_630 : i1 to vector<16xi1>
      %masked_cumsum3A_632 = tpu.scan <sum>, %convert_element_type3A masked %broadcast_in_dim3A_631 : vector<16xi32>, vector<16xi1> -> vector<16xi32>
      %add3A_633 = arith.addi %masked_cumsum3A_632, %while3A_624 : vector<16xi32>
      %gt3A_634 = arith.cmpi sgt, %get3A_629, %scan3A_234#0 : vector<16xi32>
      %and3A_635 = arith.andi %gt3A_634, %lt3A : vector<16xi1>
      %le3A = arith.cmpi sle, %add3A_633, %sub3A_249 : vector<16xi32>
      %and3A_636 = arith.andi %and3A, %le3A : vector<16xi1>
      %or3A = arith.ori %and3A_635, %and3A_636 : vector<16xi1>
      %mul3A_637 = arith.constant 16 : i32
      %mul3A_638 = arith.muli %while3A_623, %mul3A_637 : i32
      %get3A_639 = arith.index_cast %mul3A_638 : i32 to index
      %get3A_640 = tpu.vector_load %arg11[%get3A_639] {strides = array<i32>} : memref<32784xi32, #tpu.memory_space<vmem>>, vector<16xi32>,
      tpu.vector_store_idx %arg5[%get3A_640], %broadcast_in_dim3A_251 masked %or3A : memref<32768xf32, #tpu.memory_space<vmem>>[vector<16xi32>], vector<16xf32>, vector<16xi1>
      %all_reduce_population_count3A_641 = tpu.all_reduce %and3A {dim = 0 : i64, kind = #tpu.reduction_kind<sum>} : vector<16xi1> -> vector<16xi32>
      %add3A_642 = arith.addi %while3A_624, %all_reduce_population_count3A_641 : vector<16xi32>
      %add3A_643 = arith.constant 16 : i32
      %add3A_644 = vector.broadcast %add3A_643 : i32 to vector<16xi32>
      %add3A_645 = arith.addi %while3A_625, %add3A_644 : vector<16xi32>
      scf.yield %add3A_642, %add3A_645 : vector<16xi32>, vector<16xi32>
    }
    %while3A_261 = arith.constant 1 : i32
    %while3A_262:2 = scf.for %while3A_623 = %while3A_258 to %while3A_254 step %while3A_261 iter_args(%while3A_624 = %while3A_260#0, %while3A_625 = %while3A_260#1) -> (vector<16xi32>, vector<16xi32>)  : i32 {
      %mul3A_626 = arith.constant 16 : i32
      %mul3A_627 = arith.muli %while3A_623, %mul3A_626 : i32
      %get3A_628 = arith.index_cast %mul3A_627 : i32 to index
      %get3A_629 = tpu.vector_load %arg10[%get3A_628] {strides = array<i32>} : memref<32784xi32, #tpu.memory_space<vmem>>, vector<16xi32>,
      %lt3A = arith.cmpi slt, %while3A_625, %parallel_loop3A_215#0 : vector<16xi32>
      %eq3A = arith.cmpi eq, %get3A_629, %scan3A_234#0 : vector<16xi32>
      %and3A = arith.andi %eq3A, %lt3A : vector<16xi1>
      %convert_element_type3A = arith.extui %and3A : vector<16xi1> to vector<16xi32>
      %broadcast_in_dim3A_630 = arith.constant true
      %broadcast_in_dim3A_631 = vector.broadcast %broadcast_in_dim3A_630 : i1 to vector<16xi1>
      %masked_cumsum3A_632 = tpu.scan <sum>, %convert_element_type3A masked %broadcast_in_dim3A_631 : vector<16xi32>, vector<16xi1> -> vector<16xi32>
      %add3A_633 = arith.addi %masked_cumsum3A_632, %while3A_624 : vector<16xi32>
      %gt3A_634 = arith.cmpi sgt, %get3A_629, %scan3A_234#0 : vector<16xi32>
      %and3A_635 = arith.andi %gt3A_634, %lt3A : vector<16xi1>
      %le3A = arith.cmpi sle, %add3A_633, %sub3A_249 : vector<16xi32>
      %and3A_636 = arith.andi %and3A, %le3A : vector<16xi1>
      %or3A = arith.ori %and3A_635, %and3A_636 : vector<16xi1>
      %mul3A_637 = arith.constant 16 : i32
      %mul3A_638 = arith.muli %while3A_623, %mul3A_637 : i32
      %get3A_639 = arith.index_cast %mul3A_638 : i32 to index
      %get3A_640 = tpu.vector_load %arg11[%get3A_639] {strides = array<i32>} : memref<32784xi32, #tpu.memory_space<vmem>>, vector<16xi32>,
      tpu.vector_store_idx %arg5[%get3A_640], %broadcast_in_dim3A_251 masked %or3A : memref<32768xf32, #tpu.memory_space<vmem>>[vector<16xi32>], vector<16xf32>, vector<16xi1>
      %all_reduce_population_count3A_641 = tpu.all_reduce %and3A {dim = 0 : i64, kind = #tpu.reduction_kind<sum>} : vector<16xi1> -> vector<16xi32>
      %add3A_642 = arith.addi %while3A_624, %all_reduce_population_count3A_641 : vector<16xi32>
      %add3A_643 = arith.constant 16 : i32
      %add3A_644 = vector.broadcast %add3A_643 : i32 to vector<16xi32>
      %add3A_645 = arith.addi %while3A_625, %add3A_644 : vector<16xi32>
      scf.yield %add3A_642, %add3A_645 : vector<16xi32>, vector<16xi32>
    }
    %dma_start3A_263 = arith.constant 0 : i32
    %dma_start3A_264 = tpu.memref_slice %arg5[%dma_start3A_263] : memref<32768xf32, #tpu.memory_space<vmem>> -> memref<16384xf32, #tpu.memory_space<vmem>>
    %dma_start3A_265 = arith.constant 0 : i32
    %dma_start3A_266 = tpu.memref_slice %arg4[%add3A_8, %dma_start3A_265] : memref<64x32768xf32, #tpu.memory_space<hbm>> -> memref<1x16384xf32, #tpu.memory_space<hbm>>
    %dma_start3A_267 = tpu.memref_squeeze %dma_start3A_266 : memref<1x16384xf32, #tpu.memory_space<hbm>> -> memref<16384xf32, #tpu.memory_space<hbm>>
    %dma_start3A_268 = arith.constant 0 : i32
    %dma_start3A_269 = tpu.memref_slice %arg4[%add3A_8, %dma_start3A_268] : memref<64x32768xf32, #tpu.memory_space<hbm>> -> memref<1x16384xf32, #tpu.memory_space<hbm>>
    %dma_start3A_270 = tpu.memref_squeeze %dma_start3A_269 : memref<1x16384xf32, #tpu.memory_space<hbm>> -> memref<16384xf32, #tpu.memory_space<hbm>>
    %dma_start3A_271 = arith.constant 0 : i32
    %dma_start3A_272 = tpu.memref_slice %arg5[%dma_start3A_271] : memref<32768xf32, #tpu.memory_space<vmem>> -> memref<16384xf32, #tpu.memory_space<vmem>>
    tpu.enqueue_dma source(%dma_start3A_272 : memref<16384xf32, #tpu.memory_space<vmem>>) target(%dma_start3A_270 : memref<16384xf32, #tpu.memory_space<hbm>>) target_semaphore(%arg15 : memref<!tpu.dma_semaphore, #tpu.memory_space<semaphore_mem>>)
    %dma_start3A_273 = arith.constant 16384 : i32
    %dma_start3A_274 = tpu.memref_slice %arg5[%dma_start3A_273] : memref<32768xf32, #tpu.memory_space<vmem>> -> memref<16384xf32, #tpu.memory_space<vmem>>
    %dma_start3A_275 = arith.constant 16384 : i32
    %dma_start3A_276 = tpu.memref_slice %arg4[%add3A_8, %dma_start3A_275] : memref<64x32768xf32, #tpu.memory_space<hbm>> -> memref<1x16384xf32, #tpu.memory_space<hbm>>
    %dma_start3A_277 = tpu.memref_squeeze %dma_start3A_276 : memref<1x16384xf32, #tpu.memory_space<hbm>> -> memref<16384xf32, #tpu.memory_space<hbm>>
    %dma_start3A_278 = arith.constant 16384 : i32
    %dma_start3A_279 = tpu.memref_slice %arg4[%add3A_8, %dma_start3A_278] : memref<64x32768xf32, #tpu.memory_space<hbm>> -> memref<1x16384xf32, #tpu.memory_space<hbm>>
    %dma_start3A_280 = tpu.memref_squeeze %dma_start3A_279 : memref<1x16384xf32, #tpu.memory_space<hbm>> -> memref<16384xf32, #tpu.memory_space<hbm>>
    %dma_start3A_281 = arith.constant 16384 : i32
    %dma_start3A_282 = tpu.memref_slice %arg5[%dma_start3A_281] : memref<32768xf32, #tpu.memory_space<vmem>> -> memref<16384xf32, #tpu.memory_space<vmem>>
    tpu.enqueue_dma source(%dma_start3A_282 : memref<16384xf32, #tpu.memory_space<vmem>>) target(%dma_start3A_280 : memref<16384xf32, #tpu.memory_space<hbm>>) target_semaphore(%arg16 : memref<!tpu.dma_semaphore, #tpu.memory_space<semaphore_mem>>)
    %mul3A_283 = arith.constant 2 : i32
    %mul3A_284 = arith.muli %add3A, %mul3A_283 : i32
    %add3A_285 = arith.constant 1 : i32
    %add3A_286 = arith.addi %mul3A_284, %add3A_285 : i32
    %dma_wait3A_287 = arith.constant 0 : i32
    %dma_wait3A_288 = tpu.memref_slice %arg5[%dma_wait3A_287] : memref<32768xf32, #tpu.memory_space<vmem>> -> memref<16384xf32, #tpu.memory_space<vmem>>
    %dma_wait3A_289 = arith.constant 0 : i32
    %dma_wait3A_290 = tpu.memref_slice %arg4[%add3A_8, %dma_wait3A_289] : memref<64x32768xf32, #tpu.memory_space<hbm>> -> memref<1x16384xf32, #tpu.memory_space<hbm>>
    %dma_wait3A_291 = tpu.memref_squeeze %dma_wait3A_290 : memref<1x16384xf32, #tpu.memory_space<hbm>> -> memref<16384xf32, #tpu.memory_space<hbm>>
    %dma_wait3A_292 = arith.constant 0 : i32
    %dma_wait3A_293 = tpu.memref_slice %arg4[%add3A_8, %dma_wait3A_292] : memref<64x32768xf32, #tpu.memory_space<hbm>> -> memref<1x16384xf32, #tpu.memory_space<hbm>>
    %dma_wait3A_294 = tpu.memref_squeeze %dma_wait3A_293 : memref<1x16384xf32, #tpu.memory_space<hbm>> -> memref<16384xf32, #tpu.memory_space<hbm>>
    %dma_wait3A_295 = arith.constant 0 : i32
    %dma_wait3A_296 = tpu.memref_slice %arg5[%dma_wait3A_295] : memref<32768xf32, #tpu.memory_space<vmem>> -> memref<16384xf32, #tpu.memory_space<vmem>>
    tpu.wait_dma2 semaphore(%arg15 : memref<!tpu.dma_semaphore, #tpu.memory_space<semaphore_mem>>) src(%dma_wait3A_296 : memref<16384xf32, #tpu.memory_space<vmem>>) dst(%dma_wait3A_294 : memref<16384xf32, #tpu.memory_space<hbm>>)
    %dma_wait3A_297 = arith.constant 16384 : i32
    %dma_wait3A_298 = tpu.memref_slice %arg5[%dma_wait3A_297] : memref<32768xf32, #tpu.memory_space<vmem>> -> memref<16384xf32, #tpu.memory_space<vmem>>
    %dma_wait3A_299 = arith.constant 16384 : i32
    %dma_wait3A_300 = tpu.memref_slice %arg4[%add3A_8, %dma_wait3A_299] : memref<64x32768xf32, #tpu.memory_space<hbm>> -> memref<1x16384xf32, #tpu.memory_space<hbm>>
    %dma_wait3A_301 = tpu.memref_squeeze %dma_wait3A_300 : memref<1x16384xf32, #tpu.memory_space<hbm>> -> memref<16384xf32, #tpu.memory_space<hbm>>
    %dma_wait3A_302 = arith.constant 16384 : i32
    %dma_wait3A_303 = tpu.memref_slice %arg4[%add3A_8, %dma_wait3A_302] : memref<64x32768xf32, #tpu.memory_space<hbm>> -> memref<1x16384xf32, #tpu.memory_space<hbm>>
    %dma_wait3A_304 = tpu.memref_squeeze %dma_wait3A_303 : memref<1x16384xf32, #tpu.memory_space<hbm>> -> memref<16384xf32, #tpu.memory_space<hbm>>
    %dma_wait3A_305 = arith.constant 16384 : i32
    %dma_wait3A_306 = tpu.memref_slice %arg5[%dma_wait3A_305] : memref<32768xf32, #tpu.memory_space<vmem>> -> memref<16384xf32, #tpu.memory_space<vmem>>
    tpu.wait_dma2 semaphore(%arg16 : memref<!tpu.dma_semaphore, #tpu.memory_space<semaphore_mem>>) src(%dma_wait3A_306 : memref<16384xf32, #tpu.memory_space<vmem>>) dst(%dma_wait3A_304 : memref<16384xf32, #tpu.memory_space<hbm>>)
    %iota3A_307 = tpu.iota {dimensions = array<i32: 0>} : vector<16xi32>
    %broadcast_in_dim3A_308 = arith.constant 1 : i32
    %broadcast_in_dim3A_309 = vector.broadcast %broadcast_in_dim3A_308 : i32 to vector<16xi32>
    %broadcast_in_dim3A_310 = arith.constant 0 : i32
    %broadcast_in_dim3A_311 = vector.broadcast %broadcast_in_dim3A_310 : i32 to vector<16xi32>
    %dma_start3A_312 = arith.constant 0 : i32
    %dma_start3A_313 = tpu.memref_slice %arg12[%dma_start3A_312] : memref<32768xf32, #tpu.memory_space<vmem_shared>> -> memref<8192xf32, #tpu.memory_space<vmem_shared>>
    %dma_start3A_314 = arith.constant 0 : i32
    %dma_start3A_315 = tpu.memref_slice %arg12[%dma_start3A_314] : memref<32768xf32, #tpu.memory_space<vmem_shared>> -> memref<8192xf32, #tpu.memory_space<vmem_shared>>
    tpu.enqueue_dma source(%dma_start3A_315 : memref<8192xf32, #tpu.memory_space<vmem_shared>>) target(%arg6 : memref<8192xf32, #tpu.memory_space<vmem>>) target_semaphore(%arg13 : memref<!tpu.dma_semaphore, #tpu.memory_space<semaphore_mem>>)
    %dma_start3A_316 = arith.constant 0 : i32
    %dma_start3A_317 = tpu.memref_slice %arg5[%dma_start3A_316] : memref<32768xf32, #tpu.memory_space<vmem>> -> memref<8192xf32, #tpu.memory_space<vmem>>
    %dma_start3A_318 = arith.constant 0 : i32
    %dma_start3A_319 = tpu.memref_slice %arg2[%add3A_286, %dma_start3A_318] : memref<64x32768xf32, #tpu.memory_space<hbm>> -> memref<1x8192xf32, #tpu.memory_space<hbm>>
    %dma_start3A_320 = tpu.memref_squeeze %dma_start3A_319 : memref<1x8192xf32, #tpu.memory_space<hbm>> -> memref<8192xf32, #tpu.memory_space<hbm>>
    %dma_start3A_321 = arith.constant 0 : i32
    %dma_start3A_322 = tpu.memref_slice %arg5[%dma_start3A_321] : memref<32768xf32, #tpu.memory_space<vmem>> -> memref<8192xf32, #tpu.memory_space<vmem>>
    %dma_start3A_323 = arith.constant 0 : i32
    %dma_start3A_324 = tpu.memref_slice %arg2[%add3A_286, %dma_start3A_323] : memref<64x32768xf32, #tpu.memory_space<hbm>> -> memref<1x8192xf32, #tpu.memory_space<hbm>>
    %dma_start3A_325 = tpu.memref_squeeze %dma_start3A_324 : memref<1x8192xf32, #tpu.memory_space<hbm>> -> memref<8192xf32, #tpu.memory_space<hbm>>
    tpu.enqueue_dma source(%dma_start3A_325 : memref<8192xf32, #tpu.memory_space<hbm>>) target(%dma_start3A_322 : memref<8192xf32, #tpu.memory_space<vmem>>) target_semaphore(%arg17 : memref<!tpu.dma_semaphore, #tpu.memory_space<semaphore_mem>>)
    %parallel_loop3A_326 = arith.constant 0 : i32
    %parallel_loop3A_327 = arith.constant 256 : i32
    %parallel_loop3A_328 = arith.constant 1 : i32
    scf.for %parallel_loop3A_623 = %parallel_loop3A_326 to %parallel_loop3A_327 step %parallel_loop3A_328  : i32 {
      %parallel_loop3A_624 = arith.constant 0 : i32
      %parallel_loop3A_625 = vector.broadcast %parallel_loop3A_624 : i32 to vector<16xi32>
      %parallel_loop3A_626 = arith.constant 16 : i32
      %parallel_loop3A_627 = arith.muli %parallel_loop3A_623, %parallel_loop3A_626 : i32
      %parallel_loop3A_628 = arith.index_cast %parallel_loop3A_627 : i32 to index
      %parallel_loop3A_629 = tpu.vector_load %arg8[%parallel_loop3A_628] {strides = array<i32>} : memref<4096xi32, #tpu.memory_space<vmem>>, vector<16xi32>,
      tpu.vector_store %arg8[%parallel_loop3A_628], %parallel_loop3A_625 {strides = array<i32>} : memref<4096xi32, #tpu.memory_space<vmem>>, vector<16xi32>,
    } {sc.loop_unroll_factor = 8 : i64, sc.parallel_access}
    %dma_wait3A_329 = arith.constant 0 : i32
    %dma_wait3A_330 = tpu.memref_slice %arg12[%dma_wait3A_329] : memref<32768xf32, #tpu.memory_space<vmem_shared>> -> memref<8192xf32, #tpu.memory_space<vmem_shared>>
    %dma_wait3A_331 = arith.constant 0 : i32
    %dma_wait3A_332 = tpu.memref_slice %arg12[%dma_wait3A_331] : memref<32768xf32, #tpu.memory_space<vmem_shared>> -> memref<8192xf32, #tpu.memory_space<vmem_shared>>
    tpu.wait_dma2 semaphore(%arg13 : memref<!tpu.dma_semaphore, #tpu.memory_space<semaphore_mem>>) src(%dma_wait3A_332 : memref<8192xf32, #tpu.memory_space<vmem_shared>>) dst(%arg6 : memref<8192xf32, #tpu.memory_space<vmem>>)
    %dma_wait3A_333 = arith.constant 0 : i32
    %dma_wait3A_334 = tpu.memref_slice %arg5[%dma_wait3A_333] : memref<32768xf32, #tpu.memory_space<vmem>> -> memref<8192xf32, #tpu.memory_space<vmem>>
    %dma_wait3A_335 = arith.constant 0 : i32
    %dma_wait3A_336 = tpu.memref_slice %arg2[%add3A_286, %dma_wait3A_335] : memref<64x32768xf32, #tpu.memory_space<hbm>> -> memref<1x8192xf32, #tpu.memory_space<hbm>>
    %dma_wait3A_337 = tpu.memref_squeeze %dma_wait3A_336 : memref<1x8192xf32, #tpu.memory_space<hbm>> -> memref<8192xf32, #tpu.memory_space<hbm>>
    %dma_wait3A_338 = arith.constant 0 : i32
    %dma_wait3A_339 = tpu.memref_slice %arg5[%dma_wait3A_338] : memref<32768xf32, #tpu.memory_space<vmem>> -> memref<8192xf32, #tpu.memory_space<vmem>>
    %dma_wait3A_340 = arith.constant 0 : i32
    %dma_wait3A_341 = tpu.memref_slice %arg2[%add3A_286, %dma_wait3A_340] : memref<64x32768xf32, #tpu.memory_space<hbm>> -> memref<1x8192xf32, #tpu.memory_space<hbm>>
    %dma_wait3A_342 = tpu.memref_squeeze %dma_wait3A_341 : memref<1x8192xf32, #tpu.memory_space<hbm>> -> memref<8192xf32, #tpu.memory_space<hbm>>
    tpu.wait_dma2 semaphore(%arg17 : memref<!tpu.dma_semaphore, #tpu.memory_space<semaphore_mem>>) src(%dma_wait3A_342 : memref<8192xf32, #tpu.memory_space<hbm>>) dst(%dma_wait3A_339 : memref<8192xf32, #tpu.memory_space<vmem>>)
    %dma_start3A_343 = arith.constant 8192 : i32
    %dma_start3A_344 = tpu.memref_slice %arg12[%dma_start3A_343] : memref<32768xf32, #tpu.memory_space<vmem_shared>> -> memref<8192xf32, #tpu.memory_space<vmem_shared>>
    %dma_start3A_345 = arith.constant 8192 : i32
    %dma_start3A_346 = tpu.memref_slice %arg12[%dma_start3A_345] : memref<32768xf32, #tpu.memory_space<vmem_shared>> -> memref<8192xf32, #tpu.memory_space<vmem_shared>>
    tpu.enqueue_dma source(%dma_start3A_346 : memref<8192xf32, #tpu.memory_space<vmem_shared>>) target(%arg7 : memref<8192xf32, #tpu.memory_space<vmem>>) target_semaphore(%arg14 : memref<!tpu.dma_semaphore, #tpu.memory_space<semaphore_mem>>)
    %dma_start3A_347 = arith.constant 8192 : i32
    %dma_start3A_348 = tpu.memref_slice %arg5[%dma_start3A_347] : memref<32768xf32, #tpu.memory_space<vmem>> -> memref<8192xf32, #tpu.memory_space<vmem>>
    %dma_start3A_349 = arith.constant 8192 : i32
    %dma_start3A_350 = tpu.memref_slice %arg2[%add3A_286, %dma_start3A_349] : memref<64x32768xf32, #tpu.memory_space<hbm>> -> memref<1x8192xf32, #tpu.memory_space<hbm>>
    %dma_start3A_351 = tpu.memref_squeeze %dma_start3A_350 : memref<1x8192xf32, #tpu.memory_space<hbm>> -> memref<8192xf32, #tpu.memory_space<hbm>>
    %dma_start3A_352 = arith.constant 8192 : i32
    %dma_start3A_353 = tpu.memref_slice %arg5[%dma_start3A_352] : memref<32768xf32, #tpu.memory_space<vmem>> -> memref<8192xf32, #tpu.memory_space<vmem>>
    %dma_start3A_354 = arith.constant 8192 : i32
    %dma_start3A_355 = tpu.memref_slice %arg2[%add3A_286, %dma_start3A_354] : memref<64x32768xf32, #tpu.memory_space<hbm>> -> memref<1x8192xf32, #tpu.memory_space<hbm>>
    %dma_start3A_356 = tpu.memref_squeeze %dma_start3A_355 : memref<1x8192xf32, #tpu.memory_space<hbm>> -> memref<8192xf32, #tpu.memory_space<hbm>>
    tpu.enqueue_dma source(%dma_start3A_356 : memref<8192xf32, #tpu.memory_space<hbm>>) target(%dma_start3A_353 : memref<8192xf32, #tpu.memory_space<vmem>>) target_semaphore(%arg18 : memref<!tpu.dma_semaphore, #tpu.memory_space<semaphore_mem>>)
    %parallel_loop3A_357 = arith.constant 0 : i32
    %parallel_loop3A_358 = arith.constant 512 : i32
    %parallel_loop3A_359 = arith.constant 1 : i32
    scf.for %parallel_loop3A_623 = %parallel_loop3A_357 to %parallel_loop3A_358 step %parallel_loop3A_359  : i32 {
      %parallel_loop3A_624 = arith.constant 16 : i32
      %parallel_loop3A_625 = arith.muli %parallel_loop3A_623, %parallel_loop3A_624 : i32
      %parallel_loop3A_626 = arith.constant 0 : i32
      %parallel_loop3A_627 = arith.addi %parallel_loop3A_626, %parallel_loop3A_625 : i32
      %parallel_loop3A_628 = arith.index_cast %parallel_loop3A_627 : i32 to index
      %parallel_loop3A_629 = tpu.vector_load %arg5[%parallel_loop3A_628] {strides = array<i32>} : memref<32768xf32, #tpu.memory_space<vmem>>, vector<16xf32>,
      %parallel_loop3A_630 = arith.constant 16 : i32
      %parallel_loop3A_631 = arith.muli %parallel_loop3A_623, %parallel_loop3A_630 : i32
      %parallel_loop3A_632 = arith.index_cast %parallel_loop3A_631 : i32 to index
      %parallel_loop3A_633 = tpu.vector_load %arg6[%parallel_loop3A_632] {strides = array<i32>} : memref<8192xf32, #tpu.memory_space<vmem>>, vector<16xf32>,
      %parallel_loop3A_634 = arith.mulf %parallel_loop3A_629, %parallel_loop3A_633 : vector<16xf32>
      %parallel_loop3A_635 = arith.index_cast %parallel_loop3A_627 : i32 to index
      %parallel_loop3A_636 = tpu.vector_load %arg5[%parallel_loop3A_635] {strides = array<i32>} : memref<32768xf32, #tpu.memory_space<vmem>>, vector<16xf32>,
      tpu.vector_store %arg5[%parallel_loop3A_635], %parallel_loop3A_634 {strides = array<i32>} : memref<32768xf32, #tpu.memory_space<vmem>>, vector<16xf32>,
      %parallel_loop3A_637 = tpu.bitcast %parallel_loop3A_634 : vector<16xf32> -> vector<16xi32>
      %parallel_loop3A_638 = arith.constant 2147483647 : i32
      %parallel_loop3A_639 = vector.broadcast %parallel_loop3A_638 : i32 to vector<16xi32>
      %parallel_loop3A_640 = arith.andi %parallel_loop3A_637, %parallel_loop3A_639 : vector<16xi32>
      %parallel_loop3A_641 = arith.constant 19 : i32
      %parallel_loop3A_642 = vector.broadcast %parallel_loop3A_641 : i32 to vector<16xi32>
      %parallel_loop3A_643 = arith.shrui %parallel_loop3A_640, %parallel_loop3A_642 : vector<16xi32>
      tpu.vector_store_idx %arg8[%parallel_loop3A_643], %broadcast_in_dim3A_309 {add = true} : memref<4096xi32, #tpu.memory_space<vmem>>[vector<16xi32>], vector<16xi32>,
    } {sc.loop_unroll_factor = 8 : i64, sc.parallel_access}
    %dma_wait3A_360 = arith.constant 8192 : i32
    %dma_wait3A_361 = tpu.memref_slice %arg12[%dma_wait3A_360] : memref<32768xf32, #tpu.memory_space<vmem_shared>> -> memref<8192xf32, #tpu.memory_space<vmem_shared>>
    %dma_wait3A_362 = arith.constant 8192 : i32
    %dma_wait3A_363 = tpu.memref_slice %arg12[%dma_wait3A_362] : memref<32768xf32, #tpu.memory_space<vmem_shared>> -> memref<8192xf32, #tpu.memory_space<vmem_shared>>
    tpu.wait_dma2 semaphore(%arg14 : memref<!tpu.dma_semaphore, #tpu.memory_space<semaphore_mem>>) src(%dma_wait3A_363 : memref<8192xf32, #tpu.memory_space<vmem_shared>>) dst(%arg7 : memref<8192xf32, #tpu.memory_space<vmem>>)
    %dma_wait3A_364 = arith.constant 8192 : i32
    %dma_wait3A_365 = tpu.memref_slice %arg5[%dma_wait3A_364] : memref<32768xf32, #tpu.memory_space<vmem>> -> memref<8192xf32, #tpu.memory_space<vmem>>
    %dma_wait3A_366 = arith.constant 8192 : i32
    %dma_wait3A_367 = tpu.memref_slice %arg2[%add3A_286, %dma_wait3A_366] : memref<64x32768xf32, #tpu.memory_space<hbm>> -> memref<1x8192xf32, #tpu.memory_space<hbm>>
    %dma_wait3A_368 = tpu.memref_squeeze %dma_wait3A_367 : memref<1x8192xf32, #tpu.memory_space<hbm>> -> memref<8192xf32, #tpu.memory_space<hbm>>
    %dma_wait3A_369 = arith.constant 8192 : i32
    %dma_wait3A_370 = tpu.memref_slice %arg5[%dma_wait3A_369] : memref<32768xf32, #tpu.memory_space<vmem>> -> memref<8192xf32, #tpu.memory_space<vmem>>
    %dma_wait3A_371 = arith.constant 8192 : i32
    %dma_wait3A_372 = tpu.memref_slice %arg2[%add3A_286, %dma_wait3A_371] : memref<64x32768xf32, #tpu.memory_space<hbm>> -> memref<1x8192xf32, #tpu.memory_space<hbm>>
    %dma_wait3A_373 = tpu.memref_squeeze %dma_wait3A_372 : memref<1x8192xf32, #tpu.memory_space<hbm>> -> memref<8192xf32, #tpu.memory_space<hbm>>
    tpu.wait_dma2 semaphore(%arg18 : memref<!tpu.dma_semaphore, #tpu.memory_space<semaphore_mem>>) src(%dma_wait3A_373 : memref<8192xf32, #tpu.memory_space<hbm>>) dst(%dma_wait3A_370 : memref<8192xf32, #tpu.memory_space<vmem>>)
    %dma_start3A_374 = arith.constant 16384 : i32
    %dma_start3A_375 = tpu.memref_slice %arg12[%dma_start3A_374] : memref<32768xf32, #tpu.memory_space<vmem_shared>> -> memref<8192xf32, #tpu.memory_space<vmem_shared>>
    %dma_start3A_376 = arith.constant 16384 : i32
    %dma_start3A_377 = tpu.memref_slice %arg12[%dma_start3A_376] : memref<32768xf32, #tpu.memory_space<vmem_shared>> -> memref<8192xf32, #tpu.memory_space<vmem_shared>>
    tpu.enqueue_dma source(%dma_start3A_377 : memref<8192xf32, #tpu.memory_space<vmem_shared>>) target(%arg6 : memref<8192xf32, #tpu.memory_space<vmem>>) target_semaphore(%arg13 : memref<!tpu.dma_semaphore, #tpu.memory_space<semaphore_mem>>)
    %dma_start3A_378 = arith.constant 16384 : i32
    %dma_start3A_379 = tpu.memref_slice %arg5[%dma_start3A_378] : memref<32768xf32, #tpu.memory_space<vmem>> -> memref<8192xf32, #tpu.memory_space<vmem>>
    %dma_start3A_380 = arith.constant 16384 : i32
    %dma_start3A_381 = tpu.memref_slice %arg2[%add3A_286, %dma_start3A_380] : memref<64x32768xf32, #tpu.memory_space<hbm>> -> memref<1x8192xf32, #tpu.memory_space<hbm>>
    %dma_start3A_382 = tpu.memref_squeeze %dma_start3A_381 : memref<1x8192xf32, #tpu.memory_space<hbm>> -> memref<8192xf32, #tpu.memory_space<hbm>>
    %dma_start3A_383 = arith.constant 16384 : i32
    %dma_start3A_384 = tpu.memref_slice %arg5[%dma_start3A_383] : memref<32768xf32, #tpu.memory_space<vmem>> -> memref<8192xf32, #tpu.memory_space<vmem>>
    %dma_start3A_385 = arith.constant 16384 : i32
    %dma_start3A_386 = tpu.memref_slice %arg2[%add3A_286, %dma_start3A_385] : memref<64x32768xf32, #tpu.memory_space<hbm>> -> memref<1x8192xf32, #tpu.memory_space<hbm>>
    %dma_start3A_387 = tpu.memref_squeeze %dma_start3A_386 : memref<1x8192xf32, #tpu.memory_space<hbm>> -> memref<8192xf32, #tpu.memory_space<hbm>>
    tpu.enqueue_dma source(%dma_start3A_387 : memref<8192xf32, #tpu.memory_space<hbm>>) target(%dma_start3A_384 : memref<8192xf32, #tpu.memory_space<vmem>>) target_semaphore(%arg17 : memref<!tpu.dma_semaphore, #tpu.memory_space<semaphore_mem>>)
    %parallel_loop3A_388 = arith.constant 0 : i32
    %parallel_loop3A_389 = arith.constant 512 : i32
    %parallel_loop3A_390 = arith.constant 1 : i32
    scf.for %parallel_loop3A_623 = %parallel_loop3A_388 to %parallel_loop3A_389 step %parallel_loop3A_390  : i32 {
      %parallel_loop3A_624 = arith.constant 16 : i32
      %parallel_loop3A_625 = arith.muli %parallel_loop3A_623, %parallel_loop3A_624 : i32
      %parallel_loop3A_626 = arith.constant 8192 : i32
      %parallel_loop3A_627 = arith.addi %parallel_loop3A_626, %parallel_loop3A_625 : i32
      %parallel_loop3A_628 = arith.index_cast %parallel_loop3A_627 : i32 to index
      %parallel_loop3A_629 = tpu.vector_load %arg5[%parallel_loop3A_628] {strides = array<i32>} : memref<32768xf32, #tpu.memory_space<vmem>>, vector<16xf32>,
      %parallel_loop3A_630 = arith.constant 16 : i32
      %parallel_loop3A_631 = arith.muli %parallel_loop3A_623, %parallel_loop3A_630 : i32
      %parallel_loop3A_632 = arith.index_cast %parallel_loop3A_631 : i32 to index
      %parallel_loop3A_633 = tpu.vector_load %arg7[%parallel_loop3A_632] {strides = array<i32>} : memref<8192xf32, #tpu.memory_space<vmem>>, vector<16xf32>,
      %parallel_loop3A_634 = arith.mulf %parallel_loop3A_629, %parallel_loop3A_633 : vector<16xf32>
      %parallel_loop3A_635 = arith.index_cast %parallel_loop3A_627 : i32 to index
      %parallel_loop3A_636 = tpu.vector_load %arg5[%parallel_loop3A_635] {strides = array<i32>} : memref<32768xf32, #tpu.memory_space<vmem>>, vector<16xf32>,
      tpu.vector_store %arg5[%parallel_loop3A_635], %parallel_loop3A_634 {strides = array<i32>} : memref<32768xf32, #tpu.memory_space<vmem>>, vector<16xf32>,
      %parallel_loop3A_637 = tpu.bitcast %parallel_loop3A_634 : vector<16xf32> -> vector<16xi32>
      %parallel_loop3A_638 = arith.constant 2147483647 : i32
      %parallel_loop3A_639 = vector.broadcast %parallel_loop3A_638 : i32 to vector<16xi32>
      %parallel_loop3A_640 = arith.andi %parallel_loop3A_637, %parallel_loop3A_639 : vector<16xi32>
      %parallel_loop3A_641 = arith.constant 19 : i32
      %parallel_loop3A_642 = vector.broadcast %parallel_loop3A_641 : i32 to vector<16xi32>
      %parallel_loop3A_643 = arith.shrui %parallel_loop3A_640, %parallel_loop3A_642 : vector<16xi32>
      tpu.vector_store_idx %arg8[%parallel_loop3A_643], %broadcast_in_dim3A_309 {add = true} : memref<4096xi32, #tpu.memory_space<vmem>>[vector<16xi32>], vector<16xi32>,
    } {sc.loop_unroll_factor = 8 : i64, sc.parallel_access}
    %dma_wait3A_391 = arith.constant 16384 : i32
    %dma_wait3A_392 = tpu.memref_slice %arg12[%dma_wait3A_391] : memref<32768xf32, #tpu.memory_space<vmem_shared>> -> memref<8192xf32, #tpu.memory_space<vmem_shared>>
    %dma_wait3A_393 = arith.constant 16384 : i32
    %dma_wait3A_394 = tpu.memref_slice %arg12[%dma_wait3A_393] : memref<32768xf32, #tpu.memory_space<vmem_shared>> -> memref<8192xf32, #tpu.memory_space<vmem_shared>>
    tpu.wait_dma2 semaphore(%arg13 : memref<!tpu.dma_semaphore, #tpu.memory_space<semaphore_mem>>) src(%dma_wait3A_394 : memref<8192xf32, #tpu.memory_space<vmem_shared>>) dst(%arg6 : memref<8192xf32, #tpu.memory_space<vmem>>)
    %dma_wait3A_395 = arith.constant 16384 : i32
    %dma_wait3A_396 = tpu.memref_slice %arg5[%dma_wait3A_395] : memref<32768xf32, #tpu.memory_space<vmem>> -> memref<8192xf32, #tpu.memory_space<vmem>>
    %dma_wait3A_397 = arith.constant 16384 : i32
    %dma_wait3A_398 = tpu.memref_slice %arg2[%add3A_286, %dma_wait3A_397] : memref<64x32768xf32, #tpu.memory_space<hbm>> -> memref<1x8192xf32, #tpu.memory_space<hbm>>
    %dma_wait3A_399 = tpu.memref_squeeze %dma_wait3A_398 : memref<1x8192xf32, #tpu.memory_space<hbm>> -> memref<8192xf32, #tpu.memory_space<hbm>>
    %dma_wait3A_400 = arith.constant 16384 : i32
    %dma_wait3A_401 = tpu.memref_slice %arg5[%dma_wait3A_400] : memref<32768xf32, #tpu.memory_space<vmem>> -> memref<8192xf32, #tpu.memory_space<vmem>>
    %dma_wait3A_402 = arith.constant 16384 : i32
    %dma_wait3A_403 = tpu.memref_slice %arg2[%add3A_286, %dma_wait3A_402] : memref<64x32768xf32, #tpu.memory_space<hbm>> -> memref<1x8192xf32, #tpu.memory_space<hbm>>
    %dma_wait3A_404 = tpu.memref_squeeze %dma_wait3A_403 : memref<1x8192xf32, #tpu.memory_space<hbm>> -> memref<8192xf32, #tpu.memory_space<hbm>>
    tpu.wait_dma2 semaphore(%arg17 : memref<!tpu.dma_semaphore, #tpu.memory_space<semaphore_mem>>) src(%dma_wait3A_404 : memref<8192xf32, #tpu.memory_space<hbm>>) dst(%dma_wait3A_401 : memref<8192xf32, #tpu.memory_space<vmem>>)
    %dma_start3A_405 = arith.constant 24576 : i32
    %dma_start3A_406 = tpu.memref_slice %arg12[%dma_start3A_405] : memref<32768xf32, #tpu.memory_space<vmem_shared>> -> memref<8192xf32, #tpu.memory_space<vmem_shared>>
    %dma_start3A_407 = arith.constant 24576 : i32
    %dma_start3A_408 = tpu.memref_slice %arg12[%dma_start3A_407] : memref<32768xf32, #tpu.memory_space<vmem_shared>> -> memref<8192xf32, #tpu.memory_space<vmem_shared>>
    tpu.enqueue_dma source(%dma_start3A_408 : memref<8192xf32, #tpu.memory_space<vmem_shared>>) target(%arg7 : memref<8192xf32, #tpu.memory_space<vmem>>) target_semaphore(%arg14 : memref<!tpu.dma_semaphore, #tpu.memory_space<semaphore_mem>>)
    %dma_start3A_409 = arith.constant 24576 : i32
    %dma_start3A_410 = tpu.memref_slice %arg5[%dma_start3A_409] : memref<32768xf32, #tpu.memory_space<vmem>> -> memref<8192xf32, #tpu.memory_space<vmem>>
    %dma_start3A_411 = arith.constant 24576 : i32
    %dma_start3A_412 = tpu.memref_slice %arg2[%add3A_286, %dma_start3A_411] : memref<64x32768xf32, #tpu.memory_space<hbm>> -> memref<1x8192xf32, #tpu.memory_space<hbm>>
    %dma_start3A_413 = tpu.memref_squeeze %dma_start3A_412 : memref<1x8192xf32, #tpu.memory_space<hbm>> -> memref<8192xf32, #tpu.memory_space<hbm>>
    %dma_start3A_414 = arith.constant 24576 : i32
    %dma_start3A_415 = tpu.memref_slice %arg5[%dma_start3A_414] : memref<32768xf32, #tpu.memory_space<vmem>> -> memref<8192xf32, #tpu.memory_space<vmem>>
    %dma_start3A_416 = arith.constant 24576 : i32
    %dma_start3A_417 = tpu.memref_slice %arg2[%add3A_286, %dma_start3A_416] : memref<64x32768xf32, #tpu.memory_space<hbm>> -> memref<1x8192xf32, #tpu.memory_space<hbm>>
    %dma_start3A_418 = tpu.memref_squeeze %dma_start3A_417 : memref<1x8192xf32, #tpu.memory_space<hbm>> -> memref<8192xf32, #tpu.memory_space<hbm>>
    tpu.enqueue_dma source(%dma_start3A_418 : memref<8192xf32, #tpu.memory_space<hbm>>) target(%dma_start3A_415 : memref<8192xf32, #tpu.memory_space<vmem>>) target_semaphore(%arg18 : memref<!tpu.dma_semaphore, #tpu.memory_space<semaphore_mem>>)
    %parallel_loop3A_419 = arith.constant 0 : i32
    %parallel_loop3A_420 = arith.constant 512 : i32
    %parallel_loop3A_421 = arith.constant 1 : i32
    scf.for %parallel_loop3A_623 = %parallel_loop3A_419 to %parallel_loop3A_420 step %parallel_loop3A_421  : i32 {
      %parallel_loop3A_624 = arith.constant 16 : i32
      %parallel_loop3A_625 = arith.muli %parallel_loop3A_623, %parallel_loop3A_624 : i32
      %parallel_loop3A_626 = arith.constant 16384 : i32
      %parallel_loop3A_627 = arith.addi %parallel_loop3A_626, %parallel_loop3A_625 : i32
      %parallel_loop3A_628 = arith.index_cast %parallel_loop3A_627 : i32 to index
      %parallel_loop3A_629 = tpu.vector_load %arg5[%parallel_loop3A_628] {strides = array<i32>} : memref<32768xf32, #tpu.memory_space<vmem>>, vector<16xf32>,
      %parallel_loop3A_630 = arith.constant 16 : i32
      %parallel_loop3A_631 = arith.muli %parallel_loop3A_623, %parallel_loop3A_630 : i32
      %parallel_loop3A_632 = arith.index_cast %parallel_loop3A_631 : i32 to index
      %parallel_loop3A_633 = tpu.vector_load %arg6[%parallel_loop3A_632] {strides = array<i32>} : memref<8192xf32, #tpu.memory_space<vmem>>, vector<16xf32>,
      %parallel_loop3A_634 = arith.mulf %parallel_loop3A_629, %parallel_loop3A_633 : vector<16xf32>
      %parallel_loop3A_635 = arith.index_cast %parallel_loop3A_627 : i32 to index
      %parallel_loop3A_636 = tpu.vector_load %arg5[%parallel_loop3A_635] {strides = array<i32>} : memref<32768xf32, #tpu.memory_space<vmem>>, vector<16xf32>,
      tpu.vector_store %arg5[%parallel_loop3A_635], %parallel_loop3A_634 {strides = array<i32>} : memref<32768xf32, #tpu.memory_space<vmem>>, vector<16xf32>,
      %parallel_loop3A_637 = tpu.bitcast %parallel_loop3A_634 : vector<16xf32> -> vector<16xi32>
      %parallel_loop3A_638 = arith.constant 2147483647 : i32
      %parallel_loop3A_639 = vector.broadcast %parallel_loop3A_638 : i32 to vector<16xi32>
      %parallel_loop3A_640 = arith.andi %parallel_loop3A_637, %parallel_loop3A_639 : vector<16xi32>
      %parallel_loop3A_641 = arith.constant 19 : i32
      %parallel_loop3A_642 = vector.broadcast %parallel_loop3A_641 : i32 to vector<16xi32>
      %parallel_loop3A_643 = arith.shrui %parallel_loop3A_640, %parallel_loop3A_642 : vector<16xi32>
      tpu.vector_store_idx %arg8[%parallel_loop3A_643], %broadcast_in_dim3A_309 {add = true} : memref<4096xi32, #tpu.memory_space<vmem>>[vector<16xi32>], vector<16xi32>,
    } {sc.loop_unroll_factor = 8 : i64, sc.parallel_access}
    %dma_wait3A_422 = arith.constant 24576 : i32
    %dma_wait3A_423 = tpu.memref_slice %arg12[%dma_wait3A_422] : memref<32768xf32, #tpu.memory_space<vmem_shared>> -> memref<8192xf32, #tpu.memory_space<vmem_shared>>
    %dma_wait3A_424 = arith.constant 24576 : i32
    %dma_wait3A_425 = tpu.memref_slice %arg12[%dma_wait3A_424] : memref<32768xf32, #tpu.memory_space<vmem_shared>> -> memref<8192xf32, #tpu.memory_space<vmem_shared>>
    tpu.wait_dma2 semaphore(%arg14 : memref<!tpu.dma_semaphore, #tpu.memory_space<semaphore_mem>>) src(%dma_wait3A_425 : memref<8192xf32, #tpu.memory_space<vmem_shared>>) dst(%arg7 : memref<8192xf32, #tpu.memory_space<vmem>>)
    %dma_wait3A_426 = arith.constant 24576 : i32
    %dma_wait3A_427 = tpu.memref_slice %arg5[%dma_wait3A_426] : memref<32768xf32, #tpu.memory_space<vmem>> -> memref<8192xf32, #tpu.memory_space<vmem>>
    %dma_wait3A_428 = arith.constant 24576 : i32
    %dma_wait3A_429 = tpu.memref_slice %arg2[%add3A_286, %dma_wait3A_428] : memref<64x32768xf32, #tpu.memory_space<hbm>> -> memref<1x8192xf32, #tpu.memory_space<hbm>>
    %dma_wait3A_430 = tpu.memref_squeeze %dma_wait3A_429 : memref<1x8192xf32, #tpu.memory_space<hbm>> -> memref<8192xf32, #tpu.memory_space<hbm>>
    %dma_wait3A_431 = arith.constant 24576 : i32
    %dma_wait3A_432 = tpu.memref_slice %arg5[%dma_wait3A_431] : memref<32768xf32, #tpu.memory_space<vmem>> -> memref<8192xf32, #tpu.memory_space<vmem>>
    %dma_wait3A_433 = arith.constant 24576 : i32
    %dma_wait3A_434 = tpu.memref_slice %arg2[%add3A_286, %dma_wait3A_433] : memref<64x32768xf32, #tpu.memory_space<hbm>> -> memref<1x8192xf32, #tpu.memory_space<hbm>>
    %dma_wait3A_435 = tpu.memref_squeeze %dma_wait3A_434 : memref<1x8192xf32, #tpu.memory_space<hbm>> -> memref<8192xf32, #tpu.memory_space<hbm>>
    tpu.wait_dma2 semaphore(%arg18 : memref<!tpu.dma_semaphore, #tpu.memory_space<semaphore_mem>>) src(%dma_wait3A_435 : memref<8192xf32, #tpu.memory_space<hbm>>) dst(%dma_wait3A_432 : memref<8192xf32, #tpu.memory_space<vmem>>)
    %parallel_loop3A_436 = arith.constant 0 : i32
    %parallel_loop3A_437 = arith.constant 512 : i32
    %parallel_loop3A_438 = arith.constant 1 : i32
    scf.for %parallel_loop3A_623 = %parallel_loop3A_436 to %parallel_loop3A_437 step %parallel_loop3A_438  : i32 {
      %parallel_loop3A_624 = arith.constant 16 : i32
      %parallel_loop3A_625 = arith.muli %parallel_loop3A_623, %parallel_loop3A_624 : i32
      %parallel_loop3A_626 = arith.constant 24576 : i32
      %parallel_loop3A_627 = arith.addi %parallel_loop3A_626, %parallel_loop3A_625 : i32
      %parallel_loop3A_628 = arith.index_cast %parallel_loop3A_627 : i32 to index
      %parallel_loop3A_629 = tpu.vector_load %arg5[%parallel_loop3A_628] {strides = array<i32>} : memref<32768xf32, #tpu.memory_space<vmem>>, vector<16xf32>,
      %parallel_loop3A_630 = arith.constant 16 : i32
      %parallel_loop3A_631 = arith.muli %parallel_loop3A_623, %parallel_loop3A_630 : i32
      %parallel_loop3A_632 = arith.index_cast %parallel_loop3A_631 : i32 to index
      %parallel_loop3A_633 = tpu.vector_load %arg7[%parallel_loop3A_632] {strides = array<i32>} : memref<8192xf32, #tpu.memory_space<vmem>>, vector<16xf32>,
      %parallel_loop3A_634 = arith.mulf %parallel_loop3A_629, %parallel_loop3A_633 : vector<16xf32>
      %parallel_loop3A_635 = arith.index_cast %parallel_loop3A_627 : i32 to index
      %parallel_loop3A_636 = tpu.vector_load %arg5[%parallel_loop3A_635] {strides = array<i32>} : memref<32768xf32, #tpu.memory_space<vmem>>, vector<16xf32>,
      tpu.vector_store %arg5[%parallel_loop3A_635], %parallel_loop3A_634 {strides = array<i32>} : memref<32768xf32, #tpu.memory_space<vmem>>, vector<16xf32>,
      %parallel_loop3A_637 = tpu.bitcast %parallel_loop3A_634 : vector<16xf32> -> vector<16xi32>
      %parallel_loop3A_638 = arith.constant 2147483647 : i32
      %parallel_loop3A_639 = vector.broadcast %parallel_loop3A_638 : i32 to vector<16xi32>
      %parallel_loop3A_640 = arith.andi %parallel_loop3A_637, %parallel_loop3A_639 : vector<16xi32>
      %parallel_loop3A_641 = arith.constant 19 : i32
      %parallel_loop3A_642 = vector.broadcast %parallel_loop3A_641 : i32 to vector<16xi32>
      %parallel_loop3A_643 = arith.shrui %parallel_loop3A_640, %parallel_loop3A_642 : vector<16xi32>
      tpu.vector_store_idx %arg8[%parallel_loop3A_643], %broadcast_in_dim3A_309 {add = true} : memref<4096xi32, #tpu.memory_space<vmem>>[vector<16xi32>], vector<16xi32>,
    } {sc.loop_unroll_factor = 8 : i64, sc.parallel_access}
    %parallel_loop3A_439 = arith.constant 0 : i32
    %parallel_loop3A_440 = arith.constant 16 : i32
    %parallel_loop3A_441 = arith.constant 1 : i32
    scf.for %parallel_loop3A_623 = %parallel_loop3A_439 to %parallel_loop3A_440 step %parallel_loop3A_441  : i32 {
      %parallel_loop3A_624 = arith.constant 256 : i32
      %parallel_loop3A_625 = arith.muli %parallel_loop3A_623, %parallel_loop3A_624 : i32
      %parallel_loop3A_626 = arith.constant 0 : i32
      %parallel_loop3A_627 = arith.addi %parallel_loop3A_625, %parallel_loop3A_626 : i32
      %parallel_loop3A_628 = arith.index_cast %parallel_loop3A_627 : i32 to index
      %parallel_loop3A_629 = tpu.vector_load %arg8[%parallel_loop3A_628] {strides = array<i32>} : memref<4096xi32, #tpu.memory_space<vmem>>, vector<16xi32>,
      %parallel_loop3A_630 = arith.constant true
      %parallel_loop3A_631 = vector.broadcast %parallel_loop3A_630 : i1 to vector<16xi1>
      %parallel_loop3A_632 = tpu.scan <sum>, %parallel_loop3A_629 masked %parallel_loop3A_631 : vector<16xi32>, vector<16xi1> -> vector<16xi32>
      %parallel_loop3A_633 = arith.constant 15 : i32
      %parallel_loop3A_634 = vector.broadcast %parallel_loop3A_633 : i32 to vector<16xi32>
      %parallel_loop3A_635 = tpu.iota {dimensions = array<i32: 0>} : vector<16xi32>
      %parallel_loop3A_636 = arith.subi %parallel_loop3A_634, %parallel_loop3A_635 : vector<16xi32>
      %parallel_loop3A_637 = tpu.dynamic_gather %parallel_loop3A_632[%parallel_loop3A_636] in [0] : vector<16xi32>, vector<16xi32> -> vector<16xi32>
      %parallel_loop3A_638 = arith.constant true
      %parallel_loop3A_639 = vector.broadcast %parallel_loop3A_638 : i1 to vector<16xi1>
      %parallel_loop3A_640 = arith.constant -2147483648 : i32
      %parallel_loop3A_641 = vector.broadcast %parallel_loop3A_640 : i32 to vector<16xi32>
      %parallel_loop3A_642 = arith.xori %parallel_loop3A_637, %parallel_loop3A_641 : vector<16xi32>
      %parallel_loop3A_643 = tpu.scan <max>, %parallel_loop3A_642 masked %parallel_loop3A_639 : vector<16xi32>, vector<16xi1> -> vector<16xi32>
      %parallel_loop3A_644 = arith.xori %parallel_loop3A_643, %parallel_loop3A_641 : vector<16xi32>
      %parallel_loop3A_645 = arith.constant 0 : i32
      %parallel_loop3A_646 = vector.broadcast %parallel_loop3A_645 : i32 to vector<16xi32>
      %parallel_loop3A_647 = arith.cmpi eq, %iota3A_307, %parallel_loop3A_646 : vector<16xi32>
      %parallel_loop3A_648 = arith.select %parallel_loop3A_647, %parallel_loop3A_644, %broadcast_in_dim3A_311 : vector<16xi1>, vector<16xi32>
      %parallel_loop3A_649 = arith.constant 256 : i32
      %parallel_loop3A_650 = arith.muli %parallel_loop3A_623, %parallel_loop3A_649 : i32
      %parallel_loop3A_651 = arith.constant 16 : i32
      %parallel_loop3A_652 = arith.addi %parallel_loop3A_650, %parallel_loop3A_651 : i32
      %parallel_loop3A_653 = arith.index_cast %parallel_loop3A_652 : i32 to index
      %parallel_loop3A_654 = tpu.vector_load %arg8[%parallel_loop3A_653] {strides = array<i32>} : memref<4096xi32, #tpu.memory_space<vmem>>, vector<16xi32>,
      %parallel_loop3A_655 = arith.constant true
      %parallel_loop3A_656 = vector.broadcast %parallel_loop3A_655 : i1 to vector<16xi1>
      %parallel_loop3A_657 = tpu.scan <sum>, %parallel_loop3A_654 masked %parallel_loop3A_656 : vector<16xi32>, vector<16xi1> -> vector<16xi32>
      %parallel_loop3A_658 = arith.constant 15 : i32
      %parallel_loop3A_659 = vector.broadcast %parallel_loop3A_658 : i32 to vector<16xi32>
      %parallel_loop3A_660 = tpu.iota {dimensions = array<i32: 0>} : vector<16xi32>
      %parallel_loop3A_661 = arith.subi %parallel_loop3A_659, %parallel_loop3A_660 : vector<16xi32>
      %parallel_loop3A_662 = tpu.dynamic_gather %parallel_loop3A_657[%parallel_loop3A_661] in [0] : vector<16xi32>, vector<16xi32> -> vector<16xi32>
      %parallel_loop3A_663 = arith.constant true
      %parallel_loop3A_664 = vector.broadcast %parallel_loop3A_663 : i1 to vector<16xi1>
      %parallel_loop3A_665 = arith.constant -2147483648 : i32
      %parallel_loop3A_666 = vector.broadcast %parallel_loop3A_665 : i32 to vector<16xi32>
      %parallel_loop3A_667 = arith.xori %parallel_loop3A_662, %parallel_loop3A_666 : vector<16xi32>
      %parallel_loop3A_668 = tpu.scan <max>, %parallel_loop3A_667 masked %parallel_loop3A_664 : vector<16xi32>, vector<16xi1> -> vector<16xi32>
      %parallel_loop3A_669 = arith.xori %parallel_loop3A_668, %parallel_loop3A_666 : vector<16xi32>
      %parallel_loop3A_670 = arith.constant 1 : i32
      %parallel_loop3A_671 = vector.broadcast %parallel_loop3A_670 : i32 to vector<16xi32>
      %parallel_loop3A_672 = arith.cmpi eq, %iota3A_307, %parallel_loop3A_671 : vector<16xi32>
      %parallel_loop3A_673 = arith.select %parallel_loop3A_672, %parallel_loop3A_669, %parallel_loop3A_648 : vector<16xi1>, vector<16xi32>
      %parallel_loop3A_674 = arith.constant 256 : i32
      %parallel_loop3A_675 = arith.muli %parallel_loop3A_623, %parallel_loop3A_674 : i32
      %parallel_loop3A_676 = arith.constant 32 : i32
      %parallel_loop3A_677 = arith.addi %parallel_loop3A_675, %parallel_loop3A_676 : i32
      %parallel_loop3A_678 = arith.index_cast %parallel_loop3A_677 : i32 to index
      %parallel_loop3A_679 = tpu.vector_load %arg8[%parallel_loop3A_678] {strides = array<i32>} : memref<4096xi32, #tpu.memory_space<vmem>>, vector<16xi32>,
      %parallel_loop3A_680 = arith.constant true
      %parallel_loop3A_681 = vector.broadcast %parallel_loop3A_680 : i1 to vector<16xi1>
      %parallel_loop3A_682 = tpu.scan <sum>, %parallel_loop3A_679 masked %parallel_loop3A_681 : vector<16xi32>, vector<16xi1> -> vector<16xi32>
      %parallel_loop3A_683 = arith.constant 15 : i32
      %parallel_loop3A_684 = vector.broadcast %parallel_loop3A_683 : i32 to vector<16xi32>
      %parallel_loop3A_685 = tpu.iota {dimensions = array<i32: 0>} : vector<16xi32>
      %parallel_loop3A_686 = arith.subi %parallel_loop3A_684, %parallel_loop3A_685 : vector<16xi32>
      %parallel_loop3A_687 = tpu.dynamic_gather %parallel_loop3A_682[%parallel_loop3A_686] in [0] : vector<16xi32>, vector<16xi32> -> vector<16xi32>
      %parallel_loop3A_688 = arith.constant true
      %parallel_loop3A_689 = vector.broadcast %parallel_loop3A_688 : i1 to vector<16xi1>
      %parallel_loop3A_690 = arith.constant -2147483648 : i32
      %parallel_loop3A_691 = vector.broadcast %parallel_loop3A_690 : i32 to vector<16xi32>
      %parallel_loop3A_692 = arith.xori %parallel_loop3A_687, %parallel_loop3A_691 : vector<16xi32>
      %parallel_loop3A_693 = tpu.scan <max>, %parallel_loop3A_692 masked %parallel_loop3A_689 : vector<16xi32>, vector<16xi1> -> vector<16xi32>
      %parallel_loop3A_694 = arith.xori %parallel_loop3A_693, %parallel_loop3A_691 : vector<16xi32>
      %parallel_loop3A_695 = arith.constant 2 : i32
      %parallel_loop3A_696 = vector.broadcast %parallel_loop3A_695 : i32 to vector<16xi32>
      %parallel_loop3A_697 = arith.cmpi eq, %iota3A_307, %parallel_loop3A_696 : vector<16xi32>
      %parallel_loop3A_698 = arith.select %parallel_loop3A_697, %parallel_loop3A_694, %parallel_loop3A_673 : vector<16xi1>, vector<16xi32>
      %parallel_loop3A_699 = arith.constant 256 : i32
      %parallel_loop3A_700 = arith.muli %parallel_loop3A_623, %parallel_loop3A_699 : i32
      %parallel_loop3A_701 = arith.constant 48 : i32
      %parallel_loop3A_702 = arith.addi %parallel_loop3A_700, %parallel_loop3A_701 : i32
      %parallel_loop3A_703 = arith.index_cast %parallel_loop3A_702 : i32 to index
      %parallel_loop3A_704 = tpu.vector_load %arg8[%parallel_loop3A_703] {strides = array<i32>} : memref<4096xi32, #tpu.memory_space<vmem>>, vector<16xi32>,
      %parallel_loop3A_705 = arith.constant true
      %parallel_loop3A_706 = vector.broadcast %parallel_loop3A_705 : i1 to vector<16xi1>
      %parallel_loop3A_707 = tpu.scan <sum>, %parallel_loop3A_704 masked %parallel_loop3A_706 : vector<16xi32>, vector<16xi1> -> vector<16xi32>
      %parallel_loop3A_708 = arith.constant 15 : i32
      %parallel_loop3A_709 = vector.broadcast %parallel_loop3A_708 : i32 to vector<16xi32>
      %parallel_loop3A_710 = tpu.iota {dimensions = array<i32: 0>} : vector<16xi32>
      %parallel_loop3A_711 = arith.subi %parallel_loop3A_709, %parallel_loop3A_710 : vector<16xi32>
      %parallel_loop3A_712 = tpu.dynamic_gather %parallel_loop3A_707[%parallel_loop3A_711] in [0] : vector<16xi32>, vector<16xi32> -> vector<16xi32>
      %parallel_loop3A_713 = arith.constant true
      %parallel_loop3A_714 = vector.broadcast %parallel_loop3A_713 : i1 to vector<16xi1>
      %parallel_loop3A_715 = arith.constant -2147483648 : i32
      %parallel_loop3A_716 = vector.broadcast %parallel_loop3A_715 : i32 to vector<16xi32>
      %parallel_loop3A_717 = arith.xori %parallel_loop3A_712, %parallel_loop3A_716 : vector<16xi32>
      %parallel_loop3A_718 = tpu.scan <max>, %parallel_loop3A_717 masked %parallel_loop3A_714 : vector<16xi32>, vector<16xi1> -> vector<16xi32>
      %parallel_loop3A_719 = arith.xori %parallel_loop3A_718, %parallel_loop3A_716 : vector<16xi32>
      %parallel_loop3A_720 = arith.constant 3 : i32
      %parallel_loop3A_721 = vector.broadcast %parallel_loop3A_720 : i32 to vector<16xi32>
      %parallel_loop3A_722 = arith.cmpi eq, %iota3A_307, %parallel_loop3A_721 : vector<16xi32>
      %parallel_loop3A_723 = arith.select %parallel_loop3A_722, %parallel_loop3A_719, %parallel_loop3A_698 : vector<16xi1>, vector<16xi32>
      %parallel_loop3A_724 = arith.constant 256 : i32
      %parallel_loop3A_725 = arith.muli %parallel_loop3A_623, %parallel_loop3A_724 : i32
      %parallel_loop3A_726 = arith.constant 64 : i32
      %parallel_loop3A_727 = arith.addi %parallel_loop3A_725, %parallel_loop3A_726 : i32
      %parallel_loop3A_728 = arith.index_cast %parallel_loop3A_727 : i32 to index
      %parallel_loop3A_729 = tpu.vector_load %arg8[%parallel_loop3A_728] {strides = array<i32>} : memref<4096xi32, #tpu.memory_space<vmem>>, vector<16xi32>,
      %parallel_loop3A_730 = arith.constant true
      %parallel_loop3A_731 = vector.broadcast %parallel_loop3A_730 : i1 to vector<16xi1>
      %parallel_loop3A_732 = tpu.scan <sum>, %parallel_loop3A_729 masked %parallel_loop3A_731 : vector<16xi32>, vector<16xi1> -> vector<16xi32>
      %parallel_loop3A_733 = arith.constant 15 : i32
      %parallel_loop3A_734 = vector.broadcast %parallel_loop3A_733 : i32 to vector<16xi32>
      %parallel_loop3A_735 = tpu.iota {dimensions = array<i32: 0>} : vector<16xi32>
      %parallel_loop3A_736 = arith.subi %parallel_loop3A_734, %parallel_loop3A_735 : vector<16xi32>
      %parallel_loop3A_737 = tpu.dynamic_gather %parallel_loop3A_732[%parallel_loop3A_736] in [0] : vector<16xi32>, vector<16xi32> -> vector<16xi32>
      %parallel_loop3A_738 = arith.constant true
      %parallel_loop3A_739 = vector.broadcast %parallel_loop3A_738 : i1 to vector<16xi1>
      %parallel_loop3A_740 = arith.constant -2147483648 : i32
      %parallel_loop3A_741 = vector.broadcast %parallel_loop3A_740 : i32 to vector<16xi32>
      %parallel_loop3A_742 = arith.xori %parallel_loop3A_737, %parallel_loop3A_741 : vector<16xi32>
      %parallel_loop3A_743 = tpu.scan <max>, %parallel_loop3A_742 masked %parallel_loop3A_739 : vector<16xi32>, vector<16xi1> -> vector<16xi32>
      %parallel_loop3A_744 = arith.xori %parallel_loop3A_743, %parallel_loop3A_741 : vector<16xi32>
      %parallel_loop3A_745 = arith.constant 4 : i32
      %parallel_loop3A_746 = vector.broadcast %parallel_loop3A_745 : i32 to vector<16xi32>
      %parallel_loop3A_747 = arith.cmpi eq, %iota3A_307, %parallel_loop3A_746 : vector<16xi32>
      %parallel_loop3A_748 = arith.select %parallel_loop3A_747, %parallel_loop3A_744, %parallel_loop3A_723 : vector<16xi1>, vector<16xi32>
      %parallel_loop3A_749 = arith.constant 256 : i32
      %parallel_loop3A_750 = arith.muli %parallel_loop3A_623, %parallel_loop3A_749 : i32
      %parallel_loop3A_751 = arith.constant 80 : i32
      %parallel_loop3A_752 = arith.addi %parallel_loop3A_750, %parallel_loop3A_751 : i32
      %parallel_loop3A_753 = arith.index_cast %parallel_loop3A_752 : i32 to index
      %parallel_loop3A_754 = tpu.vector_load %arg8[%parallel_loop3A_753] {strides = array<i32>} : memref<4096xi32, #tpu.memory_space<vmem>>, vector<16xi32>,
      %parallel_loop3A_755 = arith.constant true
      %parallel_loop3A_756 = vector.broadcast %parallel_loop3A_755 : i1 to vector<16xi1>
      %parallel_loop3A_757 = tpu.scan <sum>, %parallel_loop3A_754 masked %parallel_loop3A_756 : vector<16xi32>, vector<16xi1> -> vector<16xi32>
      %parallel_loop3A_758 = arith.constant 15 : i32
      %parallel_loop3A_759 = vector.broadcast %parallel_loop3A_758 : i32 to vector<16xi32>
      %parallel_loop3A_760 = tpu.iota {dimensions = array<i32: 0>} : vector<16xi32>
      %parallel_loop3A_761 = arith.subi %parallel_loop3A_759, %parallel_loop3A_760 : vector<16xi32>
      %parallel_loop3A_762 = tpu.dynamic_gather %parallel_loop3A_757[%parallel_loop3A_761] in [0] : vector<16xi32>, vector<16xi32> -> vector<16xi32>
      %parallel_loop3A_763 = arith.constant true
      %parallel_loop3A_764 = vector.broadcast %parallel_loop3A_763 : i1 to vector<16xi1>
      %parallel_loop3A_765 = arith.constant -2147483648 : i32
      %parallel_loop3A_766 = vector.broadcast %parallel_loop3A_765 : i32 to vector<16xi32>
      %parallel_loop3A_767 = arith.xori %parallel_loop3A_762, %parallel_loop3A_766 : vector<16xi32>
      %parallel_loop3A_768 = tpu.scan <max>, %parallel_loop3A_767 masked %parallel_loop3A_764 : vector<16xi32>, vector<16xi1> -> vector<16xi32>
      %parallel_loop3A_769 = arith.xori %parallel_loop3A_768, %parallel_loop3A_766 : vector<16xi32>
      %parallel_loop3A_770 = arith.constant 5 : i32
      %parallel_loop3A_771 = vector.broadcast %parallel_loop3A_770 : i32 to vector<16xi32>
      %parallel_loop3A_772 = arith.cmpi eq, %iota3A_307, %parallel_loop3A_771 : vector<16xi32>
      %parallel_loop3A_773 = arith.select %parallel_loop3A_772, %parallel_loop3A_769, %parallel_loop3A_748 : vector<16xi1>, vector<16xi32>
      %parallel_loop3A_774 = arith.constant 256 : i32
      %parallel_loop3A_775 = arith.muli %parallel_loop3A_623, %parallel_loop3A_774 : i32
      %parallel_loop3A_776 = arith.constant 96 : i32
      %parallel_loop3A_777 = arith.addi %parallel_loop3A_775, %parallel_loop3A_776 : i32
      %parallel_loop3A_778 = arith.index_cast %parallel_loop3A_777 : i32 to index
      %parallel_loop3A_779 = tpu.vector_load %arg8[%parallel_loop3A_778] {strides = array<i32>} : memref<4096xi32, #tpu.memory_space<vmem>>, vector<16xi32>,
      %parallel_loop3A_780 = arith.constant true
      %parallel_loop3A_781 = vector.broadcast %parallel_loop3A_780 : i1 to vector<16xi1>
      %parallel_loop3A_782 = tpu.scan <sum>, %parallel_loop3A_779 masked %parallel_loop3A_781 : vector<16xi32>, vector<16xi1> -> vector<16xi32>
      %parallel_loop3A_783 = arith.constant 15 : i32
      %parallel_loop3A_784 = vector.broadcast %parallel_loop3A_783 : i32 to vector<16xi32>
      %parallel_loop3A_785 = tpu.iota {dimensions = array<i32: 0>} : vector<16xi32>
      %parallel_loop3A_786 = arith.subi %parallel_loop3A_784, %parallel_loop3A_785 : vector<16xi32>
      %parallel_loop3A_787 = tpu.dynamic_gather %parallel_loop3A_782[%parallel_loop3A_786] in [0] : vector<16xi32>, vector<16xi32> -> vector<16xi32>
      %parallel_loop3A_788 = arith.constant true
      %parallel_loop3A_789 = vector.broadcast %parallel_loop3A_788 : i1 to vector<16xi1>
      %parallel_loop3A_790 = arith.constant -2147483648 : i32
      %parallel_loop3A_791 = vector.broadcast %parallel_loop3A_790 : i32 to vector<16xi32>
      %parallel_loop3A_792 = arith.xori %parallel_loop3A_787, %parallel_loop3A_791 : vector<16xi32>
      %parallel_loop3A_793 = tpu.scan <max>, %parallel_loop3A_792 masked %parallel_loop3A_789 : vector<16xi32>, vector<16xi1> -> vector<16xi32>
      %parallel_loop3A_794 = arith.xori %parallel_loop3A_793, %parallel_loop3A_791 : vector<16xi32>
      %parallel_loop3A_795 = arith.constant 6 : i32
      %parallel_loop3A_796 = vector.broadcast %parallel_loop3A_795 : i32 to vector<16xi32>
      %parallel_loop3A_797 = arith.cmpi eq, %iota3A_307, %parallel_loop3A_796 : vector<16xi32>
      %parallel_loop3A_798 = arith.select %parallel_loop3A_797, %parallel_loop3A_794, %parallel_loop3A_773 : vector<16xi1>, vector<16xi32>
      %parallel_loop3A_799 = arith.constant 256 : i32
      %parallel_loop3A_800 = arith.muli %parallel_loop3A_623, %parallel_loop3A_799 : i32
      %parallel_loop3A_801 = arith.constant 112 : i32
      %parallel_loop3A_802 = arith.addi %parallel_loop3A_800, %parallel_loop3A_801 : i32
      %parallel_loop3A_803 = arith.index_cast %parallel_loop3A_802 : i32 to index
      %parallel_loop3A_804 = tpu.vector_load %arg8[%parallel_loop3A_803] {strides = array<i32>} : memref<4096xi32, #tpu.memory_space<vmem>>, vector<16xi32>,
      %parallel_loop3A_805 = arith.constant true
      %parallel_loop3A_806 = vector.broadcast %parallel_loop3A_805 : i1 to vector<16xi1>
      %parallel_loop3A_807 = tpu.scan <sum>, %parallel_loop3A_804 masked %parallel_loop3A_806 : vector<16xi32>, vector<16xi1> -> vector<16xi32>
      %parallel_loop3A_808 = arith.constant 15 : i32
      %parallel_loop3A_809 = vector.broadcast %parallel_loop3A_808 : i32 to vector<16xi32>
      %parallel_loop3A_810 = tpu.iota {dimensions = array<i32: 0>} : vector<16xi32>
      %parallel_loop3A_811 = arith.subi %parallel_loop3A_809, %parallel_loop3A_810 : vector<16xi32>
      %parallel_loop3A_812 = tpu.dynamic_gather %parallel_loop3A_807[%parallel_loop3A_811] in [0] : vector<16xi32>, vector<16xi32> -> vector<16xi32>
      %parallel_loop3A_813 = arith.constant true
      %parallel_loop3A_814 = vector.broadcast %parallel_loop3A_813 : i1 to vector<16xi1>
      %parallel_loop3A_815 = arith.constant -2147483648 : i32
      %parallel_loop3A_816 = vector.broadcast %parallel_loop3A_815 : i32 to vector<16xi32>
      %parallel_loop3A_817 = arith.xori %parallel_loop3A_812, %parallel_loop3A_816 : vector<16xi32>
      %parallel_loop3A_818 = tpu.scan <max>, %parallel_loop3A_817 masked %parallel_loop3A_814 : vector<16xi32>, vector<16xi1> -> vector<16xi32>
      %parallel_loop3A_819 = arith.xori %parallel_loop3A_818, %parallel_loop3A_816 : vector<16xi32>
      %parallel_loop3A_820 = arith.constant 7 : i32
      %parallel_loop3A_821 = vector.broadcast %parallel_loop3A_820 : i32 to vector<16xi32>
      %parallel_loop3A_822 = arith.cmpi eq, %iota3A_307, %parallel_loop3A_821 : vector<16xi32>
      %parallel_loop3A_823 = arith.select %parallel_loop3A_822, %parallel_loop3A_819, %parallel_loop3A_798 : vector<16xi1>, vector<16xi32>
      %parallel_loop3A_824 = arith.constant 256 : i32
      %parallel_loop3A_825 = arith.muli %parallel_loop3A_623, %parallel_loop3A_824 : i32
      %parallel_loop3A_826 = arith.constant 128 : i32
      %parallel_loop3A_827 = arith.addi %parallel_loop3A_825, %parallel_loop3A_826 : i32
      %parallel_loop3A_828 = arith.index_cast %parallel_loop3A_827 : i32 to index
      %parallel_loop3A_829 = tpu.vector_load %arg8[%parallel_loop3A_828] {strides = array<i32>} : memref<4096xi32, #tpu.memory_space<vmem>>, vector<16xi32>,
      %parallel_loop3A_830 = arith.constant true
      %parallel_loop3A_831 = vector.broadcast %parallel_loop3A_830 : i1 to vector<16xi1>
      %parallel_loop3A_832 = tpu.scan <sum>, %parallel_loop3A_829 masked %parallel_loop3A_831 : vector<16xi32>, vector<16xi1> -> vector<16xi32>
      %parallel_loop3A_833 = arith.constant 15 : i32
      %parallel_loop3A_834 = vector.broadcast %parallel_loop3A_833 : i32 to vector<16xi32>
      %parallel_loop3A_835 = tpu.iota {dimensions = array<i32: 0>} : vector<16xi32>
      %parallel_loop3A_836 = arith.subi %parallel_loop3A_834, %parallel_loop3A_835 : vector<16xi32>
      %parallel_loop3A_837 = tpu.dynamic_gather %parallel_loop3A_832[%parallel_loop3A_836] in [0] : vector<16xi32>, vector<16xi32> -> vector<16xi32>
      %parallel_loop3A_838 = arith.constant true
      %parallel_loop3A_839 = vector.broadcast %parallel_loop3A_838 : i1 to vector<16xi1>
      %parallel_loop3A_840 = arith.constant -2147483648 : i32
      %parallel_loop3A_841 = vector.broadcast %parallel_loop3A_840 : i32 to vector<16xi32>
      %parallel_loop3A_842 = arith.xori %parallel_loop3A_837, %parallel_loop3A_841 : vector<16xi32>
      %parallel_loop3A_843 = tpu.scan <max>, %parallel_loop3A_842 masked %parallel_loop3A_839 : vector<16xi32>, vector<16xi1> -> vector<16xi32>
      %parallel_loop3A_844 = arith.xori %parallel_loop3A_843, %parallel_loop3A_841 : vector<16xi32>
      %parallel_loop3A_845 = arith.constant 8 : i32
      %parallel_loop3A_846 = vector.broadcast %parallel_loop3A_845 : i32 to vector<16xi32>
      %parallel_loop3A_847 = arith.cmpi eq, %iota3A_307, %parallel_loop3A_846 : vector<16xi32>
      %parallel_loop3A_848 = arith.select %parallel_loop3A_847, %parallel_loop3A_844, %parallel_loop3A_823 : vector<16xi1>, vector<16xi32>
      %parallel_loop3A_849 = arith.constant 256 : i32
      %parallel_loop3A_850 = arith.muli %parallel_loop3A_623, %parallel_loop3A_849 : i32
      %parallel_loop3A_851 = arith.constant 144 : i32
      %parallel_loop3A_852 = arith.addi %parallel_loop3A_850, %parallel_loop3A_851 : i32
      %parallel_loop3A_853 = arith.index_cast %parallel_loop3A_852 : i32 to index
      %parallel_loop3A_854 = tpu.vector_load %arg8[%parallel_loop3A_853] {strides = array<i32>} : memref<4096xi32, #tpu.memory_space<vmem>>, vector<16xi32>,
      %parallel_loop3A_855 = arith.constant true
      %parallel_loop3A_856 = vector.broadcast %parallel_loop3A_855 : i1 to vector<16xi1>
      %parallel_loop3A_857 = tpu.scan <sum>, %parallel_loop3A_854 masked %parallel_loop3A_856 : vector<16xi32>, vector<16xi1> -> vector<16xi32>
      %parallel_loop3A_858 = arith.constant 15 : i32
      %parallel_loop3A_859 = vector.broadcast %parallel_loop3A_858 : i32 to vector<16xi32>
      %parallel_loop3A_860 = tpu.iota {dimensions = array<i32: 0>} : vector<16xi32>
      %parallel_loop3A_861 = arith.subi %parallel_loop3A_859, %parallel_loop3A_860 : vector<16xi32>
      %parallel_loop3A_862 = tpu.dynamic_gather %parallel_loop3A_857[%parallel_loop3A_861] in [0] : vector<16xi32>, vector<16xi32> -> vector<16xi32>
      %parallel_loop3A_863 = arith.constant true
      %parallel_loop3A_864 = vector.broadcast %parallel_loop3A_863 : i1 to vector<16xi1>
      %parallel_loop3A_865 = arith.constant -2147483648 : i32
      %parallel_loop3A_866 = vector.broadcast %parallel_loop3A_865 : i32 to vector<16xi32>
      %parallel_loop3A_867 = arith.xori %parallel_loop3A_862, %parallel_loop3A_866 : vector<16xi32>
      %parallel_loop3A_868 = tpu.scan <max>, %parallel_loop3A_867 masked %parallel_loop3A_864 : vector<16xi32>, vector<16xi1> -> vector<16xi32>
      %parallel_loop3A_869 = arith.xori %parallel_loop3A_868, %parallel_loop3A_866 : vector<16xi32>
      %parallel_loop3A_870 = arith.constant 9 : i32
      %parallel_loop3A_871 = vector.broadcast %parallel_loop3A_870 : i32 to vector<16xi32>
      %parallel_loop3A_872 = arith.cmpi eq, %iota3A_307, %parallel_loop3A_871 : vector<16xi32>
      %parallel_loop3A_873 = arith.select %parallel_loop3A_872, %parallel_loop3A_869, %parallel_loop3A_848 : vector<16xi1>, vector<16xi32>
      %parallel_loop3A_874 = arith.constant 256 : i32
      %parallel_loop3A_875 = arith.muli %parallel_loop3A_623, %parallel_loop3A_874 : i32
      %parallel_loop3A_876 = arith.constant 160 : i32
      %parallel_loop3A_877 = arith.addi %parallel_loop3A_875, %parallel_loop3A_876 : i32
      %parallel_loop3A_878 = arith.index_cast %parallel_loop3A_877 : i32 to index
      %parallel_loop3A_879 = tpu.vector_load %arg8[%parallel_loop3A_878] {strides = array<i32>} : memref<4096xi32, #tpu.memory_space<vmem>>, vector<16xi32>,
      %parallel_loop3A_880 = arith.constant true
      %parallel_loop3A_881 = vector.broadcast %parallel_loop3A_880 : i1 to vector<16xi1>
      %parallel_loop3A_882 = tpu.scan <sum>, %parallel_loop3A_879 masked %parallel_loop3A_881 : vector<16xi32>, vector<16xi1> -> vector<16xi32>
      %parallel_loop3A_883 = arith.constant 15 : i32
      %parallel_loop3A_884 = vector.broadcast %parallel_loop3A_883 : i32 to vector<16xi32>
      %parallel_loop3A_885 = tpu.iota {dimensions = array<i32: 0>} : vector<16xi32>
      %parallel_loop3A_886 = arith.subi %parallel_loop3A_884, %parallel_loop3A_885 : vector<16xi32>
      %parallel_loop3A_887 = tpu.dynamic_gather %parallel_loop3A_882[%parallel_loop3A_886] in [0] : vector<16xi32>, vector<16xi32> -> vector<16xi32>
      %parallel_loop3A_888 = arith.constant true
      %parallel_loop3A_889 = vector.broadcast %parallel_loop3A_888 : i1 to vector<16xi1>
      %parallel_loop3A_890 = arith.constant -2147483648 : i32
      %parallel_loop3A_891 = vector.broadcast %parallel_loop3A_890 : i32 to vector<16xi32>
      %parallel_loop3A_892 = arith.xori %parallel_loop3A_887, %parallel_loop3A_891 : vector<16xi32>
      %parallel_loop3A_893 = tpu.scan <max>, %parallel_loop3A_892 masked %parallel_loop3A_889 : vector<16xi32>, vector<16xi1> -> vector<16xi32>
      %parallel_loop3A_894 = arith.xori %parallel_loop3A_893, %parallel_loop3A_891 : vector<16xi32>
      %parallel_loop3A_895 = arith.constant 10 : i32
      %parallel_loop3A_896 = vector.broadcast %parallel_loop3A_895 : i32 to vector<16xi32>
      %parallel_loop3A_897 = arith.cmpi eq, %iota3A_307, %parallel_loop3A_896 : vector<16xi32>
      %parallel_loop3A_898 = arith.select %parallel_loop3A_897, %parallel_loop3A_894, %parallel_loop3A_873 : vector<16xi1>, vector<16xi32>
      %parallel_loop3A_899 = arith.constant 256 : i32
      %parallel_loop3A_900 = arith.muli %parallel_loop3A_623, %parallel_loop3A_899 : i32
      %parallel_loop3A_901 = arith.constant 176 : i32
      %parallel_loop3A_902 = arith.addi %parallel_loop3A_900, %parallel_loop3A_901 : i32
      %parallel_loop3A_903 = arith.index_cast %parallel_loop3A_902 : i32 to index
      %parallel_loop3A_904 = tpu.vector_load %arg8[%parallel_loop3A_903] {strides = array<i32>} : memref<4096xi32, #tpu.memory_space<vmem>>, vector<16xi32>,
      %parallel_loop3A_905 = arith.constant true
      %parallel_loop3A_906 = vector.broadcast %parallel_loop3A_905 : i1 to vector<16xi1>
      %parallel_loop3A_907 = tpu.scan <sum>, %parallel_loop3A_904 masked %parallel_loop3A_906 : vector<16xi32>, vector<16xi1> -> vector<16xi32>
      %parallel_loop3A_908 = arith.constant 15 : i32
      %parallel_loop3A_909 = vector.broadcast %parallel_loop3A_908 : i32 to vector<16xi32>
      %parallel_loop3A_910 = tpu.iota {dimensions = array<i32: 0>} : vector<16xi32>
      %parallel_loop3A_911 = arith.subi %parallel_loop3A_909, %parallel_loop3A_910 : vector<16xi32>
      %parallel_loop3A_912 = tpu.dynamic_gather %parallel_loop3A_907[%parallel_loop3A_911] in [0] : vector<16xi32>, vector<16xi32> -> vector<16xi32>
      %parallel_loop3A_913 = arith.constant true
      %parallel_loop3A_914 = vector.broadcast %parallel_loop3A_913 : i1 to vector<16xi1>
      %parallel_loop3A_915 = arith.constant -2147483648 : i32
      %parallel_loop3A_916 = vector.broadcast %parallel_loop3A_915 : i32 to vector<16xi32>
      %parallel_loop3A_917 = arith.xori %parallel_loop3A_912, %parallel_loop3A_916 : vector<16xi32>
      %parallel_loop3A_918 = tpu.scan <max>, %parallel_loop3A_917 masked %parallel_loop3A_914 : vector<16xi32>, vector<16xi1> -> vector<16xi32>
      %parallel_loop3A_919 = arith.xori %parallel_loop3A_918, %parallel_loop3A_916 : vector<16xi32>
      %parallel_loop3A_920 = arith.constant 11 : i32
      %parallel_loop3A_921 = vector.broadcast %parallel_loop3A_920 : i32 to vector<16xi32>
      %parallel_loop3A_922 = arith.cmpi eq, %iota3A_307, %parallel_loop3A_921 : vector<16xi32>
      %parallel_loop3A_923 = arith.select %parallel_loop3A_922, %parallel_loop3A_919, %parallel_loop3A_898 : vector<16xi1>, vector<16xi32>
      %parallel_loop3A_924 = arith.constant 256 : i32
      %parallel_loop3A_925 = arith.muli %parallel_loop3A_623, %parallel_loop3A_924 : i32
      %parallel_loop3A_926 = arith.constant 192 : i32
      %parallel_loop3A_927 = arith.addi %parallel_loop3A_925, %parallel_loop3A_926 : i32
      %parallel_loop3A_928 = arith.index_cast %parallel_loop3A_927 : i32 to index
      %parallel_loop3A_929 = tpu.vector_load %arg8[%parallel_loop3A_928] {strides = array<i32>} : memref<4096xi32, #tpu.memory_space<vmem>>, vector<16xi32>,
      %parallel_loop3A_930 = arith.constant true
      %parallel_loop3A_931 = vector.broadcast %parallel_loop3A_930 : i1 to vector<16xi1>
      %parallel_loop3A_932 = tpu.scan <sum>, %parallel_loop3A_929 masked %parallel_loop3A_931 : vector<16xi32>, vector<16xi1> -> vector<16xi32>
      %parallel_loop3A_933 = arith.constant 15 : i32
      %parallel_loop3A_934 = vector.broadcast %parallel_loop3A_933 : i32 to vector<16xi32>
      %parallel_loop3A_935 = tpu.iota {dimensions = array<i32: 0>} : vector<16xi32>
      %parallel_loop3A_936 = arith.subi %parallel_loop3A_934, %parallel_loop3A_935 : vector<16xi32>
      %parallel_loop3A_937 = tpu.dynamic_gather %parallel_loop3A_932[%parallel_loop3A_936] in [0] : vector<16xi32>, vector<16xi32> -> vector<16xi32>
      %parallel_loop3A_938 = arith.constant true
      %parallel_loop3A_939 = vector.broadcast %parallel_loop3A_938 : i1 to vector<16xi1>
      %parallel_loop3A_940 = arith.constant -2147483648 : i32
      %parallel_loop3A_941 = vector.broadcast %parallel_loop3A_940 : i32 to vector<16xi32>
      %parallel_loop3A_942 = arith.xori %parallel_loop3A_937, %parallel_loop3A_941 : vector<16xi32>
      %parallel_loop3A_943 = tpu.scan <max>, %parallel_loop3A_942 masked %parallel_loop3A_939 : vector<16xi32>, vector<16xi1> -> vector<16xi32>
      %parallel_loop3A_944 = arith.xori %parallel_loop3A_943, %parallel_loop3A_941 : vector<16xi32>
      %parallel_loop3A_945 = arith.constant 12 : i32
      %parallel_loop3A_946 = vector.broadcast %parallel_loop3A_945 : i32 to vector<16xi32>
      %parallel_loop3A_947 = arith.cmpi eq, %iota3A_307, %parallel_loop3A_946 : vector<16xi32>
      %parallel_loop3A_948 = arith.select %parallel_loop3A_947, %parallel_loop3A_944, %parallel_loop3A_923 : vector<16xi1>, vector<16xi32>
      %parallel_loop3A_949 = arith.constant 256 : i32
      %parallel_loop3A_950 = arith.muli %parallel_loop3A_623, %parallel_loop3A_949 : i32
      %parallel_loop3A_951 = arith.constant 208 : i32
      %parallel_loop3A_952 = arith.addi %parallel_loop3A_950, %parallel_loop3A_951 : i32
      %parallel_loop3A_953 = arith.index_cast %parallel_loop3A_952 : i32 to index
      %parallel_loop3A_954 = tpu.vector_load %arg8[%parallel_loop3A_953] {strides = array<i32>} : memref<4096xi32, #tpu.memory_space<vmem>>, vector<16xi32>,
      %parallel_loop3A_955 = arith.constant true
      %parallel_loop3A_956 = vector.broadcast %parallel_loop3A_955 : i1 to vector<16xi1>
      %parallel_loop3A_957 = tpu.scan <sum>, %parallel_loop3A_954 masked %parallel_loop3A_956 : vector<16xi32>, vector<16xi1> -> vector<16xi32>
      %parallel_loop3A_958 = arith.constant 15 : i32
      %parallel_loop3A_959 = vector.broadcast %parallel_loop3A_958 : i32 to vector<16xi32>
      %parallel_loop3A_960 = tpu.iota {dimensions = array<i32: 0>} : vector<16xi32>
      %parallel_loop3A_961 = arith.subi %parallel_loop3A_959, %parallel_loop3A_960 : vector<16xi32>
      %parallel_loop3A_962 = tpu.dynamic_gather %parallel_loop3A_957[%parallel_loop3A_961] in [0] : vector<16xi32>, vector<16xi32> -> vector<16xi32>
      %parallel_loop3A_963 = arith.constant true
      %parallel_loop3A_964 = vector.broadcast %parallel_loop3A_963 : i1 to vector<16xi1>
      %parallel_loop3A_965 = arith.constant -2147483648 : i32
      %parallel_loop3A_966 = vector.broadcast %parallel_loop3A_965 : i32 to vector<16xi32>
      %parallel_loop3A_967 = arith.xori %parallel_loop3A_962, %parallel_loop3A_966 : vector<16xi32>
      %parallel_loop3A_968 = tpu.scan <max>, %parallel_loop3A_967 masked %parallel_loop3A_964 : vector<16xi32>, vector<16xi1> -> vector<16xi32>
      %parallel_loop3A_969 = arith.xori %parallel_loop3A_968, %parallel_loop3A_966 : vector<16xi32>
      %parallel_loop3A_970 = arith.constant 13 : i32
      %parallel_loop3A_971 = vector.broadcast %parallel_loop3A_970 : i32 to vector<16xi32>
      %parallel_loop3A_972 = arith.cmpi eq, %iota3A_307, %parallel_loop3A_971 : vector<16xi32>
      %parallel_loop3A_973 = arith.select %parallel_loop3A_972, %parallel_loop3A_969, %parallel_loop3A_948 : vector<16xi1>, vector<16xi32>
      %parallel_loop3A_974 = arith.constant 256 : i32
      %parallel_loop3A_975 = arith.muli %parallel_loop3A_623, %parallel_loop3A_974 : i32
      %parallel_loop3A_976 = arith.constant 224 : i32
      %parallel_loop3A_977 = arith.addi %parallel_loop3A_975, %parallel_loop3A_976 : i32
      %parallel_loop3A_978 = arith.index_cast %parallel_loop3A_977 : i32 to index
      %parallel_loop3A_979 = tpu.vector_load %arg8[%parallel_loop3A_978] {strides = array<i32>} : memref<4096xi32, #tpu.memory_space<vmem>>, vector<16xi32>,
      %parallel_loop3A_980 = arith.constant true
      %parallel_loop3A_981 = vector.broadcast %parallel_loop3A_980 : i1 to vector<16xi1>
      %parallel_loop3A_982 = tpu.scan <sum>, %parallel_loop3A_979 masked %parallel_loop3A_981 : vector<16xi32>, vector<16xi1> -> vector<16xi32>
      %parallel_loop3A_983 = arith.constant 15 : i32
      %parallel_loop3A_984 = vector.broadcast %parallel_loop3A_983 : i32 to vector<16xi32>
      %parallel_loop3A_985 = tpu.iota {dimensions = array<i32: 0>} : vector<16xi32>
      %parallel_loop3A_986 = arith.subi %parallel_loop3A_984, %parallel_loop3A_985 : vector<16xi32>
      %parallel_loop3A_987 = tpu.dynamic_gather %parallel_loop3A_982[%parallel_loop3A_986] in [0] : vector<16xi32>, vector<16xi32> -> vector<16xi32>
      %parallel_loop3A_988 = arith.constant true
      %parallel_loop3A_989 = vector.broadcast %parallel_loop3A_988 : i1 to vector<16xi1>
      %parallel_loop3A_990 = arith.constant -2147483648 : i32
      %parallel_loop3A_991 = vector.broadcast %parallel_loop3A_990 : i32 to vector<16xi32>
      %parallel_loop3A_992 = arith.xori %parallel_loop3A_987, %parallel_loop3A_991 : vector<16xi32>
      %parallel_loop3A_993 = tpu.scan <max>, %parallel_loop3A_992 masked %parallel_loop3A_989 : vector<16xi32>, vector<16xi1> -> vector<16xi32>
      %parallel_loop3A_994 = arith.xori %parallel_loop3A_993, %parallel_loop3A_991 : vector<16xi32>
      %parallel_loop3A_995 = arith.constant 14 : i32
      %parallel_loop3A_996 = vector.broadcast %parallel_loop3A_995 : i32 to vector<16xi32>
      %parallel_loop3A_997 = arith.cmpi eq, %iota3A_307, %parallel_loop3A_996 : vector<16xi32>
      %parallel_loop3A_998 = arith.select %parallel_loop3A_997, %parallel_loop3A_994, %parallel_loop3A_973 : vector<16xi1>, vector<16xi32>
      %parallel_loop3A_999 = arith.constant 256 : i32
      %parallel_loop3A_1000 = arith.muli %parallel_loop3A_623, %parallel_loop3A_999 : i32
      %parallel_loop3A_1001 = arith.constant 240 : i32
      %parallel_loop3A_1002 = arith.addi %parallel_loop3A_1000, %parallel_loop3A_1001 : i32
      %parallel_loop3A_1003 = arith.index_cast %parallel_loop3A_1002 : i32 to index
      %parallel_loop3A_1004 = tpu.vector_load %arg8[%parallel_loop3A_1003] {strides = array<i32>} : memref<4096xi32, #tpu.memory_space<vmem>>, vector<16xi32>,
      %parallel_loop3A_1005 = arith.constant true
      %parallel_loop3A_1006 = vector.broadcast %parallel_loop3A_1005 : i1 to vector<16xi1>
      %parallel_loop3A_1007 = tpu.scan <sum>, %parallel_loop3A_1004 masked %parallel_loop3A_1006 : vector<16xi32>, vector<16xi1> -> vector<16xi32>
      %parallel_loop3A_1008 = arith.constant 15 : i32
      %parallel_loop3A_1009 = vector.broadcast %parallel_loop3A_1008 : i32 to vector<16xi32>
      %parallel_loop3A_1010 = tpu.iota {dimensions = array<i32: 0>} : vector<16xi32>
      %parallel_loop3A_1011 = arith.subi %parallel_loop3A_1009, %parallel_loop3A_1010 : vector<16xi32>
      %parallel_loop3A_1012 = tpu.dynamic_gather %parallel_loop3A_1007[%parallel_loop3A_1011] in [0] : vector<16xi32>, vector<16xi32> -> vector<16xi32>
      %parallel_loop3A_1013 = arith.constant true
      %parallel_loop3A_1014 = vector.broadcast %parallel_loop3A_1013 : i1 to vector<16xi1>
      %parallel_loop3A_1015 = arith.constant -2147483648 : i32
      %parallel_loop3A_1016 = vector.broadcast %parallel_loop3A_1015 : i32 to vector<16xi32>
      %parallel_loop3A_1017 = arith.xori %parallel_loop3A_1012, %parallel_loop3A_1016 : vector<16xi32>
      %parallel_loop3A_1018 = tpu.scan <max>, %parallel_loop3A_1017 masked %parallel_loop3A_1014 : vector<16xi32>, vector<16xi1> -> vector<16xi32>
      %parallel_loop3A_1019 = arith.xori %parallel_loop3A_1018, %parallel_loop3A_1016 : vector<16xi32>
      %parallel_loop3A_1020 = arith.constant 15 : i32
      %parallel_loop3A_1021 = vector.broadcast %parallel_loop3A_1020 : i32 to vector<16xi32>
      %parallel_loop3A_1022 = arith.cmpi eq, %iota3A_307, %parallel_loop3A_1021 : vector<16xi32>
      %parallel_loop3A_1023 = arith.select %parallel_loop3A_1022, %parallel_loop3A_1019, %parallel_loop3A_998 : vector<16xi1>, vector<16xi32>
      %parallel_loop3A_1024 = arith.constant 16 : i32
      %parallel_loop3A_1025 = arith.muli %parallel_loop3A_623, %parallel_loop3A_1024 : i32
      %parallel_loop3A_1026 = arith.index_cast %parallel_loop3A_1025 : i32 to index
      %parallel_loop3A_1027 = tpu.vector_load %arg9[%parallel_loop3A_1026] {strides = array<i32>} : memref<256xi32, #tpu.memory_space<vmem>>, vector<16xi32>,
      tpu.vector_store %arg9[%parallel_loop3A_1026], %parallel_loop3A_1023 {strides = array<i32>} : memref<256xi32, #tpu.memory_space<vmem>>, vector<16xi32>,
    } {sc.loop_unroll_factor = 2 : i64, sc.parallel_access}
    %sub3A_442 = arith.constant 1 : i32
    %sub3A_443 = vector.broadcast %sub3A_442 : i32 to vector<16xi32>
    %sub3A_444 = arith.subi %broadcast_in_dim3A_311, %sub3A_443 : vector<16xi32>
    %add3A_445 = arith.constant 255 : i32
    %add3A_446 = vector.broadcast %add3A_445 : i32 to vector<16xi32>
    %add3A_447 = arith.addi %broadcast_in_dim3A_311, %add3A_446 : vector<16xi32>
    %scan3A_448 = arith.constant 0 : i32
    %scan3A_449 = arith.constant 16 : i32
    %scan3A_450 = arith.addi %scan3A_448, %scan3A_449 : i32
    %scan3A_451 = arith.constant 1 : i32
    %scan3A_452:4 = scf.for %scan3A_623 = %scan3A_448 to %scan3A_450 step %scan3A_451 iter_args(%scan3A_624 = %broadcast_in_dim3A_311, %scan3A_625 = %sub3A_444, %scan3A_626 = %broadcast_in_dim3A_311, %scan3A_627 = %add3A_447) -> (vector<16xi32>, vector<16xi32>, vector<16xi32>, vector<16xi32>)  : i32 {
      %sub3A_628 = arith.constant 15 : i32
      %sub3A_629 = arith.subi %sub3A_628, %scan3A_623 : i32
      %mul3A_630 = arith.constant 16 : i32
      %mul3A_631 = arith.muli %sub3A_629, %mul3A_630 : i32
      %get3A_632 = arith.index_cast %mul3A_631 : i32 to index
      %get3A_633 = tpu.vector_load %arg9[%get3A_632] {strides = array<i32>} : memref<256xi32, #tpu.memory_space<vmem>>, vector<16xi32>,
      %rev3A_634 = arith.constant 15 : i32
      %rev3A_635 = vector.broadcast %rev3A_634 : i32 to vector<16xi32>
      %rev3A_636 = tpu.iota {dimensions = array<i32: 0>} : vector<16xi32>
      %rev3A_637 = arith.subi %rev3A_635, %rev3A_636 : vector<16xi32>
      %rev3A_638 = tpu.dynamic_gather %get3A_633[%rev3A_637] in [0] : vector<16xi32>, vector<16xi32> -> vector<16xi32>
      %broadcast_in_dim3A_639 = arith.constant true
      %broadcast_in_dim3A_640 = vector.broadcast %broadcast_in_dim3A_639 : i1 to vector<16xi1>
      %masked_cumsum3A_641 = tpu.scan <sum>, %rev3A_638 masked %broadcast_in_dim3A_640 : vector<16xi32>, vector<16xi1> -> vector<16xi32>
      %add3A_642 = arith.addi %scan3A_624, %masked_cumsum3A_641 : vector<16xi32>
      %ge3A_643 = arith.constant 1024 : i32
      %ge3A_644 = vector.broadcast %ge3A_643 : i32 to vector<16xi32>
      %ge3A_645 = arith.cmpi sge, %add3A_642, %ge3A_644 : vector<16xi32>
      %all_reduce_ffs3A_646 = tpu.all_reduce %ge3A_645 {dim = 0 : i64, kind = #tpu.reduction_kind<find_first_set>} : vector<16xi1> -> vector<16xi32>
      %sub3A_647 = arith.subi %scan3A_627, %all_reduce_ffs3A_646 : vector<16xi32>
      %jit3A_648 = arith.constant 0 : i32
      %broadcast_in_dim3A_649 = vector.broadcast %jit3A_648 : i32 to vector<16xi32>
      %select_n3A_650 = arith.select %ge3A_645, %broadcast_in_dim3A_649, %rev3A_638 : vector<16xi1>, vector<16xi32>
      %broadcast_in_dim3A_651 = arith.constant true
      %broadcast_in_dim3A_652 = vector.broadcast %broadcast_in_dim3A_651 : i1 to vector<16xi1>
      %masked_cumsum3A_653 = tpu.scan <sum>, %select_n3A_650 masked %broadcast_in_dim3A_652 : vector<16xi32>, vector<16xi1> -> vector<16xi32>
      %rev3A_654 = arith.constant 15 : i32
      %rev3A_655 = vector.broadcast %rev3A_654 : i32 to vector<16xi32>
      %rev3A_656 = tpu.iota {dimensions = array<i32: 0>} : vector<16xi32>
      %rev3A_657 = arith.subi %rev3A_655, %rev3A_656 : vector<16xi32>
      %rev3A_658 = tpu.dynamic_gather %masked_cumsum3A_653[%rev3A_657] in [0] : vector<16xi32>, vector<16xi32> -> vector<16xi32>
      %broadcast_in_dim3A_659 = arith.constant true
      %broadcast_in_dim3A_660 = vector.broadcast %broadcast_in_dim3A_659 : i1 to vector<16xi1>
      %masked_cummax3A_661 = arith.constant -2147483648 : i32
      %masked_cummax3A_662 = vector.broadcast %masked_cummax3A_661 : i32 to vector<16xi32>
      %masked_cummax3A_663 = arith.xori %rev3A_658, %masked_cummax3A_662 : vector<16xi32>
      %masked_cummax3A_664 = tpu.scan <max>, %masked_cummax3A_663 masked %broadcast_in_dim3A_660 : vector<16xi32>, vector<16xi1> -> vector<16xi32>
      %masked_cummax3A_665 = arith.xori %masked_cummax3A_664, %masked_cummax3A_662 : vector<16xi32>
      %add3A_666 = arith.addi %scan3A_624, %masked_cummax3A_665 : vector<16xi32>
      %all_reduce_population_count3A_667 = tpu.all_reduce %ge3A_645 {dim = 0 : i64, kind = #tpu.reduction_kind<sum>} : vector<16xi1> -> vector<16xi32>
      %gt3A_668 = arith.constant 0 : i32
      %gt3A_669 = vector.broadcast %gt3A_668 : i32 to vector<16xi32>
      %gt3A_670 = arith.cmpi sgt, %all_reduce_population_count3A_667, %gt3A_669 : vector<16xi32>
      %broadcast_in_dim3A_671 = arith.constant true
      %broadcast_in_dim3A_672 = vector.broadcast %broadcast_in_dim3A_671 : i1 to vector<16xi1>
      %masked_cumsum3A_673 = tpu.scan <sum>, %rev3A_638 masked %broadcast_in_dim3A_672 : vector<16xi32>, vector<16xi1> -> vector<16xi32>
      %rev3A_674 = arith.constant 15 : i32
      %rev3A_675 = vector.broadcast %rev3A_674 : i32 to vector<16xi32>
      %rev3A_676 = tpu.iota {dimensions = array<i32: 0>} : vector<16xi32>
      %rev3A_677 = arith.subi %rev3A_675, %rev3A_676 : vector<16xi32>
      %rev3A_678 = tpu.dynamic_gather %masked_cumsum3A_673[%rev3A_677] in [0] : vector<16xi32>, vector<16xi32> -> vector<16xi32>
      %broadcast_in_dim3A_679 = arith.constant true
      %broadcast_in_dim3A_680 = vector.broadcast %broadcast_in_dim3A_679 : i1 to vector<16xi1>
      %masked_cummax3A_681 = arith.constant -2147483648 : i32
      %masked_cummax3A_682 = vector.broadcast %masked_cummax3A_681 : i32 to vector<16xi32>
      %masked_cummax3A_683 = arith.xori %rev3A_678, %masked_cummax3A_682 : vector<16xi32>
      %masked_cummax3A_684 = tpu.scan <max>, %masked_cummax3A_683 masked %broadcast_in_dim3A_680 : vector<16xi32>, vector<16xi1> -> vector<16xi32>
      %masked_cummax3A_685 = arith.xori %masked_cummax3A_684, %masked_cummax3A_682 : vector<16xi32>
      %lt3A = arith.constant 0 : i32
      %lt3A_686 = vector.broadcast %lt3A : i32 to vector<16xi32>
      %lt3A_687 = arith.cmpi slt, %scan3A_625, %lt3A_686 : vector<16xi32>
      %and3A = arith.andi %gt3A_670, %lt3A_687 : vector<16xi1>
      %select_n3A_688 = arith.select %and3A, %sub3A_647, %scan3A_625 : vector<16xi1>, vector<16xi32>
      %select_n3A_689 = arith.select %and3A, %add3A_666, %scan3A_626 : vector<16xi1>, vector<16xi32>
      %add3A_690 = arith.addi %scan3A_624, %masked_cummax3A_685 : vector<16xi32>
      %sub3A_691 = arith.constant 16 : i32
      %sub3A_692 = vector.broadcast %sub3A_691 : i32 to vector<16xi32>
      %sub3A_693 = arith.subi %scan3A_627, %sub3A_692 : vector<16xi32>
      scf.yield %add3A_690, %select_n3A_688, %select_n3A_689, %sub3A_693 : vector<16xi32>, vector<16xi32>, vector<16xi32>, vector<16xi32>
    }
    %scan3A_453 = arith.constant 16 : i32
    %slice3A_454 = vector.extract_strided_slice %scan3A_452#1 {offsets = [0], sizes = [1], strides = [1]} : vector<16xi32> to vector<1xi32>
    %squeeze3A_455 = vector.extract %slice3A_454[0] : i32 from vector<1xi32>
    %mul3A_456 = arith.constant 16 : i32
    %mul3A_457 = arith.muli %squeeze3A_455, %mul3A_456 : i32
    %get3A_458 = arith.index_cast %mul3A_457 : i32 to index
    %get3A_459 = tpu.vector_load %arg8[%get3A_458] {strides = array<i32>} : memref<4096xi32, #tpu.memory_space<vmem>>, vector<16xi32>,
    %mul3A_460 = arith.constant 16 : i32
    %mul3A_461 = vector.broadcast %mul3A_460 : i32 to vector<16xi32>
    %mul3A_462 = arith.muli %scan3A_452#1, %mul3A_461 : vector<16xi32>
    %add3A_463 = arith.constant 15 : i32
    %add3A_464 = vector.broadcast %add3A_463 : i32 to vector<16xi32>
    %add3A_465 = arith.addi %mul3A_462, %add3A_464 : vector<16xi32>
    %rev3A_466 = arith.constant 15 : i32
    %rev3A_467 = vector.broadcast %rev3A_466 : i32 to vector<16xi32>
    %rev3A_468 = tpu.iota {dimensions = array<i32: 0>} : vector<16xi32>
    %rev3A_469 = arith.subi %rev3A_467, %rev3A_468 : vector<16xi32>
    %rev3A_470 = tpu.dynamic_gather %get3A_459[%rev3A_469] in [0] : vector<16xi32>, vector<16xi32> -> vector<16xi32>
    %broadcast_in_dim3A_471 = arith.constant true
    %broadcast_in_dim3A_472 = vector.broadcast %broadcast_in_dim3A_471 : i1 to vector<16xi1>
    %masked_cumsum3A_473 = tpu.scan <sum>, %rev3A_470 masked %broadcast_in_dim3A_472 : vector<16xi32>, vector<16xi1> -> vector<16xi32>
    %add3A_474 = arith.addi %scan3A_452#2, %masked_cumsum3A_473 : vector<16xi32>
    %ge3A_475 = arith.constant 1024 : i32
    %ge3A_476 = vector.broadcast %ge3A_475 : i32 to vector<16xi32>
    %ge3A_477 = arith.cmpi sge, %add3A_474, %ge3A_476 : vector<16xi32>
    %all_reduce_ffs3A_478 = tpu.all_reduce %ge3A_477 {dim = 0 : i64, kind = #tpu.reduction_kind<find_first_set>} : vector<16xi1> -> vector<16xi32>
    %sub3A_479 = arith.subi %add3A_465, %all_reduce_ffs3A_478 : vector<16xi32>
    %jit3A_480 = arith.constant 0 : i32
    %broadcast_in_dim3A_481 = vector.broadcast %jit3A_480 : i32 to vector<16xi32>
    %select_n3A_482 = arith.select %ge3A_477, %broadcast_in_dim3A_481, %rev3A_470 : vector<16xi1>, vector<16xi32>
    %broadcast_in_dim3A_483 = arith.constant true
    %broadcast_in_dim3A_484 = vector.broadcast %broadcast_in_dim3A_483 : i1 to vector<16xi1>
    %masked_cumsum3A_485 = tpu.scan <sum>, %select_n3A_482 masked %broadcast_in_dim3A_484 : vector<16xi32>, vector<16xi1> -> vector<16xi32>
    %rev3A_486 = arith.constant 15 : i32
    %rev3A_487 = vector.broadcast %rev3A_486 : i32 to vector<16xi32>
    %rev3A_488 = tpu.iota {dimensions = array<i32: 0>} : vector<16xi32>
    %rev3A_489 = arith.subi %rev3A_487, %rev3A_488 : vector<16xi32>
    %rev3A_490 = tpu.dynamic_gather %masked_cumsum3A_485[%rev3A_489] in [0] : vector<16xi32>, vector<16xi32> -> vector<16xi32>
    %broadcast_in_dim3A_491 = arith.constant true
    %broadcast_in_dim3A_492 = vector.broadcast %broadcast_in_dim3A_491 : i1 to vector<16xi1>
    %masked_cummax3A_493 = arith.constant -2147483648 : i32
    %masked_cummax3A_494 = vector.broadcast %masked_cummax3A_493 : i32 to vector<16xi32>
    %masked_cummax3A_495 = arith.xori %rev3A_490, %masked_cummax3A_494 : vector<16xi32>
    %masked_cummax3A_496 = tpu.scan <max>, %masked_cummax3A_495 masked %broadcast_in_dim3A_492 : vector<16xi32>, vector<16xi1> -> vector<16xi32>
    %masked_cummax3A_497 = arith.xori %masked_cummax3A_496, %masked_cummax3A_494 : vector<16xi32>
    %add3A_498 = arith.addi %scan3A_452#2, %masked_cummax3A_497 : vector<16xi32>
    %all_reduce_population_count3A_499 = tpu.all_reduce %ge3A_477 {dim = 0 : i64, kind = #tpu.reduction_kind<sum>} : vector<16xi1> -> vector<16xi32>
    %gt3A_500 = arith.constant 0 : i32
    %gt3A_501 = vector.broadcast %gt3A_500 : i32 to vector<16xi32>
    %gt3A_502 = arith.cmpi sgt, %all_reduce_population_count3A_499, %gt3A_501 : vector<16xi32>
    %broadcast_in_dim3A_503 = arith.constant true
    %broadcast_in_dim3A_504 = vector.broadcast %broadcast_in_dim3A_503 : i1 to vector<16xi1>
    %masked_cumsum3A_505 = tpu.scan <sum>, %rev3A_470 masked %broadcast_in_dim3A_504 : vector<16xi32>, vector<16xi1> -> vector<16xi32>
    %rev3A_506 = arith.constant 15 : i32
    %rev3A_507 = vector.broadcast %rev3A_506 : i32 to vector<16xi32>
    %rev3A_508 = tpu.iota {dimensions = array<i32: 0>} : vector<16xi32>
    %rev3A_509 = arith.subi %rev3A_507, %rev3A_508 : vector<16xi32>
    %rev3A_510 = tpu.dynamic_gather %masked_cumsum3A_505[%rev3A_509] in [0] : vector<16xi32>, vector<16xi32> -> vector<16xi32>
    %broadcast_in_dim3A_511 = arith.constant true
    %broadcast_in_dim3A_512 = vector.broadcast %broadcast_in_dim3A_511 : i1 to vector<16xi1>
    %masked_cummax3A_513 = arith.constant -2147483648 : i32
    %masked_cummax3A_514 = vector.broadcast %masked_cummax3A_513 : i32 to vector<16xi32>
    %masked_cummax3A_515 = arith.xori %rev3A_510, %masked_cummax3A_514 : vector<16xi32>
    %masked_cummax3A_516 = tpu.scan <max>, %masked_cummax3A_515 masked %broadcast_in_dim3A_512 : vector<16xi32>, vector<16xi1> -> vector<16xi32>
    %masked_cummax3A_517 = arith.xori %masked_cummax3A_516, %masked_cummax3A_514 : vector<16xi32>
    %sub3A_518 = arith.constant 1024 : i32
    %sub3A_519 = vector.broadcast %sub3A_518 : i32 to vector<16xi32>
    %sub3A_520 = arith.subi %sub3A_519, %add3A_498 : vector<16xi32>
    %add3A_521 = arith.constant 1 : i32
    %add3A_522 = vector.broadcast %add3A_521 : i32 to vector<16xi32>
    %add3A_523 = arith.addi %sub3A_479, %add3A_522 : vector<16xi32>
    %shift_left3A_524 = arith.constant 19 : i32
    %shift_left3A_525 = vector.broadcast %shift_left3A_524 : i32 to vector<16xi32>
    %shift_left3A_526 = arith.shli %add3A_523, %shift_left3A_525 : vector<16xi32>
    %shift_left3A_527 = arith.constant 19 : i32
    %shift_left3A_528 = vector.broadcast %shift_left3A_527 : i32 to vector<16xi32>
    %shift_left3A_529 = arith.shli %sub3A_479, %shift_left3A_528 : vector<16xi32>
    %parallel_loop3A_530 = arith.constant 0 : i32
    %parallel_loop3A_531 = arith.constant 2048 : i32
    %parallel_loop3A_532 = arith.constant 1 : i32
    %parallel_loop3A_533:2 = scf.for %parallel_loop3A_623 = %parallel_loop3A_530 to %parallel_loop3A_531 step %parallel_loop3A_532 iter_args(%parallel_loop3A_624 = %broadcast_in_dim3A_311, %parallel_loop3A_625 = %iota3A_307) -> (vector<16xi32>, vector<16xi32>)  : i32 {
      %parallel_loop3A_626 = arith.constant 16 : i32
      %parallel_loop3A_627 = arith.muli %parallel_loop3A_623, %parallel_loop3A_626 : i32
      %parallel_loop3A_628 = arith.index_cast %parallel_loop3A_627 : i32 to index
      %parallel_loop3A_629 = tpu.vector_load %arg5[%parallel_loop3A_628] {strides = array<i32>} : memref<32768xf32, #tpu.memory_space<vmem>>, vector<16xf32>,
      %parallel_loop3A_630 = tpu.bitcast %parallel_loop3A_629 : vector<16xf32> -> vector<16xi32>
      %parallel_loop3A_631 = arith.constant 2147483647 : i32
      %parallel_loop3A_632 = vector.broadcast %parallel_loop3A_631 : i32 to vector<16xi32>
      %parallel_loop3A_633 = arith.andi %parallel_loop3A_630, %parallel_loop3A_632 : vector<16xi32>
      %parallel_loop3A_634 = arith.cmpi sge, %parallel_loop3A_633, %shift_left3A_526 : vector<16xi32>
      %parallel_loop3A_635 = arith.constant 0.000000e+00 : f32
      %parallel_loop3A_636 = vector.broadcast %parallel_loop3A_635 : f32 to vector<16xf32>
      %parallel_loop3A_637 = arith.select %parallel_loop3A_634, %parallel_loop3A_636, %parallel_loop3A_629 : vector<16xi1>, vector<16xf32>
      %parallel_loop3A_638 = arith.index_cast %parallel_loop3A_627 : i32 to index
      %parallel_loop3A_639 = tpu.vector_load %arg5[%parallel_loop3A_638] {strides = array<i32>} : memref<32768xf32, #tpu.memory_space<vmem>>, vector<16xf32>,
      tpu.vector_store %arg5[%parallel_loop3A_638], %parallel_loop3A_637 {strides = array<i32>} : memref<32768xf32, #tpu.memory_space<vmem>>, vector<16xf32>,
      %parallel_loop3A_640 = arith.cmpi sge, %parallel_loop3A_633, %shift_left3A_529 : vector<16xi32>
      %parallel_loop3A_641 = arith.constant dense<true> : vector<16xi1>
      %parallel_loop3A_642 = arith.xori %parallel_loop3A_634, %parallel_loop3A_641 : vector<16xi1>
      %parallel_loop3A_643 = arith.andi %parallel_loop3A_640, %parallel_loop3A_642 : vector<16xi1>
      %parallel_loop3A_644 = arith.extui %parallel_loop3A_643 : vector<16xi1> to vector<16xi32>
      %parallel_loop3A_645 = arith.constant true
      %parallel_loop3A_646 = vector.broadcast %parallel_loop3A_645 : i1 to vector<16xi1>
      %parallel_loop3A_647 = tpu.scan <sum>, %parallel_loop3A_644 masked %parallel_loop3A_646 : vector<16xi32>, vector<16xi1> -> vector<16xi32>
      %parallel_loop3A_648 = arith.addi %parallel_loop3A_624, %parallel_loop3A_647 : vector<16xi32>
      %parallel_loop3A_649 = arith.constant 1 : i32
      %parallel_loop3A_650 = vector.broadcast %parallel_loop3A_649 : i32 to vector<16xi32>
      %parallel_loop3A_651 = arith.subi %parallel_loop3A_648, %parallel_loop3A_650 : vector<16xi32>
      tpu.vector_store_idx %arg10[%parallel_loop3A_651], %parallel_loop3A_633 masked %parallel_loop3A_643 : memref<32784xi32, #tpu.memory_space<vmem>>[vector<16xi32>], vector<16xi32>, vector<16xi1>
      tpu.vector_store_idx %arg11[%parallel_loop3A_651], %parallel_loop3A_625 masked %parallel_loop3A_643 : memref<32784xi32, #tpu.memory_space<vmem>>[vector<16xi32>], vector<16xi32>, vector<16xi1>
      %parallel_loop3A_652 = tpu.all_reduce %parallel_loop3A_643 {dim = 0 : i64, kind = #tpu.reduction_kind<sum>} : vector<16xi1> -> vector<16xi32>
      %parallel_loop3A_653 = arith.addi %parallel_loop3A_624, %parallel_loop3A_652 : vector<16xi32>
      %parallel_loop3A_654 = arith.constant 16 : i32
      %parallel_loop3A_655 = vector.broadcast %parallel_loop3A_654 : i32 to vector<16xi32>
      %parallel_loop3A_656 = arith.addi %parallel_loop3A_625, %parallel_loop3A_655 : vector<16xi32>
      scf.yield %parallel_loop3A_653, %parallel_loop3A_656 : vector<16xi32>, vector<16xi32>
    } {sc.loop_unroll_factor = 8 : i64, sc.parallel_access}
    %slice3A_534 = vector.extract_strided_slice %parallel_loop3A_533#0 {offsets = [0], sizes = [1], strides = [1]} : vector<16xi32> to vector<1xi32>
    %squeeze3A_535 = vector.extract %slice3A_534[0] : i32 from vector<1xi32>
    %add3A_536 = arith.constant 15 : i32
    %add3A_537 = arith.addi %squeeze3A_535, %add3A_536 : i32
    %div3A_538 = arith.constant 16 : i32
    %div3A_539 = arith.divsi %add3A_537, %div3A_538 : i32
    %shift_left3A_540 = arith.constant 19 : i32
    %shift_left3A_541 = vector.broadcast %shift_left3A_540 : i32 to vector<16xi32>
    %shift_left3A_542 = arith.shli %sub3A_479, %shift_left3A_541 : vector<16xi32>
    %add3A_543 = arith.constant 1 : i32
    %add3A_544 = vector.broadcast %add3A_543 : i32 to vector<16xi32>
    %add3A_545 = arith.addi %sub3A_479, %add3A_544 : vector<16xi32>
    %shift_left3A_546 = arith.constant 19 : i32
    %shift_left3A_547 = vector.broadcast %shift_left3A_546 : i32 to vector<16xi32>
    %shift_left3A_548 = arith.shli %add3A_545, %shift_left3A_547 : vector<16xi32>
    %scan3A_549 = arith.constant 0 : i32
    %scan3A_550 = arith.constant 19 : i32
    %scan3A_551 = arith.addi %scan3A_549, %scan3A_550 : i32
    %scan3A_552 = arith.constant 1 : i32
    %scan3A_553:2 = scf.for %scan3A_623 = %scan3A_549 to %scan3A_551 step %scan3A_552 iter_args(%scan3A_624 = %shift_left3A_542, %scan3A_625 = %shift_left3A_548) -> (vector<16xi32>, vector<16xi32>)  : i32 {
      %add3A_626 = arith.addi %scan3A_624, %scan3A_625 : vector<16xi32>
      %shift_right_logical3A = arith.constant 1 : i32
      %shift_right_logical3A_627 = vector.broadcast %shift_right_logical3A : i32 to vector<16xi32>
      %shift_right_logical3A_628 = arith.shrui %add3A_626, %shift_right_logical3A_627 : vector<16xi32>
      %while3A_629 = arith.constant 0 : i32
      %while3A_630 = arith.subi %div3A_539, %while3A_629 : i32
      %while3A_631 = arith.addi %while3A_629, %while3A_630 : i32
      %while3A_632 = arith.constant 1 : i32
      %while3A_633 = arith.divsi %while3A_630, %while3A_632 : i32
      %while3A_634 = arith.muli %while3A_633, %while3A_632 : i32
      %while3A_635 = arith.addi %while3A_629, %while3A_634 : i32
      %while3A_636 = arith.constant 1 : i32
      %while3A_637:2 = scf.for %while3A_643 = %while3A_629 to %while3A_635 step %while3A_636 iter_args(%while3A_644 = %broadcast_in_dim3A_311, %while3A_645 = %iota3A_307) -> (vector<16xi32>, vector<16xi32>)  : i32 {
        %mul3A_646 = arith.constant 16 : i32
        %mul3A_647 = arith.muli %while3A_643, %mul3A_646 : i32
        %get3A_648 = arith.index_cast %mul3A_647 : i32 to index
        %get3A_649 = tpu.vector_load %arg10[%get3A_648] {strides = array<i32>} : memref<32784xi32, #tpu.memory_space<vmem>>, vector<16xi32>,
        %ge3A_650 = arith.cmpi sge, %get3A_649, %shift_right_logical3A_628 : vector<16xi32>
        %lt3A = arith.cmpi slt, %while3A_645, %parallel_loop3A_533#0 : vector<16xi32>
        %and3A = arith.andi %ge3A_650, %lt3A : vector<16xi1>
        %all_reduce_population_count3A_651 = tpu.all_reduce %and3A {dim = 0 : i64, kind = #tpu.reduction_kind<sum>} : vector<16xi1> -> vector<16xi32>
        %add3A_652 = arith.addi %while3A_644, %all_reduce_population_count3A_651 : vector<16xi32>
        %add3A_653 = arith.constant 16 : i32
        %add3A_654 = vector.broadcast %add3A_653 : i32 to vector<16xi32>
        %add3A_655 = arith.addi %while3A_645, %add3A_654 : vector<16xi32>
        scf.yield %add3A_652, %add3A_655 : vector<16xi32>, vector<16xi32>
      }
      %while3A_638 = arith.constant 1 : i32
      %while3A_639:2 = scf.for %while3A_643 = %while3A_635 to %while3A_631 step %while3A_638 iter_args(%while3A_644 = %while3A_637#0, %while3A_645 = %while3A_637#1) -> (vector<16xi32>, vector<16xi32>)  : i32 {
        %mul3A_646 = arith.constant 16 : i32
        %mul3A_647 = arith.muli %while3A_643, %mul3A_646 : i32
        %get3A_648 = arith.index_cast %mul3A_647 : i32 to index
        %get3A_649 = tpu.vector_load %arg10[%get3A_648] {strides = array<i32>} : memref<32784xi32, #tpu.memory_space<vmem>>, vector<16xi32>,
        %ge3A_650 = arith.cmpi sge, %get3A_649, %shift_right_logical3A_628 : vector<16xi32>
        %lt3A = arith.cmpi slt, %while3A_645, %parallel_loop3A_533#0 : vector<16xi32>
        %and3A = arith.andi %ge3A_650, %lt3A : vector<16xi1>
        %all_reduce_population_count3A_651 = tpu.all_reduce %and3A {dim = 0 : i64, kind = #tpu.reduction_kind<sum>} : vector<16xi1> -> vector<16xi32>
        %add3A_652 = arith.addi %while3A_644, %all_reduce_population_count3A_651 : vector<16xi32>
        %add3A_653 = arith.constant 16 : i32
        %add3A_654 = vector.broadcast %add3A_653 : i32 to vector<16xi32>
        %add3A_655 = arith.addi %while3A_645, %add3A_654 : vector<16xi32>
        scf.yield %add3A_652, %add3A_655 : vector<16xi32>, vector<16xi32>
      }
      %ge3A_640 = arith.cmpi sge, %while3A_639#0, %sub3A_520 : vector<16xi32>
      %select_n3A_641 = arith.select %ge3A_640, %shift_right_logical3A_628, %scan3A_624 : vector<16xi1>, vector<16xi32>
      %select_n3A_642 = arith.select %ge3A_640, %scan3A_625, %shift_right_logical3A_628 : vector<16xi1>, vector<16xi32>
      scf.yield %select_n3A_641, %select_n3A_642 : vector<16xi32>, vector<16xi32>
    }
    %scan3A_554 = arith.constant 19 : i32
    %add3A_555 = arith.constant 1 : i32
    %add3A_556 = vector.broadcast %add3A_555 : i32 to vector<16xi32>
    %add3A_557 = arith.addi %scan3A_553#0, %add3A_556 : vector<16xi32>
    %while3A_558 = arith.constant 0 : i32
    %while3A_559 = arith.subi %div3A_539, %while3A_558 : i32
    %while3A_560 = arith.addi %while3A_558, %while3A_559 : i32
    %while3A_561 = arith.constant 1 : i32
    %while3A_562 = arith.divsi %while3A_559, %while3A_561 : i32
    %while3A_563 = arith.muli %while3A_562, %while3A_561 : i32
    %while3A_564 = arith.addi %while3A_558, %while3A_563 : i32
    %while3A_565 = arith.constant 1 : i32
    %while3A_566:2 = scf.for %while3A_623 = %while3A_558 to %while3A_564 step %while3A_565 iter_args(%while3A_624 = %broadcast_in_dim3A_311, %while3A_625 = %iota3A_307) -> (vector<16xi32>, vector<16xi32>)  : i32 {
      %mul3A_626 = arith.constant 16 : i32
      %mul3A_627 = arith.muli %while3A_623, %mul3A_626 : i32
      %get3A_628 = arith.index_cast %mul3A_627 : i32 to index
      %get3A_629 = tpu.vector_load %arg10[%get3A_628] {strides = array<i32>} : memref<32784xi32, #tpu.memory_space<vmem>>, vector<16xi32>,
      %ge3A_630 = arith.cmpi sge, %get3A_629, %add3A_557 : vector<16xi32>
      %lt3A = arith.cmpi slt, %while3A_625, %parallel_loop3A_533#0 : vector<16xi32>
      %and3A = arith.andi %ge3A_630, %lt3A : vector<16xi1>
      %all_reduce_population_count3A_631 = tpu.all_reduce %and3A {dim = 0 : i64, kind = #tpu.reduction_kind<sum>} : vector<16xi1> -> vector<16xi32>
      %add3A_632 = arith.addi %while3A_624, %all_reduce_population_count3A_631 : vector<16xi32>
      %add3A_633 = arith.constant 16 : i32
      %add3A_634 = vector.broadcast %add3A_633 : i32 to vector<16xi32>
      %add3A_635 = arith.addi %while3A_625, %add3A_634 : vector<16xi32>
      scf.yield %add3A_632, %add3A_635 : vector<16xi32>, vector<16xi32>
    }
    %while3A_567 = arith.constant 1 : i32
    %while3A_568:2 = scf.for %while3A_623 = %while3A_564 to %while3A_560 step %while3A_567 iter_args(%while3A_624 = %while3A_566#0, %while3A_625 = %while3A_566#1) -> (vector<16xi32>, vector<16xi32>)  : i32 {
      %mul3A_626 = arith.constant 16 : i32
      %mul3A_627 = arith.muli %while3A_623, %mul3A_626 : i32
      %get3A_628 = arith.index_cast %mul3A_627 : i32 to index
      %get3A_629 = tpu.vector_load %arg10[%get3A_628] {strides = array<i32>} : memref<32784xi32, #tpu.memory_space<vmem>>, vector<16xi32>,
      %ge3A_630 = arith.cmpi sge, %get3A_629, %add3A_557 : vector<16xi32>
      %lt3A = arith.cmpi slt, %while3A_625, %parallel_loop3A_533#0 : vector<16xi32>
      %and3A = arith.andi %ge3A_630, %lt3A : vector<16xi1>
      %all_reduce_population_count3A_631 = tpu.all_reduce %and3A {dim = 0 : i64, kind = #tpu.reduction_kind<sum>} : vector<16xi1> -> vector<16xi32>
      %add3A_632 = arith.addi %while3A_624, %all_reduce_population_count3A_631 : vector<16xi32>
      %add3A_633 = arith.constant 16 : i32
      %add3A_634 = vector.broadcast %add3A_633 : i32 to vector<16xi32>
      %add3A_635 = arith.addi %while3A_625, %add3A_634 : vector<16xi32>
      scf.yield %add3A_632, %add3A_635 : vector<16xi32>, vector<16xi32>
    }
    %sub3A_569 = arith.subi %sub3A_520, %while3A_568#0 : vector<16xi32>
    %broadcast_in_dim3A_570 = arith.constant 0.000000e+00 : f32
    %broadcast_in_dim3A_571 = vector.broadcast %broadcast_in_dim3A_570 : f32 to vector<16xf32>
    %while3A_572 = arith.constant 0 : i32
    %while3A_573 = arith.subi %div3A_539, %while3A_572 : i32
    %while3A_574 = arith.addi %while3A_572, %while3A_573 : i32
    %while3A_575 = arith.constant 1 : i32
    %while3A_576 = arith.divsi %while3A_573, %while3A_575 : i32
    %while3A_577 = arith.muli %while3A_576, %while3A_575 : i32
    %while3A_578 = arith.addi %while3A_572, %while3A_577 : i32
    %while3A_579 = arith.constant 1 : i32
    %while3A_580:2 = scf.for %while3A_623 = %while3A_572 to %while3A_578 step %while3A_579 iter_args(%while3A_624 = %broadcast_in_dim3A_311, %while3A_625 = %iota3A_307) -> (vector<16xi32>, vector<16xi32>)  : i32 {
      %mul3A_626 = arith.constant 16 : i32
      %mul3A_627 = arith.muli %while3A_623, %mul3A_626 : i32
      %get3A_628 = arith.index_cast %mul3A_627 : i32 to index
      %get3A_629 = tpu.vector_load %arg10[%get3A_628] {strides = array<i32>} : memref<32784xi32, #tpu.memory_space<vmem>>, vector<16xi32>,
      %lt3A = arith.cmpi slt, %while3A_625, %parallel_loop3A_533#0 : vector<16xi32>
      %eq3A = arith.cmpi eq, %get3A_629, %scan3A_553#0 : vector<16xi32>
      %and3A = arith.andi %eq3A, %lt3A : vector<16xi1>
      %convert_element_type3A = arith.extui %and3A : vector<16xi1> to vector<16xi32>
      %broadcast_in_dim3A_630 = arith.constant true
      %broadcast_in_dim3A_631 = vector.broadcast %broadcast_in_dim3A_630 : i1 to vector<16xi1>
      %masked_cumsum3A_632 = tpu.scan <sum>, %convert_element_type3A masked %broadcast_in_dim3A_631 : vector<16xi32>, vector<16xi1> -> vector<16xi32>
      %add3A_633 = arith.addi %masked_cumsum3A_632, %while3A_624 : vector<16xi32>
      %gt3A_634 = arith.cmpi sgt, %get3A_629, %scan3A_553#0 : vector<16xi32>
      %and3A_635 = arith.andi %gt3A_634, %lt3A : vector<16xi1>
      %le3A = arith.cmpi sle, %add3A_633, %sub3A_569 : vector<16xi32>
      %and3A_636 = arith.andi %and3A, %le3A : vector<16xi1>
      %or3A = arith.ori %and3A_635, %and3A_636 : vector<16xi1>
      %mul3A_637 = arith.constant 16 : i32
      %mul3A_638 = arith.muli %while3A_623, %mul3A_637 : i32
      %get3A_639 = arith.index_cast %mul3A_638 : i32 to index
      %get3A_640 = tpu.vector_load %arg11[%get3A_639] {strides = array<i32>} : memref<32784xi32, #tpu.memory_space<vmem>>, vector<16xi32>,
      tpu.vector_store_idx %arg5[%get3A_640], %broadcast_in_dim3A_571 masked %or3A : memref<32768xf32, #tpu.memory_space<vmem>>[vector<16xi32>], vector<16xf32>, vector<16xi1>
      %all_reduce_population_count3A_641 = tpu.all_reduce %and3A {dim = 0 : i64, kind = #tpu.reduction_kind<sum>} : vector<16xi1> -> vector<16xi32>
      %add3A_642 = arith.addi %while3A_624, %all_reduce_population_count3A_641 : vector<16xi32>
      %add3A_643 = arith.constant 16 : i32
      %add3A_644 = vector.broadcast %add3A_643 : i32 to vector<16xi32>
      %add3A_645 = arith.addi %while3A_625, %add3A_644 : vector<16xi32>
      scf.yield %add3A_642, %add3A_645 : vector<16xi32>, vector<16xi32>
    }
    %while3A_581 = arith.constant 1 : i32
    %while3A_582:2 = scf.for %while3A_623 = %while3A_578 to %while3A_574 step %while3A_581 iter_args(%while3A_624 = %while3A_580#0, %while3A_625 = %while3A_580#1) -> (vector<16xi32>, vector<16xi32>)  : i32 {
      %mul3A_626 = arith.constant 16 : i32
      %mul3A_627 = arith.muli %while3A_623, %mul3A_626 : i32
      %get3A_628 = arith.index_cast %mul3A_627 : i32 to index
      %get3A_629 = tpu.vector_load %arg10[%get3A_628] {strides = array<i32>} : memref<32784xi32, #tpu.memory_space<vmem>>, vector<16xi32>,
      %lt3A = arith.cmpi slt, %while3A_625, %parallel_loop3A_533#0 : vector<16xi32>
      %eq3A = arith.cmpi eq, %get3A_629, %scan3A_553#0 : vector<16xi32>
      %and3A = arith.andi %eq3A, %lt3A : vector<16xi1>
      %convert_element_type3A = arith.extui %and3A : vector<16xi1> to vector<16xi32>
      %broadcast_in_dim3A_630 = arith.constant true
      %broadcast_in_dim3A_631 = vector.broadcast %broadcast_in_dim3A_630 : i1 to vector<16xi1>
      %masked_cumsum3A_632 = tpu.scan <sum>, %convert_element_type3A masked %broadcast_in_dim3A_631 : vector<16xi32>, vector<16xi1> -> vector<16xi32>
      %add3A_633 = arith.addi %masked_cumsum3A_632, %while3A_624 : vector<16xi32>
      %gt3A_634 = arith.cmpi sgt, %get3A_629, %scan3A_553#0 : vector<16xi32>
      %and3A_635 = arith.andi %gt3A_634, %lt3A : vector<16xi1>
      %le3A = arith.cmpi sle, %add3A_633, %sub3A_569 : vector<16xi32>
      %and3A_636 = arith.andi %and3A, %le3A : vector<16xi1>
      %or3A = arith.ori %and3A_635, %and3A_636 : vector<16xi1>
      %mul3A_637 = arith.constant 16 : i32
      %mul3A_638 = arith.muli %while3A_623, %mul3A_637 : i32
      %get3A_639 = arith.index_cast %mul3A_638 : i32 to index
      %get3A_640 = tpu.vector_load %arg11[%get3A_639] {strides = array<i32>} : memref<32784xi32, #tpu.memory_space<vmem>>, vector<16xi32>,
      tpu.vector_store_idx %arg5[%get3A_640], %broadcast_in_dim3A_571 masked %or3A : memref<32768xf32, #tpu.memory_space<vmem>>[vector<16xi32>], vector<16xf32>, vector<16xi1>
      %all_reduce_population_count3A_641 = tpu.all_reduce %and3A {dim = 0 : i64, kind = #tpu.reduction_kind<sum>} : vector<16xi1> -> vector<16xi32>
      %add3A_642 = arith.addi %while3A_624, %all_reduce_population_count3A_641 : vector<16xi32>
      %add3A_643 = arith.constant 16 : i32
      %add3A_644 = vector.broadcast %add3A_643 : i32 to vector<16xi32>
      %add3A_645 = arith.addi %while3A_625, %add3A_644 : vector<16xi32>
      scf.yield %add3A_642, %add3A_645 : vector<16xi32>, vector<16xi32>
    }
    %dma_start3A_583 = arith.constant 0 : i32
    %dma_start3A_584 = tpu.memref_slice %arg5[%dma_start3A_583] : memref<32768xf32, #tpu.memory_space<vmem>> -> memref<16384xf32, #tpu.memory_space<vmem>>
    %dma_start3A_585 = arith.constant 0 : i32
    %dma_start3A_586 = tpu.memref_slice %arg4[%add3A_286, %dma_start3A_585] : memref<64x32768xf32, #tpu.memory_space<hbm>> -> memref<1x16384xf32, #tpu.memory_space<hbm>>
    %dma_start3A_587 = tpu.memref_squeeze %dma_start3A_586 : memref<1x16384xf32, #tpu.memory_space<hbm>> -> memref<16384xf32, #tpu.memory_space<hbm>>
    %dma_start3A_588 = arith.constant 0 : i32
    %dma_start3A_589 = tpu.memref_slice %arg4[%add3A_286, %dma_start3A_588] : memref<64x32768xf32, #tpu.memory_space<hbm>> -> memref<1x16384xf32, #tpu.memory_space<hbm>>
    %dma_start3A_590 = tpu.memref_squeeze %dma_start3A_589 : memref<1x16384xf32, #tpu.memory_space<hbm>> -> memref<16384xf32, #tpu.memory_space<hbm>>
    %dma_start3A_591 = arith.constant 0 : i32
    %dma_start3A_592 = tpu.memref_slice %arg5[%dma_start3A_591] : memref<32768xf32, #tpu.memory_space<vmem>> -> memref<16384xf32, #tpu.memory_space<vmem>>
    tpu.enqueue_dma source(%dma_start3A_592 : memref<16384xf32, #tpu.memory_space<vmem>>) target(%dma_start3A_590 : memref<16384xf32, #tpu.memory_space<hbm>>) target_semaphore(%arg15 : memref<!tpu.dma_semaphore, #tpu.memory_space<semaphore_mem>>)
    %dma_start3A_593 = arith.constant 16384 : i32
    %dma_start3A_594 = tpu.memref_slice %arg5[%dma_start3A_593] : memref<32768xf32, #tpu.memory_space<vmem>> -> memref<16384xf32, #tpu.memory_space<vmem>>
    %dma_start3A_595 = arith.constant 16384 : i32
    %dma_start3A_596 = tpu.memref_slice %arg4[%add3A_286, %dma_start3A_595] : memref<64x32768xf32, #tpu.memory_space<hbm>> -> memref<1x16384xf32, #tpu.memory_space<hbm>>
    %dma_start3A_597 = tpu.memref_squeeze %dma_start3A_596 : memref<1x16384xf32, #tpu.memory_space<hbm>> -> memref<16384xf32, #tpu.memory_space<hbm>>
    %dma_start3A_598 = arith.constant 16384 : i32
    %dma_start3A_599 = tpu.memref_slice %arg4[%add3A_286, %dma_start3A_598] : memref<64x32768xf32, #tpu.memory_space<hbm>> -> memref<1x16384xf32, #tpu.memory_space<hbm>>
    %dma_start3A_600 = tpu.memref_squeeze %dma_start3A_599 : memref<1x16384xf32, #tpu.memory_space<hbm>> -> memref<16384xf32, #tpu.memory_space<hbm>>
    %dma_start3A_601 = arith.constant 16384 : i32
    %dma_start3A_602 = tpu.memref_slice %arg5[%dma_start3A_601] : memref<32768xf32, #tpu.memory_space<vmem>> -> memref<16384xf32, #tpu.memory_space<vmem>>
    tpu.enqueue_dma source(%dma_start3A_602 : memref<16384xf32, #tpu.memory_space<vmem>>) target(%dma_start3A_600 : memref<16384xf32, #tpu.memory_space<hbm>>) target_semaphore(%arg16 : memref<!tpu.dma_semaphore, #tpu.memory_space<semaphore_mem>>)
    %dma_wait3A_603 = arith.constant 0 : i32
    %dma_wait3A_604 = tpu.memref_slice %arg5[%dma_wait3A_603] : memref<32768xf32, #tpu.memory_space<vmem>> -> memref<16384xf32, #tpu.memory_space<vmem>>
    %dma_wait3A_605 = arith.constant 0 : i32
    %dma_wait3A_606 = tpu.memref_slice %arg4[%add3A_286, %dma_wait3A_605] : memref<64x32768xf32, #tpu.memory_space<hbm>> -> memref<1x16384xf32, #tpu.memory_space<hbm>>
    %dma_wait3A_607 = tpu.memref_squeeze %dma_wait3A_606 : memref<1x16384xf32, #tpu.memory_space<hbm>> -> memref<16384xf32, #tpu.memory_space<hbm>>
    %dma_wait3A_608 = arith.constant 0 : i32
    %dma_wait3A_609 = tpu.memref_slice %arg4[%add3A_286, %dma_wait3A_608] : memref<64x32768xf32, #tpu.memory_space<hbm>> -> memref<1x16384xf32, #tpu.memory_space<hbm>>
    %dma_wait3A_610 = tpu.memref_squeeze %dma_wait3A_609 : memref<1x16384xf32, #tpu.memory_space<hbm>> -> memref<16384xf32, #tpu.memory_space<hbm>>
    %dma_wait3A_611 = arith.constant 0 : i32
    %dma_wait3A_612 = tpu.memref_slice %arg5[%dma_wait3A_611] : memref<32768xf32, #tpu.memory_space<vmem>> -> memref<16384xf32, #tpu.memory_space<vmem>>
    tpu.wait_dma2 semaphore(%arg15 : memref<!tpu.dma_semaphore, #tpu.memory_space<semaphore_mem>>) src(%dma_wait3A_612 : memref<16384xf32, #tpu.memory_space<vmem>>) dst(%dma_wait3A_610 : memref<16384xf32, #tpu.memory_space<hbm>>)
    %dma_wait3A_613 = arith.constant 16384 : i32
    %dma_wait3A_614 = tpu.memref_slice %arg5[%dma_wait3A_613] : memref<32768xf32, #tpu.memory_space<vmem>> -> memref<16384xf32, #tpu.memory_space<vmem>>
    %dma_wait3A_615 = arith.constant 16384 : i32
    %dma_wait3A_616 = tpu.memref_slice %arg4[%add3A_286, %dma_wait3A_615] : memref<64x32768xf32, #tpu.memory_space<hbm>> -> memref<1x16384xf32, #tpu.memory_space<hbm>>
    %dma_wait3A_617 = tpu.memref_squeeze %dma_wait3A_616 : memref<1x16384xf32, #tpu.memory_space<hbm>> -> memref<16384xf32, #tpu.memory_space<hbm>>
    %dma_wait3A_618 = arith.constant 16384 : i32
    %dma_wait3A_619 = tpu.memref_slice %arg4[%add3A_286, %dma_wait3A_618] : memref<64x32768xf32, #tpu.memory_space<hbm>> -> memref<1x16384xf32, #tpu.memory_space<hbm>>
    %dma_wait3A_620 = tpu.memref_squeeze %dma_wait3A_619 : memref<1x16384xf32, #tpu.memory_space<hbm>> -> memref<16384xf32, #tpu.memory_space<hbm>>
    %dma_wait3A_621 = arith.constant 16384 : i32
    %dma_wait3A_622 = tpu.memref_slice %arg5[%dma_wait3A_621] : memref<32768xf32, #tpu.memory_space<vmem>> -> memref<16384xf32, #tpu.memory_space<vmem>>
    tpu.wait_dma2 semaphore(%arg16 : memref<!tpu.dma_semaphore, #tpu.memory_space<semaphore_mem>>) src(%dma_wait3A_622 : memref<16384xf32, #tpu.memory_space<vmem>>) dst(%dma_wait3A_620 : memref<16384xf32, #tpu.memory_space<hbm>>)
    return
  }
}

</mosaic_0001>

<sc_bundles>
// kernel: kernel.3.cloned.1.call-start
scs
__scs_entry_jumppad:
0x0: {  	(pc) =	sbr.rel $0x88, $3  }
0x1: {  	(tag) =	ssettag $0x0;
	lr =	simm.s32 $0x1  }
0x2: {  	[smem:$0x3F9F] =	sst lr;
	_ =	strace $0xD0000000  }
0x3: {  	_ = 	snop  }
0x4: {  	_ = 	snop  }
0x5: {  	_ = 	snop  }
0x6: {  	_ = 	snop  }
0x7: {  	_ = 	snop  }
__scs_overlays_trampoline_lowered:
0x8: {  	[smem:$0x3FAE] =	sst s0  }
0x9: {  	[smem:$0x3FAF] =	sst s1  }
0xa: {  	[smem:$0x3FB0] =	sst s2  }
0xb: {  	[smem:$0x3FB1] =	sst s3  }
0xc: {  	[smem:$0x3FB2] =	sst s4  }
0xd: {  	[smem:$0x3FB3] =	sst s5  }
0xe: {  	[smem:$0x3FB4] =	sst s6  }
0xf: {  	[smem:$0x3FB5] =	sst s7  }
0x10: {  	[smem:$0x3FB6] =	sst s8  }
0x11: {  	[smem:$0x3FB7] =	sst s9;
	s0 =	simm.s32 @!p0 $0x0  }
0x12: {  	s1 =	sld [smem:$0x3F9D];
	s0 =	simm.s32 @p0 $0x1  }
0x13: {  	[smem:$0x3FB8] =	sst s0;
	s0 =	simm.s32 @!p1 $0x0  }
0x14: {  	s2 =	sld [smem:$0x3F9C];
	s0 =	simm.s32 @p1 $0x1  }
0x15: {  	[smem:$0x3FB9] =	sst s0;
	s0 =	simm.s32 @!p2 $0x0  }
0x16: {  	s3 =	sld [smem:$0x3FDB];
	s0 =	simm.s32 @p2 $0x1  }
0x17: {  	s4 =	simm.s32 $0x1BF5;
	[smem:$0x3FBB] =	sst s0  }
0x18: {  	s0 =	sld [smem:$0x3F9E];
	_ =	swait.ge [sflag:s4], $0x0  }
0x19: {  	s7 =	sld [smem:$0x3F9F]  }
0x1a: {  	s8 =	sadd.s32 $0xFFFFE003, lr  }
0x1b: {  	s9 =	sadd.s32 $0xFFFFFEF7, lr;
	s5 =	simm.s32 $0xFFFFFFFF;
	p2 =	slt.u32 s8, $0xFFFFF086  }
0x1c: {  	p1 =	slt.u32 s9, $0xF7A;
	s5 =	simm.s32 @!p2 $0x0  }
0x1d: {  	s5 =	simm.s32 @p1 $0x1;
	p0 =	seq.s32 s7, s2  }
0x1e: {  	s7 =	smul.u32 @!p0 $0xF7A, s2;
	p2 =	seq.s32 @!p0 s5, $0x0  }
0x1f: {  	s9 =	smul.u32 $0xF7A, s1;
	s8 =	simm.s32 @!p0 $0x1BF5;
	p2 =	por !p2, p0  }
0x20: {  	[sflag:s8] =	ssyncset.s32 @!p0 $0xFFFFF086;
	s6 =	sadd.s32 @!p0 s3, s7;
	s7 =	simm.s32 @!p0 $0x108  }
0x21: {  	s3 =	sadd.s32 s3, s9;
	s6 =	sadd.s32 @!p0 $0x88, s6;
	s7 =	simm.s32 @p2 $0x1082  }
0x22: {  	[simem:s7], [sflag:s8] =	dma.local @!p0 [hbm:s6], $0xF7A  }
0x23: {  	s9 =	sor.u32 $0xD0000000, s2;
	s6 =	simm.s32 $0x108;
	_ =	swait.ge @!p0 [sflag:s8], $0x0  }
0x24: {  	s3 =	sadd.s32 $0x88, s3;
	s6 =	simm.s32 @!p1 $0x1082;
	[sflag:s4] =	ssyncset.s32 $0xFFFFF086  }
0x25: {  	[simem:s6], [sflag:s4] =	dma.local [hbm:s3], $0xF7A  }
0x26: {  	[smem:$0x3F9F] =	sst s1;
	(tag) =	ssettag s2;
	_ =	strace s9  }
0x27: {  	s1 =	sld [smem:$0x3FAF]  }
0x28: {  	s2 =	sld [smem:$0x3FB0]  }
0x29: {  	s4 =	sld [smem:$0x3FB2]  }
0x2a: {  	p0 =	seq.s32 s5, $0x0;
	s5 =	sld [smem:$0x3FB3]  }
0x2b: {  	s6 =	sld [smem:$0x3FB4]  }
0x2c: {  	s7 =	sld [smem:$0x3FB5]  }
0x2d: {  	s3 =	simm.s32 $0x108;
	s8 =	sld [smem:$0x3FB6]  }
0x2e: {  	s3 =	simm.s32 @!p0 $0x1082;
	s9 =	sld [smem:$0x3FB7]  }
0x2f: {  	lr =	sadd.s32 s0, s3;
	s0 =	sld [smem:$0x3FAE]  }
0x30: {  	s3 =	sld [smem:$0x3FB1]  }
0x31: {  	[smem:$0x3FBA] =	sst s10  }
0x32: {  	s10 =	sld [smem:$0x3FB8];
	_ =	sdelay $0x3  }
0x33: {  	p0 =	seq.s32 s10, $0x1;
	s10 =	sld [smem:$0x3FBA];
	_ =	sdelay $0x3  }
0x34: {  	[smem:$0x3FBA] =	sst s10  }
0x35: {  	s10 =	sld [smem:$0x3FB9];
	_ =	sdelay $0x3  }
0x36: {  	p1 =	seq.s32 s10, $0x1;
	s10 =	sld [smem:$0x3FBA];
	_ =	sdelay $0x3  }
0x37: {  	[smem:$0x3FBA] =	sst s10  }
0x38: {  	s10 =	sld [smem:$0x3FBB]  }
0x39: {  	_ = 	snop;
	(pc) =	sbr.ind lr, $3  }
0x3a: {  	_ = 	snop  }
0x3b: {  	_ = 	snop  }
0x3c: {  	p2 =	seq.s32 s10, $0x1;
	s10 =	sld [smem:$0x3FBA]  }
0x3d: {  	_ =	shalt  }
0x3e: {  	_ =	shalt  }
0x3f: {  	_ =	shalt  }
0x40: {  	_ =	shalt  }
0x41: {  	_ =	shalt  }
0x42: {  	_ =	shalt  }
0x43: {  	_ =	shalt  }
0x44: {  	_ =	shalt  }
0x45: {  	_ =	shalt  }
0x46: {  	_ =	shalt  }
0x47: {  	_ =	shalt  }
0x48: {  	_ =	shalt  }
0x49: {  	_ =	shalt  }
0x4a: {  	_ =	shalt  }
0x4b: {  	_ =	shalt  }
0x4c: {  	_ =	shalt  }
0x4d: {  	_ =	shalt  }
0x4e: {  	_ =	shalt  }
0x4f: {  	_ =	shalt  }
0x50: {  	_ =	shalt  }
0x51: {  	_ =	shalt  }
0x52: {  	_ =	shalt  }
0x53: {  	_ =	shalt  }
0x54: {  	_ =	shalt  }
0x55: {  	_ =	shalt  }
0x56: {  	_ =	shalt  }
0x57: {  	_ =	shalt  }
0x58: {  	_ =	shalt  }
0x59: {  	_ =	shalt  }
0x5a: {  	_ =	shalt  }
0x5b: {  	_ =	shalt  }
0x5c: {  	_ =	shalt  }
0x5d: {  	_ =	shalt  }
0x5e: {  	_ =	shalt  }
0x5f: {  	_ =	shalt  }
0x60: {  	_ =	shalt  }
0x61: {  	_ =	shalt  }
0x62: {  	_ =	shalt  }
0x63: {  	_ =	shalt  }
0x64: {  	_ =	shalt  }
0x65: {  	_ =	shalt  }
0x66: {  	_ =	shalt  }
0x67: {  	_ =	shalt  }
0x68: {  	_ =	shalt  }
0x69: {  	_ =	shalt  }
0x6a: {  	_ =	shalt  }
0x6b: {  	_ =	shalt  }
0x6c: {  	_ =	shalt  }
0x6d: {  	_ =	shalt  }
0x6e: {  	_ =	shalt  }
0x6f: {  	_ =	shalt  }
0x70: {  	_ =	shalt  }
0x71: {  	_ =	shalt  }
0x72: {  	_ =	shalt  }
0x73: {  	_ =	shalt  }
0x74: {  	_ =	shalt  }
0x75: {  	_ =	shalt  }
0x76: {  	_ =	shalt  }
0x77: {  	_ =	shalt  }
0x78: {  	_ =	shalt  }
0x79: {  	_ =	shalt  }
0x7a: {  	_ =	shalt  }
0x7b: {  	_ =	shalt  }
0x7c: {  	_ =	shalt  }
0x7d: {  	_ =	shalt  }
0x7e: {  	_ =	shalt  }
0x7f: {  	_ =	shalt  }
0x80: {  	_ =	shalt  }
0x81: {  	_ =	shalt  }
0x82: {  	_ =	shalt  }
0x83: {  	_ =	shalt  }
0x84: {  	_ =	shalt  }
0x85: {  	_ =	shalt  }
0x86: {  	_ =	shalt  }
0x87: {  	_ =	shalt  }
.Lfunc_end0:
.L_simem_size_0:
called_computation_lowered:
.L_overlay_start_0:
0x88: {  	s2 =	sld [smem:$0x3FD9]  }
0x89: {  	s3 =	sld [smem:$0x3FFE];
	_ =	sdelay $0x1  }
0x8a: {  	s1 =	srdreg.scid  }
0x8b: {  	s0 =	sand.u32 $0x1, s1  }
0x8c: {  	s18 =	sshll.u32 s0, $0xA;
	s2 =	sadd.s32 s3, s2  }
0x8d: {  	s2 =	sadd.s32 s2, s18  }
0x8e: {  	[smem:$0x3FC6] =	sst s2  }
0x8f: {  	_ = 	snop  }
0x90: {  	s2 =	sld [smem:$0x3FC9]  }
0x91: {  	s19 =	sld [smem:$0x3FC8]  }
0x92: {  	s4 =	sld [smem:$0x3FD0];
	(tm) =	ssettm $0x1  }
0x93: {  	s5 =	sld [smem:$0x3FFB];
	_ =	sdelay $0x3  }
0x94: {  	_ =	strace s5  }
0x95: {  	s5 =	sld [smem:$0x3FFC];
	_ =	sdelay $0x3  }
0x96: {  	_ =	strace s5  }
0x97: {  	s5 =	sld [smem:$0x3FFD];
	_ =	sdelay $0x3  }
0x98: {  	_ =	strace s5  }
0x99: {  	_ =	strace $0x8FFFFFFF  }
0x9a: {  	s20 =	sld [smem:$0x3FDB];
	_ =	sdelay $0x1  }
0x9b: {  	s6 =	simm.s32 $_scs_section_size  }
0x9c: {  	s7 =	simm.s32 $_size__tile_overlayer_lowered;
	s8 =	simm.s32 $_tile_overlayer_lowered  }
0x9d: {  	s23 =	simm.s32 $0x1BFF;
	s22 =	sshll.u32 s8, $0x1;
	s5 =	sadd.s32 s6, s20  }
0x9e: {  	s9 =	simm.s32 $0x0;
	s21 =	sshll.u32 s7, $0x1;
	s7 =	sadd.s32 s22, s5  }
0x9f: {  	[timem:s9], [sflag:s23] =	dma.local [hbm:s7], s21  }
0xa0: {  	_ =	swait.ge [sflag:s23], s21  }
0xa1: {  	s6 =	ssub.s32 $0x0, s21;
	[sflag:s23] =	ssyncset.done $0x0  }
0xa2: {  	[sflag:s23] =	ssyncadd.s32 s6;
	_ =	sdelay $0x1  }
0xa3: {  	s24 =	simm.s32 $0x1B8B  }
0xa4: {  	_ =	swait.ge [sflag:s24], $0x1  }
0xa5: {  	[sflag:s24] =	ssyncset.done $0x0  }
0xa6: {  	s25 =	simm.s32 $0x1B8E;
	[sflag:s24] =	ssyncadd.s32 $0xFFFFFFFF  }
0xa7: {  	s26 =	simm.s32 $execute0_lowered;
	[smem:$0x3FD2] =	sst s25  }
0xa8: {  	s6 =	sshll.u32 s26, $0x1;
	_ =	strace $0x80000046;
	[dreg:$0x1] =	wrdreg $0xFFFFFFFF  }
0xa9: {  	s28 =	simm.s32 $_size_execute0_lowered;
	s5 =	sadd.s32 s5, s6;
	[dreg:$0x0] =	wrdreg $0x0  }
0xaa: {  	s6 =	sshll.u32 s28, $0x1;
	[dreg:$0x2] =	wrdreg s5  }
0xab: {  	[dreg:$0x3] =	wrdreg s6  }
0xac: {  	[dreg:$0x4] =	wrdreg $0xC0  }
0xad: {  	_ =	task [dreg:s9], $0x5FFFF  }
0xae: {  	[dreg:$0x1] =	wrdreg $0xFFFFFFFF  }
0xaf: {  	[dreg:$0x0] =	wrdreg $0x60  }
0xb0: {  	[dreg:$0x2] =	wrdreg s2  }
0xb1: {  	[dreg:$0x3] =	wrdreg s19  }
0xb2: {  	[dreg:$0x4] =	wrdreg s4  }
0xb3: {  	[dreg:$0x5] =	wrdreg $0x1D2000  }
0xb4: {  	[dreg:$0x6] =	wrdreg $0x9  }
0xb5: {  	_ =	task.clear_ibuf [dreg:s9], $0x7FFFF;
	_ =	strace $0x90000046  }
0xb6: {  	s29 =	simm.s32 $0x9;
	_ =	strace $0x80000048  }
0xb7: {  	_ =	swait.ge [sflag:s29], $0x1  }
0xb8: {  	[sflag:s29] =	ssyncadd.s32 $0xFFFFFFFF  }
0xb9: {  	_ =	strace $0x90000048  }
0xba: {  	_ =	sfence  }
0xbb: {  	s30 =	sld [smem:$0x0];
	_ =	sdelay $0x2  }
0xbc: {  	s31 =	sshll.u32 s1, $0xD;
	s1 =	sshrl.u32 s1, $0x2  }
0xbd: {  	s3 =	sand.u32 $0x4000, s31;
	s1 =	sadd.s32 s1, s30  }
0xbe: {  	s0 =	sor.u32 s3, s0;
	s1 =	sshll.u32 s1, $0x11  }
0xbf: {  	s0 =	sor.u32 s1, s0  }
0xc0: {  	s0 =	sadd.s32 $0x8F2B, s0  }
0xc1: {  	[sflag:s0] =	ssyncadd.remote.s32 $0x1  }
0xc2: {  	_ =	sfence.sel $0xFFFF  }
0xc3: {  	[dreg:$0x0] =	wrdreg $0xFFFFFFFF;
	(pc) =	sbr.abs _section_cstart, $3  }
0xc4: {  	[dreg:$0x1] =	wrdreg $0xFFFFFFFF  }
0xc5: {  	_ =	task.clear_ibuf [dreg:s9], $0x2FFFF;
	_ =	strace $0x9FFFFFFF  }
0xc6: {  	(tm) =	ssettm $0x7FFFFFFF  }
0xc7: {  	_ =	shalt  }
tec
execute0_lowered:
.L_overlay_start_1:
0x0: {  	(tag) =	ssettag $0x1  }
0x1: {  	s0 =	rddreg [dreg:$0x0]  }
0x2: {  	s2 =	rddreg [dreg:$0x1]  }
0x3: {  	s4 =	rddreg [dreg:$0x2];
	s3 =	simm.s32 $0x0;
	vm0 =	vmmov $0x1;
	v4 =	vimm.s32 $0x0  }
0x4: {  	[smem:$0x7FF] =	sst s3;
	v4 =	vsel vm0, $0xFFFFFFFF, v4  }
0x5: {  	s1 =	rddreg [dreg:$0x3];
	vm4 =	vmmov $0x3;
	_ =	strace $0x80000047;
	[tilespmem:$0x1FF10] =	vst v4;
	v4 =	vimm.s32 $0x0  }
0x6: {  	v4 =	vsel vm4, $0xFFFFFFFF, v4  }
0x7: {  	s5 =	srdreg.scid;
	s11 =	stileid.u32;
	vm5 =	vmmov $0x7;
	[tilespmem:$0x1FF20] =	vst v4;
	v4 =	vimm.s32 $0x0  }
0x8: {  	s28 =	simm.s32 $0x1;
	s29 =	simm.s32 $0x5;
	s30 =	simm.s32 $0xA000;
	v4 =	vsel vm5, $0xFFFFFFFF, v4  }
0x9: {  	vm6 =	vmmov $0xf;
	s31 =	simm.s32 $0x6;
	s5 =	sand.u32 $0x1, s5;
	s7 =	sshll.u32 s11, $0x2;
	[tilespmem:$0x1FF30] =	vst v4;
	v4 =	vimm.s32 $0x0  }
0xa: {  	s16 =	sshll.u32 s11, $0xB;
	s17 =	sshll.u32 s11, $0x8;
	s18 =	sshll.u32 s11, $0x6;
	v4 =	vsel vm6, $0xFFFFFFFF, v4  }
0xb: {  	vm7 =	vmmov $0x1f;
	s20 =	sadd.s32 $0x2000, s0;
	s6 =	ssub.s32 $0x2, s5;
	s5 =	sshll.u32 s5, $0x1;
	[tilespmem:$0x1FF40] =	vst v4;
	v4 =	vimm.s32 $0x0  }
0xc: {  	s12 =	sadd.s32 s16, s1;
	s2 =	sadd.s32 s2, s17;
	s8 =	sshrl.u32 s6, $0x1;
	v4 =	vsel vm7, $0xFFFFFFFF, v4  }
0xd: {  	vm8 =	vmmov $0x3f;
	s5 =	sor.u32 s5, s7;
	[dreg:$0x5] =	wrdreg s2;
	s2 =	sor.u32 $0x1C07, s18;
	[tilespmem:$0x1FF50] =	vst v4;
	v4 =	vimm.s32 $0x0  }
0xe: {  	s7 =	sadd.s32 $0x2000, s1;
	s18 =	simm.s32 $0x2000;
	s6 =	ssub.s32 s6, s8;
	v4 =	vsel vm8, $0xFFFFFFFF, v4  }
0xf: {  	vm9 =	vmmov $0x7f;
	s26 =	sshll.u32 s5, $0xF;
	s5 =	sshll.u32 s5, $0x7;
	[dreg:$0x6] =	wrdreg s2;
	[tilespmem:$0x1FF60] =	vst v4;
	v4 =	vimm.s32 $0x0  }
0x10: {  	s8 =	simm.s32 $0x3;
	s10 =	sand.u32 $0x1C0000, s26;
	s5 =	sand.u32 $0x300, s5;
	v4 =	vsel vm9, $0xFFFFFFFF, v4  }
0x11: {  	vm10 =	vmmov $0xff;
	s9 =	sor.u32 s5, s10;
	s21 =	sor.u32 s26, s5;
	s5 =	sor.u32 $0x80, s5;
	[tilespmem:$0x1FF70] =	vst v4;
	v4 =	vimm.s32 $0x0  }
0x12: {  	s13 =	sshrl.u32 s9, $0x3;
	s11 =	sshrl.u32 s21, $0x3;
	s10 =	sor.u32 s10, s5;
	v4 =	vsel vm10, $0xFFFFFFFF, v4  }
0x13: {  	vm11 =	vmmov $0x1ff;
	s5 =	sor.u32 s26, s5;
	s21 =	smax.u32 s6, $0x1;
	s6 =	simm.s32 $0x15180;
	[tilespmem:$0x1FF80] =	vst v4;
	v4 =	vimm.s32 $0x0  }
0x14: {  	s19 =	sadd.s32 s0, s13;
	s9 =	sadd.s32 s13, s20;
	s14 =	sor.u32 $0x4000, s13;
	v4 =	vsel vm11, $0xFFFFFFFF, v4  }
0x15: {  	vm12 =	vmmov $0x3ff;
	s22 =	sor.u32 $0x6000, s11;
	s11 =	sadd.s32 $0x6000, s1;
	s13 =	sadd.s32 s4, s13;
	[tilespmem:$0x1FF90] =	vst v4;
	v4 =	vimm.s32 $0x0  }
0x16: {  	s10 =	sshrl.u32 s10, $0x3;
	s5 =	sshrl.u32 s5, $0x3;
	[dreg:$0x7] =	wrdreg s19;
	v4 =	vsel vm12, $0xFFFFFFFF, v4  }
0x17: {  	vm13 =	vmmov $0x7ff;
	[dreg:$0x8] =	wrdreg s9;
	s9 =	sadd.s32 $0x4000, s1;
	s15 =	sadd.s32 s0, s14;
	[tilespmem:$0x1FFA0] =	vst v4;
	v4 =	vimm.s32 $0x0  }
0x18: {  	[dreg:$0xb] =	wrdreg s13;
	s23 =	sadd.s32 s4, s14;
	s24 =	sadd.s32 s0, s10;
	v4 =	vsel vm13, $0xFFFFFFFF, v4  }
0x19: {  	vm14 =	vmmov $0xfff;
	s2 =	sadd.s32 s10, s20;
	s25 =	sor.u32 $0x4000, s10;
	[dreg:$0x9] =	wrdreg s15;
	[tilespmem:$0x1FFB0] =	vst v4;
	v4 =	vimm.s32 $0x0  }
0x1a: {  	s5 =	sor.u32 $0x6000, s5;
	s19 =	sadd.s32 s4, s10;
	[dreg:$0xc] =	wrdreg s23;
	v4 =	vsel vm14, $0xFFFFFFFF, v4  }
0x1b: {  	vm15 =	vmmov $0x1fff;
	s10 =	simm.s32 $0x4;
	s15 =	sadd.s32 s0, s22;
	[dreg:$0xd] =	wrdreg s24;
	[tilespmem:$0x1FFC0] =	vst v4;
	v4 =	vimm.s32 $0x0  }
0x1c: {  	[dreg:$0xe] =	wrdreg s2;
	s26 =	sadd.s32 s0, s25;
	s0 =	sadd.s32 s0, s5;
	v4 =	vsel vm15, $0xFFFFFFFF, v4  }
.Ltmp0:
0x1d: {  	vm2 =	vmmov $0x3fff;
	s20 =	sadd.s32 s4, s25;
	s22 =	sshrl.u32 s12, $0x3;
	[tilespmem:$0x1FFD0] =	vst v4;
	v4 =	vimm.s32 $0x0;
	(pc) =	sbr.rel .LBB2_1-.Ltmp0, $4  }
0x1e: {  	v0 =	vlaneseq.u32;
	s23 =	simm.s32 $0x7;
	s24 =	simm.s32 $0x8000;
	s25 =	simm.s32 $0x80;
	v4 =	vsel vm2, $0xFFFFFFFF, v4  }
0x1f: {  	vm3 =	vmmov $0x7fff;
	v2 =	vmul.u32 $0xFFFFFFFF, v0;
	s2 =	simm.s32 $0x2;
	s4 =	simm.s32 $0x4000;
	[dreg:$0xa] =	wrdreg s15;
	[tilespmem:$0x1FFE0] =	vst v4;
	v4 =	vimm.s32 $0x0  }
0x20: {  	v1 =	vimm.s32 $0x1;
	s5 =	simm.s32 $0xD100;
	s12 =	simm.s32 $0x0;
	[dreg:$0xf] =	wrdreg s26;
	v4 =	vsel vm3, $0xFFFFFFFF, v4  }
0x21: {  	v3 =	vimm.f32 $0.0e+00;
	v0 =	vimm.s32 $0x0;
	v2 =	vadd.s32 $0xF, v2;
	[dreg:$0x10] =	wrdreg s0;
	s26 =	simm.s32 $0x400;
	s0 =	simm.s32 $0xC000;
	[tilespmem:$0x1FFF0] =	vst v4  }
.LBB2_54:
0x22: {  	v9 =	vlaneseq.u32;
	s14 =	simm.s32 $0x15180  }
.LBB2_58:
0x23: {  	v9 =	vadd.s32 @p1 $0x10, v9  }
0x24: {  	v5 =	vpsel p1, v9, v5  }
0x25: {  	vm1 =	veq.s32 v7, v4;
	vm0 =	vlt.s32 v5, v21  }
0x26: {  	vm1 =	vmand vm0, vm1  }
0x27: {  	v5 =	vsel vm1, $0x1, v0  }
0x28: {  	(xrf0) =	vadd.scan.msk.s32 $0xffff, v5;
	_ =	sdelay $0x5  }
0x29: {  	s14 =	sadd.s32 @p1 $0x10, s14;
	v5, _, _ =	vpop (xrf0)  }
0x2a: {  	s13 =	smov.u32 @p1 s14;
	v5 =	vadd.s32 v8, v5  }
0x2b: {  	vm2 =	vgt.s32 v7, v4;
	v4 =	vld [tilespmem:s13+$0x0];
	vm3 =	vle.s32 v5, v6  }
0x2c: {  	vm0 =	vmand vm0, vm2;
	vm1 =	vmand vm1, vm3  }
0x2d: {  	vm0 =	vmor vm0, vm1;
	_ =	sdelay $0x5  }
0x2e: {  	[tilespmem:v4+s3+$0x0] =	vst.idx.msk vm0, v3;
	v4 =	vld [tilespmem:$0x1FFE0];
	_ =	sdelay $0x4  }
0x2f: {  	vm2 =	vnez.u8 v4;
	v4 =	vld [tilespmem:$0x1FFF0];
	_ =	sdelay $0x4  }
0x30: {  	vm3 =	vnez.u8 v4  }
.LBB2_59:
0x31: {  	[hbm4b:s19+s25] =	stream.strided.scatter [tilespmem:s3], [sflag:$0x3], $0x4000, s26, s25, $0x38;
	[tilespmem:$0x1DA00] =	vst v63  }
0x32: {  	_ = 	snop  }
0x33: {  	[hbm4b:s20+s25] =	stream.strided.scatter [tilespmem:s4], [sflag:$0x4], $0x4000, s26, s25, $0x38;
	[tilespmem:$0x1DA00] =	vst v63  }
0x34: {  	_ =	swait.ge [sflag:s8], $0x4000  }
0x35: {  	[sflag:s8] =	ssyncset.done $0x0  }
0x36: {  	[sflag:s8] =	ssyncadd.s32 $0xFFFFC000  }
0x37: {  	s12 =	sadd.s32 $0x1, s12;
	_ =	swait.ge [sflag:s10], $0x4000  }
0x38: {  	p0 =	sne.s32 s12, s21;
	v4 =	vld [tilespmem:$0x1FF10]  }
.Ltmp1:
0x39: {  	_ = 	snop;
	(pc) =	sbr.rel @!p0 .LBB2_60-.Ltmp1, $3  }
0x3a: {  	_ =	sdelay $0x1  }
0x3b: {  	[sflag:s10] =	ssyncset.done $0x0  }
0x3c: {  	[sflag:s10] =	ssyncadd.s32 $0xFFFFC000;
	vm0 =	vnez.u8 v4  }
.LBB2_1:
0x3d: {  	s13 =	rddreg [dreg:$0x5]  }
0x3e: {  	s14 =	rddreg [dreg:$0x6]  }
0x3f: {  	[spmem:s22], [sflag:s14] =	dma.local [hbm:s13], $0x100  }
0x40: {  	_ =	swait.ge [sflag:s23], $0x100  }
0x41: {  	[sflag:s23] =	ssyncset.done $0x0  }
0x42: {  	[sflag:s23] =	ssyncadd.s32 $0xFFFFFF00  }
0x43: {  	[bflag:$0x0] =	sbarrier.arrive $0xFFFF  }
0x44: {  	[tilespmem:s24], [sflag:$0x1] =	stream.linear.gather [spmem:s1], $0x2000, $0x38;
	[tilespmem:$0x1DA00] =	vst v63  }
0x45: {  	s13 =	simm.s32 $0xC040;
	s17 =	rddreg [dreg:$0x7]  }
0x46: {  	[tilespmem:s3], [sflag:$0x5] =	stream.strided.gather [hbm4b:s17+s25], $0x2000, s26, s25, $0x38;
	[tilespmem:$0x1DA00] =	vst v63  }
0x47: {  	[tilespmem:s13+$0xFFFFFFC0] =	vst v0  }
0x48: {  	[tilespmem:s13+$0x30] =	vst v0  }
0x49: {  	[tilespmem:s13+$0x20] =	vst v0  }
0x4a: {  	[tilespmem:s13+$0x10] =	vst v0  }
0x4b: {  	[tilespmem:s13+$0x0] =	vst v0  }
0x4c: {  	[tilespmem:s13+$0xFFFFFFF0] =	vst v0  }
0x4d: {  	s14 =	simm.s32 $0x0;
	[tilespmem:s13+$0xFFFFFFE0] =	vst v0  }
.LBB2_2:
0x4e: {  	s14 =	sadd.s32 $0x8, s14;
	[tilespmem:s13+$0xFFFFFFD0] =	vst v0;
	s13 =	sadd.s32 $0x80, s13  }
0x4f: {  	[tilespmem:s13+$0xFFFFFFC0] =	vst v0;
	p0 =	slt.u32 s14, $0xF8  }
0x50: {  	[tilespmem:s13+$0x30] =	vst v0  }
.Ltmp2:
0x51: {  	[tilespmem:s13+$0x20] =	vst v0;
	(pc) =	sbr.rel @p0 .LBB2_2-.Ltmp2, $4  }
0x52: {  	[tilespmem:s13+$0x10] =	vst v0  }
0x53: {  	[tilespmem:s13+$0x0] =	vst v0  }
0x54: {  	[tilespmem:s13+$0xFFFFFFF0] =	vst v0  }
0x55: {  	[tilespmem:s13+$0xFFFFFFE0] =	vst v0  }
0x56: {  	[tilespmem:s13+$0xFFFFFFD0] =	vst v0  }
0x57: {  	_ =	swait.ge [sflag:s28], $0x2000  }
0x58: {  	[sflag:s28] =	ssyncset.done $0x0  }
0x59: {  	[sflag:s28] =	ssyncadd.s32 $0xFFFFE000  }
0x5a: {  	_ =	swait.ge [sflag:s29], $0x2000  }
0x5b: {  	[sflag:s29] =	ssyncset.done $0x0  }
0x5c: {  	[sflag:s29] =	ssyncadd.s32 $0xFFFFE000  }
0x5d: {  	[tilespmem:s30], [sflag:$0x2] =	stream.linear.gather [spmem:s7], $0x2000, $0x38;
	[tilespmem:$0x1DA00] =	vst v63  }
0x5e: {  	s14 =	simm.s32 $0x8040;
	s17 =	rddreg [dreg:$0x8]  }
0x5f: {  	[tilespmem:s18], [sflag:$0x6] =	stream.strided.gather [hbm4b:s17+s25], $0x2000, s26, s25, $0x38;
	[tilespmem:$0x1DA00] =	vst v63  }
0x60: {  	s13 =	simm.s32 $0x40;
	v6 =	vld [tilespmem:s14+$0xFFFFFFE0]  }
0x61: {  	v5 =	vld [tilespmem:s13+$0xFFFFFFC0]  }
0x62: {  	v4 =	vld [tilespmem:s14+$0x20]  }
0x63: {  	v7 =	vld [tilespmem:s14+$0x30]  }
0x64: {  	v8 =	vld [tilespmem:s13+$0x30]  }
0x65: {  	v11 =	vld [tilespmem:s13+$0xFFFFFFD0]  }
0x66: {  	v12 =	vld [tilespmem:s14+$0xFFFFFFD0]  }
0x67: {  	v15 =	vld [tilespmem:s14+$0xFFFFFFC0]  }
0x68: {  	v10 =	vld [tilespmem:s14+$0x0]  }
0x69: {  	v9 =	vld [tilespmem:s13+$0x20]  }
0x6a: {  	v13 =	vld [tilespmem:s13+$0x0]  }
0x6b: {  	v14 =	vld [tilespmem:s13+$0x10]  }
0x6c: {  	v17 =	vld [tilespmem:s14+$0x10];
	v15 =	vmul.f32 v15, v5;
	v5 =	vmul.f32 v12, v11  }
0x6d: {  	v16 =	vld [tilespmem:s13+$0xFFFFFFE0]  }
0x6e: {  	v12 =	vld [tilespmem:s14+$0xFFFFFFF0];
	v11 =	vand.u32 $0x7FFFFFFF, v15;
	[tilespmem:s13+$0xFFFFFFD0] =	vst v5;
	v18 =	vand.u32 $0x7FFFFFFF, v5  }
0x6f: {  	s15 =	simm.s32 $0xC0;
	s16 =	simm.s32 $0x80C0;
	s14 =	simm.s32 $0x0;
	[tilespmem:s13+$0xFFFFFFC0] =	vst v15;
	v15 =	vld [tilespmem:s13+$0xFFFFFFF0];
	v5 =	vshrl.u32 v11, $0x13;
	v11 =	vshrl.u32 v18, $0x13  }
.LBB2_4:
0x70: {  	v18 =	vld [tilespmem:s16+$0xFFFFFFE0];
	s14 =	sadd.s32 $0x8, s14;
	v10 =	vmul.f32 v10, v13;
	v13 =	vmul.f32 v7, v8  }
0x71: {  	v19 =	vld [tilespmem:s15+$0xFFFFFFC0];
	p0 =	slt.u32 s14, $0x1F8;
	v8 =	vmul.f32 v17, v14  }
0x72: {  	v9 =	vmul.f32 v4, v9;
	[tilespmem:s13+$0x0] =	vst v10;
	v10 =	vand.u32 $0x7FFFFFFF, v10;
	v4 =	vld [tilespmem:s16+$0x20];
	v14 =	vand.u32 $0x7FFFFFFF, v13  }
0x73: {  	v7 =	vld [tilespmem:s16+$0x30];
	v20 =	vmul.f32 v6, v16;
	[tilespmem:s13+$0x10] =	vst v8;
	v16 =	vand.u32 $0x7FFFFFFF, v8;
	v14 =	vshrl.u32 v14, $0x13  }
0x74: {  	v8 =	vld [tilespmem:s15+$0x30];
	v12 =	vmul.f32 v12, v15;
	v15 =	vshrl.u32 v16, $0x13;
	v16 =	vand.u32 $0x7FFFFFFF, v9;
	[tilespmem:s13+$0x30] =	vst v13  }
0x75: {  	v13 =	vld [tilespmem:s15+$0xFFFFFFD0];
	[tilespmem:s13+$0xFFFFFFE0] =	vst v20;
	v17 =	vand.u32 $0x7FFFFFFF, v20;
	v16 =	vshrl.u32 v16, $0x13;
	v6 =	vmov v18  }
0x76: {  	v18 =	vshrl.u32 v10, $0x13;
	[tilespmem:v11+s0+$0x0] =	vst.idx.add.s32.msk $0xffff, v1;
	v11 =	vshrl.u32 v17, $0x13;
	v17 =	vand.u32 $0x7FFFFFFF, v12  }
0x77: {  	v20 =	vld [tilespmem:s16+$0xFFFFFFD0];
	[tilespmem:s13+$0x20] =	vst v9  }
0x78: {  	v17 =	vshrl.u32 v17, $0x13;
	[tilespmem:v14+s0+$0x0] =	vst.idx.add.s32.msk $0xffff, v1  }
0x79: {  	[tilespmem:v15+s0+$0x0] =	vst.idx.add.s32.msk $0xffff, v1  }
0x7a: {  	v10 =	vld [tilespmem:s16+$0x0];
	[tilespmem:s13+$0xFFFFFFF0] =	vst v12;
	s13 =	smov.u32 s15  }
0x7b: {  	v12 =	vld [tilespmem:s16+$0xFFFFFFC0]  }
0x7c: {  	[tilespmem:v18+s0+$0x0] =	vst.idx.add.s32.msk $0xffff, v1  }
0x7d: {  	v9 =	vld [tilespmem:s15+$0x20]  }
0x7e: {  	[tilespmem:v17+s0+$0x0] =	vst.idx.add.s32.msk $0xffff, v1  }
0x7f: {  	[tilespmem:v11+s0+$0x0] =	vst.idx.add.s32.msk $0xffff, v1  }
0x80: {  	v11 =	vmul.f32 v12, v19;
	[tilespmem:v16+s0+$0x0] =	vst.idx.add.s32.msk $0xffff, v1  }
0x81: {  	v12 =	vmul.f32 v20, v13;
	v13 =	vld [tilespmem:s15+$0x0]  }
0x82: {  	v14 =	vand.u32 $0x7FFFFFFF, v11;
	[tilespmem:v5+s0+$0x0] =	vst.idx.add.s32.msk $0xffff, v1  }
.Ltmp3:
0x83: {  	v5 =	vshrl.u32 v14, $0x13;
	[tilespmem:s15+$0xFFFFFFD0] =	vst v12;
	v12 =	vand.u32 $0x7FFFFFFF, v12;
	v14 =	vld [tilespmem:s15+$0x10];
	(pc) =	sbr.rel @p0 .LBB2_4-.Ltmp3, $4  }
0x84: {  	[tilespmem:s15+$0xFFFFFFC0] =	vst v11;
	v17 =	vld [tilespmem:s16+$0x10]  }
0x85: {  	v11 =	vshrl.u32 v12, $0x13;
	v12 =	vld [tilespmem:s16+$0xFFFFFFF0]  }
0x86: {  	v16 =	vld [tilespmem:s15+$0xFFFFFFE0]  }
0x87: {  	s16 =	sadd.s32 $0x80, s16;
	s15 =	sadd.s32 $0x80, s15;
	v15 =	vld [tilespmem:s13+$0xFFFFFFF0]  }
0x88: {  	_ =	sdelay $0x3  }
0x89: {  	v10 =	vmul.f32 v10, v13;
	v7 =	vmul.f32 v7, v8;
	[tilespmem:v11+s0+$0x0] =	vst.idx.add.s32.msk $0xffff, v1  }
0x8a: {  	[tilespmem:v5+s0+$0x0] =	vst.idx.add.s32.msk $0xffff, v1  }
0x8b: {  	v4 =	vmul.f32 v4, v9;
	[tilespmem:s13+$0x0] =	vst v10;
	v13 =	vand.u32 $0x7FFFFFFF, v7  }
0x8c: {  	v8 =	vmul.f32 v17, v14;
	[tilespmem:s13+$0x30] =	vst v7;
	v7 =	vand.u32 $0x7FFFFFFF, v10;
	v13 =	vshrl.u32 v13, $0x13  }
0x8d: {  	[tilespmem:s13+$0x20] =	vst v4;
	v4 =	vand.u32 $0x7FFFFFFF, v4;
	v6 =	vmul.f32 v6, v16;
	v7 =	vshrl.u32 v7, $0x13  }
0x8e: {  	[tilespmem:s13+$0x10] =	vst v8;
	v8 =	vand.u32 $0x7FFFFFFF, v8;
	v4 =	vshrl.u32 v4, $0x13;
	v12 =	vmul.f32 v12, v15  }
0x8f: {  	v8 =	vshrl.u32 v8, $0x13;
	[tilespmem:s13+$0xFFFFFFE0] =	vst v6;
	v6 =	vand.u32 $0x7FFFFFFF, v6  }
0x90: {  	v9 =	vand.u32 $0x7FFFFFFF, v12;
	v6 =	vshrl.u32 v6, $0x13;
	[tilespmem:s13+$0xFFFFFFF0] =	vst v12  }
0x91: {  	v9 =	vshrl.u32 v9, $0x13;
	[tilespmem:v13+s0+$0x0] =	vst.idx.add.s32.msk $0xffff, v1  }
0x92: {  	[tilespmem:v7+s0+$0x0] =	vst.idx.add.s32.msk $0xffff, v1  }
0x93: {  	[tilespmem:v4+s0+$0x0] =	vst.idx.add.s32.msk $0xffff, v1  }
0x94: {  	[tilespmem:v8+s0+$0x0] =	vst.idx.add.s32.msk $0xffff, v1  }
0x95: {  	[tilespmem:v6+s0+$0x0] =	vst.idx.add.s32.msk $0xffff, v1  }
0x96: {  	[tilespmem:v9+s0+$0x0] =	vst.idx.add.s32.msk $0xffff, v1  }
0x97: {  	_ =	swait.ge [sflag:s2], $0x2000  }
0x98: {  	[sflag:s2] =	ssyncset.done $0x0  }
0x99: {  	[sflag:s2] =	ssyncadd.s32 $0xFFFFE000  }
0x9a: {  	_ =	swait.ge [sflag:s31], $0x2000  }
0x9b: {  	[sflag:s31] =	ssyncset.done $0x0  }
0x9c: {  	[sflag:s31] =	ssyncadd.s32 $0xFFFFE000  }
0x9d: {  	[tilespmem:s24], [sflag:$0x1] =	stream.linear.gather [spmem:s9], $0x2000, $0x38;
	[tilespmem:$0x1DA00] =	vst v63  }
0x9e: {  	s14 =	simm.s32 $0xA040;
	s18 =	rddreg [dreg:$0x9]  }
0x9f: {  	[tilespmem:s4], [sflag:$0x5] =	stream.strided.gather [hbm4b:s18+s25], $0x2000, s26, s25, $0x38;
	[tilespmem:$0x1DA00] =	vst v63  }
0xa0: {  	s13 =	simm.s32 $0x2070;
	v6 =	vld [tilespmem:s14+$0xFFFFFFE0]  }
0xa1: {  	v5 =	vld [tilespmem:s13+$0xFFFFFF90]  }
0xa2: {  	v4 =	vld [tilespmem:s14+$0x20]  }
0xa3: {  	v7 =	vld [tilespmem:s14+$0x30]  }
0xa4: {  	v8 =	vld [tilespmem:s13+$0x0]  }
0xa5: {  	v11 =	vld [tilespmem:s13+$0xFFFFFFA0]  }
0xa6: {  	v12 =	vld [tilespmem:s14+$0xFFFFFFD0]  }
0xa7: {  	v15 =	vld [tilespmem:s14+$0xFFFFFFC0]  }
0xa8: {  	v10 =	vld [tilespmem:s14+$0x0]  }
0xa9: {  	v9 =	vld [tilespmem:s13+$0xFFFFFFF0]  }
0xaa: {  	v13 =	vld [tilespmem:s13+$0xFFFFFFD0]  }
0xab: {  	v14 =	vld [tilespmem:s13+$0xFFFFFFE0]  }
0xac: {  	v17 =	vld [tilespmem:s14+$0x10];
	v15 =	vmul.f32 v15, v5;
	v5 =	vmul.f32 v12, v11  }
0xad: {  	v16 =	vld [tilespmem:s13+$0xFFFFFFB0]  }
0xae: {  	v12 =	vld [tilespmem:s14+$0xFFFFFFF0];
	v11 =	vand.u32 $0x7FFFFFFF, v15;
	[tilespmem:s13+$0xFFFFFFA0] =	vst v5;
	v18 =	vand.u32 $0x7FFFFFFF, v5  }
0xaf: {  	s15 =	simm.s32 $0x20F0;
	s16 =	simm.s32 $0xA0C0;
	s14 =	simm.s32 $0x0;
	[tilespmem:s13+$0xFFFFFF90] =	vst v15;
	v15 =	vld [tilespmem:s13+$0xFFFFFFC0];
	v5 =	vshrl.u32 v11, $0x13;
	v11 =	vshrl.u32 v18, $0x13  }
.LBB2_6:
0xb0: {  	v18 =	vld [tilespmem:s16+$0xFFFFFFE0];
	s14 =	sadd.s32 $0x8, s14;
	v10 =	vmul.f32 v10, v13;
	v13 =	vmul.f32 v7, v8  }
0xb1: {  	v19 =	vld [tilespmem:s15+$0xFFFFFF90];
	p0 =	slt.u32 s14, $0x1F8;
	v8 =	vmul.f32 v17, v14  }
0xb2: {  	v9 =	vmul.f32 v4, v9;
	[tilespmem:s13+$0xFFFFFFD0] =	vst v10;
	v10 =	vand.u32 $0x7FFFFFFF, v10;
	v4 =	vld [tilespmem:s16+$0x20];
	v14 =	vand.u32 $0x7FFFFFFF, v13  }
0xb3: {  	v7 =	vld [tilespmem:s16+$0x30];
	v20 =	vmul.f32 v6, v16;
	[tilespmem:s13+$0xFFFFFFE0] =	vst v8;
	v16 =	vand.u32 $0x7FFFFFFF, v8;
	v14 =	vshrl.u32 v14, $0x13  }
0xb4: {  	v8 =	vld [tilespmem:s15+$0x0];
	v12 =	vmul.f32 v12, v15;
	v15 =	vshrl.u32 v16, $0x13;
	v16 =	vand.u32 $0x7FFFFFFF, v9;
	[tilespmem:s13+$0x0] =	vst v13  }
0xb5: {  	v13 =	vld [tilespmem:s15+$0xFFFFFFA0];
	[tilespmem:s13+$0xFFFFFFB0] =	vst v20;
	v17 =	vand.u32 $0x7FFFFFFF, v20;
	v16 =	vshrl.u32 v16, $0x13;
	v6 =	vmov v18  }
0xb6: {  	v18 =	vshrl.u32 v10, $0x13;
	[tilespmem:v11+s0+$0x0] =	vst.idx.add.s32.msk $0xffff, v1;
	v11 =	vshrl.u32 v17, $0x13;
	v17 =	vand.u32 $0x7FFFFFFF, v12  }
0xb7: {  	v20 =	vld [tilespmem:s16+$0xFFFFFFD0];
	[tilespmem:s13+$0xFFFFFFF0] =	vst v9  }
0xb8: {  	v17 =	vshrl.u32 v17, $0x13;
	[tilespmem:v14+s0+$0x0] =	vst.idx.add.s32.msk $0xffff, v1  }
0xb9: {  	[tilespmem:v15+s0+$0x0] =	vst.idx.add.s32.msk $0xffff, v1  }
0xba: {  	v10 =	vld [tilespmem:s16+$0x0];
	[tilespmem:s13+$0xFFFFFFC0] =	vst v12;
	s13 =	smov.u32 s15  }
0xbb: {  	v12 =	vld [tilespmem:s16+$0xFFFFFFC0]  }
0xbc: {  	[tilespmem:v18+s0+$0x0] =	vst.idx.add.s32.msk $0xffff, v1  }
0xbd: {  	v9 =	vld [tilespmem:s15+$0xFFFFFFF0]  }
0xbe: {  	[tilespmem:v17+s0+$0x0] =	vst.idx.add.s32.msk $0xffff, v1  }
0xbf: {  	[tilespmem:v11+s0+$0x0] =	vst.idx.add.s32.msk $0xffff, v1  }
0xc0: {  	v11 =	vmul.f32 v12, v19;
	[tilespmem:v16+s0+$0x0] =	vst.idx.add.s32.msk $0xffff, v1  }
0xc1: {  	v12 =	vmul.f32 v20, v13;
	v13 =	vld [tilespmem:s15+$0xFFFFFFD0]  }
0xc2: {  	v14 =	vand.u32 $0x7FFFFFFF, v11;
	[tilespmem:v5+s0+$0x0] =	vst.idx.add.s32.msk $0xffff, v1  }
.Ltmp4:
0xc3: {  	v5 =	vshrl.u32 v14, $0x13;
	[tilespmem:s15+$0xFFFFFFA0] =	vst v12;
	v12 =	vand.u32 $0x7FFFFFFF, v12;
	v14 =	vld [tilespmem:s15+$0xFFFFFFE0];
	(pc) =	sbr.rel @p0 .LBB2_6-.Ltmp4, $4  }
0xc4: {  	[tilespmem:s15+$0xFFFFFF90] =	vst v11;
	v17 =	vld [tilespmem:s16+$0x10]  }
0xc5: {  	v11 =	vshrl.u32 v12, $0x13;
	v12 =	vld [tilespmem:s16+$0xFFFFFFF0]  }
0xc6: {  	v16 =	vld [tilespmem:s15+$0xFFFFFFB0]  }
0xc7: {  	s16 =	sadd.s32 $0x80, s16;
	s15 =	sadd.s32 $0x80, s15;
	v15 =	vld [tilespmem:s13+$0xFFFFFFC0]  }
0xc8: {  	_ =	sdelay $0x3  }
0xc9: {  	v10 =	vmul.f32 v10, v13;
	v7 =	vmul.f32 v7, v8;
	[tilespmem:v11+s0+$0x0] =	vst.idx.add.s32.msk $0xffff, v1  }
0xca: {  	[tilespmem:v5+s0+$0x0] =	vst.idx.add.s32.msk $0xffff, v1  }
0xcb: {  	v4 =	vmul.f32 v4, v9;
	[tilespmem:s13+$0xFFFFFFD0] =	vst v10;
	v13 =	vand.u32 $0x7FFFFFFF, v7  }
0xcc: {  	v8 =	vmul.f32 v17, v14;
	[tilespmem:s13+$0x0] =	vst v7;
	v7 =	vand.u32 $0x7FFFFFFF, v10;
	v13 =	vshrl.u32 v13, $0x13  }
0xcd: {  	[tilespmem:s13+$0xFFFFFFF0] =	vst v4;
	v4 =	vand.u32 $0x7FFFFFFF, v4;
	v6 =	vmul.f32 v6, v16;
	v7 =	vshrl.u32 v7, $0x13  }
0xce: {  	[tilespmem:s13+$0xFFFFFFE0] =	vst v8;
	v8 =	vand.u32 $0x7FFFFFFF, v8;
	v4 =	vshrl.u32 v4, $0x13;
	v12 =	vmul.f32 v12, v15  }
0xcf: {  	v8 =	vshrl.u32 v8, $0x13;
	[tilespmem:s13+$0xFFFFFFB0] =	vst v6;
	v6 =	vand.u32 $0x7FFFFFFF, v6  }
0xd0: {  	v9 =	vand.u32 $0x7FFFFFFF, v12;
	v6 =	vshrl.u32 v6, $0x13;
	[tilespmem:s13+$0xFFFFFFC0] =	vst v12  }
0xd1: {  	v9 =	vshrl.u32 v9, $0x13;
	[tilespmem:v13+s0+$0x0] =	vst.idx.add.s32.msk $0xffff, v1  }
0xd2: {  	[tilespmem:v7+s0+$0x0] =	vst.idx.add.s32.msk $0xffff, v1  }
0xd3: {  	[tilespmem:v4+s0+$0x0] =	vst.idx.add.s32.msk $0xffff, v1  }
0xd4: {  	[tilespmem:v8+s0+$0x0] =	vst.idx.add.s32.msk $0xffff, v1  }
0xd5: {  	[tilespmem:v6+s0+$0x0] =	vst.idx.add.s32.msk $0xffff, v1  }
0xd6: {  	[tilespmem:v9+s0+$0x0] =	vst.idx.add.s32.msk $0xffff, v1  }
0xd7: {  	_ =	swait.ge [sflag:s28], $0x2000  }
0xd8: {  	[sflag:s28] =	ssyncset.done $0x0  }
0xd9: {  	[sflag:s28] =	ssyncadd.s32 $0xFFFFE000  }
0xda: {  	_ =	swait.ge [sflag:s29], $0x2000  }
0xdb: {  	[sflag:s29] =	ssyncset.done $0x0  }
0xdc: {  	[sflag:s29] =	ssyncadd.s32 $0xFFFFE000  }
0xdd: {  	[tilespmem:s30], [sflag:$0x2] =	stream.linear.gather [spmem:s11], $0x2000, $0x38;
	[tilespmem:$0x1DA00] =	vst v63  }
0xde: {  	s14 =	simm.s32 $0x6000;
	s13 =	simm.s32 $0x0;
	s18 =	rddreg [dreg:$0xa]  }
0xdf: {  	[tilespmem:s14], [sflag:$0x6] =	stream.strided.gather [hbm4b:s18+s25], $0x2000, s26, s25, $0x38;
	[tilespmem:$0x1DA00] =	vst v63  }
0xe0: {  	v8 =	vld [tilespmem:s13+$0x8050]  }
0xe1: {  	v15 =	vld [tilespmem:s13+$0x8060]  }
0xe2: {  	v16 =	vld [tilespmem:s13+$0x4060]  }
0xe3: {  	v11 =	vld [tilespmem:s13+$0x4050]  }
0xe4: {  	v4 =	vld [tilespmem:s13+$0x8070]  }
0xe5: {  	v5 =	vld [tilespmem:s13+$0x4070]  }
0xe6: {  	v12 =	vld [tilespmem:s13+$0x8040]  }
0xe7: {  	v13 =	vld [tilespmem:s13+$0x4040]  }
0xe8: {  	v6 =	vld [tilespmem:s13+$0x8000]  }
0xe9: {  	v10 =	vld [tilespmem:s13+$0x4000]  }
0xea: {  	v9 =	vld [tilespmem:s13+$0x8030]  }
0xeb: {  	v7 =	vld [tilespmem:s13+$0x8020];
	v14 =	vmul.f32 v8, v11  }
0xec: {  	v17 =	vmul.f32 v12, v13;
	v11 =	vld [tilespmem:s13+$0x4030]  }
0xed: {  	v8 =	vld [tilespmem:s13+$0x4010];
	[tilespmem:s13+$0x4050] =	vst v14  }
0xee: {  	s15 =	simm.s32 $0x200;
	s14 =	simm.s32 $0x0;
	v12 =	vld [tilespmem:s13+$0x4020];
	v15 =	vmul.f32 v15, v16;
	v13 =	vand.u32 $0x7FFFFFFF, v17;
	v14 =	vand.u32 $0x7FFFFFFF, v14;
	[tilespmem:s13+$0x4040] =	vst v17  }
.LBB2_8:
0xef: {  	s16 =	sshra.s32 s15, $0x2;
	s14 =	sadd.s32 $0x8, s14;
	v16 =	vld [tilespmem:s13+$0x8010]  }
0xf0: {  	v14 =	vshrl.u32 v14, $0x13;
	v17 =	vld [tilespmem:s16+$0x8050];
	p0 =	slt.u32 s14, $0x1F8;
	[tilespmem:s13+$0x4060] =	vst v15;
	v15 =	vand.u32 $0x7FFFFFFF, v15  }
0xf1: {  	v6 =	vmul.f32 v6, v10;
	v18 =	vld [tilespmem:s16+$0x8060];
	v10 =	vshrl.u32 v15, $0x13  }
0xf2: {  	v9 =	vmul.f32 v9, v11;
	v11 =	vshrl.u32 v13, $0x13;
	v15 =	vld [tilespmem:s16+$0x4060]  }
0xf3: {  	v13 =	vld [tilespmem:s16+$0x4050];
	[tilespmem:s13+$0x4000] =	vst v6;
	v6 =	vand.u32 $0x7FFFFFFF, v6;
	v7 =	vmul.f32 v7, v12;
	v12 =	vmul.f32 v4, v5  }
0xf4: {  	v4 =	vld [tilespmem:s16+$0x8070];
	v19 =	vshrl.u32 v6, $0x13;
	v8 =	vmul.f32 v16, v8;
	[tilespmem:s13+$0x4030] =	vst v9;
	v6 =	vand.u32 $0x7FFFFFFF, v9  }
0xf5: {  	v5 =	vld [tilespmem:s16+$0x4070];
	[tilespmem:s13+$0x4020] =	vst v7;
	v7 =	vand.u32 $0x7FFFFFFF, v7;
	v9 =	vshrl.u32 v6, $0x13;
	v16 =	vand.u32 $0x7FFFFFFF, v12  }
0xf6: {  	v6 =	vld [tilespmem:s16+$0x8000];
	[tilespmem:s13+$0x4010] =	vst v8;
	v8 =	vand.u32 $0x7FFFFFFF, v8;
	v7 =	vshrl.u32 v7, $0x13;
	v16 =	vshrl.u32 v16, $0x13  }
0xf7: {  	v8 =	vshrl.u32 v8, $0x13;
	[tilespmem:v11+s0+$0x0] =	vst.idx.add.s32.msk $0xffff, v1  }
0xf8: {  	[tilespmem:v10+s0+$0x0] =	vst.idx.add.s32.msk $0xffff, v1  }
0xf9: {  	[tilespmem:v14+s0+$0x0] =	vst.idx.add.s32.msk $0xffff, v1  }
0xfa: {  	[tilespmem:v9+s0+$0x0] =	vst.idx.add.s32.msk $0xffff, v1  }
0xfb: {  	[tilespmem:v7+s0+$0x0] =	vst.idx.add.s32.msk $0xffff, v1  }
0xfc: {  	[tilespmem:v8+s0+$0x0] =	vst.idx.add.s32.msk $0xffff, v1  }
0xfd: {  	v8 =	vld [tilespmem:s16+$0x8040];
	[tilespmem:s13+$0x4070] =	vst v12;
	s13 =	smov.u32 s16  }
0xfe: {  	v11 =	vld [tilespmem:s13+$0x4040]  }
0xff: {  	[tilespmem:v19+s0+$0x0] =	vst.idx.add.s32.msk $0xffff, v1  }
0x100: {  	v10 =	vld [tilespmem:s13+$0x4000]  }
0x101: {  	[tilespmem:v16+s0+$0x0] =	vst.idx.add.s32.msk $0xffff, v1  }
.Ltmp5:
0x102: {  	v9 =	vld [tilespmem:s13+$0x8030];
	(pc) =	sbr.rel @p0 .LBB2_8-.Ltmp5, $4  }
0x103: {  	v12 =	vmul.f32 v17, v13;
	v7 =	vld [tilespmem:s13+$0x8020];
	v16 =	vmul.f32 v8, v11  }
0x104: {  	v11 =	vld [tilespmem:s13+$0x4030]  }
0x105: {  	v14 =	vand.u32 $0x7FFFFFFF, v12;
	v8 =	vld [tilespmem:s13+$0x4010];
	v13 =	vand.u32 $0x7FFFFFFF, v16;
	[tilespmem:s13+$0x4050] =	vst v12  }
0x106: {  	s15 =	sadd.s32 $0x200, s15;
	v15 =	vmul.f32 v18, v15;
	v12 =	vld [tilespmem:s13+$0x4020];
	[tilespmem:s13+$0x4040] =	vst v16  }
0x107: {  	v16 =	vld [tilespmem:s13+$0x8010]  }
0x108: {  	v6 =	vmul.f32 v6, v10  }
0x109: {  	v4 =	vmul.f32 v4, v5;
	[tilespmem:s13+$0x4060] =	vst v15  }
0x10a: {  	v10 =	vand.u32 $0x7FFFFFFF, v15;
	v9 =	vmul.f32 v9, v11;
	v11 =	vshrl.u32 v13, $0x13;
	[tilespmem:s13+$0x4000] =	vst v6  }
0x10b: {  	v10 =	vshrl.u32 v10, $0x13;
	v6 =	vand.u32 $0x7FFFFFFF, v6;
	[tilespmem:s13+$0x4070] =	vst v4;
	v7 =	vmul.f32 v7, v12  }
0x10c: {  	v6 =	vshrl.u32 v6, $0x13;
	[tilespmem:s13+$0x4030] =	vst v9;
	v8 =	vmul.f32 v16, v8  }
0x10d: {  	v12 =	vshrl.u32 v14, $0x13;
	v9 =	vand.u32 $0x7FFFFFFF, v9;
	[tilespmem:s13+$0x4020] =	vst v7  }
0x10e: {  	v9 =	vshrl.u32 v9, $0x13;
	v7 =	vand.u32 $0x7FFFFFFF, v7;
	[tilespmem:s13+$0x4010] =	vst v8  }
0x10f: {  	v8 =	vand.u32 $0x7FFFFFFF, v8;
	v7 =	vshrl.u32 v7, $0x13;
	[tilespmem:v11+s0+$0x0] =	vst.idx.add.s32.msk $0xffff, v1  }
0x110: {  	[tilespmem:v10+s0+$0x0] =	vst.idx.add.s32.msk $0xffff, v1;
	v5 =	vshrl.u32 v8, $0x13;
	v8 =	vand.u32 $0x7FFFFFFF, v4  }
0x111: {  	[tilespmem:v6+s0+$0x0] =	vst.idx.add.s32.msk $0xffff, v1;
	v8 =	vshrl.u32 v8, $0x13  }
0x112: {  	[tilespmem:v12+s0+$0x0] =	vst.idx.add.s32.msk $0xffff, v1  }
0x113: {  	[tilespmem:v9+s0+$0x0] =	vst.idx.add.s32.msk $0xffff, v1  }
0x114: {  	[tilespmem:v7+s0+$0x0] =	vst.idx.add.s32.msk $0xffff, v1  }
0x115: {  	[tilespmem:v5+s0+$0x0] =	vst.idx.add.s32.msk $0xffff, v1  }
0x116: {  	[tilespmem:v8+s0+$0x0] =	vst.idx.add.s32.msk $0xffff, v1  }
0x117: {  	_ =	swait.ge [sflag:s2], $0x2000  }
0x118: {  	[sflag:s2] =	ssyncset.done $0x0  }
0x119: {  	[sflag:s2] =	ssyncadd.s32 $0xFFFFE000  }
0x11a: {  	_ =	swait.ge [sflag:s31], $0x2000  }
0x11b: {  	[sflag:s31] =	ssyncset.done $0x0  }
0x11c: {  	s15 =	simm.s32 $0x0;
	[sflag:s31] =	ssyncadd.s32 $0xFFFFE000  }
0x11d: {  	v9 =	vld [tilespmem:s15+$0xA070]  }
0x11e: {  	v16 =	vld [tilespmem:s15+$0xA060]  }
0x11f: {  	v17 =	vld [tilespmem:s15+$0x6060]  }
0x120: {  	v11 =	vld [tilespmem:s15+$0x6070]  }
0x121: {  	v4 =	vld [tilespmem:s15+$0x6050]  }
0x122: {  	v12 =	vld [tilespmem:s15+$0x6040]  }
0x123: {  	v13 =	vld [tilespmem:s15+$0xA040]  }
0x124: {  	v7 =	vld [tilespmem:s15+$0xA000]  }
0x125: {  	v5 =	vld [tilespmem:s15+$0xA030];
	v11 =	vmul.f32 v9, v11  }
0x126: {  	v10 =	vld [tilespmem:s15+$0x6000]  }
0x127: {  	v6 =	vld [tilespmem:s15+$0xA020];
	v14 =	vand.u32 $0x7FFFFFFF, v11  }
0x128: {  	v8 =	vld [tilespmem:s15+$0x6010];
	v13 =	vmul.f32 v13, v12;
	v15 =	vshrl.u32 v14, $0x13  }
0x129: {  	v9 =	vld [tilespmem:s15+$0xA010]  }
0x12a: {  	v12 =	vld [tilespmem:s15+$0xA050];
	[tilespmem:s15+$0x6070] =	vst v11;
	v18 =	vand.u32 $0x7FFFFFFF, v13  }
0x12b: {  	s16 =	simm.s32 $0x0;
	v11 =	vld [tilespmem:s15+$0x6030];
	[tilespmem:s15+$0x6040] =	vst v13;
	v13 =	vshrl.u32 v18, $0x13  }
0x12c: {  	s17 =	simm.s32 $0x200;
	s14 =	simm.s32 $0xC100;
	s13 =	simm.s32 $0xD010;
	v16 =	vmul.f32 v16, v17;
	v14 =	vld [tilespmem:s15+$0x6020]  }
.LBB2_10:
0x12d: {  	s18 =	sshra.s32 s17, $0x2;
	s16 =	sadd.s32 $0x8, s16;
	v7 =	vmul.f32 v7, v10;
	[tilespmem:v15+s0+$0x0] =	vst.idx.add.s32.msk $0xffff, v1  }
0x12e: {  	v10 =	vld [tilespmem:s18+$0xA070];
	p0 =	slt.u32 s16, $0x1F8;
	[tilespmem:s15+$0x6060] =	vst v16;
	v15 =	vand.u32 $0x7FFFFFFF, v16  }
0x12f: {  	v16 =	vld [tilespmem:s18+$0xA060];
	[tilespmem:s15+$0x6000] =	vst v7;
	v4 =	vmul.f32 v12, v4;
	v12 =	vshrl.u32 v15, $0x13  }
0x130: {  	v8 =	vmul.f32 v9, v8;
	v7 =	vand.u32 $0x7FFFFFFF, v7;
	v5 =	vmul.f32 v5, v11;
	[tilespmem:v13+s0+$0x0] =	vst.idx.add.s32.msk $0xffff, v1  }
0x131: {  	v9 =	vshrl.u32 v7, $0x13;
	v17 =	vld [tilespmem:s18+$0x6060];
	v6 =	vmul.f32 v6, v14;
	v7 =	vand.u32 $0x7FFFFFFF, v4  }
0x132: {  	v11 =	vld [tilespmem:s18+$0x6070];
	[tilespmem:s15+$0x6050] =	vst v4;
	v13 =	vshrl.u32 v7, $0x13  }
0x133: {  	v7 =	vand.u32 $0x7FFFFFFF, v8;
	v14 =	vand.u32 $0x7FFFFFFF, v5;
	v4 =	vld [tilespmem:s18+$0x6050];
	[tilespmem:s15+$0x6020] =	vst v6;
	v6 =	vand.u32 $0x7FFFFFFF, v6  }
0x134: {  	v6 =	vshrl.u32 v6, $0x13;
	[tilespmem:v12+s0+$0x0] =	vst.idx.add.s32.msk $0xffff, v1  }
0x135: {  	v14 =	vshrl.u32 v14, $0x13;
	v12 =	vld [tilespmem:s18+$0x6040];
	[tilespmem:s15+$0x6010] =	vst v8;
	v8 =	vshrl.u32 v7, $0x13  }
0x136: {  	v7 =	vld [tilespmem:s18+$0xA000];
	[tilespmem:s15+$0x6030] =	vst v5;
	s15 =	smov.u32 s18  }
0x137: {  	v10 =	vmul.f32 v10, v11;
	[tilespmem:v13+s0+$0x0] =	vst.idx.add.s32.msk $0xffff, v1  }
0x138: {  	v11 =	vld [tilespmem:s15+$0xA040]  }
0x139: {  	v13 =	vand.u32 $0x7FFFFFFF, v10;
	[tilespmem:v6+s0+$0x0] =	vst.idx.add.s32.msk $0xffff, v1  }
0x13a: {  	[tilespmem:v14+s0+$0x0] =	vst.idx.add.s32.msk $0xffff, v1  }
0x13b: {  	[tilespmem:v8+s0+$0x0] =	vst.idx.add.s32.msk $0xffff, v1  }
0x13c: {  	v5 =	vld [tilespmem:s15+$0xA030];
	[tilespmem:s15+$0x6070] =	vst v10  }
0x13d: {  	v10 =	vld [tilespmem:s15+$0x6000]  }
0x13e: {  	v11 =	vmul.f32 v11, v12;
	v6 =	vld [tilespmem:s15+$0xA020]  }
0x13f: {  	v15 =	vshrl.u32 v13, $0x13;
	[tilespmem:v9+s0+$0x0] =	vst.idx.add.s32.msk $0xffff, v1  }
.Ltmp6:
0x140: {  	v13 =	vand.u32 $0x7FFFFFFF, v11;
	v8 =	vld [tilespmem:s15+$0x6010];
	[tilespmem:s15+$0x6040] =	vst v11;
	(pc) =	sbr.rel @p0 .LBB2_10-.Ltmp6, $4  }
0x141: {  	v9 =	vld [tilespmem:s15+$0xA010]  }
0x142: {  	v12 =	vld [tilespmem:s15+$0xA050]  }
0x143: {  	v13 =	vshrl.u32 v13, $0x13;
	v11 =	vld [tilespmem:s15+$0x6030]  }
0x144: {  	s17 =	sadd.s32 $0x200, s17;
	v16 =	vmul.f32 v16, v17;
	v14 =	vld [tilespmem:s15+$0x6020]  }
0x145: {  	_ =	sdelay $0x3  }
0x146: {  	[tilespmem:v15+s0+$0x0] =	vst.idx.add.s32.msk $0xffff, v1  }
0x147: {  	v7 =	vmul.f32 v7, v10;
	[tilespmem:v13+s0+$0x0] =	vst.idx.add.s32.msk $0xffff, v1  }
0x148: {  	v10 =	vand.u32 $0x7FFFFFFF, v16;
	[tilespmem:s15+$0x6060] =	vst v16;
	v8 =	vmul.f32 v9, v8;
	v4 =	vmul.f32 v12, v4  }
0x149: {  	v10 =	vshrl.u32 v10, $0x13;
	[tilespmem:s15+$0x6000] =	vst v7;
	v7 =	vand.u32 $0x7FFFFFFF, v7;
	v5 =	vmul.f32 v5, v11  }
0x14a: {  	[tilespmem:s15+$0x6010] =	vst v8;
	v7 =	vshrl.u32 v7, $0x13;
	v6 =	vmul.f32 v6, v14;
	v11 =	vand.u32 $0x7FFFFFFF, v4  }
0x14b: {  	[tilespmem:s15+$0x6050] =	vst v4;
	v4 =	vshrl.u32 v11, $0x13;
	v11 =	vand.u32 $0x7FFFFFFF, v8  }
0x14c: {  	[tilespmem:s15+$0x6030] =	vst v5;
	v9 =	vand.u32 $0x7FFFFFFF, v6;
	v8 =	vshrl.u32 v11, $0x13  }
0x14d: {  	[tilespmem:s15+$0x6020] =	vst v6;
	v6 =	vand.u32 $0x7FFFFFFF, v5;
	v9 =	vshrl.u32 v9, $0x13  }
0x14e: {  	[tilespmem:v10+s0+$0x0] =	vst.idx.add.s32.msk $0xffff, v1;
	v6 =	vshrl.u32 v6, $0x13  }
0x14f: {  	[tilespmem:v7+s0+$0x0] =	vst.idx.add.s32.msk $0xffff, v1  }
0x150: {  	[tilespmem:v4+s0+$0x0] =	vst.idx.add.s32.msk $0xffff, v1  }
0x151: {  	[tilespmem:v8+s0+$0x0] =	vst.idx.add.s32.msk $0xffff, v1  }
0x152: {  	[tilespmem:v9+s0+$0x0] =	vst.idx.add.s32.msk $0xffff, v1  }
0x153: {  	[tilespmem:v6+s0+$0x0] =	vst.idx.add.s32.msk $0xffff, v1  }
0x154: {  	v4 =	vld [tilespmem:s14+$0xF0]  }
0x155: {  	v5 =	vld [tilespmem:s14+$0xE0]  }
0x156: {  	v6 =	vld [tilespmem:s14+$0xD0]  }
0x157: {  	v7 =	vld [tilespmem:s14+$0xC0]  }
0x158: {  	v8 =	vld [tilespmem:s14+$0xB0]  }
0x159: {  	v9 =	vld [tilespmem:s14+$0xA0];
	(xrf0) =	vadd.scan.msk.s32 $0xffff, v4  }
0x15a: {  	v4 =	vld [tilespmem:s14+$0x0];
	(xrf0) =	vadd.scan.msk.s32 $0xffff, v5  }
0x15b: {  	v5 =	vld [tilespmem:s14+$0x10];
	(xrf0) =	vadd.scan.msk.s32 $0xffff, v6  }
0x15c: {  	v6 =	vld [tilespmem:s14+$0x20];
	(xrf0) =	vadd.scan.msk.s32 $0xffff, v7  }
0x15d: {  	v7 =	vld [tilespmem:s14+$0x30];
	(xrf0) =	vadd.scan.msk.s32 $0xffff, v8  }
0x15e: {  	v8 =	vld [tilespmem:s14+$0x40];
	(xrf0) =	vadd.scan.msk.s32 $0xffff, v9  }
0x15f: {  	v9 =	vld [tilespmem:s14+$0x50];
	(xrf0) =	vadd.scan.msk.s32 $0xffff, v4;
	v4, _, _ =	vpop (xrf0)  }
0x160: {  	(xrf0) =	vadd.scan.msk.s32 $0xffff, v5;
	v5, _, _ =	vpop (xrf0)  }
0x161: {  	v10 =	vld [tilespmem:s14+$0x60];
	(xrf0) =	vadd.scan.msk.s32 $0xffff, v6;
	v6, _, _ =	vpop (xrf0)  }
0x162: {  	v11 =	vld [tilespmem:s14+$0x70];
	(xrf0) =	vadd.scan.msk.s32 $0xffff, v7;
	v7, _, _ =	vpop (xrf0)  }
0x163: {  	(xrf0) =	vadd.scan.msk.s32 $0xffff, v8;
	v8, _, _ =	vpop (xrf0)  }
0x164: {  	v12 =	vld [tilespmem:s14+$0x80];
	(xrf0) =	vadd.scan.msk.s32 $0xffff, v9;
	v9, _, _ =	vpop (xrf0)  }
0x165: {  	v13 =	vld [tilespmem:s14+$0x90];
	v14, _, _ =	vpop (xrf0)  }
0x166: {  	(xrf0) =	vadd.scan.msk.s32 $0xffff, v10;
	v10 =	vperm.xlane v14, v2;
	v14, _, _ =	vpop (xrf0)  }
0x167: {  	(xrf0) =	vadd.scan.msk.s32 $0xffff, v11;
	v11 =	vperm.xlane v14, v2  }
0x168: {  	v10 =	vxor.u32 $0x80000000, v10  }
0x169: {  	v14, _, _ =	vpop (xrf0);
	(xrf0) =	vadd.scan.msk.s32 $0xffff, v12;
	v11 =	vxor.u32 $0x80000000, v11  }
0x16a: {  	v12 =	vperm.xlane v14, v2;
	v14, _, _ =	vpop (xrf0);
	(xrf0) =	vadd.scan.msk.s32 $0xffff, v13  }
0x16b: {  	v13 =	vperm.xlane v14, v2;
	(xrf0) =	vmax.scan.msk.u32 $0xffff, v10;
	v10, _, _ =	vpop (xrf0)  }
0x16c: {  	v12 =	vxor.u32 $0x80000000, v12;
	(xrf0) =	vmax.scan.msk.u32 $0xffff, v11;
	v10 =	vperm.xlane v10, v2;
	v11, _, _ =	vpop (xrf0)  }
0x16d: {  	v13 =	vxor.u32 $0x80000000, v13;
	v11 =	vperm.xlane v11, v2  }
0x16e: {  	v10 =	vxor.u32 $0x80000000, v10  }
0x16f: {  	(xrf0) =	vmax.scan.msk.u32 $0xffff, v12;
	v12, _, _ =	vpop (xrf0);
	v11 =	vxor.u32 $0x80000000, v11  }
0x170: {  	(xrf0) =	vmax.scan.msk.u32 $0xffff, v13;
	v12 =	vperm.xlane v12, v2;
	v13, _, _ =	vpop (xrf0)  }
0x171: {  	v13 =	vperm.xlane v13, v2;
	(xrf0) =	vmax.scan.msk.u32 $0xffff, v10;
	v10, _, _ =	vpop (xrf0)  }
0x172: {  	v12 =	vxor.u32 $0x80000000, v12;
	(xrf0) =	vmax.scan.msk.u32 $0xffff, v11;
	v10 =	vperm.xlane v10, v2;
	v11, _, _ =	vpop (xrf0)  }
0x173: {  	v13 =	vxor.u32 $0x80000000, v13;
	v11 =	vperm.xlane v11, v2  }
0x174: {  	(xrf0) =	vmax.scan.msk.u32 $0xffff, v12;
	v14, _, _ =	vpop (xrf0);
	v10 =	vxor.u32 $0x80000000, v10  }
0x175: {  	v9 =	vperm.xlane v9, v2;
	v12, _, _ =	vpop (xrf0);
	(xrf0) =	vmax.scan.msk.u32 $0xffff, v13;
	v11 =	vxor.u32 $0x80000000, v11  }
0x176: {  	v8 =	vperm.xlane v8, v2;
	v13, _, _ =	vpop (xrf0);
	(xrf0) =	vmax.scan.msk.u32 $0xffff, v10  }
0x177: {  	v7 =	vperm.xlane v7, v2;
	v9 =	vxor.u32 $0x80000000, v9;
	(xrf0) =	vmax.scan.msk.u32 $0xffff, v11;
	v10, _, _ =	vpop (xrf0)  }
0x178: {  	v6 =	vperm.xlane v6, v2;
	v8 =	vxor.u32 $0x80000000, v8;
	v11, _, _ =	vpop (xrf0);
	(xrf0) =	vmax.scan.msk.u32 $0xffff, v9  }
0x179: {  	v5 =	vperm.xlane v5, v2;
	v7 =	vxor.u32 $0x80000000, v7;
	v9 =	vld [tilespmem:s14+$0xFFFFFF00];
	v15, _, _ =	vpop (xrf0);
	(xrf0) =	vmax.scan.msk.u32 $0xffff, v8  }
0x17a: {  	v4 =	vperm.xlane v4, v2;
	v6 =	vxor.u32 $0x80000000, v6;
	v8 =	vld [tilespmem:s14+$0xFFFFFF10];
	v58, _, _ =	vpop (xrf0);
	(xrf0) =	vmax.scan.msk.u32 $0xffff, v7  }
0x17b: {  	v5 =	vxor.u32 $0x80000000, v5;
	v7 =	vld [tilespmem:s14+$0xFFFFFF20];
	v17, _, _ =	vpop (xrf0);
	(xrf0) =	vmax.scan.msk.u32 $0xffff, v6  }
0x17c: {  	v4 =	vxor.u32 $0x80000000, v4;
	v6 =	vld [tilespmem:s14+$0xFFFFFF30];
	v18, _, _ =	vpop (xrf0);
	(xrf0) =	vmax.scan.msk.u32 $0xffff, v5  }
0x17d: {  	v5 =	vld [tilespmem:s14+$0xFFFFFF40];
	v19, _, _ =	vpop (xrf0);
	(xrf0) =	vmax.scan.msk.u32 $0xffff, v4  }
0x17e: {  	v4 =	vld [tilespmem:s14+$0xFFFFFF50];
	(xrf0) =	vadd.scan.msk.s32 $0xffff, v9;
	v9, _, _ =	vpop (xrf0)  }
0x17f: {  	v20 =	vld [tilespmem:s14+$0xFFFFFF60];
	(xrf0) =	vadd.scan.msk.s32 $0xffff, v8;
	v8, _, _ =	vpop (xrf0)  }
0x180: {  	v21 =	vld [tilespmem:s14+$0xFFFFFF70];
	v12 =	vsel vm0, v14, v12;
	(xrf0) =	vadd.scan.msk.s32 $0xffff, v7;
	v7, _, _ =	vpop (xrf0)  }
0x181: {  	v22 =	vld [tilespmem:s14+$0xFFFFFF80];
	v12 =	vsel vm4, v12, v13;
	(xrf0) =	vadd.scan.msk.s32 $0xffff, v6;
	v6, _, _ =	vpop (xrf0)  }
0x182: {  	v14 =	vld [tilespmem:s14+$0xFFFFFF90];
	v10 =	vsel vm5, v12, v10;
	(xrf0) =	vadd.scan.msk.s32 $0xffff, v5;
	v5, _, _ =	vpop (xrf0)  }
0x183: {  	v13 =	vld [tilespmem:s14+$0xFFFFFFA0];
	v10 =	vsel vm6, v10, v11;
	(xrf0) =	vadd.scan.msk.s32 $0xffff, v4;
	v4, _, _ =	vpop (xrf0)  }
0x184: {  	v10 =	vsel vm7, v10, v15;
	v11, _, _ =	vpop (xrf0);
	(xrf0) =	vadd.scan.msk.s32 $0xffff, v20  }
0x185: {  	v10 =	vsel vm8, v10, v58;
	v12, _, _ =	vpop (xrf0);
	(xrf0) =	vadd.scan.msk.s32 $0xffff, v21;
	v11 =	vperm.xlane v11, v2  }
0x186: {  	v10 =	vsel vm9, v10, v17;
	v59, _, _ =	vpop (xrf0);
	(xrf0) =	vadd.scan.msk.s32 $0xffff, v22  }
0x187: {  	v15 =	vld [tilespmem:s14+$0xFFFFFFB0];
	v10 =	vsel vm10, v10, v18;
	v60, _, _ =	vpop (xrf0);
	(xrf0) =	vadd.scan.msk.s32 $0xffff, v14;
	v11 =	vxor.u32 $0x80000000, v11  }
0x188: {  	v10 =	vsel vm11, v10, v19;
	v12 =	vperm.xlane v12, v2;
	v61, _, _ =	vpop (xrf0);
	(xrf0) =	vadd.scan.msk.s32 $0xffff, v13;
	v13 =	vperm.xlane v59, v2  }
0x189: {  	v9 =	vsel vm12, v10, v9;
	v14 =	vld [tilespmem:s14+$0xFFFFFFC0]  }
0x18a: {  	v8 =	vsel vm13, v9, v8;
	v12 =	vxor.u32 $0x80000000, v12;
	(xrf0) =	vmax.scan.msk.u32 $0xffff, v11;
	v11, _, _ =	vpop (xrf0)  }
0x18b: {  	v62 =	vld [tilespmem:s14+$0xFFFFFFD0];
	v7 =	vsel vm14, v8, v7;
	(xrf0) =	vmax.scan.msk.u32 $0xffff, v12;
	v12 =	vxor.u32 $0x80000000, v13;
	v10, _, _ =	vpop (xrf0)  }
0x18c: {  	v6 =	vsel vm15, v7, v6;
	v9 =	vperm.xlane v60, v2;
	v13, _, _ =	vpop (xrf0);
	(xrf0) =	vadd.scan.msk.s32 $0xffff, v15  }
0x18d: {  	(xrf0) =	vmax.scan.msk.u32 $0xffff, v12;
	v8, _, _ =	vpop (xrf0)  }
0x18e: {  	v7 =	vperm.xlane v61, v2;
	v9 =	vxor.u32 $0x80000000, v9;
	v12, _, _ =	vpop (xrf0);
	(xrf0) =	vadd.scan.msk.s32 $0xffff, v14  }
0x18f: {  	v5 =	vsel vm2, v6, v5;
	v15 =	vld [tilespmem:s14+$0xFFFFFFE0];
	(xrf0) =	vmax.scan.msk.u32 $0xffff, v9;
	v6, _, _ =	vpop (xrf0)  }
0x190: {  	v7 =	vxor.u32 $0x80000000, v7;
	v9 =	vperm.xlane v11, v2;
	v11, _, _ =	vpop (xrf0);
	(xrf0) =	vadd.scan.msk.s32 $0xffff, v62  }
0x191: {  	v14 =	vld [tilespmem:s14+$0xFFFFFFF0];
	v63, _, _ =	vpop (xrf0);
	(xrf0) =	vmax.scan.msk.u32 $0xffff, v7;
	v7 =	vperm.xlane v10, v2;
	v10 =	vperm.xlane v13, v2;
	_ =	sdelay $0x1  }
0x192: {  	v5 =	vsel vm3, v5, v4;
	v13, _, _ =	vpop (xrf0)  }
0x193: {  	v4 =	vimm.s32 $0xFF;
	v5 =	vxor.u32 $0x80000000, v5;
	v9 =	vxor.u32 $0x80000000, v9;
	(xrf0) =	vadd.scan.msk.s32 $0xffff, v15;
	v15, _, _ =	vpop (xrf0)  }
0x194: {  	[tilespmem:s13+$0x0] =	vst v5;
	v8 =	vperm.xlane v8, v2;
	(xrf0) =	vmax.scan.msk.u32 $0xffff, v9;
	v9 =	vxor.u32 $0x80000000, v10;
	v10, _, _ =	vpop (xrf0)  }
0x195: {  	v12 =	vperm.xlane v12, v2;
	v7 =	vxor.u32 $0x80000000, v7;
	(xrf0) =	vadd.scan.msk.s32 $0xffff, v14;
	v10 =	vperm.xlane v10, v2  }
0x196: {  	v5 =	vimm.s32 $0xFFFFFFFF;
	v8 =	vxor.u32 $0x80000000, v8;
	v6 =	vperm.xlane v6, v2;
	(xrf0) =	vmax.scan.msk.u32 $0xffff, v7;
	v14, _, _ =	vpop (xrf0)  }
0x197: {  	v12 =	vxor.u32 $0x80000000, v12;
	v7 =	vsel vm0, v11, v63;
	v11 =	vperm.xlane v13, v2;
	(xrf0) =	vmax.scan.msk.u32 $0xffff, v9;
	v9, _, _ =	vpop (xrf0)  }
0x198: {  	v6 =	vxor.u32 $0x80000000, v6;
	v7 =	vsel vm4, v7, v15;
	v9 =	vperm.xlane v9, v2;
	v13, _, _ =	vpop (xrf0);
	(xrf0) =	vmax.scan.msk.u32 $0xffff, v8  }
0x199: {  	v8 =	vxor.u32 $0x80000000, v11;
	v11 =	vsel vm5, v7, v14;
	v7 =	vxor.u32 $0x80000000, v10;
	(xrf0) =	vmax.scan.msk.u32 $0xffff, v12;
	v10, _, _ =	vpop (xrf0)  }
0x19a: {  	s15 =	simm.s32 $0xC300;
	s14 =	simm.s32 $0x0;
	v11 =	vsel vm6, v11, v13;
	v9 =	vxor.u32 $0x80000000, v9;
	v10 =	vperm.xlane v10, v2;
	v12, _, _ =	vpop (xrf0);
	(xrf0) =	vmax.scan.msk.u32 $0xffff, v6  }
.LBB2_12:
0x19b: {  	v6 =	vld [tilespmem:s15+$0xF0];
	v11 =	vsel vm7, v11, v12;
	(xrf0) =	vmax.scan.msk.u32 $0xffff, v8;
	v8, _, _ =	vpop (xrf0)  }
0x19c: {  	v12 =	vld [tilespmem:s15+$0xE0];
	v10 =	vxor.u32 $0x80000000, v10;
	v8 =	vperm.xlane v8, v2;
	v13, _, _ =	vpop (xrf0);
	(xrf0) =	vmax.scan.msk.u32 $0xffff, v7  }
0x19d: {  	v7 =	vld [tilespmem:s15+$0xD0];
	v11 =	vsel vm8, v11, v13;
	v13, _, _ =	vpop (xrf0);
	(xrf0) =	vmax.scan.msk.u32 $0xffff, v9  }
0x19e: {  	v9 =	vld [tilespmem:s15+$0xC0];
	v15 =	vsel vm9, v11, v13;
	v8 =	vxor.u32 $0x80000000, v8;
	v13, _, _ =	vpop (xrf0);
	(xrf0) =	vmax.scan.msk.u32 $0xffff, v10  }
0x19f: {  	v10 =	vld [tilespmem:s15+$0xB0];
	v14 =	vsel vm10, v15, v13;
	v13, _, _ =	vpop (xrf0);
	(xrf0) =	vmax.scan.msk.u32 $0xffff, v8  }
0x1a0: {  	v8 =	vld [tilespmem:s15+$0xA0];
	(xrf0) =	vadd.scan.msk.s32 $0xffff, v6;
	v6 =	vsel vm11, v14, v13;
	v11, _, _ =	vpop (xrf0)  }
0x1a1: {  	v13 =	vld [tilespmem:s15+$0x0];
	(xrf0) =	vadd.scan.msk.s32 $0xffff, v12;
	v6 =	vsel vm12, v6, v11;
	v11, _, _ =	vpop (xrf0)  }
0x1a2: {  	s14 =	sadd.s32 $0x2, s14;
	v12 =	vld [tilespmem:s15+$0x10];
	(xrf0) =	vadd.scan.msk.s32 $0xffff, v7;
	v6 =	vsel vm13, v6, v11;
	v7, _, _ =	vpop (xrf0)  }
0x1a3: {  	p0 =	slt.u32 s14, $0xE;
	v11 =	vld [tilespmem:s15+$0x20];
	(xrf0) =	vadd.scan.msk.s32 $0xffff, v9;
	v6 =	vsel vm14, v6, v7;
	v7, _, _ =	vpop (xrf0)  }
0x1a4: {  	v9 =	vld [tilespmem:s15+$0x30];
	(xrf0) =	vadd.scan.msk.s32 $0xffff, v10;
	v6 =	vsel vm15, v6, v7;
	v7, _, _ =	vpop (xrf0)  }
0x1a5: {  	v10 =	vld [tilespmem:s15+$0x40];
	(xrf0) =	vadd.scan.msk.s32 $0xffff, v8;
	v6 =	vsel vm2, v6, v7;
	v7, _, _ =	vpop (xrf0)  }
0x1a6: {  	v8 =	vld [tilespmem:s15+$0x50];
	(xrf0) =	vadd.scan.msk.s32 $0xffff, v13;
	v13, _, _ =	vpop (xrf0);
	v6 =	vsel vm3, v6, v7  }
0x1a7: {  	v7 =	vld [tilespmem:s15+$0x60];
	(xrf0) =	vadd.scan.msk.s32 $0xffff, v12;
	v12, _, _ =	vpop (xrf0);
	v6 =	vxor.u32 $0x80000000, v6  }
0x1a8: {  	v14 =	vld [tilespmem:s15+$0x70];
	(xrf0) =	vadd.scan.msk.s32 $0xffff, v11;
	v11, _, _ =	vpop (xrf0);
	[tilespmem:s13+$0xFFFFFFF0] =	vst v6  }
0x1a9: {  	v6 =	vld [tilespmem:s15+$0x80];
	(xrf0) =	vadd.scan.msk.s32 $0xffff, v9;
	v15, _, _ =	vpop (xrf0)  }
0x1aa: {  	v9 =	vld [tilespmem:s15+$0x90];
	(xrf0) =	vadd.scan.msk.s32 $0xffff, v10;
	v10, _, _ =	vpop (xrf0)  }
0x1ab: {  	v16 =	vld [tilespmem:s15+$0xFFFFFF10];
	(xrf0) =	vadd.scan.msk.s32 $0xffff, v8;
	v8, _, _ =	vpop (xrf0)  }
0x1ac: {  	v17 =	vld [tilespmem:s15+$0xFFFFFF00];
	v18, _, _ =	vpop (xrf0);
	(xrf0) =	vadd.scan.msk.s32 $0xffff, v7  }
0x1ad: {  	v19 =	vld [tilespmem:s15+$0xFFFFFF20];
	v25 =	vperm.xlane v18, v2;
	v18, _, _ =	vpop (xrf0);
	(xrf0) =	vadd.scan.msk.s32 $0xffff, v14  }
0x1ae: {  	v14 =	vld [tilespmem:s15+$0xFFFFFF30];
	v18 =	vperm.xlane v18, v2;
	v20, _, _ =	vpop (xrf0);
	(xrf0) =	vadd.scan.msk.s32 $0xffff, v6  }
0x1af: {  	v6 =	vld [tilespmem:s15+$0xFFFFFF40];
	v23 =	vxor.u32 $0x80000000, v25;
	v27 =	vperm.xlane v20, v2;
	v21, _, _ =	vpop (xrf0);
	(xrf0) =	vadd.scan.msk.s32 $0xffff, v9  }
0x1b0: {  	v22 =	vld [tilespmem:s15+$0xFFFFFF50];
	v24 =	vxor.u32 $0x80000000, v18;
	v28 =	vperm.xlane v21, v2;
	(xrf0) =	vmax.scan.msk.u32 $0xffff, v23;
	v7, _, _ =	vpop (xrf0)  }
0x1b1: {  	v21 =	vld [tilespmem:s15+$0xFFFFFF60];
	v25 =	vxor.u32 $0x80000000, v27;
	v29 =	vperm.xlane v7, v2;
	(xrf0) =	vmax.scan.msk.u32 $0xffff, v24;
	v9, _, _ =	vpop (xrf0)  }
0x1b2: {  	v23 =	vld [tilespmem:s15+$0xFFFFFF70];
	v26 =	vxor.u32 $0x80000000, v28;
	v30 =	vperm.xlane v9, v2;
	(xrf0) =	vmax.scan.msk.u32 $0xffff, v25;
	v20, _, _ =	vpop (xrf0)  }
0x1b3: {  	v24 =	vld [tilespmem:s15+$0xFFFFFF80];
	v27 =	vxor.u32 $0x80000000, v29;
	v20 =	vperm.xlane v20, v2;
	(xrf0) =	vmax.scan.msk.u32 $0xffff, v26;
	v18, _, _ =	vpop (xrf0)  }
0x1b4: {  	v25 =	vld [tilespmem:s15+$0xFFFFFF90];
	v28 =	vxor.u32 $0x80000000, v30;
	v18 =	vperm.xlane v18, v2;
	(xrf0) =	vmax.scan.msk.u32 $0xffff, v27;
	v7, _, _ =	vpop (xrf0)  }
0x1b5: {  	v26 =	vld [tilespmem:s15+$0xFFFFFFA0];
	v20 =	vxor.u32 $0x80000000, v20;
	v7 =	vperm.xlane v7, v2;
	(xrf0) =	vmax.scan.msk.u32 $0xffff, v28;
	v9, _, _ =	vpop (xrf0)  }
0x1b6: {  	v27 =	vld [tilespmem:s15+$0xFFFFFFB0];
	v18 =	vxor.u32 $0x80000000, v18;
	v28 =	vperm.xlane v9, v2;
	v29, _, _ =	vpop (xrf0);
	(xrf0) =	vmax.scan.msk.u32 $0xffff, v20  }
0x1b7: {  	v31 =	vperm.xlane v8, v2;
	v20 =	vld [tilespmem:s15+$0xFFFFFFC0];
	v7 =	vxor.u32 $0x80000000, v7;
	v8, _, _ =	vpop (xrf0);
	(xrf0) =	vmax.scan.msk.u32 $0xffff, v18  }
0x1b8: {  	v10 =	vperm.xlane v10, v2;
	v9 =	vld [tilespmem:s15+$0xFFFFFFD0];
	v18 =	vsel vm0, v29, v8;
	v32 =	vxor.u32 $0x80000000, v28;
	v29, _, _ =	vpop (xrf0);
	(xrf0) =	vmax.scan.msk.u32 $0xffff, v7  }
0x1b9: {  	v15 =	vperm.xlane v15, v2;
	v8 =	vld [tilespmem:s15+$0xFFFFFFE0];
	v18 =	vsel vm4, v18, v29;
	v29 =	vxor.u32 $0x80000000, v31;
	v30, _, _ =	vpop (xrf0);
	(xrf0) =	vmax.scan.msk.u32 $0xffff, v32  }
0x1ba: {  	v11 =	vperm.xlane v11, v2;
	v10 =	vxor.u32 $0x80000000, v10;
	v7 =	vld [tilespmem:s15+$0xFFFFFFF0];
	v31 =	vsel vm5, v18, v30;
	v28, _, _ =	vpop (xrf0);
	(xrf0) =	vmax.scan.msk.u32 $0xffff, v29  }
0x1bb: {  	v12 =	vperm.xlane v12, v2;
	v30 =	vxor.u32 $0x80000000, v15;
	v29 =	vsel vm6, v31, v28;
	v28, _, _ =	vpop (xrf0);
	(xrf0) =	vmax.scan.msk.u32 $0xffff, v10  }
0x1bc: {  	v11 =	vxor.u32 $0x80000000, v11;
	v10 =	vsel vm7, v29, v28;
	v28 =	vperm.xlane v13, v2;
	v18, _, _ =	vpop (xrf0);
	(xrf0) =	vmax.scan.msk.u32 $0xffff, v30  }
0x1bd: {  	v10 =	vsel vm8, v10, v18;
	v18 =	vxor.u32 $0x80000000, v12;
	v15, _, _ =	vpop (xrf0);
	(xrf0) =	vmax.scan.msk.u32 $0xffff, v11  }
0x1be: {  	v10 =	vsel vm9, v10, v15;
	v15 =	vxor.u32 $0x80000000, v28;
	v13, _, _ =	vpop (xrf0);
	(xrf0) =	vmax.scan.msk.u32 $0xffff, v18  }
0x1bf: {  	v10 =	vsel vm10, v10, v13;
	v12, _, _ =	vpop (xrf0);
	(xrf0) =	vmax.scan.msk.u32 $0xffff, v15  }
0x1c0: {  	v10 =	vsel vm11, v10, v12;
	(xrf0) =	vadd.scan.msk.s32 $0xffff, v17;
	v11, _, _ =	vpop (xrf0)  }
0x1c1: {  	v10 =	vsel vm12, v10, v11;
	(xrf0) =	vadd.scan.msk.s32 $0xffff, v16;
	v11, _, _ =	vpop (xrf0)  }
0x1c2: {  	v10 =	vsel vm13, v10, v11;
	(xrf0) =	vadd.scan.msk.s32 $0xffff, v19;
	v11, _, _ =	vpop (xrf0)  }
0x1c3: {  	v12 =	vsel vm14, v10, v11;
	(xrf0) =	vadd.scan.msk.s32 $0xffff, v14;
	v11, _, _ =	vpop (xrf0)  }
0x1c4: {  	v11 =	vsel vm15, v12, v11;
	(xrf0) =	vadd.scan.msk.s32 $0xffff, v6;
	v6, _, _ =	vpop (xrf0)  }
0x1c5: {  	v6 =	vsel vm2, v11, v6;
	(xrf0) =	vadd.scan.msk.s32 $0xffff, v22;
	v10, _, _ =	vpop (xrf0)  }
0x1c6: {  	v6 =	vsel vm3, v6, v10;
	v10, _, _ =	vpop (xrf0);
	(xrf0) =	vadd.scan.msk.s32 $0xffff, v21  }
0x1c7: {  	s13 =	sadd.s32 $0x20, s13;
	v10 =	vperm.xlane v10, v2;
	v14 =	vxor.u32 $0x80000000, v6;
	v6 =	vimm.s32 $0x0;
	v12, _, _ =	vpop (xrf0);
	(xrf0) =	vadd.scan.msk.s32 $0xffff, v23  }
0x1c8: {  	v12 =	vperm.xlane v12, v2;
	[tilespmem:s13+$0x0] =	vst v14;
	v11, _, _ =	vpop (xrf0);
	(xrf0) =	vadd.scan.msk.s32 $0xffff, v24  }
0x1c9: {  	v15 =	vxor.u32 $0x80000000, v10;
	v11 =	vperm.xlane v11, v2;
	v13, _, _ =	vpop (xrf0);
	(xrf0) =	vadd.scan.msk.s32 $0xffff, v25  }
0x1ca: {  	v16 =	vxor.u32 $0x80000000, v12;
	v13 =	vperm.xlane v13, v2;
	v14, _, _ =	vpop (xrf0);
	(xrf0) =	vadd.scan.msk.s32 $0xffff, v26  }
0x1cb: {  	v11 =	vxor.u32 $0x80000000, v11;
	v14 =	vperm.xlane v14, v2;
	(xrf0) =	vmax.scan.msk.u32 $0xffff, v15;
	v10, _, _ =	vpop (xrf0)  }
0x1cc: {  	v13 =	vxor.u32 $0x80000000, v13;
	v10 =	vperm.xlane v10, v2;
	(xrf0) =	vmax.scan.msk.u32 $0xffff, v16;
	v12, _, _ =	vpop (xrf0)  }
0x1cd: {  	v14 =	vxor.u32 $0x80000000, v14;
	v12 =	vperm.xlane v12, v2;
	v15, _, _ =	vpop (xrf0);
	(xrf0) =	vadd.scan.msk.s32 $0xffff, v27  }
0x1ce: {  	v10 =	vxor.u32 $0x80000000, v10;
	v15 =	vperm.xlane v15, v2;
	(xrf0) =	vmax.scan.msk.u32 $0xffff, v11;
	v11, _, _ =	vpop (xrf0)  }
0x1cf: {  	v12 =	vxor.u32 $0x80000000, v12;
	v11 =	vperm.xlane v11, v2;
	v16, _, _ =	vpop (xrf0);
	(xrf0) =	vadd.scan.msk.s32 $0xffff, v20  }
0x1d0: {  	v15 =	vxor.u32 $0x80000000, v15;
	v18 =	vperm.xlane v16, v2;
	(xrf0) =	vmax.scan.msk.u32 $0xffff, v13;
	v13, _, _ =	vpop (xrf0)  }
0x1d1: {  	v11 =	vxor.u32 $0x80000000, v11;
	v13 =	vperm.xlane v13, v2;
	v17, _, _ =	vpop (xrf0);
	(xrf0) =	vadd.scan.msk.s32 $0xffff, v9  }
0x1d2: {  	v9 =	vxor.u32 $0x80000000, v18;
	v16, _, _ =	vpop (xrf0);
	(xrf0) =	vmax.scan.msk.u32 $0xffff, v14  }
0x1d3: {  	v17 =	vsel vm0, v17, v16;
	v13 =	vxor.u32 $0x80000000, v13;
	v16, _, _ =	vpop (xrf0);
	(xrf0) =	vadd.scan.msk.s32 $0xffff, v8  }
0x1d4: {  	v8 =	vperm.xlane v16, v2;
	v16, _, _ =	vpop (xrf0);
	(xrf0) =	vmax.scan.msk.u32 $0xffff, v10  }
0x1d5: {  	v10 =	vsel vm4, v17, v16;
	v14, _, _ =	vpop (xrf0);
	(xrf0) =	vadd.scan.msk.s32 $0xffff, v7  }
.Ltmp7:
0x1d6: {  	v8 =	vxor.u32 $0x80000000, v8;
	v7 =	vperm.xlane v14, v2;
	v14, _, _ =	vpop (xrf0);
	(xrf0) =	vmax.scan.msk.u32 $0xffff, v12;
	(pc) =	sbr.rel @p0 .LBB2_12-.Ltmp7, $4  }
0x1d7: {  	v16 =	vsel vm5, v10, v14;
	(xrf0) =	vmax.scan.msk.u32 $0xffff, v15;
	v12, _, _ =	vpop (xrf0)  }
0x1d8: {  	v7 =	vxor.u32 $0x80000000, v7;
	v15 =	vperm.xlane v12, v2;
	v14, _, _ =	vpop (xrf0);
	(xrf0) =	vmax.scan.msk.u32 $0xffff, v11  }
0x1d9: {  	v11 =	vsel vm6, v16, v14;
	(xrf0) =	vmax.scan.msk.u32 $0xffff, v9;
	v10, _, _ =	vpop (xrf0)  }
0x1da: {  	s15 =	sadd.s32 $0x200, s15;
	v9 =	vxor.u32 $0x80000000, v15;
	v10 =	vperm.xlane v10, v2;
	v12, _, _ =	vpop (xrf0);
	(xrf0) =	vmax.scan.msk.u32 $0xffff, v13  }
0x1db: {  	v11 =	vsel vm7, v11, v12  }
0x1dc: {  	(xrf0) =	vmax.scan.msk.u32 $0xffff, v8;
	v8, _, _ =	vpop (xrf0)  }
0x1dd: {  	v12, _, _ =	vpop (xrf0)  }
0x1de: {  	v8 =	vperm.xlane v8, v2;
	(xrf0) =	vmax.scan.msk.u32 $0xffff, v7;
	v7 =	vxor.u32 $0x80000000, v10;
	v10 =	vsel vm8, v11, v12;
	v11, _, _ =	vpop (xrf0)  }
0x1df: {  	(xrf0) =	vmax.scan.msk.u32 $0xffff, v9;
	v9 =	vsel vm9, v10, v11  }
0x1e0: {  	v8 =	vxor.u32 $0x80000000, v8  }
0x1e1: {  	(xrf0) =	vmax.scan.msk.u32 $0xffff, v7;
	v10, _, _ =	vpop (xrf0)  }
0x1e2: {  	v7 =	vsel vm10, v9, v10;
	v9, _, _ =	vpop (xrf0);
	(xrf0) =	vmax.scan.msk.u32 $0xffff, v8  }
0x1e3: {  	v7 =	vsel vm11, v7, v9;
	v8, _, _ =	vpop (xrf0)  }
0x1e4: {  	v7 =	vsel vm12, v7, v8;
	v8, _, _ =	vpop (xrf0)  }
0x1e5: {  	v7 =	vsel vm13, v7, v8;
	v8, _, _ =	vpop (xrf0)  }
0x1e6: {  	v7 =	vsel vm14, v7, v8;
	v8, _, _ =	vpop (xrf0)  }
0x1e7: {  	v7 =	vsel vm15, v7, v8;
	v8, _, _ =	vpop (xrf0)  }
0x1e8: {  	v7 =	vsel vm2, v7, v8;
	v8, _, _ =	vpop (xrf0)  }
0x1e9: {  	v7 =	vsel vm3, v7, v8  }
0x1ea: {  	v7 =	vxor.u32 $0x80000000, v7  }
0x1eb: {  	s15 =	simm.s32 $0xF0;
	[tilespmem:s13+$0xFFFFFFF0] =	vst v7  }
0x1ec: {  	v7 =	vld [tilespmem:s15+$0xD000];
	_ =	sdelay $0x4  }
0x1ed: {  	v7 =	vperm.xlane v7, v2;
	_ =	sdelay $0x1  }
0x1ee: {  	s16 =	simm.s32 $0xE0;
	(xrf0) =	vadd.scan.msk.s32 $0xffff, v7  }
0x1ef: {  	v8 =	vld [tilespmem:s16+$0xD000];
	_ =	sdelay $0x4  }
0x1f0: {  	v9 =	vperm.xlane v8, v2;
	v8, _, _ =	vpop (xrf0)  }
0x1f1: {  	v10 =	vperm.xlane v8, v2  }
0x1f2: {  	(xrf0) =	vadd.scan.msk.s32 $0xffff, v9  }
0x1f3: {  	s17 =	simm.s32 $0xD0;
	v10 =	vxor.u32 $0x80000000, v10  }
0x1f4: {  	v11 =	vld [tilespmem:s17+$0xD000];
	(xrf0) =	vmax.scan.msk.u32 $0xffff, v10;
	_ =	sdelay $0x1  }
0x1f5: {  	v8 =	vadd.s32 v6, v8  }
0x1f6: {  	vm0 =	vgt.s32 v8, $0x3FF  }
0x1f7: {  	v7 =	vsel vm0, $0x0, v7;
	v10, _, _ =	vpop (xrf0)  }
0x1f8: {  	v8 =	vperm.xlane v11, v2;
	(xrf0) =	vadd.scan.msk.s32 $0xffff, v7;
	v7 =	vperm.xlane v10, v2  }
0x1f9: {  	v11, _, _ =	vpop (xrf0)  }
0x1fa: {  	v12 =	vmpcnt.ones.xlane vm0;
	(xrf0) =	vadd.scan.msk.s32 $0xffff, v8;
	v7 =	vxor.u32 $0x80000000, v7;
	v11 =	vxor.u32 $0x80000000, v11  }
0x1fb: {  	s18 =	simm.s32 $0xC0;
	(xrf0) =	vmax.scan.msk.u32 $0xffff, v7;
	v7 =	vadd.s32 v6, v11;
	v11 =	vmctz.xlane vm0  }
0x1fc: {  	vm1 =	vlt.s32 v5, $0x0;
	v13 =	vld [tilespmem:s18+$0xD000];
	vm0 =	vgt.s32 v12, $0x0;
	v10 =	vadd.s32 v7, v10  }
0x1fd: {  	vm0 =	vmand vm1, vm0;
	vm2 =	vgt.s32 v10, $0x3FF;
	v10 =	vsub.s32 v4, v11  }
0x1fe: {  	v5 =	vsel vm0, v10, v5;
	v10 =	vmpcnt.ones.xlane vm2;
	_ =	sdelay $0x1  }
0x1ff: {  	v9 =	vsel vm2, $0x0, v9;
	v14 =	vmctz.xlane vm2;
	v11, _, _ =	vpop (xrf0)  }
0x200: {  	(xrf0) =	vadd.scan.msk.s32 $0xffff, v9;
	v9 =	vadd.s32 $0xFFFFFFF0, v4;
	v12 =	vperm.xlane v11, v2;
	v11 =	vperm.xlane v13, v2;
	v13, _, _ =	vpop (xrf0)  }
0x201: {  	vm2 =	vlt.s32 v5, $0x0;
	vm1 =	vgt.s32 v10, $0x0;
	v4 =	vperm.xlane v13, v2;
	v10, _, _ =	vpop (xrf0)  }
0x202: {  	v14 =	vsub.s32 v9, v14;
	vm1 =	vmand vm2, vm1;
	v10 =	vxor.u32 $0x80000000, v10  }
0x203: {  	s15 =	simm.s32 $0xB0;
	(xrf0) =	vadd.scan.msk.s32 $0xffff, v11;
	v15 =	vxor.u32 $0x80000000, v12;
	v4 =	vxor.u32 $0x80000000, v4;
	v12 =	vadd.s32 v7, v10  }
0x204: {  	vm0 =	vmmov vm0;
	(xrf0) =	vmax.scan.msk.u32 $0xffff, v15;
	v10 =	vsel vm1, v14, v5;
	v5 =	vadd.s32 v12, v13;
	v13 =	vld [tilespmem:s15+$0xD000]  }
0x205: {  	s14 =	simm.s32 $0x280;
	vm0 =	vmmov vm0;
	(xrf0) =	vmax.scan.msk.u32 $0xffff, v4  }
0x206: {  	s13 =	simm.s32 $0x240;
	s18 =	simm.s32 $0x2000;
	s15 =	simm.s32 $0x200;
	v14, _, _ =	vpop (xrf0);
	vm2 =	vgt.s32 v5, $0x3FF;
	v4 =	vmov v12;
	v5 =	vimm.s32 $0x0  }
.LBB2_14:
0x207: {  	v15 =	vsel vm2, $0x0, v8  }
0x208: {  	p0 =	sne.s32 s15, $0x0;
	v18 =	vmpcnt.ones.xlane vm2;
	v14 =	vperm.xlane v14, v2;
	v8 =	vmovc v11;
	vm3 =	vmmov vm1  }
0x209: {  	v9 =	vadd.s32 $0xFFFFFFF0, v9;
	v11 =	vperm.xlane v13, v2;
	v17, _, _ =	vpop (xrf0);
	v13 =	vmctz.xlane vm2;
	(xrf0) =	vadd.scan.msk.s32 $0xffff, v15  }
0x20a: {  	vm2 =	vlt.s32 v10, $0x0;
	v15 =	vperm.xlane v17, v2;
	vm1 =	vgt.s32 v18, $0x0;
	v16, _, _ =	vpop (xrf0)  }
.Ltmp8:
0x20b: {  	s16 =	sshra.s32 s14, $0x2;
	s14 =	smov.u32 s13;
	v14 =	vxor.u32 $0x80000000, v14;
	(xrf0) =	vadd.scan.msk.s32 $0xffff, v11;
	v18 =	vsub.s32 v9, v13;
	vm1 =	vmand vm2, vm1;
	v19, _, _ =	vpop (xrf0);
	(pc) =	sbr.rel @p0 .LBB2_14-.Ltmp8, $4  }
0x20c: {  	s13 =	smov.u32 s15;
	v13 =	vld [tilespmem:s16+$0xD000];
	v15 =	vxor.u32 $0x80000000, v15;
	v19 =	vxor.u32 $0x80000000, v19;
	v10 =	vsel vm1, v18, v10;
	(xrf0) =	vmax.scan.msk.u32 $0xffff, v14  }
0x20d: {  	v18 =	vxor.u32 $0x80000000, v16;
	(xrf0) =	vmax.scan.msk.u32 $0xffff, v15;
	v12 =	vadd.s32 v12, v19  }
0x20e: {  	v16 =	vadd.s32 v6, v18;
	v6 =	vmovc v7;
	v7 =	vmovc v4;
	v15 =	vadd.s32 v12, v17;
	v4 =	vmov v12  }
0x20f: {  	s15 =	sadd.s32 $0xFFFFFFC0, s15;
	v5 =	vsel vm0, v16, v5;
	vm0 =	vmmov vm3;
	vm2 =	vgt.s32 v15, $0x3FF;
	v14, _, _ =	vpop (xrf0)  }
0x210: {  	_ = 	snop  }
0x211: {  	v8 =	vsel vm2, $0x0, v8;
	v14 =	vperm.xlane v14, v2;
	v13 =	vperm.xlane v13, v2;
	v15, _, _ =	vpop (xrf0)  }
0x212: {  	(xrf0) =	vadd.scan.msk.s32 $0xffff, v8;
	v8 =	vperm.xlane v15, v2;
	v16, _, _ =	vpop (xrf0)  }
0x213: {  	s14 =	sshra.s32 s14, $0x2;
	v14 =	vxor.u32 $0x80000000, v14;
	(xrf0) =	vadd.scan.msk.s32 $0xffff, v13;
	v17, _, _ =	vpop (xrf0)  }
0x214: {  	v18 =	vld [tilespmem:s14+$0xD000];
	v8 =	vxor.u32 $0x80000000, v8;
	v17 =	vxor.u32 $0x80000000, v17;
	(xrf0) =	vmax.scan.msk.u32 $0xffff, v14  }
0x215: {  	(xrf0) =	vmax.scan.msk.u32 $0xffff, v8;
	v8 =	vadd.s32 v12, v17  }
0x216: {  	v12 =	vadd.s32 v8, v15  }
0x217: {  	vm3 =	vgt.s32 v12, $0x3FF  }
0x218: {  	v11 =	vsel vm3, $0x0, v11  }
0x219: {  	v14 =	vperm.xlane v18, v2;
	v12, _, _ =	vpop (xrf0)  }
0x21a: {  	v15, _, _ =	vpop (xrf0);
	(xrf0) =	vadd.scan.msk.s32 $0xffff, v11  }
0x21b: {  	s13 =	sshra.s32 s13, $0x2;
	v12 =	vperm.xlane v12, v2;
	v11, _, _ =	vpop (xrf0);
	(xrf0) =	vadd.scan.msk.s32 $0xffff, v14  }
0x21c: {  	v18 =	vld [tilespmem:s13+$0xD000];
	v17, _, _ =	vpop (xrf0)  }
0x21d: {  	v12 =	vxor.u32 $0x80000000, v12;
	v17 =	vxor.u32 $0x80000000, v17  }
0x21e: {  	v19 =	vperm.xlane v15, v2;
	v17 =	vadd.s32 v8, v17  }
0x21f: {  	v15 =	vadd.s32 v17, v15  }
0x220: {  	v19 =	vxor.u32 $0x80000000, v19;
	(xrf0) =	vmax.scan.msk.u32 $0xffff, v12;
	vm4 =	vgt.s32 v15, $0x3FF;
	v12, _, _ =	vpop (xrf0)  }
0x221: {  	(xrf0) =	vmax.scan.msk.u32 $0xffff, v19;
	v19 =	vmpcnt.ones.xlane vm2;
	v15 =	vperm.xlane v18, v2;
	v13 =	vsel vm4, $0x0, v13;
	v18, _, _ =	vpop (xrf0)  }
0x222: {  	v12 =	vperm.xlane v12, v2;
	(xrf0) =	vadd.scan.msk.s32 $0xffff, v13;
	v13 =	vperm.xlane v18, v2  }
0x223: {  	v20 =	vmctz.xlane vm2;
	vm2 =	vgt.s32 v19, $0x0  }
0x224: {  	v19 =	vmpcnt.ones.xlane vm3;
	(xrf0) =	vadd.scan.msk.s32 $0xffff, v15;
	v12 =	vxor.u32 $0x80000000, v12;
	v13 =	vxor.u32 $0x80000000, v13  }
0x225: {  	v9 =	vadd.s32 $0xFFFFFFF0, v9;
	vm5 =	vlt.s32 v10, $0x0;
	(xrf0) =	vmax.scan.msk.u32 $0xffff, v12  }
0x226: {  	vm2 =	vmand vm5, vm2;
	v12 =	vsub.s32 v9, v20;
	(xrf0) =	vmax.scan.msk.u32 $0xffff, v13  }
0x227: {  	v20 =	vmpcnt.ones.xlane vm4;
	v10 =	vsel vm2, v12, v10;
	v12 =	vmctz.xlane vm3;
	v13, _, _ =	vpop (xrf0)  }
0x228: {  	v9 =	vadd.s32 $0xFFFFFFF0, v9;
	vm3 =	vgt.s32 v19, $0x0;
	vm5 =	vlt.s32 v10, $0x0;
	v19, _, _ =	vpop (xrf0)  }
0x229: {  	v12 =	vsub.s32 v9, v12;
	vm3 =	vmand vm5, vm3;
	v21, _, _ =	vpop (xrf0)  }
0x22a: {  	v10 =	vsel vm3, v12, v10;
	v12 =	vmctz.xlane vm4;
	v19 =	vxor.u32 $0x80000000, v19;
	v22, _, _ =	vpop (xrf0)  }
0x22b: {  	v9 =	vadd.s32 $0xFFFFFFF0, v9;
	vm4 =	vgt.s32 v20, $0x0;
	v19 =	vadd.s32 v17, v19;
	v20, _, _ =	vpop (xrf0)  }
0x22c: {  	vm5 =	vlt.s32 v10, $0x0;
	v12 =	vsub.s32 v9, v12;
	v18 =	vadd.s32 v19, v18;
	v23, _, _ =	vpop (xrf0)  }
0x22d: {  	vm4 =	vmand vm5, vm4;
	vm7 =	vgt.s32 v18, $0x3FF;
	v18 =	vxor.u32 $0x80000000, v23  }
0x22e: {  	v10 =	vsel vm4, v12, v10;
	v12 =	vmpcnt.ones.xlane vm7;
	v18 =	vadd.s32 v19, v18  }
0x22f: {  	v9 =	vadd.s32 $0xFFFFFFF0, v9;
	v23 =	vmctz.xlane vm7;
	v24 =	vadd.s32 v18, v22  }
0x230: {  	vm6 =	vlt.s32 v10, $0x0;
	vm5 =	vgt.s32 v12, $0x0;
	vm8 =	vgt.s32 v24, $0x3FF  }
0x231: {  	v12 =	vsub.s32 v9, v23;
	vm5 =	vmand vm6, vm5;
	v23 =	vmpcnt.ones.xlane vm8  }
0x232: {  	v10 =	vsel vm5, v12, v10;
	v12 =	vmctz.xlane vm8  }
0x233: {  	v9 =	vadd.s32 $0xFFFFFFF0, v9;
	vm9 =	vlt.s32 v10, $0x0;
	vm6 =	vgt.s32 v23, $0x0  }
0x234: {  	v9 =	vsub.s32 v9, v12;
	vm6 =	vmand vm9, vm6  }
0x235: {  	v9 =	vsel vm6, v9, v10  }
0x236: {  	(v2sf) =	vpush v9, $0x0;
	_ =	sdelay $0x6  }
0x237: {  	v10 =	vperm.xlane v21, v2  }
0x238: {  	v12 =	vsel vm7, $0x0, v14;
	v14 =	vperm.xlane v22, v2  }
0x239: {  	(xrf0) =	vadd.scan.msk.s32 $0xffff, v12;
	v10 =	vxor.u32 $0x80000000, v10  }
0x23a: {  	v12 =	vxor.u32 $0x80000000, v14;
	(xrf0) =	vmax.scan.msk.u32 $0xffff, v10  }
0x23b: {  	v10 =	vsel vm8, $0x0, v15;
	(xrf0) =	vmax.scan.msk.u32 $0xffff, v12  }
0x23c: {  	(xrf0) =	vadd.scan.msk.s32 $0xffff, v10;
	_ =	sdelay $0x2  }
0x23d: {  	v14 =	vxor.u32 $0x80000000, v16;
	v10, _, _ =	vpop (xrf0);
	s17 =	spop (v2sf)  }
0x23e: {  	v11 =	vxor.u32 $0x80000000, v11;
	v6 =	vadd.s32 v6, v14;
	v10 =	vperm.xlane v10, v2;
	v12, _, _ =	vpop (xrf0);
	s13 =	sshll.u32 s17, $0x6  }
0x23f: {  	vm1 =	vmmov vm1;
	v7 =	vadd.s32 v7, v11;
	v5 =	vsel vm0, v6, v5;
	v15, _, _ =	vpop (xrf0);
	s13 =	sshra.s32 s13, $0x2  }
0x240: {  	v6 =	vlaneseq.u32;
	vm0 =	vmmov vm1;
	v10 =	vxor.u32 $0x80000000, v10;
	v14, _, _ =	vpop (xrf0);
	v15 =	vld [tilespmem:s13+$0xC000]  }
0x241: {  	vm1 =	vmmov vm2;
	v16 =	vmul.u32 $0xFFFFFFFF, v6;
	(xrf0) =	vmax.scan.msk.u32 $0xffff, v10;
	v14 =	vperm.xlane v14, v2  }
0x242: {  	v5 =	vsel vm0, v7, v5;
	vm0 =	vmmov vm1;
	v7 =	vxor.u32 $0x80000000, v13  }
0x243: {  	vm1 =	vmmov vm3;
	v4 =	vadd.s32 v4, v7;
	v10 =	vxor.u32 $0x80000000, v14  }
0x244: {  	v7 =	vxor.u32 $0x80000000, v20;
	v4 =	vsel vm0, v4, v5;
	v14 =	vadd.s32 $0xF, v16;
	(xrf0) =	vmax.scan.msk.u32 $0xffff, v10  }
0x245: {  	vm0 =	vmmov vm1;
	v5 =	vadd.s32 v8, v7;
	v10 =	vperm.xlane v15, v14  }
0x246: {  	vm1 =	vmmov vm4;
	v4 =	vsel vm0, v5, v4;
	v5 =	vxor.u32 $0x80000000, v12  }
0x247: {  	vm0 =	vmmov vm1;
	v5 =	vadd.s32 v17, v5;
	v7, _, _ =	vpop (xrf0);
	(xrf0) =	vadd.scan.msk.s32 $0xffff, v10  }
0x248: {  	vm1 =	vmmov vm5;
	v4 =	vsel vm0, v5, v4;
	v5 =	vxor.u32 $0x80000000, v7  }
0x249: {  	vm0 =	vmmov vm1;
	v5 =	vadd.s32 v19, v5  }
0x24a: {  	v4 =	vsel vm0, v5, v4;
	v7, _, _ =	vpop (xrf0)  }
0x24b: {  	vm1 =	vmmov vm6;
	s13 =	simm.s32 $0x40;
	v7 =	vxor.u32 $0x80000000, v7  }
0x24c: {  	vm0 =	vmmov vm1;
	v16 =	vld [tilespmem:s13+$0xFFFFFFF0];
	v5 =	vadd.s32 v18, v7  }
0x24d: {  	v19 =	vld [tilespmem:s13+$0xFFFFFFD0];
	v7 =	vsel vm0, v5, v4;
	v4, _, _ =	vpop (xrf0)  }
0x24e: {  	v21 =	vld [tilespmem:s13+$0xFFFFFFC0];
	v4 =	vadd.s32 v7, v4  }
0x24f: {  	v15 =	vld [tilespmem:s13+$0xFFFFFFE0];
	vm0 =	vgt.s32 v4, $0x3FF  }
0x250: {  	v23 =	vld [tilespmem:s13+$0x0];
	v4 =	vsel vm0, $0x0, v10  }
0x251: {  	v5 =	vmctz.xlane vm0;
	(xrf0) =	vadd.scan.msk.s32 $0xffff, v4;
	v4 =	vshll.u32 v9, $0x4  }
0x252: {  	v11 =	vimm.s32 $0x0;
	v4 =	vor.u32 $0xF, v4  }
0x253: {  	v13 =	vand.u32 $0x7FFFFFFF, v16;
	v18 =	vand.u32 $0x7FFFFFFF, v19;
	v4 =	vsub.s32 v4, v5  }
0x254: {  	v24 =	vld [tilespmem:s13+$0x20];
	v17 =	vand.u32 $0x7FFFFFFF, v21;
	v10 =	vand.u32 $0x7FFFFFFF, v15;
	v4 =	vshll.u32 v4, $0x13  }
0x255: {  	v12 =	vld [tilespmem:s13+$0x10];
	v20 =	vand.u32 $0x7FFFFFFF, v23;
	v5 =	vadd.s32 $0x80000, v4;
	vm0 =	vle.s32 v4, v10  }
0x256: {  	vm3 =	vle.s32 v4, v18;
	vm2 =	vgt.s32 v5, v10;
	vm1 =	vgt.s32 v5, v18  }
0x257: {  	vm8 =	vgt.s32 v5, v13;
	vm12 =	vgt.s32 v5, v20;
	vm13 =	vgt.s32 v5, v17  }
0x258: {  	vm5 =	vmand vm0, vm2;
	vm15 =	vmand vm3, vm1;
	vm3 =	vle.s32 v4, v13  }
0x259: {  	v8, _, _ =	vpop (xrf0);
	v29 =	vnsel vm1, $0x0, v19;
	v19 =	vand.u32 $0x7FFFFFFF, v24;
	vm1 =	vle.s32 v4, v20  }
0x25a: {  	v22 =	vld [tilespmem:s13+$0x30];
	v23 =	vnsel vm12, $0x0, v23;
	v9 =	vperm.xlane v8, v14;
	v8 =	vand.u32 $0x7FFFFFFF, v12  }
0x25b: {  	v14 =	vsel vm5, $0x1, v0;
	v25 =	vsel vm15, $0x1, v0;
	v26 =	vmpcnt.ones.xlane vm15  }
0x25c: {  	vm4 =	vmand vm3, vm8;
	v30 =	vmpcnt.ones.xlane vm5;
	vm6 =	vle.s32 v4, v19  }
0x25d: {  	vm3 =	vmand vm1, vm12;
	vm0 =	vle.s32 v4, v8;
	vm7 =	vgt.s32 v5, v8  }
0x25e: {  	vm11 =	vgt.s32 v5, v19;
	v28 =	vsel vm4, $0x1, v0;
	(xrf0) =	vadd.scan.msk.s32 $0xffff, v14;
	vm9 =	vmand vm0, vm7  }
0x25f: {  	v14 =	vand.u32 $0x7FFFFFFF, v22;
	v32 =	vmpcnt.ones.xlane vm3;
	(xrf0) =	vadd.scan.msk.s32 $0xffff, v25;
	v27 =	vsel vm9, $0x1, v0  }
0x260: {  	vm6 =	vmand vm6, vm11;
	vm0 =	vle.s32 v4, v17;
	vm10 =	vgt.s32 v5, v14;
	(xrf0) =	vadd.scan.msk.s32 $0xffff, v27  }
0x261: {  	vm1 =	vle.s32 v4, v14;
	vm0 =	vmand vm0, vm13;
	v27 =	vsel vm3, $0x1, v0;
	(xrf0) =	vadd.scan.msk.s32 $0xffff, v28  }
0x262: {  	v31 =	vsel vm6, $0x1, v0;
	vm1 =	vmand vm1, vm10;
	v28 =	vmpcnt.ones.xlane vm0;
	(xrf0) =	vadd.scan.msk.s32 $0xffff, v27  }
0x263: {  	v24 =	vnsel vm11, $0x0, v24;
	v27 =	vnsel vm13, $0x0, v21;
	v21 =	vsel vm1, $0x1, v0;
	(xrf0) =	vadd.scan.msk.s32 $0xffff, v31  }
0x264: {  	v25 =	vmpcnt.ones.xlane vm4;
	v35 =	vsel vm0, $0x1, v0;
	v33, _, _ =	vpop (xrf0);
	v28 =	vadd.s32 v11, v28;
	(xrf0) =	vadd.scan.msk.s32 $0xffff, v21  }
0x265: {  	v59 =	vmpcnt.ones.xlane vm6;
	v34 =	vmpcnt.ones.xlane vm9;
	v31, _, _ =	vpop (xrf0);
	v26 =	vadd.s32 v28, v26;
	(xrf0) =	vadd.scan.msk.s32 $0xffff, v35  }
0x266: {  	v36 =	vadd.s32 v31, v28;
	v28 =	vadd.s32 v33, v26;
	v26 =	vadd.s32 v26, v30;
	v58, _, _ =	vpop (xrf0)  }
0x267: {  	v21 =	vadd.s32 $0x80, v6;
	v31 =	vmpcnt.ones.xlane vm1;
	v37 =	vadd.s32 v26, v25;
	v30, _, _ =	vpop (xrf0)  }
0x268: {  	v25 =	vadd.s32 $0xFFFFFFFF, v36;
	v30 =	vadd.s32 v30, v26;
	v26 =	vadd.s32 v37, v32;
	v60, _, _ =	vpop (xrf0)  }
0x269: {  	[tilespmem:s13+$0x0] =	vst v23;
	v23 =	vadd.s32 v60, v37;
	v61 =	vadd.s32 v58, v26;
	v26 =	vadd.s32 v26, v34;
	v62, _, _ =	vpop (xrf0)  }
0x26a: {  	[tilespmem:s13+$0xFFFFFFD0] =	vst v29;
	v23 =	vadd.s32 $0xFFFFFFFF, v23;
	v29 =	vadd.s32 v62, v26;
	v33 =	vadd.s32 v26, v59;
	v63, _, _ =	vpop (xrf0)  }
0x26b: {  	s15 =	simm.s32 $0xC0;
	s14 =	simm.s32 $0x0;
	[tilespmem:s13+$0x20] =	vst v24;
	v26 =	vadd.s32 $0xFFFFFFFF, v61;
	v24 =	vadd.s32 $0xFFFFFFFF, v29;
	v29 =	vadd.s32 v63, v33;
	v32, _, _ =	vpop (xrf0)  }
.LBB2_16:
0x26c: {  	[tilespmem:s13+$0xFFFFFFC0] =	vst v27;
	v16 =	vnsel vm8, $0x0, v16;
	v27 =	vnsel vm7, $0x0, v12  }
0x26d: {  	v34 =	vld [tilespmem:s15+$0xFFFFFFE0];
	s14 =	sadd.s32 $0x8, s14;
	v22 =	vnsel vm10, $0x0, v22;
	vm10 =	vmmov vm5;
	vm11 =	vmmov vm9  }
0x26e: {  	v28 =	vadd.s32 $0xFFFFFFFF, v28;
	v30 =	vadd.s32 $0xFFFFFFFF, v30;
	v31 =	vadd.s32 v33, v31;
	v12 =	vld [tilespmem:s15+$0x10];
	p0 =	slt.u32 s14, $0x7F8;
	[tilespmem:s13+$0xFFFFFFF0] =	vst v16  }
0x26f: {  	v15 =	vnsel vm2, $0x0, v15;
	v16 =	vld [tilespmem:s15+$0xFFFFFFF0];
	[tilespmem:s13+$0x10] =	vst v27;
	v27 =	vadd.s32 $0x70, v6  }
0x270: {  	v35 =	vadd.s32 $0x20, v6;
	v36 =	vadd.s32 $0x40, v6;
	v37 =	vadd.s32 $0x60, v6;
	v33 =	vld [tilespmem:s15+$0xFFFFFFD0];
	[tilespmem:s13+$0xFFFFFFE0] =	vst v15  }
0x271: {  	v39 =	vadd.s32 $0x10, v6;
	v40 =	vadd.s32 $0x30, v6;
	v41 =	vadd.s32 $0x50, v6;
	v38 =	vld [tilespmem:s15+$0x0];
	[tilespmem:s13+$0x30] =	vst v22;
	s13 =	smov.u32 s15  }
0x272: {  	v32 =	vadd.s32 v32, v11;
	v29 =	vadd.s32 $0xFFFFFFFF, v29;
	v42 =	vand.u32 $0x7FFFFFFF, v34;
	v22 =	vld [tilespmem:s15+$0x30];
	[tilespmem:v25+s5+$0x0] =	vst.idx.msk vm15, v18;
	v15 =	vmovc v34  }
0x273: {  	v34 =	vld [tilespmem:s15+$0xFFFFFFC0];
	vm2 =	vgt.s32 v5, v42;
	vm5 =	vle.s32 v4, v42;
	v43 =	vand.u32 $0x7FFFFFFF, v12;
	[tilespmem:v30+s5+$0x0] =	vst.idx.msk vm4, v13  }
0x274: {  	v11 =	vmovc v31;
	vm5 =	vmand vm5, vm2;
	v13 =	vand.u32 $0x7FFFFFFF, v16;
	vm9 =	vle.s32 v4, v43;
	[tilespmem:v30+s6+$0x0] =	vst.idx.msk vm4, v40  }
0x275: {  	vm7 =	vgt.s32 v5, v43;
	v30 =	vadd.s32 $0xFFFFFFFF, v32;
	v18 =	vand.u32 $0x7FFFFFFF, v33;
	[tilespmem:v23+s5+$0x0] =	vst.idx.msk vm3, v20  }
0x276: {  	v20 =	vsel vm5, $0x1, v0;
	vm12 =	vgt.s32 v5, v18;
	vm4 =	vle.s32 v4, v18;
	[tilespmem:v25+s6+$0x0] =	vst.idx.msk vm15, v39  }
0x277: {  	vm8 =	vgt.s32 v5, v13;
	vm15 =	vmand vm4, vm12;
	vm4 =	vle.s32 v4, v13;
	v25 =	vld [tilespmem:s15+$0x20];
	[tilespmem:v28+s5+$0x0] =	vst.idx.msk vm10, v10  }
0x278: {  	v10 =	vmovc v42;
	v32 =	vsel vm15, $0x1, v0;
	v39 =	vmpcnt.ones.xlane vm15;
	(xrf0) =	vadd.scan.msk.s32 $0xffff, v20;
	[tilespmem:v24+s5+$0x0] =	vst.idx.msk vm6, v19  }
0x279: {  	vm9 =	vmand vm9, vm7;
	vm4 =	vmand vm4, vm8;
	(xrf0) =	vadd.scan.msk.s32 $0xffff, v32;
	[tilespmem:v26+s5+$0x0] =	vst.idx.msk vm11, v8;
	v8 =	vmovc v43  }
0x27a: {  	v20 =	vand.u32 $0x7FFFFFFF, v38;
	v19 =	vsel vm9, $0x1, v0;
	v32 =	vand.u32 $0x7FFFFFFF, v34;
	[tilespmem:v26+s6+$0x0] =	vst.idx.msk vm11, v41  }
0x27b: {  	vm14 =	vle.s32 v4, v32;
	v26 =	vsel vm4, $0x1, v0;
	(xrf0) =	vadd.scan.msk.s32 $0xffff, v19;
	[tilespmem:v24+s6+$0x0] =	vst.idx.msk vm6, v37  }
0x27c: {  	vm11 =	vgt.s32 v5, v20;
	v24 =	vnsel vm12, $0x0, v33;
	v19 =	vand.u32 $0x7FFFFFFF, v25;
	[tilespmem:v23+s6+$0x0] =	vst.idx.msk vm3, v36  }
0x27d: {  	vm13 =	vgt.s32 v5, v32;
	v23 =	vmpcnt.ones.xlane vm5;
	vm3 =	vle.s32 v4, v20;
	[tilespmem:v30+s5+$0x0] =	vst.idx.msk vm0, v17  }
0x27e: {  	vm6 =	vle.s32 v4, v19;
	v33, _, _ =	vpop (xrf0);
	(xrf0) =	vadd.scan.msk.s32 $0xffff, v26;
	[tilespmem:v29+s5+$0x0] =	vst.idx.msk vm1, v14;
	v14 =	vand.u32 $0x7FFFFFFF, v22  }
0x27f: {  	vm3 =	vmand vm3, vm11;
	vm12 =	vgt.s32 v5, v19;
	v26 =	vmpcnt.ones.xlane vm4;
	v36, _, _ =	vpop (xrf0);
	[tilespmem:v28+s6+$0x0] =	vst.idx.msk vm10, v35  }
0x280: {  	v17 =	vmovc v32;
	vm6 =	vmand vm6, vm12;
	v35 =	vmpcnt.ones.xlane vm3;
	[tilespmem:v30+s6+$0x0] =	vst.idx.msk vm0, v6;
	vm0 =	vmand vm14, vm13;
	v6 =	vmovc v21  }
0x281: {  	v28 =	vsel vm3, $0x1, v0;
	vm10 =	vgt.s32 v5, v14;
	vm14 =	vle.s32 v4, v14;
	v32, _, _ =	vpop (xrf0);
	[tilespmem:v29+s6+$0x0] =	vst.idx.msk vm1, v27  }
0x282: {  	v30 =	vsel vm6, $0x1, v0;
	v29 =	vmpcnt.ones.xlane vm0;
	vm1 =	vmand vm14, vm10;
	(xrf0) =	vadd.scan.msk.s32 $0xffff, v28  }
0x283: {  	v27 =	vnsel vm13, $0x0, v34;
	v34 =	vmpcnt.ones.xlane vm9;
	v28 =	vsel vm1, $0x1, v0;
	(xrf0) =	vadd.scan.msk.s32 $0xffff, v30  }
0x284: {  	v37 =	vnsel vm11, $0x0, v38;
	v30 =	vsel vm0, $0x1, v0;
	v29 =	vadd.s32 v31, v29;
	v38, _, _ =	vpop (xrf0);
	(xrf0) =	vadd.scan.msk.s32 $0xffff, v28  }
0x285: {  	v21 =	vadd.s32 $0x80, v21;
	v36 =	vadd.s32 v36, v29;
	v29 =	vadd.s32 v29, v39;
	(xrf0) =	vadd.scan.msk.s32 $0xffff, v30  }
0x286: {  	v28 =	vadd.s32 v33, v29;
	v23 =	vadd.s32 v29, v23;
	v29 =	vmpcnt.ones.xlane vm6  }
.Ltmp9:
0x287: {  	v31 =	vmpcnt.ones.xlane vm1;
	v33 =	vnsel vm12, $0x0, v25;
	v26 =	vadd.s32 v23, v26;
	(pc) =	sbr.rel @p0 .LBB2_16-.Ltmp9, $4  }
0x288: {  	v25 =	vadd.s32 $0xFFFFFFFF, v36;
	v30 =	vadd.s32 v38, v23;
	v23 =	vadd.s32 v26, v35;
	[tilespmem:s15+$0x0] =	vst v37;
	v35, _, _ =	vpop (xrf0)  }
0x289: {  	[tilespmem:s15+$0xFFFFFFD0] =	vst v24;
	v24 =	vadd.s32 v35, v26;
	v26 =	vadd.s32 v32, v23;
	v35 =	vadd.s32 v23, v34;
	v34, _, _ =	vpop (xrf0)  }
0x28a: {  	v23 =	vadd.s32 $0xFFFFFFFF, v24;
	[tilespmem:s15+$0x20] =	vst v33;
	v24 =	vadd.s32 v34, v35;
	v33 =	vadd.s32 v35, v29;
	v29, _, _ =	vpop (xrf0)  }
0x28b: {  	v26 =	vadd.s32 $0xFFFFFFFF, v26;
	s15 =	sadd.s32 $0x80, s15;
	v24 =	vadd.s32 $0xFFFFFFFF, v24;
	v29 =	vadd.s32 v29, v33;
	v32, _, _ =	vpop (xrf0)  }
0x28c: {  	_ =	sdelay $0x3  }
0x28d: {  	[tilespmem:s13+$0xFFFFFFC0] =	vst v27  }
0x28e: {  	[tilespmem:v25+s5+$0x0] =	vst.idx.msk vm15, v18  }
0x28f: {  	[tilespmem:v23+s5+$0x0] =	vst.idx.msk vm3, v20  }
0x290: {  	v16 =	vnsel vm8, $0x0, v16;
	[tilespmem:v24+s5+$0x0] =	vst.idx.msk vm6, v19  }
0x291: {  	v12 =	vnsel vm7, $0x0, v12;
	[tilespmem:s13+$0xFFFFFFF0] =	vst v16  }
0x292: {  	v15 =	vnsel vm2, $0x0, v15;
	[tilespmem:s13+$0x10] =	vst v12  }
0x293: {  	v54 =	vnsel vm10, $0x0, v22;
	[tilespmem:s13+$0xFFFFFFE0] =	vst v15  }
0x294: {  	v57 =	vadd.s32 $0x10, v6;
	[tilespmem:s13+$0x30] =	vst v54  }
0x295: {  	v53 =	vadd.s32 $0xFFFFFFFF, v30;
	v61 =	vadd.s32 $0x40, v6;
	[tilespmem:v25+s6+$0x0] =	vst.idx.msk vm15, v57  }
0x296: {  	v60 =	vadd.s32 $0xFFFFFFFF, v29;
	[tilespmem:v23+s6+$0x0] =	vst.idx.msk vm3, v61  }
0x297: {  	vm2 =	vmmov vm5;
	v59 =	vadd.s32 $0x50, v6;
	[tilespmem:v26+s5+$0x0] =	vst.idx.msk vm9, v8  }
0x298: {  	v55 =	vadd.s32 $0xFFFFFFFF, v28;
	v11 =	vadd.s32 v32, v11;
	v8 =	vadd.s32 $0x60, v6;
	[tilespmem:v26+s6+$0x0] =	vst.idx.msk vm9, v59  }
0x299: {  	v9 =	vxor.u32 $0x80000000, v9;
	v58 =	vadd.s32 $0xFFFFFFFF, v11;
	[tilespmem:v24+s6+$0x0] =	vst.idx.msk vm6, v8  }
0x29a: {  	(xrf0) =	vmax.scan.msk.u32 $0xffff, v9;
	[tilespmem:v53+s5+$0x0] =	vst.idx.msk vm4, v13  }
0x29b: {  	v56 =	vadd.s32 $0x30, v6;
	[tilespmem:v60+s5+$0x0] =	vst.idx.msk vm1, v14  }
0x29c: {  	[tilespmem:v53+s6+$0x0] =	vst.idx.msk vm4, v56  }
0x29d: {  	[tilespmem:v55+s5+$0x0] =	vst.idx.msk vm2, v10  }
0x29e: {  	v63 =	vadd.s32 $0x70, v6;
	[tilespmem:v58+s5+$0x0] =	vst.idx.msk vm0, v17  }
0x29f: {  	v8 =	vadd.s32 $0x20, v6;
	[tilespmem:v60+s6+$0x0] =	vst.idx.msk vm1, v63  }
0x2a0: {  	v62, _, _ =	vpop (xrf0);
	[tilespmem:v55+s6+$0x0] =	vst.idx.msk vm2, v8  }
0x2a1: {  	[tilespmem:v58+s6+$0x0] =	vst.idx.msk vm0, v6;
	v8 =	vxor.u32 $0x7FFFFFFF, v62  }
0x2a2: {  	v6 =	vsub.s32 v8, v7;
	v7 =	vld [tilespmem:$0x1FF20];
	_ =	sdelay $0x4  }
0x2a3: {  	vm4 =	vnez.u8 v7;
	v7 =	vld [tilespmem:$0x1FF30];
	_ =	sdelay $0x3  }
0x2a4: {  	vm5 =	vmmov vm9  }
0x2a5: {  	vm5 =	vnez.u8 v7;
	v7 =	vld [tilespmem:$0x1FF40];
	_ =	sdelay $0x4  }
0x2a6: {  	vm6 =	vnez.u8 v7;
	v7 =	vld [tilespmem:$0x1FF50];
	_ =	sdelay $0x4  }
0x2a7: {  	vm7 =	vnez.u8 v7;
	v7 =	vld [tilespmem:$0x1FF60];
	_ =	sdelay $0x4  }
0x2a8: {  	vm8 =	vnez.u8 v7;
	v7 =	vld [tilespmem:$0x1FF70];
	_ =	sdelay $0x4  }
0x2a9: {  	vm9 =	vnez.u8 v7;
	v7 =	vld [tilespmem:$0x1FF80];
	_ =	sdelay $0x4  }
0x2aa: {  	vm10 =	vnez.u8 v7;
	v7 =	vld [tilespmem:$0x1FF90];
	_ =	sdelay $0x4  }
0x2ab: {  	vm11 =	vnez.u8 v7;
	v7 =	vld [tilespmem:$0x1FFA0];
	_ =	sdelay $0x3  }
0x2ac: {  	v21 =	vadd.s32 v33, v31  }
0x2ad: {  	(v2sf) =	vpush v21, $0x0;
	vm12 =	vnez.u8 v7;
	v7 =	vld [tilespmem:$0x1FFB0];
	_ =	sdelay $0x4  }
0x2ae: {  	vm13 =	vnez.u8 v7;
	v7 =	vld [tilespmem:$0x1FFD0];
	_ =	sdelay $0x4  }
0x2af: {  	vm14 =	vnez.u8 v7;
	v7 =	vld [tilespmem:$0x1FFE0];
	_ =	sdelay $0x4  }
0x2b0: {  	s17 =	spop (v2sf);
	vm2 =	vnez.u8 v7;
	v7 =	vld [tilespmem:$0x1FFF0]  }
.Ltmp10:
0x2b1: {  	s15 =	sadd.s32 $0xF, s17;
	(pc) =	sbr.rel .LBB2_18-.Ltmp10, $4  }
0x2b2: {  	s13 =	sshra.s32 s15, $0x1F  }
0x2b3: {  	s13 =	sshrl.u32 s13, $0x1C  }
0x2b4: {  	s13 =	sadd.s32 s13, s15  }
0x2b5: {  	v6 =	vadd.s32 $0x401, v6;
	p1 =	slt.s32 s15, $0x10;
	s14 =	sshra.s32 s13, $0x4;
	s13 =	simm.s32 $0x0;
	vm3 =	vnez.u8 v7  }
.LBB2_61:
0x2b6: {  	s13 =	sadd.s32 $0x1, s13  }
0x2b7: {  	p0 =	seq.s32 s13, $0x13  }
.Ltmp11:
0x2b8: {  	_ = 	snop;
	(pc) =	sbr.rel @p0 .LBB2_30-.Ltmp11, $3  }
0x2b9: {  	_ =	sdelay $0x1  }
0x2ba: {  	vm0 =	vgt.s32 v6, $0x0  }
0x2bb: {  	v4 =	vsel vm0, v4, v7;
	v5 =	vsel vm0, v7, v5  }
.LBB2_18:
.Ltmp12:
0x2bc: {  	(pc) =	sbr.rel @p1 .LBB2_61-.Ltmp12, $3  }
0x2bd: {  	_ =	sdelay $0x1  }
0x2be: {  	v7 =	vadd.s32 v4, v5  }
0x2bf: {  	v7 =	vshrl.u32 v7, $0x1  }
0x2c0: {  	s15 =	simm.s32 $0xD100  }
0x2c1: {  	p0 =	sne.s32 s14, $0x1;
	v10 =	vld [tilespmem:s15+$0x0]  }
.Ltmp13:
0x2c2: {  	_ = 	snop;
	(pc) =	sbr.rel @!p0 .LBB2_21-.Ltmp13, $3  }
0x2c3: {  	_ =	sdelay $0x1  }
0x2c4: {  	v9 =	vlaneseq.u32  }
0x2c5: {  	v8 =	vimm.s32 $0x0;
	s16 =	simm.s32 $0xD110;
	s15 =	sadd.s32 $0xFFFFFFFF, s14;
	vm1 =	vlt.s32 v9, v21;
	vm0 =	vge.s32 v10, v7  }
.LBB2_20:
0x2c6: {  	v10 =	vld [tilespmem:s16+$0x0];
	p2 =	sne.s32 s15, $0x1;
	s15 =	sadd.s32 $0xFFFFFFFF, s15;
	vm0 =	vmand vm1, vm0  }
.Ltmp14:
0x2c7: {  	v11 =	vmpcnt.ones.xlane vm0;
	(pc) =	sbr.rel @p2 .LBB2_20-.Ltmp14, $4  }
0x2c8: {  	_ = 	snop  }
0x2c9: {  	v8 =	vadd.s32 v8, v11  }
0x2ca: {  	v9 =	vadd.s32 $0x10, v9  }
0x2cb: {  	s16 =	sadd.s32 $0x10, s16;
	vm1 =	vlt.s32 v9, v21;
	vm0 =	vge.s32 v10, v7  }
.LBB2_21:
0x2cc: {  	s13 =	sadd.s32 $0x1, s13  }
0x2cd: {  	vm0 =	vmand vm1, vm0;
	p2 =	seq.s32 s13, $0x13  }
.Ltmp15:
0x2ce: {  	v9 =	vmpcnt.ones.xlane vm0;
	(pc) =	sbr.rel @!p2 .LBB2_18-.Ltmp15, $4  }
0x2cf: {  	_ = 	snop  }
0x2d0: {  	v8 =	vadd.s32 v8, v9  }
0x2d1: {  	vm0 =	vlt.s32 v8, v6  }
0x2d2: {  	v4 =	vsel vm0, v4, v7;
	v5 =	vsel vm0, v7, v5  }
0x2d3: {  	s15 =	simm.s32 $0xD100  }
0x2d4: {  	v9 =	vld [tilespmem:s15+$0x0]  }
.Ltmp16:
0x2d5: {  	_ = 	snop;
	(pc) =	sbr.rel @!p0 .LBB2_24-.Ltmp16, $4  }
0x2d6: {  	_ = 	snop  }
0x2d7: {  	v7 =	vadd.s32 $0x1, v4  }
0x2d8: {  	v8 =	vimm.s32 $0x0;
	v5 =	vlaneseq.u32;
	v10 =	vlaneseq.u32  }
0x2d9: {  	s13 =	sadd.s32 $0xFFFFFFFF, s14;
	s16 =	simm.s32 $0xD110;
	vm1 =	vlt.s32 v5, v21;
	vm0 =	vge.s32 v9, v7;
	v9 =	vimm.s32 $0x0  }
.LBB2_23:
0x2da: {  	v11 =	vld [tilespmem:s16+$0x0];
	p1 =	sne.s32 s13, $0x1;
	s13 =	sadd.s32 $0xFFFFFFFF, s13;
	vm0 =	vmand vm1, vm0  }
.Ltmp17:
0x2db: {  	v12 =	vmpcnt.ones.xlane vm0;
	(pc) =	sbr.rel @p1 .LBB2_23-.Ltmp17, $4  }
0x2dc: {  	_ = 	snop  }
0x2dd: {  	v9 =	vadd.s32 v9, v12  }
0x2de: {  	v10 =	vadd.s32 $0x10, v10  }
0x2df: {  	s16 =	sadd.s32 $0x10, s16;
	vm1 =	vlt.s32 v10, v21;
	vm0 =	vge.s32 v11, v7  }
.LBB2_24:
.Ltmp18:
0x2e0: {  	vm0 =	vmand vm1, vm0;
	(pc) =	sbr.rel @!p0 .LBB2_25-.Ltmp18, $3  }
0x2e1: {  	v7 =	vmpcnt.ones.xlane vm0;
	_ =	sdelay $0x1  }
0x2e2: {  	v7 =	vadd.s32 v9, v7  }
0x2e3: {  	s13 =	simm.s32 $0x15180;
	s14 =	sadd.s32 $0xFFFFFFFF, s14;
	p1 =	por $0x0, $0x0;
	v6 =	vsub.s32 v6, v7;
	v7 =	vld [tilespmem:s15+$0x0]  }
0x2e4: {  	_ =	sdelay $0x3  }
0x2e5: {  	vm0 =	vlt.s32 v5, v21;
	vm1 =	veq.s32 v7, v4  }
0x2e6: {  	vm1 =	vmand vm0, vm1  }
0x2e7: {  	v9 =	vsel vm1, $0x1, v0  }
0x2e8: {  	(xrf0) =	vadd.scan.msk.s32 $0xffff, v9;
	_ =	sdelay $0x5  }
0x2e9: {  	v9, _, _ =	vpop (xrf0)  }
0x2ea: {  	v9 =	vadd.s32 v8, v9  }
0x2eb: {  	vm2 =	vgt.s32 v7, v4;
	v7 =	vld [tilespmem:s13+$0x0];
	vm3 =	vle.s32 v9, v6  }
0x2ec: {  	vm0 =	vmand vm0, vm2;
	vm2 =	vmand vm1, vm3  }
0x2ed: {  	vm0 =	vmor vm0, vm2;
	_ =	sdelay $0x1  }
0x2ee: {  	p0 =	sne.s32 s14, $0x1  }
.Ltmp19:
0x2ef: {  	_ = 	snop;
	(pc) =	sbr.rel @!p0 .LBB2_27-.Ltmp19, $3  }
0x2f0: {  	v9 =	vmpcnt.ones.xlane vm1;
	_ =	sdelay $0x1  }
0x2f1: {  	s15 =	simm.s32 $0xD110;
	v8 =	vadd.s32 v8, v9;
	[tilespmem:v7+s3+$0x0] =	vst.idx.msk vm0, v3  }
0x2f2: {  	s16 =	sadd.s32 $0xFFFFFFFF, s14;
	p1 =	por $0x1, $0x1;
	s14 =	simm.s32 $0x15180;
	v9 =	vlaneseq.u32;
	v10 =	vmov v8;
	v7 =	vld [tilespmem:s15+$0x0]  }
.LBB2_28:
0x2f3: {  	p0 =	sne.s32 s16, $0x1;
	_ =	sdelay $0x2  }
0x2f4: {  	v9 =	vadd.s32 $0x10, v9  }
0x2f5: {  	vm0 =	vlt.s32 v9, v21;
	vm1 =	veq.s32 v7, v4  }
0x2f6: {  	vm1 =	vmand vm0, vm1  }
0x2f7: {  	v11 =	vsel vm1, $0x1, v0;
	v12 =	vmpcnt.ones.xlane vm1  }
0x2f8: {  	(xrf0) =	vadd.scan.msk.s32 $0xffff, v11  }
0x2f9: {  	v10 =	vadd.s32 v10, v12;
	_ =	sdelay $0x4  }
0x2fa: {  	v11, _, _ =	vpop (xrf0)  }
0x2fb: {  	s14 =	sadd.s32 $0x10, s14;
	v11 =	vadd.s32 v8, v11;
	v8 =	vmov v10  }
0x2fc: {  	vm2 =	vgt.s32 v7, v4;
	vm3 =	vle.s32 v11, v6;
	v7 =	vld [tilespmem:s14+$0x0]  }
0x2fd: {  	vm0 =	vmand vm0, vm2;
	vm1 =	vmand vm1, vm3  }
0x2fe: {  	vm0 =	vmor vm0, vm1;
	_ =	sdelay $0x2  }
.Ltmp20:
0x2ff: {  	(pc) =	sbr.rel @p0 .LBB2_28-.Ltmp20, $3  }
0x300: {  	_ =	sdelay $0x1  }
0x301: {  	s15 =	sadd.s32 $0x10, s15;
	[tilespmem:v7+s3+$0x0] =	vst.idx.msk vm0, v3  }
0x302: {  	s16 =	sadd.s32 $0xFFFFFFFF, s16;
	v7 =	vld [tilespmem:s15+$0x0]  }
.LBB2_29:
0x303: {  	_ =	sdelay $0x1  }
0x304: {  	v9 =	vadd.s32 @p1 $0x10, v9  }
0x305: {  	v5 =	vpsel p1, v9, v5  }
0x306: {  	vm0 =	vlt.s32 v5, v21;
	vm1 =	veq.s32 v7, v4  }
0x307: {  	vm1 =	vmand vm0, vm1  }
0x308: {  	v5 =	vsel vm1, $0x1, v0  }
0x309: {  	(xrf0) =	vadd.scan.msk.s32 $0xffff, v5;
	_ =	sdelay $0x5  }
0x30a: {  	s14 =	sadd.s32 @p1 $0x10, s14;
	v5, _, _ =	vpop (xrf0)  }
0x30b: {  	s13 =	smov.u32 @p1 s14;
	v5 =	vadd.s32 v8, v5  }
0x30c: {  	vm2 =	vgt.s32 v7, v4;
	v4 =	vld [tilespmem:s13+$0x0];
	vm3 =	vle.s32 v5, v6  }
0x30d: {  	vm0 =	vmand vm0, vm2;
	vm1 =	vmand vm1, vm3  }
0x30e: {  	vm0 =	vmor vm0, vm1;
	_ =	sdelay $0x5  }
0x30f: {  	[tilespmem:v4+s3+$0x0] =	vst.idx.msk vm0, v3;
	v4 =	vld [tilespmem:$0x1FFE0];
	_ =	sdelay $0x4  }
0x310: {  	vm2 =	vnez.u8 v4;
	v4 =	vld [tilespmem:$0x1FFF0];
	_ =	sdelay $0x4  }
0x311: {  	vm3 =	vnez.u8 v4  }
.LBB2_30:
0x312: {  	s13 =	rddreg [dreg:$0xb]  }
0x313: {  	[hbm4b:s13+s25] =	stream.strided.scatter [tilespmem:s3], [sflag:$0x3], $0x4000, s26, s25, $0x38;
	[tilespmem:$0x1DA00] =	vst v63  }
0x314: {  	s16 =	rddreg [dreg:$0xc]  }
0x315: {  	[hbm4b:s16+s25] =	stream.strided.scatter [tilespmem:s4], [sflag:$0x4], $0x4000, s26, s25, $0x38;
	[tilespmem:$0x1DA00] =	vst v63  }
0x316: {  	_ =	swait.ge [sflag:s8], $0x4000  }
0x317: {  	[sflag:s8] =	ssyncset.done $0x0  }
0x318: {  	[sflag:s8] =	ssyncadd.s32 $0xFFFFC000  }
0x319: {  	_ =	swait.ge [sflag:s10], $0x4000  }
0x31a: {  	[sflag:s10] =	ssyncset.done $0x0  }
0x31b: {  	[sflag:s10] =	ssyncadd.s32 $0xFFFFC000  }
0x31c: {  	[tilespmem:s24], [sflag:$0x1] =	stream.linear.gather [spmem:s1], $0x2000, $0x38;
	[tilespmem:$0x1DA00] =	vst v63  }
0x31d: {  	s13 =	simm.s32 $0xC040;
	s17 =	rddreg [dreg:$0xd]  }
0x31e: {  	[tilespmem:s3], [sflag:$0x5] =	stream.strided.gather [hbm4b:s17+s25], $0x2000, s26, s25, $0x38;
	[tilespmem:$0x1DA00] =	vst v63  }
0x31f: {  	[tilespmem:s13+$0xFFFFFFC0] =	vst v0  }
0x320: {  	[tilespmem:s13+$0x30] =	vst v0  }
0x321: {  	[tilespmem:s13+$0x20] =	vst v0  }
0x322: {  	[tilespmem:s13+$0x10] =	vst v0  }
0x323: {  	[tilespmem:s13+$0x0] =	vst v0  }
0x324: {  	[tilespmem:s13+$0xFFFFFFF0] =	vst v0  }
0x325: {  	s14 =	simm.s32 $0x0;
	[tilespmem:s13+$0xFFFFFFE0] =	vst v0  }
.LBB2_31:
0x326: {  	s14 =	sadd.s32 $0x8, s14;
	[tilespmem:s13+$0xFFFFFFD0] =	vst v0;
	s13 =	sadd.s32 $0x80, s13  }
0x327: {  	[tilespmem:s13+$0xFFFFFFC0] =	vst v0;
	p0 =	slt.u32 s14, $0xF8  }
0x328: {  	[tilespmem:s13+$0x30] =	vst v0  }
.Ltmp21:
0x329: {  	[tilespmem:s13+$0x20] =	vst v0;
	(pc) =	sbr.rel @p0 .LBB2_31-.Ltmp21, $4  }
0x32a: {  	[tilespmem:s13+$0x10] =	vst v0  }
0x32b: {  	[tilespmem:s13+$0x0] =	vst v0  }
0x32c: {  	[tilespmem:s13+$0xFFFFFFF0] =	vst v0  }
0x32d: {  	[tilespmem:s13+$0xFFFFFFE0] =	vst v0  }
0x32e: {  	[tilespmem:s13+$0xFFFFFFD0] =	vst v0  }
0x32f: {  	_ =	swait.ge [sflag:s28], $0x2000  }
0x330: {  	[sflag:s28] =	ssyncset.done $0x0  }
0x331: {  	[sflag:s28] =	ssyncadd.s32 $0xFFFFE000  }
0x332: {  	_ =	swait.ge [sflag:s29], $0x2000  }
0x333: {  	[sflag:s29] =	ssyncset.done $0x0  }
0x334: {  	[sflag:s29] =	ssyncadd.s32 $0xFFFFE000  }
0x335: {  	[tilespmem:s30], [sflag:$0x2] =	stream.linear.gather [spmem:s7], $0x2000, $0x38;
	[tilespmem:$0x1DA00] =	vst v63  }
0x336: {  	s13 =	simm.s32 $0x40;
	s17 =	rddreg [dreg:$0xe]  }
0x337: {  	[tilespmem:s18], [sflag:$0x6] =	stream.strided.gather [hbm4b:s17+s25], $0x2000, s26, s25, $0x38;
	[tilespmem:$0x1DA00] =	vst v63  }
0x338: {  	v5 =	vld [tilespmem:s13+$0xFFFFFFC0]  }
0x339: {  	s14 =	simm.s32 $0x8040;
	v11 =	vld [tilespmem:s13+$0xFFFFFFD0]  }
0x33a: {  	v12 =	vld [tilespmem:s14+$0xFFFFFFD0]  }
0x33b: {  	v15 =	vld [tilespmem:s14+$0xFFFFFFC0];
	_ =	sdelay $0x1  }
0x33c: {  	v6 =	vld [tilespmem:s14+$0xFFFFFFE0]  }
0x33d: {  	v4 =	vld [tilespmem:s14+$0x20]  }
0x33e: {  	v7 =	vld [tilespmem:s14+$0x30]  }
0x33f: {  	v8 =	vld [tilespmem:s13+$0x30];
	v15 =	vmul.f32 v15, v5;
	v5 =	vmul.f32 v12, v11  }
0x340: {  	v10 =	vld [tilespmem:s14+$0x0]  }
0x341: {  	v9 =	vld [tilespmem:s13+$0x20];
	[tilespmem:s13+$0xFFFFFFD0] =	vst v5  }
0x342: {  	v13 =	vld [tilespmem:s13+$0x0];
	v11 =	vand.u32 $0x7FFFFFFF, v15;
	v18 =	vand.u32 $0x7FFFFFFF, v5;
	[tilespmem:s13+$0xFFFFFFC0] =	vst v15  }
0x343: {  	v5 =	vshrl.u32 v11, $0x13;
	v11 =	vshrl.u32 v18, $0x13;
	v18 =	vld [tilespmem:$0x1FF10]  }
0x344: {  	v14 =	vld [tilespmem:s13+$0x10]  }
0x345: {  	v17 =	vld [tilespmem:s14+$0x10]  }
0x346: {  	v16 =	vld [tilespmem:s13+$0xFFFFFFE0]  }
0x347: {  	v12 =	vld [tilespmem:s14+$0xFFFFFFF0]  }
0x348: {  	s15 =	simm.s32 $0xC0;
	s16 =	simm.s32 $0x80C0;
	s14 =	simm.s32 $0x0;
	v15 =	vld [tilespmem:s13+$0xFFFFFFF0];
	vm0 =	vnez.u8 v18  }
.LBB2_33:
0x349: {  	v18 =	vld [tilespmem:s16+$0xFFFFFFE0];
	s14 =	sadd.s32 $0x8, s14;
	v10 =	vmul.f32 v10, v13;
	v13 =	vmul.f32 v7, v8  }
0x34a: {  	v19 =	vld [tilespmem:s15+$0xFFFFFFC0];
	p0 =	slt.u32 s14, $0x1F8;
	v8 =	vmul.f32 v17, v14  }
0x34b: {  	v9 =	vmul.f32 v4, v9;
	[tilespmem:s13+$0x0] =	vst v10;
	v10 =	vand.u32 $0x7FFFFFFF, v10;
	v4 =	vld [tilespmem:s16+$0x20];
	v14 =	vand.u32 $0x7FFFFFFF, v13  }
0x34c: {  	v7 =	vld [tilespmem:s16+$0x30];
	v20 =	vmul.f32 v6, v16;
	[tilespmem:s13+$0x10] =	vst v8;
	v16 =	vand.u32 $0x7FFFFFFF, v8;
	v14 =	vshrl.u32 v14, $0x13  }
0x34d: {  	v8 =	vld [tilespmem:s15+$0x30];
	v12 =	vmul.f32 v12, v15;
	v15 =	vshrl.u32 v16, $0x13;
	v16 =	vand.u32 $0x7FFFFFFF, v9;
	[tilespmem:s13+$0x30] =	vst v13  }
0x34e: {  	v13 =	vld [tilespmem:s15+$0xFFFFFFD0];
	[tilespmem:s13+$0xFFFFFFE0] =	vst v20;
	v17 =	vand.u32 $0x7FFFFFFF, v20;
	v16 =	vshrl.u32 v16, $0x13;
	v6 =	vmov v18  }
0x34f: {  	v18 =	vshrl.u32 v10, $0x13;
	[tilespmem:v11+s0+$0x0] =	vst.idx.add.s32.msk $0xffff, v1;
	v11 =	vshrl.u32 v17, $0x13;
	v17 =	vand.u32 $0x7FFFFFFF, v12  }
0x350: {  	v20 =	vld [tilespmem:s16+$0xFFFFFFD0];
	[tilespmem:s13+$0x20] =	vst v9  }
0x351: {  	v17 =	vshrl.u32 v17, $0x13;
	[tilespmem:v14+s0+$0x0] =	vst.idx.add.s32.msk $0xffff, v1  }
0x352: {  	[tilespmem:v15+s0+$0x0] =	vst.idx.add.s32.msk $0xffff, v1  }
0x353: {  	v10 =	vld [tilespmem:s16+$0x0];
	[tilespmem:s13+$0xFFFFFFF0] =	vst v12;
	s13 =	smov.u32 s15  }
0x354: {  	v12 =	vld [tilespmem:s16+$0xFFFFFFC0]  }
0x355: {  	[tilespmem:v18+s0+$0x0] =	vst.idx.add.s32.msk $0xffff, v1  }
0x356: {  	v9 =	vld [tilespmem:s15+$0x20]  }
0x357: {  	[tilespmem:v17+s0+$0x0] =	vst.idx.add.s32.msk $0xffff, v1  }
0x358: {  	[tilespmem:v11+s0+$0x0] =	vst.idx.add.s32.msk $0xffff, v1  }
0x359: {  	v11 =	vmul.f32 v12, v19;
	[tilespmem:v16+s0+$0x0] =	vst.idx.add.s32.msk $0xffff, v1  }
0x35a: {  	v12 =	vmul.f32 v20, v13;
	v13 =	vld [tilespmem:s15+$0x0]  }
0x35b: {  	v14 =	vand.u32 $0x7FFFFFFF, v11;
	[tilespmem:v5+s0+$0x0] =	vst.idx.add.s32.msk $0xffff, v1  }
.Ltmp22:
0x35c: {  	v5 =	vshrl.u32 v14, $0x13;
	[tilespmem:s15+$0xFFFFFFD0] =	vst v12;
	v12 =	vand.u32 $0x7FFFFFFF, v12;
	v14 =	vld [tilespmem:s15+$0x10];
	(pc) =	sbr.rel @p0 .LBB2_33-.Ltmp22, $4  }
0x35d: {  	[tilespmem:s15+$0xFFFFFFC0] =	vst v11;
	v17 =	vld [tilespmem:s16+$0x10]  }
0x35e: {  	v11 =	vshrl.u32 v12, $0x13;
	v12 =	vld [tilespmem:s16+$0xFFFFFFF0]  }
0x35f: {  	v16 =	vld [tilespmem:s15+$0xFFFFFFE0]  }
0x360: {  	s16 =	sadd.s32 $0x80, s16;
	s15 =	sadd.s32 $0x80, s15;
	v15 =	vld [tilespmem:s13+$0xFFFFFFF0]  }
0x361: {  	_ =	sdelay $0x3  }
0x362: {  	v10 =	vmul.f32 v10, v13;
	v7 =	vmul.f32 v7, v8;
	[tilespmem:v11+s0+$0x0] =	vst.idx.add.s32.msk $0xffff, v1  }
0x363: {  	[tilespmem:v5+s0+$0x0] =	vst.idx.add.s32.msk $0xffff, v1  }
0x364: {  	v4 =	vmul.f32 v4, v9;
	[tilespmem:s13+$0x0] =	vst v10;
	v13 =	vand.u32 $0x7FFFFFFF, v7  }
0x365: {  	v8 =	vmul.f32 v17, v14;
	[tilespmem:s13+$0x30] =	vst v7;
	v7 =	vand.u32 $0x7FFFFFFF, v10;
	v13 =	vshrl.u32 v13, $0x13  }
0x366: {  	[tilespmem:s13+$0x20] =	vst v4;
	v4 =	vand.u32 $0x7FFFFFFF, v4;
	v6 =	vmul.f32 v6, v16;
	v7 =	vshrl.u32 v7, $0x13  }
0x367: {  	[tilespmem:s13+$0x10] =	vst v8;
	v8 =	vand.u32 $0x7FFFFFFF, v8;
	v4 =	vshrl.u32 v4, $0x13;
	v12 =	vmul.f32 v12, v15  }
0x368: {  	v8 =	vshrl.u32 v8, $0x13;
	[tilespmem:s13+$0xFFFFFFE0] =	vst v6;
	v6 =	vand.u32 $0x7FFFFFFF, v6  }
0x369: {  	v9 =	vand.u32 $0x7FFFFFFF, v12;
	v6 =	vshrl.u32 v6, $0x13;
	[tilespmem:s13+$0xFFFFFFF0] =	vst v12  }
0x36a: {  	v9 =	vshrl.u32 v9, $0x13;
	[tilespmem:v13+s0+$0x0] =	vst.idx.add.s32.msk $0xffff, v1  }
0x36b: {  	[tilespmem:v7+s0+$0x0] =	vst.idx.add.s32.msk $0xffff, v1  }
0x36c: {  	[tilespmem:v4+s0+$0x0] =	vst.idx.add.s32.msk $0xffff, v1  }
0x36d: {  	[tilespmem:v8+s0+$0x0] =	vst.idx.add.s32.msk $0xffff, v1  }
0x36e: {  	[tilespmem:v6+s0+$0x0] =	vst.idx.add.s32.msk $0xffff, v1  }
0x36f: {  	[tilespmem:v9+s0+$0x0] =	vst.idx.add.s32.msk $0xffff, v1  }
0x370: {  	_ =	swait.ge [sflag:s2], $0x2000  }
0x371: {  	[sflag:s2] =	ssyncset.done $0x0  }
0x372: {  	[sflag:s2] =	ssyncadd.s32 $0xFFFFE000  }
0x373: {  	_ =	swait.ge [sflag:s31], $0x2000  }
0x374: {  	[sflag:s31] =	ssyncset.done $0x0  }
0x375: {  	[sflag:s31] =	ssyncadd.s32 $0xFFFFE000  }
0x376: {  	[tilespmem:s24], [sflag:$0x1] =	stream.linear.gather [spmem:s9], $0x2000, $0x38;
	[tilespmem:$0x1DA00] =	vst v63  }
0x377: {  	s13 =	simm.s32 $0x2070;
	s17 =	rddreg [dreg:$0xf]  }
0x378: {  	[tilespmem:s4], [sflag:$0x5] =	stream.strided.gather [hbm4b:s17+s25], $0x2000, s26, s25, $0x38;
	[tilespmem:$0x1DA00] =	vst v63  }
0x379: {  	v5 =	vld [tilespmem:s13+$0xFFFFFF90]  }
0x37a: {  	s14 =	simm.s32 $0xA040;
	v11 =	vld [tilespmem:s13+$0xFFFFFFA0]  }
0x37b: {  	v12 =	vld [tilespmem:s14+$0xFFFFFFD0]  }
0x37c: {  	v15 =	vld [tilespmem:s14+$0xFFFFFFC0];
	_ =	sdelay $0x1  }
0x37d: {  	v6 =	vld [tilespmem:s14+$0xFFFFFFE0]  }
0x37e: {  	v4 =	vld [tilespmem:s14+$0x20]  }
0x37f: {  	v7 =	vld [tilespmem:s14+$0x30]  }
0x380: {  	v8 =	vld [tilespmem:s13+$0x0];
	v15 =	vmul.f32 v15, v5;
	v5 =	vmul.f32 v12, v11  }
0x381: {  	v10 =	vld [tilespmem:s14+$0x0]  }
0x382: {  	v9 =	vld [tilespmem:s13+$0xFFFFFFF0];
	[tilespmem:s13+$0xFFFFFFA0] =	vst v5  }
0x383: {  	v13 =	vld [tilespmem:s13+$0xFFFFFFD0];
	v11 =	vand.u32 $0x7FFFFFFF, v15;
	v18 =	vand.u32 $0x7FFFFFFF, v5;
	[tilespmem:s13+$0xFFFFFF90] =	vst v15  }
0x384: {  	v5 =	vshrl.u32 v11, $0x13;
	v11 =	vshrl.u32 v18, $0x13;
	v18 =	vld [tilespmem:$0x1FFC0]  }
0x385: {  	v14 =	vld [tilespmem:s13+$0xFFFFFFE0]  }
0x386: {  	v17 =	vld [tilespmem:s14+$0x10]  }
0x387: {  	v16 =	vld [tilespmem:s13+$0xFFFFFFB0]  }
0x388: {  	v12 =	vld [tilespmem:s14+$0xFFFFFFF0]  }
0x389: {  	s15 =	simm.s32 $0x20F0;
	s16 =	simm.s32 $0xA0C0;
	s14 =	simm.s32 $0x0;
	v15 =	vld [tilespmem:s13+$0xFFFFFFC0];
	vm1 =	vnez.u8 v18  }
.LBB2_35:
0x38a: {  	v18 =	vld [tilespmem:s16+$0xFFFFFFE0];
	s14 =	sadd.s32 $0x8, s14;
	v10 =	vmul.f32 v10, v13;
	v13 =	vmul.f32 v7, v8  }
0x38b: {  	v19 =	vld [tilespmem:s15+$0xFFFFFF90];
	p0 =	slt.u32 s14, $0x1F8;
	v8 =	vmul.f32 v17, v14  }
0x38c: {  	v9 =	vmul.f32 v4, v9;
	[tilespmem:s13+$0xFFFFFFD0] =	vst v10;
	v10 =	vand.u32 $0x7FFFFFFF, v10;
	v4 =	vld [tilespmem:s16+$0x20];
	v14 =	vand.u32 $0x7FFFFFFF, v13  }
0x38d: {  	v7 =	vld [tilespmem:s16+$0x30];
	v20 =	vmul.f32 v6, v16;
	[tilespmem:s13+$0xFFFFFFE0] =	vst v8;
	v16 =	vand.u32 $0x7FFFFFFF, v8;
	v14 =	vshrl.u32 v14, $0x13  }
0x38e: {  	v8 =	vld [tilespmem:s15+$0x0];
	v12 =	vmul.f32 v12, v15;
	v15 =	vshrl.u32 v16, $0x13;
	v16 =	vand.u32 $0x7FFFFFFF, v9;
	[tilespmem:s13+$0x0] =	vst v13  }
0x38f: {  	v13 =	vld [tilespmem:s15+$0xFFFFFFA0];
	[tilespmem:s13+$0xFFFFFFB0] =	vst v20;
	v17 =	vand.u32 $0x7FFFFFFF, v20;
	v16 =	vshrl.u32 v16, $0x13;
	v6 =	vmov v18  }
0x390: {  	v18 =	vshrl.u32 v10, $0x13;
	[tilespmem:v11+s0+$0x0] =	vst.idx.add.s32.msk $0xffff, v1;
	v11 =	vshrl.u32 v17, $0x13;
	v17 =	vand.u32 $0x7FFFFFFF, v12  }
0x391: {  	v20 =	vld [tilespmem:s16+$0xFFFFFFD0];
	[tilespmem:s13+$0xFFFFFFF0] =	vst v9  }
0x392: {  	v17 =	vshrl.u32 v17, $0x13;
	[tilespmem:v14+s0+$0x0] =	vst.idx.add.s32.msk $0xffff, v1  }
0x393: {  	[tilespmem:v15+s0+$0x0] =	vst.idx.add.s32.msk $0xffff, v1  }
0x394: {  	v10 =	vld [tilespmem:s16+$0x0];
	[tilespmem:s13+$0xFFFFFFC0] =	vst v12;
	s13 =	smov.u32 s15  }
0x395: {  	v12 =	vld [tilespmem:s16+$0xFFFFFFC0]  }
0x396: {  	[tilespmem:v18+s0+$0x0] =	vst.idx.add.s32.msk $0xffff, v1  }
0x397: {  	v9 =	vld [tilespmem:s15+$0xFFFFFFF0]  }
0x398: {  	[tilespmem:v17+s0+$0x0] =	vst.idx.add.s32.msk $0xffff, v1  }
0x399: {  	[tilespmem:v11+s0+$0x0] =	vst.idx.add.s32.msk $0xffff, v1  }
0x39a: {  	v11 =	vmul.f32 v12, v19;
	[tilespmem:v16+s0+$0x0] =	vst.idx.add.s32.msk $0xffff, v1  }
0x39b: {  	v12 =	vmul.f32 v20, v13;
	v13 =	vld [tilespmem:s15+$0xFFFFFFD0]  }
0x39c: {  	v14 =	vand.u32 $0x7FFFFFFF, v11;
	[tilespmem:v5+s0+$0x0] =	vst.idx.add.s32.msk $0xffff, v1  }
.Ltmp23:
0x39d: {  	v5 =	vshrl.u32 v14, $0x13;
	[tilespmem:s15+$0xFFFFFFA0] =	vst v12;
	v12 =	vand.u32 $0x7FFFFFFF, v12;
	v14 =	vld [tilespmem:s15+$0xFFFFFFE0];
	(pc) =	sbr.rel @p0 .LBB2_35-.Ltmp23, $4  }
0x39e: {  	[tilespmem:s15+$0xFFFFFF90] =	vst v11;
	v17 =	vld [tilespmem:s16+$0x10]  }
0x39f: {  	v11 =	vshrl.u32 v12, $0x13;
	v12 =	vld [tilespmem:s16+$0xFFFFFFF0]  }
0x3a0: {  	v16 =	vld [tilespmem:s15+$0xFFFFFFB0]  }
0x3a1: {  	s16 =	sadd.s32 $0x80, s16;
	s15 =	sadd.s32 $0x80, s15;
	v15 =	vld [tilespmem:s13+$0xFFFFFFC0]  }
0x3a2: {  	_ =	sdelay $0x3  }
0x3a3: {  	v10 =	vmul.f32 v10, v13;
	v7 =	vmul.f32 v7, v8;
	[tilespmem:v11+s0+$0x0] =	vst.idx.add.s32.msk $0xffff, v1  }
0x3a4: {  	[tilespmem:v5+s0+$0x0] =	vst.idx.add.s32.msk $0xffff, v1  }
0x3a5: {  	v4 =	vmul.f32 v4, v9;
	[tilespmem:s13+$0xFFFFFFD0] =	vst v10;
	v13 =	vand.u32 $0x7FFFFFFF, v7  }
0x3a6: {  	v8 =	vmul.f32 v17, v14;
	[tilespmem:s13+$0x0] =	vst v7;
	v7 =	vand.u32 $0x7FFFFFFF, v10;
	v13 =	vshrl.u32 v13, $0x13  }
0x3a7: {  	[tilespmem:s13+$0xFFFFFFF0] =	vst v4;
	v4 =	vand.u32 $0x7FFFFFFF, v4;
	v6 =	vmul.f32 v6, v16;
	v7 =	vshrl.u32 v7, $0x13  }
0x3a8: {  	[tilespmem:s13+$0xFFFFFFE0] =	vst v8;
	v8 =	vand.u32 $0x7FFFFFFF, v8;
	v4 =	vshrl.u32 v4, $0x13;
	v12 =	vmul.f32 v12, v15  }
0x3a9: {  	v8 =	vshrl.u32 v8, $0x13;
	[tilespmem:s13+$0xFFFFFFB0] =	vst v6;
	v6 =	vand.u32 $0x7FFFFFFF, v6  }
0x3aa: {  	v9 =	vand.u32 $0x7FFFFFFF, v12;
	v6 =	vshrl.u32 v6, $0x13;
	[tilespmem:s13+$0xFFFFFFC0] =	vst v12  }
0x3ab: {  	v9 =	vshrl.u32 v9, $0x13;
	[tilespmem:v13+s0+$0x0] =	vst.idx.add.s32.msk $0xffff, v1  }
0x3ac: {  	[tilespmem:v7+s0+$0x0] =	vst.idx.add.s32.msk $0xffff, v1  }
0x3ad: {  	[tilespmem:v4+s0+$0x0] =	vst.idx.add.s32.msk $0xffff, v1  }
0x3ae: {  	[tilespmem:v8+s0+$0x0] =	vst.idx.add.s32.msk $0xffff, v1  }
0x3af: {  	[tilespmem:v6+s0+$0x0] =	vst.idx.add.s32.msk $0xffff, v1  }
0x3b0: {  	[tilespmem:v9+s0+$0x0] =	vst.idx.add.s32.msk $0xffff, v1  }
0x3b1: {  	_ =	swait.ge [sflag:s28], $0x2000  }
0x3b2: {  	[sflag:s28] =	ssyncset.done $0x0  }
0x3b3: {  	[sflag:s28] =	ssyncadd.s32 $0xFFFFE000  }
0x3b4: {  	_ =	swait.ge [sflag:s29], $0x2000  }
0x3b5: {  	[sflag:s29] =	ssyncset.done $0x0  }
0x3b6: {  	[sflag:s29] =	ssyncadd.s32 $0xFFFFE000  }
0x3b7: {  	[tilespmem:s30], [sflag:$0x2] =	stream.linear.gather [spmem:s11], $0x2000, $0x38;
	[tilespmem:$0x1DA00] =	vst v63  }
0x3b8: {  	s14 =	simm.s32 $0x6000;
	s13 =	simm.s32 $0x0;
	s17 =	rddreg [dreg:$0x10]  }
0x3b9: {  	[tilespmem:s14], [sflag:$0x6] =	stream.strided.gather [hbm4b:s17+s25], $0x2000, s26, s25, $0x38;
	[tilespmem:$0x1DA00] =	vst v63  }
0x3ba: {  	v8 =	vld [tilespmem:s13+$0x8050]  }
0x3bb: {  	v15 =	vld [tilespmem:s13+$0x8060]  }
0x3bc: {  	v16 =	vld [tilespmem:s13+$0x4060]  }
0x3bd: {  	v11 =	vld [tilespmem:s13+$0x4050]  }
0x3be: {  	v4 =	vld [tilespmem:s13+$0x8070]  }
0x3bf: {  	v5 =	vld [tilespmem:s13+$0x4070]  }
0x3c0: {  	v12 =	vld [tilespmem:s13+$0x8040]  }
0x3c1: {  	v13 =	vld [tilespmem:s13+$0x4040]  }
0x3c2: {  	v6 =	vld [tilespmem:s13+$0x8000]  }
0x3c3: {  	v10 =	vld [tilespmem:s13+$0x4000]  }
0x3c4: {  	v9 =	vld [tilespmem:s13+$0x8030]  }
0x3c5: {  	v7 =	vld [tilespmem:s13+$0x8020];
	v14 =	vmul.f32 v8, v11  }
0x3c6: {  	v17 =	vmul.f32 v12, v13;
	v11 =	vld [tilespmem:s13+$0x4030]  }
0x3c7: {  	v8 =	vld [tilespmem:s13+$0x4010];
	[tilespmem:s13+$0x4050] =	vst v14  }
0x3c8: {  	s15 =	simm.s32 $0x200;
	s14 =	simm.s32 $0x0;
	v12 =	vld [tilespmem:s13+$0x4020];
	v15 =	vmul.f32 v15, v16;
	v13 =	vand.u32 $0x7FFFFFFF, v17;
	v14 =	vand.u32 $0x7FFFFFFF, v14;
	[tilespmem:s13+$0x4040] =	vst v17  }
.LBB2_37:
0x3c9: {  	s16 =	sshra.s32 s15, $0x2;
	s14 =	sadd.s32 $0x8, s14;
	v16 =	vld [tilespmem:s13+$0x8010]  }
0x3ca: {  	v14 =	vshrl.u32 v14, $0x13;
	v17 =	vld [tilespmem:s16+$0x8050];
	p0 =	slt.u32 s14, $0x1F8;
	[tilespmem:s13+$0x4060] =	vst v15;
	v15 =	vand.u32 $0x7FFFFFFF, v15  }
0x3cb: {  	v6 =	vmul.f32 v6, v10;
	v18 =	vld [tilespmem:s16+$0x8060];
	v10 =	vshrl.u32 v15, $0x13  }
0x3cc: {  	v9 =	vmul.f32 v9, v11;
	v11 =	vshrl.u32 v13, $0x13;
	v15 =	vld [tilespmem:s16+$0x4060]  }
0x3cd: {  	v13 =	vld [tilespmem:s16+$0x4050];
	[tilespmem:s13+$0x4000] =	vst v6;
	v6 =	vand.u32 $0x7FFFFFFF, v6;
	v7 =	vmul.f32 v7, v12;
	v12 =	vmul.f32 v4, v5  }
0x3ce: {  	v4 =	vld [tilespmem:s16+$0x8070];
	v19 =	vshrl.u32 v6, $0x13;
	v8 =	vmul.f32 v16, v8;
	[tilespmem:s13+$0x4030] =	vst v9;
	v6 =	vand.u32 $0x7FFFFFFF, v9  }
0x3cf: {  	v5 =	vld [tilespmem:s16+$0x4070];
	[tilespmem:s13+$0x4020] =	vst v7;
	v7 =	vand.u32 $0x7FFFFFFF, v7;
	v9 =	vshrl.u32 v6, $0x13;
	v16 =	vand.u32 $0x7FFFFFFF, v12  }
0x3d0: {  	v6 =	vld [tilespmem:s16+$0x8000];
	[tilespmem:s13+$0x4010] =	vst v8;
	v8 =	vand.u32 $0x7FFFFFFF, v8;
	v7 =	vshrl.u32 v7, $0x13;
	v16 =	vshrl.u32 v16, $0x13  }
0x3d1: {  	v8 =	vshrl.u32 v8, $0x13;
	[tilespmem:v11+s0+$0x0] =	vst.idx.add.s32.msk $0xffff, v1  }
0x3d2: {  	[tilespmem:v10+s0+$0x0] =	vst.idx.add.s32.msk $0xffff, v1  }
0x3d3: {  	[tilespmem:v14+s0+$0x0] =	vst.idx.add.s32.msk $0xffff, v1  }
0x3d4: {  	[tilespmem:v9+s0+$0x0] =	vst.idx.add.s32.msk $0xffff, v1  }
0x3d5: {  	[tilespmem:v7+s0+$0x0] =	vst.idx.add.s32.msk $0xffff, v1  }
0x3d6: {  	[tilespmem:v8+s0+$0x0] =	vst.idx.add.s32.msk $0xffff, v1  }
0x3d7: {  	v8 =	vld [tilespmem:s16+$0x8040];
	[tilespmem:s13+$0x4070] =	vst v12;
	s13 =	smov.u32 s16  }
0x3d8: {  	v11 =	vld [tilespmem:s13+$0x4040]  }
0x3d9: {  	[tilespmem:v19+s0+$0x0] =	vst.idx.add.s32.msk $0xffff, v1  }
0x3da: {  	v10 =	vld [tilespmem:s13+$0x4000]  }
0x3db: {  	[tilespmem:v16+s0+$0x0] =	vst.idx.add.s32.msk $0xffff, v1  }
.Ltmp24:
0x3dc: {  	v9 =	vld [tilespmem:s13+$0x8030];
	(pc) =	sbr.rel @p0 .LBB2_37-.Ltmp24, $4  }
0x3dd: {  	v12 =	vmul.f32 v17, v13;
	v7 =	vld [tilespmem:s13+$0x8020];
	v16 =	vmul.f32 v8, v11  }
0x3de: {  	v11 =	vld [tilespmem:s13+$0x4030]  }
0x3df: {  	v14 =	vand.u32 $0x7FFFFFFF, v12;
	v8 =	vld [tilespmem:s13+$0x4010];
	v13 =	vand.u32 $0x7FFFFFFF, v16;
	[tilespmem:s13+$0x4050] =	vst v12  }
0x3e0: {  	s15 =	sadd.s32 $0x200, s15;
	v15 =	vmul.f32 v18, v15;
	v12 =	vld [tilespmem:s13+$0x4020];
	[tilespmem:s13+$0x4040] =	vst v16  }
0x3e1: {  	v16 =	vld [tilespmem:s13+$0x8010]  }
0x3e2: {  	v6 =	vmul.f32 v6, v10  }
0x3e3: {  	v4 =	vmul.f32 v4, v5;
	[tilespmem:s13+$0x4060] =	vst v15  }
0x3e4: {  	v10 =	vand.u32 $0x7FFFFFFF, v15;
	v9 =	vmul.f32 v9, v11;
	v11 =	vshrl.u32 v13, $0x13;
	[tilespmem:s13+$0x4000] =	vst v6  }
0x3e5: {  	v10 =	vshrl.u32 v10, $0x13;
	v6 =	vand.u32 $0x7FFFFFFF, v6;
	[tilespmem:s13+$0x4070] =	vst v4;
	v7 =	vmul.f32 v7, v12  }
0x3e6: {  	v6 =	vshrl.u32 v6, $0x13;
	[tilespmem:s13+$0x4030] =	vst v9;
	v8 =	vmul.f32 v16, v8  }
0x3e7: {  	v12 =	vshrl.u32 v14, $0x13;
	v9 =	vand.u32 $0x7FFFFFFF, v9;
	[tilespmem:s13+$0x4020] =	vst v7  }
0x3e8: {  	v9 =	vshrl.u32 v9, $0x13;
	v7 =	vand.u32 $0x7FFFFFFF, v7;
	[tilespmem:s13+$0x4010] =	vst v8  }
0x3e9: {  	v8 =	vand.u32 $0x7FFFFFFF, v8;
	v7 =	vshrl.u32 v7, $0x13;
	[tilespmem:v11+s0+$0x0] =	vst.idx.add.s32.msk $0xffff, v1  }
0x3ea: {  	[tilespmem:v10+s0+$0x0] =	vst.idx.add.s32.msk $0xffff, v1;
	v5 =	vshrl.u32 v8, $0x13;
	v8 =	vand.u32 $0x7FFFFFFF, v4  }
0x3eb: {  	[tilespmem:v6+s0+$0x0] =	vst.idx.add.s32.msk $0xffff, v1;
	v8 =	vshrl.u32 v8, $0x13  }
0x3ec: {  	[tilespmem:v12+s0+$0x0] =	vst.idx.add.s32.msk $0xffff, v1  }
0x3ed: {  	[tilespmem:v9+s0+$0x0] =	vst.idx.add.s32.msk $0xffff, v1  }
0x3ee: {  	[tilespmem:v7+s0+$0x0] =	vst.idx.add.s32.msk $0xffff, v1  }
0x3ef: {  	[tilespmem:v5+s0+$0x0] =	vst.idx.add.s32.msk $0xffff, v1  }
0x3f0: {  	[tilespmem:v8+s0+$0x0] =	vst.idx.add.s32.msk $0xffff, v1  }
0x3f1: {  	_ =	swait.ge [sflag:s2], $0x2000  }
0x3f2: {  	[sflag:s2] =	ssyncset.done $0x0  }
0x3f3: {  	[sflag:s2] =	ssyncadd.s32 $0xFFFFE000  }
0x3f4: {  	_ =	swait.ge [sflag:s31], $0x2000  }
0x3f5: {  	[sflag:s31] =	ssyncset.done $0x0  }
0x3f6: {  	s15 =	simm.s32 $0x0;
	[sflag:s31] =	ssyncadd.s32 $0xFFFFE000  }
0x3f7: {  	v9 =	vld [tilespmem:s15+$0xA070]  }
0x3f8: {  	v16 =	vld [tilespmem:s15+$0xA060]  }
0x3f9: {  	v17 =	vld [tilespmem:s15+$0x6060]  }
0x3fa: {  	v11 =	vld [tilespmem:s15+$0x6070]  }
0x3fb: {  	v4 =	vld [tilespmem:s15+$0x6050]  }
0x3fc: {  	v12 =	vld [tilespmem:s15+$0x6040]  }
0x3fd: {  	v13 =	vld [tilespmem:s15+$0xA040]  }
0x3fe: {  	v7 =	vld [tilespmem:s15+$0xA000]  }
0x3ff: {  	v5 =	vld [tilespmem:s15+$0xA030];
	v11 =	vmul.f32 v9, v11  }
0x400: {  	v10 =	vld [tilespmem:s15+$0x6000]  }
0x401: {  	v6 =	vld [tilespmem:s15+$0xA020];
	v14 =	vand.u32 $0x7FFFFFFF, v11  }
0x402: {  	v8 =	vld [tilespmem:s15+$0x6010];
	v13 =	vmul.f32 v13, v12;
	v15 =	vshrl.u32 v14, $0x13  }
0x403: {  	v9 =	vld [tilespmem:s15+$0xA010]  }
0x404: {  	v12 =	vld [tilespmem:s15+$0xA050];
	[tilespmem:s15+$0x6070] =	vst v11;
	v18 =	vand.u32 $0x7FFFFFFF, v13  }
0x405: {  	v11 =	vld [tilespmem:s15+$0x6030];
	[tilespmem:s15+$0x6040] =	vst v13;
	v13 =	vshrl.u32 v18, $0x13  }
0x406: {  	s16 =	simm.s32 $0x0;
	s17 =	simm.s32 $0x200;
	v16 =	vmul.f32 v16, v17;
	v14 =	vld [tilespmem:s15+$0x6020]  }
.LBB2_39:
0x407: {  	s13 =	sshra.s32 s17, $0x2;
	s16 =	sadd.s32 $0x8, s16;
	v7 =	vmul.f32 v7, v10;
	[tilespmem:v15+s0+$0x0] =	vst.idx.add.s32.msk $0xffff, v1  }
0x408: {  	v10 =	vld [tilespmem:s13+$0xA070];
	p0 =	slt.u32 s16, $0x1F8;
	[tilespmem:s15+$0x6060] =	vst v16;
	v15 =	vand.u32 $0x7FFFFFFF, v16  }
0x409: {  	v16 =	vld [tilespmem:s13+$0xA060];
	[tilespmem:s15+$0x6000] =	vst v7;
	v4 =	vmul.f32 v12, v4;
	v12 =	vshrl.u32 v15, $0x13  }
0x40a: {  	v8 =	vmul.f32 v9, v8;
	v7 =	vand.u32 $0x7FFFFFFF, v7;
	v5 =	vmul.f32 v5, v11;
	[tilespmem:v13+s0+$0x0] =	vst.idx.add.s32.msk $0xffff, v1  }
0x40b: {  	v9 =	vshrl.u32 v7, $0x13;
	v17 =	vld [tilespmem:s13+$0x6060];
	v6 =	vmul.f32 v6, v14;
	v7 =	vand.u32 $0x7FFFFFFF, v4  }
0x40c: {  	v11 =	vld [tilespmem:s13+$0x6070];
	[tilespmem:s15+$0x6050] =	vst v4;
	v13 =	vshrl.u32 v7, $0x13  }
0x40d: {  	v7 =	vand.u32 $0x7FFFFFFF, v8;
	v14 =	vand.u32 $0x7FFFFFFF, v5;
	v4 =	vld [tilespmem:s13+$0x6050];
	[tilespmem:s15+$0x6020] =	vst v6;
	v6 =	vand.u32 $0x7FFFFFFF, v6  }
0x40e: {  	v6 =	vshrl.u32 v6, $0x13;
	[tilespmem:v12+s0+$0x0] =	vst.idx.add.s32.msk $0xffff, v1  }
0x40f: {  	v14 =	vshrl.u32 v14, $0x13;
	v12 =	vld [tilespmem:s13+$0x6040];
	[tilespmem:s15+$0x6010] =	vst v8;
	v8 =	vshrl.u32 v7, $0x13  }
0x410: {  	v7 =	vld [tilespmem:s13+$0xA000];
	[tilespmem:s15+$0x6030] =	vst v5;
	s15 =	smov.u32 s13  }
0x411: {  	v10 =	vmul.f32 v10, v11;
	[tilespmem:v13+s0+$0x0] =	vst.idx.add.s32.msk $0xffff, v1  }
0x412: {  	v11 =	vld [tilespmem:s15+$0xA040]  }
0x413: {  	v13 =	vand.u32 $0x7FFFFFFF, v10;
	[tilespmem:v6+s0+$0x0] =	vst.idx.add.s32.msk $0xffff, v1  }
0x414: {  	[tilespmem:v14+s0+$0x0] =	vst.idx.add.s32.msk $0xffff, v1  }
0x415: {  	[tilespmem:v8+s0+$0x0] =	vst.idx.add.s32.msk $0xffff, v1  }
0x416: {  	v5 =	vld [tilespmem:s15+$0xA030];
	[tilespmem:s15+$0x6070] =	vst v10  }
0x417: {  	v10 =	vld [tilespmem:s15+$0x6000]  }
0x418: {  	v11 =	vmul.f32 v11, v12;
	v6 =	vld [tilespmem:s15+$0xA020]  }
0x419: {  	v15 =	vshrl.u32 v13, $0x13;
	[tilespmem:v9+s0+$0x0] =	vst.idx.add.s32.msk $0xffff, v1  }
.Ltmp25:
0x41a: {  	v13 =	vand.u32 $0x7FFFFFFF, v11;
	v8 =	vld [tilespmem:s15+$0x6010];
	[tilespmem:s15+$0x6040] =	vst v11;
	(pc) =	sbr.rel @p0 .LBB2_39-.Ltmp25, $4  }
0x41b: {  	v9 =	vld [tilespmem:s15+$0xA010]  }
0x41c: {  	v12 =	vld [tilespmem:s15+$0xA050]  }
0x41d: {  	v13 =	vshrl.u32 v13, $0x13;
	v11 =	vld [tilespmem:s15+$0x6030]  }
0x41e: {  	s17 =	sadd.s32 $0x200, s17;
	s14 =	simm.s32 $0xC100;
	v16 =	vmul.f32 v16, v17;
	s13 =	simm.s32 $0xD010;
	v14 =	vld [tilespmem:s15+$0x6020]  }
0x41f: {  	_ =	sdelay $0x3  }
0x420: {  	[tilespmem:v15+s0+$0x0] =	vst.idx.add.s32.msk $0xffff, v1  }
0x421: {  	v7 =	vmul.f32 v7, v10;
	[tilespmem:v13+s0+$0x0] =	vst.idx.add.s32.msk $0xffff, v1  }
0x422: {  	v10 =	vand.u32 $0x7FFFFFFF, v16;
	[tilespmem:s15+$0x6060] =	vst v16;
	v8 =	vmul.f32 v9, v8;
	v4 =	vmul.f32 v12, v4  }
0x423: {  	v10 =	vshrl.u32 v10, $0x13;
	[tilespmem:s15+$0x6000] =	vst v7;
	v7 =	vand.u32 $0x7FFFFFFF, v7;
	v5 =	vmul.f32 v5, v11  }
0x424: {  	[tilespmem:s15+$0x6010] =	vst v8;
	v7 =	vshrl.u32 v7, $0x13;
	v6 =	vmul.f32 v6, v14;
	v11 =	vand.u32 $0x7FFFFFFF, v4  }
0x425: {  	[tilespmem:s15+$0x6050] =	vst v4;
	v4 =	vshrl.u32 v11, $0x13;
	v11 =	vand.u32 $0x7FFFFFFF, v8  }
0x426: {  	[tilespmem:s15+$0x6030] =	vst v5;
	v9 =	vand.u32 $0x7FFFFFFF, v6;
	v8 =	vshrl.u32 v11, $0x13  }
0x427: {  	[tilespmem:s15+$0x6020] =	vst v6;
	v6 =	vand.u32 $0x7FFFFFFF, v5;
	v9 =	vshrl.u32 v9, $0x13  }
0x428: {  	[tilespmem:v10+s0+$0x0] =	vst.idx.add.s32.msk $0xffff, v1;
	v6 =	vshrl.u32 v6, $0x13  }
0x429: {  	[tilespmem:v7+s0+$0x0] =	vst.idx.add.s32.msk $0xffff, v1  }
0x42a: {  	[tilespmem:v4+s0+$0x0] =	vst.idx.add.s32.msk $0xffff, v1  }
0x42b: {  	[tilespmem:v8+s0+$0x0] =	vst.idx.add.s32.msk $0xffff, v1  }
0x42c: {  	[tilespmem:v9+s0+$0x0] =	vst.idx.add.s32.msk $0xffff, v1  }
0x42d: {  	[tilespmem:v6+s0+$0x0] =	vst.idx.add.s32.msk $0xffff, v1  }
0x42e: {  	v4 =	vld [tilespmem:s14+$0xF0]  }
0x42f: {  	v5 =	vld [tilespmem:s14+$0xE0]  }
0x430: {  	v6 =	vld [tilespmem:s14+$0xD0]  }
0x431: {  	v7 =	vld [tilespmem:s14+$0xC0]  }
0x432: {  	v8 =	vld [tilespmem:s14+$0xB0]  }
0x433: {  	v9 =	vld [tilespmem:s14+$0xA0];
	(xrf0) =	vadd.scan.msk.s32 $0xffff, v4  }
0x434: {  	v4 =	vld [tilespmem:s14+$0x0];
	(xrf0) =	vadd.scan.msk.s32 $0xffff, v5  }
0x435: {  	v5 =	vld [tilespmem:s14+$0x10];
	(xrf0) =	vadd.scan.msk.s32 $0xffff, v6  }
0x436: {  	v6 =	vld [tilespmem:s14+$0x20];
	(xrf0) =	vadd.scan.msk.s32 $0xffff, v7  }
0x437: {  	v7 =	vld [tilespmem:s14+$0x30];
	(xrf0) =	vadd.scan.msk.s32 $0xffff, v8  }
0x438: {  	v8 =	vld [tilespmem:s14+$0x40];
	(xrf0) =	vadd.scan.msk.s32 $0xffff, v9  }
0x439: {  	v9 =	vld [tilespmem:s14+$0x50];
	(xrf0) =	vadd.scan.msk.s32 $0xffff, v4;
	v4, _, _ =	vpop (xrf0)  }
0x43a: {  	(xrf0) =	vadd.scan.msk.s32 $0xffff, v5;
	v5, _, _ =	vpop (xrf0)  }
0x43b: {  	v10 =	vld [tilespmem:s14+$0x60];
	(xrf0) =	vadd.scan.msk.s32 $0xffff, v6;
	v6, _, _ =	vpop (xrf0)  }
0x43c: {  	v11 =	vld [tilespmem:s14+$0x70];
	(xrf0) =	vadd.scan.msk.s32 $0xffff, v7;
	v7, _, _ =	vpop (xrf0)  }
0x43d: {  	(xrf0) =	vadd.scan.msk.s32 $0xffff, v8;
	v8, _, _ =	vpop (xrf0)  }
0x43e: {  	v12 =	vld [tilespmem:s14+$0x80];
	(xrf0) =	vadd.scan.msk.s32 $0xffff, v9;
	v9, _, _ =	vpop (xrf0)  }
0x43f: {  	v13 =	vld [tilespmem:s14+$0x90];
	v14, _, _ =	vpop (xrf0)  }
0x440: {  	(xrf0) =	vadd.scan.msk.s32 $0xffff, v10;
	v10 =	vperm.xlane v14, v2;
	v14, _, _ =	vpop (xrf0)  }
0x441: {  	(xrf0) =	vadd.scan.msk.s32 $0xffff, v11;
	v11 =	vperm.xlane v14, v2  }
0x442: {  	v10 =	vxor.u32 $0x80000000, v10  }
0x443: {  	v14, _, _ =	vpop (xrf0);
	(xrf0) =	vadd.scan.msk.s32 $0xffff, v12;
	v11 =	vxor.u32 $0x80000000, v11  }
0x444: {  	v12 =	vperm.xlane v14, v2;
	v14, _, _ =	vpop (xrf0);
	(xrf0) =	vadd.scan.msk.s32 $0xffff, v13  }
0x445: {  	v13 =	vperm.xlane v14, v2;
	(xrf0) =	vmax.scan.msk.u32 $0xffff, v10;
	v10, _, _ =	vpop (xrf0)  }
0x446: {  	v12 =	vxor.u32 $0x80000000, v12;
	(xrf0) =	vmax.scan.msk.u32 $0xffff, v11;
	v10 =	vperm.xlane v10, v2;
	v11, _, _ =	vpop (xrf0)  }
0x447: {  	v13 =	vxor.u32 $0x80000000, v13;
	v11 =	vperm.xlane v11, v2  }
0x448: {  	v10 =	vxor.u32 $0x80000000, v10  }
0x449: {  	(xrf0) =	vmax.scan.msk.u32 $0xffff, v12;
	v12, _, _ =	vpop (xrf0);
	v11 =	vxor.u32 $0x80000000, v11  }
0x44a: {  	(xrf0) =	vmax.scan.msk.u32 $0xffff, v13;
	v12 =	vperm.xlane v12, v2;
	v13, _, _ =	vpop (xrf0)  }
0x44b: {  	v13 =	vperm.xlane v13, v2;
	(xrf0) =	vmax.scan.msk.u32 $0xffff, v10;
	v10, _, _ =	vpop (xrf0)  }
0x44c: {  	v12 =	vxor.u32 $0x80000000, v12;
	(xrf0) =	vmax.scan.msk.u32 $0xffff, v11;
	v10 =	vperm.xlane v10, v2;
	v11, _, _ =	vpop (xrf0)  }
0x44d: {  	v13 =	vxor.u32 $0x80000000, v13;
	v11 =	vperm.xlane v11, v2  }
0x44e: {  	(xrf0) =	vmax.scan.msk.u32 $0xffff, v12;
	v14, _, _ =	vpop (xrf0);
	v10 =	vxor.u32 $0x80000000, v10  }
0x44f: {  	v9 =	vperm.xlane v9, v2;
	v12, _, _ =	vpop (xrf0);
	(xrf0) =	vmax.scan.msk.u32 $0xffff, v13;
	v11 =	vxor.u32 $0x80000000, v11  }
0x450: {  	v8 =	vperm.xlane v8, v2;
	v13, _, _ =	vpop (xrf0);
	(xrf0) =	vmax.scan.msk.u32 $0xffff, v10  }
0x451: {  	v7 =	vperm.xlane v7, v2;
	v9 =	vxor.u32 $0x80000000, v9;
	(xrf0) =	vmax.scan.msk.u32 $0xffff, v11;
	v10, _, _ =	vpop (xrf0)  }
0x452: {  	v6 =	vperm.xlane v6, v2;
	v8 =	vxor.u32 $0x80000000, v8;
	v11, _, _ =	vpop (xrf0);
	(xrf0) =	vmax.scan.msk.u32 $0xffff, v9  }
0x453: {  	v5 =	vperm.xlane v5, v2;
	v7 =	vxor.u32 $0x80000000, v7;
	v9 =	vld [tilespmem:s14+$0xFFFFFF00];
	v15, _, _ =	vpop (xrf0);
	(xrf0) =	vmax.scan.msk.u32 $0xffff, v8  }
0x454: {  	v4 =	vperm.xlane v4, v2;
	v6 =	vxor.u32 $0x80000000, v6;
	v8 =	vld [tilespmem:s14+$0xFFFFFF10];
	v58, _, _ =	vpop (xrf0);
	(xrf0) =	vmax.scan.msk.u32 $0xffff, v7  }
0x455: {  	v5 =	vxor.u32 $0x80000000, v5;
	v7 =	vld [tilespmem:s14+$0xFFFFFF20];
	v17, _, _ =	vpop (xrf0);
	(xrf0) =	vmax.scan.msk.u32 $0xffff, v6  }
0x456: {  	v4 =	vxor.u32 $0x80000000, v4;
	v6 =	vld [tilespmem:s14+$0xFFFFFF30];
	v18, _, _ =	vpop (xrf0);
	(xrf0) =	vmax.scan.msk.u32 $0xffff, v5  }
0x457: {  	v5 =	vld [tilespmem:s14+$0xFFFFFF40];
	v19, _, _ =	vpop (xrf0);
	(xrf0) =	vmax.scan.msk.u32 $0xffff, v4  }
0x458: {  	v4 =	vld [tilespmem:s14+$0xFFFFFF50];
	(xrf0) =	vadd.scan.msk.s32 $0xffff, v9;
	v9, _, _ =	vpop (xrf0)  }
0x459: {  	(xrf0) =	vadd.scan.msk.s32 $0xffff, v8;
	v8, _, _ =	vpop (xrf0)  }
0x45a: {  	v20 =	vld [tilespmem:s14+$0xFFFFFF60];
	v12 =	vsel vm0, v14, v12;
	(xrf0) =	vadd.scan.msk.s32 $0xffff, v7;
	v7, _, _ =	vpop (xrf0)  }
0x45b: {  	v21 =	vld [tilespmem:s14+$0xFFFFFF70];
	v12 =	vsel vm4, v12, v13;
	(xrf0) =	vadd.scan.msk.s32 $0xffff, v6;
	v6, _, _ =	vpop (xrf0)  }
0x45c: {  	v22 =	vld [tilespmem:s14+$0xFFFFFF80];
	(xrf0) =	vadd.scan.msk.s32 $0xffff, v5;
	v5, _, _ =	vpop (xrf0)  }
0x45d: {  	v23 =	vld [tilespmem:s14+$0xFFFFFF90];
	v10 =	vsel vm5, v12, v10;
	(xrf0) =	vadd.scan.msk.s32 $0xffff, v4;
	v4, _, _ =	vpop (xrf0)  }
0x45e: {  	v14 =	vld [tilespmem:s14+$0xFFFFFFA0];
	v10 =	vsel vm6, v10, v11;
	v12, _, _ =	vpop (xrf0)  }
0x45f: {  	v10 =	vsel vm7, v10, v15;
	(xrf0) =	vadd.scan.msk.s32 $0xffff, v20;
	v11, _, _ =	vpop (xrf0);
	v12 =	vperm.xlane v12, v2  }
0x460: {  	v10 =	vsel vm8, v10, v58;
	(xrf0) =	vadd.scan.msk.s32 $0xffff, v21;
	v11 =	vperm.xlane v11, v2  }
0x461: {  	v13 =	vld [tilespmem:s14+$0xFFFFFFB0];
	v10 =	vsel vm9, v10, v17;
	v15, _, _ =	vpop (xrf0);
	(xrf0) =	vadd.scan.msk.s32 $0xffff, v22;
	v12 =	vxor.u32 $0x80000000, v12  }
0x462: {  	v10 =	vsel vm10, v10, v18;
	v59, _, _ =	vpop (xrf0);
	(xrf0) =	vadd.scan.msk.s32 $0xffff, v23;
	v11 =	vxor.u32 $0x80000000, v11  }
0x463: {  	v60 =	vld [tilespmem:s14+$0xFFFFFFC0];
	v10 =	vsel vm11, v10, v19;
	v61, _, _ =	vpop (xrf0);
	(xrf0) =	vadd.scan.msk.s32 $0xffff, v14;
	v14 =	vperm.xlane v15, v2  }
0x464: {  	v9 =	vsel vm12, v10, v9;
	(xrf0) =	vmax.scan.msk.u32 $0xffff, v12;
	v12, _, _ =	vpop (xrf0)  }
0x465: {  	v8 =	vsel vm13, v9, v8;
	v15 =	vld [tilespmem:s14+$0xFFFFFFD0];
	v10 =	vperm.xlane v59, v2;
	(xrf0) =	vmax.scan.msk.u32 $0xffff, v11;
	v14 =	vxor.u32 $0x80000000, v14;
	v11, _, _ =	vpop (xrf0)  }
0x466: {  	v7 =	vsel vm1, v8, v7;
	v62, _, _ =	vpop (xrf0);
	(xrf0) =	vadd.scan.msk.s32 $0xffff, v13  }
0x467: {  	v6 =	vsel vm14, v7, v6;
	v10 =	vxor.u32 $0x80000000, v10;
	(xrf0) =	vmax.scan.msk.u32 $0xffff, v14;
	v9, _, _ =	vpop (xrf0)  }
0x468: {  	v5 =	vsel vm2, v6, v5;
	v8 =	vperm.xlane v61, v2;
	v13 =	vld [tilespmem:s14+$0xFFFFFFE0];
	v14, _, _ =	vpop (xrf0);
	(xrf0) =	vadd.scan.msk.s32 $0xffff, v60  }
0x469: {  	(xrf0) =	vmax.scan.msk.u32 $0xffff, v10;
	v7, _, _ =	vpop (xrf0)  }
0x46a: {  	v63 =	vld [tilespmem:s14+$0xFFFFFFF0];
	v8 =	vxor.u32 $0x80000000, v8;
	v10, _, _ =	vpop (xrf0);
	(xrf0) =	vadd.scan.msk.s32 $0xffff, v15  }
0x46b: {  	v4 =	vsel vm3, v5, v4;
	v6 =	vperm.xlane v12, v2;
	v5, _, _ =	vpop (xrf0);
	(xrf0) =	vmax.scan.msk.u32 $0xffff, v8;
	v8 =	vperm.xlane v11, v2;
	_ =	sdelay $0x1  }
0x46c: {  	v6 =	vxor.u32 $0x80000000, v6;
	v11 =	vperm.xlane v62, v2;
	v12, _, _ =	vpop (xrf0);
	(xrf0) =	vadd.scan.msk.s32 $0xffff, v13;
	v13 =	vperm.xlane v14, v2  }
0x46d: {  	v4 =	vxor.u32 $0x80000000, v4;
	v14, _, _ =	vpop (xrf0);
	(xrf0) =	vmax.scan.msk.u32 $0xffff, v6  }
0x46e: {  	[tilespmem:s13+$0x0] =	vst v4;
	v4 =	vxor.u32 $0x80000000, v8;
	v6 =	vxor.u32 $0x80000000, v11;
	(xrf0) =	vadd.scan.msk.s32 $0xffff, v63;
	v8, _, _ =	vpop (xrf0)  }
0x46f: {  	v9 =	vperm.xlane v9, v2;
	(xrf0) =	vmax.scan.msk.u32 $0xffff, v4;
	v4 =	vsel vm0, v10, v5;
	v10 =	vperm.xlane v8, v2  }
0x470: {  	v7 =	vperm.xlane v7, v2;
	v11 =	vxor.u32 $0x80000000, v13;
	v13, _, _ =	vpop (xrf0)  }
0x471: {  	v9 =	vxor.u32 $0x80000000, v9;
	v5 =	vperm.xlane v12, v2;
	(xrf0) =	vmax.scan.msk.u32 $0xffff, v6;
	v6, _, _ =	vpop (xrf0)  }
0x472: {  	v7 =	vxor.u32 $0x80000000, v7;
	v4 =	vsel vm4, v4, v14;
	v6 =	vperm.xlane v6, v2;
	v12, _, _ =	vpop (xrf0);
	(xrf0) =	vmax.scan.msk.u32 $0xffff, v9  }
0x473: {  	v8 =	vxor.u32 $0x80000000, v5;
	v4 =	vsel vm5, v4, v13;
	v5 =	vxor.u32 $0x80000000, v10;
	(xrf0) =	vmax.scan.msk.u32 $0xffff, v11;
	v10, _, _ =	vpop (xrf0)  }
0x474: {  	s15 =	simm.s32 $0xC300;
	s14 =	simm.s32 $0x0;
	v11 =	vsel vm6, v4, v12;
	v9 =	vxor.u32 $0x80000000, v6;
	v10 =	vperm.xlane v10, v2;
	v12, _, _ =	vpop (xrf0);
	(xrf0) =	vmax.scan.msk.u32 $0xffff, v7  }
.LBB2_41:
0x475: {  	v4 =	vld [tilespmem:s15+$0xF0];
	v6 =	vsel vm7, v11, v12;
	(xrf0) =	vmax.scan.msk.u32 $0xffff, v8;
	v7, _, _ =	vpop (xrf0)  }
0x476: {  	v8 =	vld [tilespmem:s15+$0xE0];
	v10 =	vxor.u32 $0x80000000, v10;
	v7 =	vperm.xlane v7, v2;
	v11, _, _ =	vpop (xrf0);
	(xrf0) =	vmax.scan.msk.u32 $0xffff, v5  }
0x477: {  	v5 =	vld [tilespmem:s15+$0xD0];
	v6 =	vsel vm8, v6, v11;
	v11, _, _ =	vpop (xrf0);
	(xrf0) =	vmax.scan.msk.u32 $0xffff, v9  }
0x478: {  	v9 =	vld [tilespmem:s15+$0xC0];
	v13 =	vsel vm9, v6, v11;
	v7 =	vxor.u32 $0x80000000, v7;
	v11, _, _ =	vpop (xrf0);
	(xrf0) =	vmax.scan.msk.u32 $0xffff, v10  }
0x479: {  	v10 =	vld [tilespmem:s15+$0xB0];
	v12 =	vsel vm10, v13, v11;
	v11, _, _ =	vpop (xrf0);
	(xrf0) =	vmax.scan.msk.u32 $0xffff, v7  }
0x47a: {  	v7 =	vld [tilespmem:s15+$0xA0];
	(xrf0) =	vadd.scan.msk.s32 $0xffff, v4;
	v4 =	vsel vm11, v12, v11;
	v6, _, _ =	vpop (xrf0)  }
0x47b: {  	v11 =	vld [tilespmem:s15+$0x0];
	(xrf0) =	vadd.scan.msk.s32 $0xffff, v8;
	v4 =	vsel vm12, v4, v6;
	v6, _, _ =	vpop (xrf0)  }
0x47c: {  	s14 =	sadd.s32 $0x2, s14;
	v8 =	vld [tilespmem:s15+$0x10];
	(xrf0) =	vadd.scan.msk.s32 $0xffff, v5;
	v4 =	vsel vm13, v4, v6;
	v5, _, _ =	vpop (xrf0)  }
0x47d: {  	p0 =	slt.u32 s14, $0xE;
	v6 =	vld [tilespmem:s15+$0x20];
	(xrf0) =	vadd.scan.msk.s32 $0xffff, v9;
	v4 =	vsel vm1, v4, v5;
	v5, _, _ =	vpop (xrf0)  }
0x47e: {  	v9 =	vld [tilespmem:s15+$0x30];
	(xrf0) =	vadd.scan.msk.s32 $0xffff, v10;
	v4 =	vsel vm14, v4, v5;
	v5, _, _ =	vpop (xrf0)  }
0x47f: {  	v10 =	vld [tilespmem:s15+$0x40];
	(xrf0) =	vadd.scan.msk.s32 $0xffff, v7;
	v4 =	vsel vm2, v4, v5;
	v5, _, _ =	vpop (xrf0)  }
0x480: {  	v7 =	vld [tilespmem:s15+$0x50];
	(xrf0) =	vadd.scan.msk.s32 $0xffff, v11;
	v11, _, _ =	vpop (xrf0);
	v4 =	vsel vm3, v4, v5  }
0x481: {  	v5 =	vld [tilespmem:s15+$0x60];
	(xrf0) =	vadd.scan.msk.s32 $0xffff, v8;
	v12, _, _ =	vpop (xrf0);
	v4 =	vxor.u32 $0x80000000, v4  }
0x482: {  	v8 =	vld [tilespmem:s15+$0x70];
	(xrf0) =	vadd.scan.msk.s32 $0xffff, v6;
	v6, _, _ =	vpop (xrf0);
	[tilespmem:s13+$0xFFFFFFF0] =	vst v4  }
0x483: {  	v4 =	vld [tilespmem:s15+$0x80];
	(xrf0) =	vadd.scan.msk.s32 $0xffff, v9;
	v13, _, _ =	vpop (xrf0)  }
0x484: {  	v9 =	vld [tilespmem:s15+$0x90];
	(xrf0) =	vadd.scan.msk.s32 $0xffff, v10;
	v10, _, _ =	vpop (xrf0)  }
0x485: {  	v14 =	vld [tilespmem:s15+$0xFFFFFF10];
	(xrf0) =	vadd.scan.msk.s32 $0xffff, v7;
	v7, _, _ =	vpop (xrf0)  }
0x486: {  	v15 =	vld [tilespmem:s15+$0xFFFFFF00];
	v16, _, _ =	vpop (xrf0);
	(xrf0) =	vadd.scan.msk.s32 $0xffff, v5  }
0x487: {  	v17 =	vld [tilespmem:s15+$0xFFFFFF20];
	v23 =	vperm.xlane v16, v2;
	v16, _, _ =	vpop (xrf0);
	(xrf0) =	vadd.scan.msk.s32 $0xffff, v8  }
0x488: {  	v18 =	vld [tilespmem:s15+$0xFFFFFF30];
	v24 =	vperm.xlane v16, v2;
	v16, _, _ =	vpop (xrf0);
	(xrf0) =	vadd.scan.msk.s32 $0xffff, v4  }
0x489: {  	v4 =	vld [tilespmem:s15+$0xFFFFFF40];
	v21 =	vxor.u32 $0x80000000, v23;
	v25 =	vperm.xlane v16, v2;
	v19, _, _ =	vpop (xrf0);
	(xrf0) =	vadd.scan.msk.s32 $0xffff, v9  }
0x48a: {  	v20 =	vld [tilespmem:s15+$0xFFFFFF50];
	v22 =	vxor.u32 $0x80000000, v24;
	v26 =	vperm.xlane v19, v2;
	(xrf0) =	vmax.scan.msk.u32 $0xffff, v21;
	v5, _, _ =	vpop (xrf0)  }
0x48b: {  	v19 =	vld [tilespmem:s15+$0xFFFFFF60];
	v23 =	vxor.u32 $0x80000000, v25;
	v27 =	vperm.xlane v5, v2;
	(xrf0) =	vmax.scan.msk.u32 $0xffff, v22;
	v8, _, _ =	vpop (xrf0)  }
0x48c: {  	v21 =	vld [tilespmem:s15+$0xFFFFFF70];
	v24 =	vxor.u32 $0x80000000, v26;
	v28 =	vperm.xlane v8, v2;
	(xrf0) =	vmax.scan.msk.u32 $0xffff, v23;
	v16, _, _ =	vpop (xrf0)  }
0x48d: {  	v22 =	vld [tilespmem:s15+$0xFFFFFF80];
	v25 =	vxor.u32 $0x80000000, v27;
	v16 =	vperm.xlane v16, v2;
	(xrf0) =	vmax.scan.msk.u32 $0xffff, v24;
	v9, _, _ =	vpop (xrf0)  }
0x48e: {  	v23 =	vld [tilespmem:s15+$0xFFFFFF90];
	v27 =	vxor.u32 $0x80000000, v28;
	v9 =	vperm.xlane v9, v2;
	(xrf0) =	vmax.scan.msk.u32 $0xffff, v25;
	v5, _, _ =	vpop (xrf0)  }
0x48f: {  	v24 =	vld [tilespmem:s15+$0xFFFFFFA0];
	v16 =	vxor.u32 $0x80000000, v16;
	v5 =	vperm.xlane v5, v2;
	(xrf0) =	vmax.scan.msk.u32 $0xffff, v27;
	v8, _, _ =	vpop (xrf0)  }
0x490: {  	v25 =	vld [tilespmem:s15+$0xFFFFFFB0];
	v9 =	vxor.u32 $0x80000000, v9;
	v8 =	vperm.xlane v8, v2;
	v26, _, _ =	vpop (xrf0);
	(xrf0) =	vmax.scan.msk.u32 $0xffff, v16  }
0x491: {  	v7 =	vperm.xlane v7, v2;
	v16 =	vld [tilespmem:s15+$0xFFFFFFC0];
	v5 =	vxor.u32 $0x80000000, v5;
	v27, _, _ =	vpop (xrf0);
	(xrf0) =	vmax.scan.msk.u32 $0xffff, v9  }
0x492: {  	v10 =	vperm.xlane v10, v2;
	v9 =	vld [tilespmem:s15+$0xFFFFFFD0];
	v26 =	vsel vm0, v26, v27;
	v29 =	vxor.u32 $0x80000000, v8;
	v28, _, _ =	vpop (xrf0);
	(xrf0) =	vmax.scan.msk.u32 $0xffff, v5  }
0x493: {  	v13 =	vperm.xlane v13, v2;
	v7 =	vxor.u32 $0x80000000, v7;
	v8 =	vld [tilespmem:s15+$0xFFFFFFE0];
	v30 =	vsel vm4, v26, v28;
	v28, _, _ =	vpop (xrf0);
	(xrf0) =	vmax.scan.msk.u32 $0xffff, v29  }
0x494: {  	v6 =	vperm.xlane v6, v2;
	v10 =	vxor.u32 $0x80000000, v10;
	v5 =	vld [tilespmem:s15+$0xFFFFFFF0];
	v28 =	vsel vm5, v30, v28;
	v27, _, _ =	vpop (xrf0);
	(xrf0) =	vmax.scan.msk.u32 $0xffff, v7  }
0x495: {  	v13 =	vxor.u32 $0x80000000, v13;
	v7 =	vsel vm6, v28, v27;
	v27 =	vperm.xlane v12, v2;
	v26, _, _ =	vpop (xrf0);
	(xrf0) =	vmax.scan.msk.u32 $0xffff, v10  }
0x496: {  	v6 =	vxor.u32 $0x80000000, v6;
	v7 =	vsel vm7, v7, v26;
	v26 =	vperm.xlane v11, v2;
	v11, _, _ =	vpop (xrf0);
	(xrf0) =	vmax.scan.msk.u32 $0xffff, v13  }
0x497: {  	v7 =	vsel vm8, v7, v11;
	v11 =	vxor.u32 $0x80000000, v27;
	v12, _, _ =	vpop (xrf0);
	(xrf0) =	vmax.scan.msk.u32 $0xffff, v6  }
0x498: {  	v6 =	vsel vm9, v7, v12;
	v12 =	vxor.u32 $0x80000000, v26;
	v10, _, _ =	vpop (xrf0);
	(xrf0) =	vmax.scan.msk.u32 $0xffff, v11  }
0x499: {  	v6 =	vsel vm10, v6, v10;
	v10, _, _ =	vpop (xrf0);
	(xrf0) =	vmax.scan.msk.u32 $0xffff, v12  }
0x49a: {  	v6 =	vsel vm11, v6, v10;
	(xrf0) =	vadd.scan.msk.s32 $0xffff, v15;
	v7, _, _ =	vpop (xrf0)  }
0x49b: {  	v6 =	vsel vm12, v6, v7;
	(xrf0) =	vadd.scan.msk.s32 $0xffff, v14;
	v7, _, _ =	vpop (xrf0)  }
0x49c: {  	v6 =	vsel vm13, v6, v7;
	(xrf0) =	vadd.scan.msk.s32 $0xffff, v17;
	v7, _, _ =	vpop (xrf0)  }
0x49d: {  	v10 =	vsel vm1, v6, v7;
	(xrf0) =	vadd.scan.msk.s32 $0xffff, v18;
	v7, _, _ =	vpop (xrf0)  }
0x49e: {  	v10 =	vsel vm14, v10, v7;
	(xrf0) =	vadd.scan.msk.s32 $0xffff, v4;
	v4, _, _ =	vpop (xrf0)  }
0x49f: {  	v4 =	vsel vm2, v10, v4;
	(xrf0) =	vadd.scan.msk.s32 $0xffff, v20;
	v6, _, _ =	vpop (xrf0)  }
0x4a0: {  	v4 =	vsel vm3, v4, v6;
	v6 =	vimm.s32 $0xFF;
	v7, _, _ =	vpop (xrf0);
	(xrf0) =	vadd.scan.msk.s32 $0xffff, v19  }
0x4a1: {  	s13 =	sadd.s32 $0x20, s13;
	v10 =	vperm.xlane v7, v2;
	v7 =	vxor.u32 $0x80000000, v4;
	v4 =	vimm.s32 $0x0;
	v11, _, _ =	vpop (xrf0);
	(xrf0) =	vadd.scan.msk.s32 $0xffff, v21  }
0x4a2: {  	v11 =	vperm.xlane v11, v2;
	[tilespmem:s13+$0x0] =	vst v7;
	v7 =	vimm.s32 $0xFFFFFFFF;
	v12, _, _ =	vpop (xrf0);
	(xrf0) =	vadd.scan.msk.s32 $0xffff, v22  }
0x4a3: {  	v15 =	vxor.u32 $0x80000000, v10;
	v12 =	vperm.xlane v12, v2;
	v13, _, _ =	vpop (xrf0);
	(xrf0) =	vadd.scan.msk.s32 $0xffff, v23  }
0x4a4: {  	v17 =	vxor.u32 $0x80000000, v11;
	v13 =	vperm.xlane v13, v2;
	v14, _, _ =	vpop (xrf0);
	(xrf0) =	vadd.scan.msk.s32 $0xffff, v24  }
0x4a5: {  	v12 =	vxor.u32 $0x80000000, v12;
	v14 =	vperm.xlane v14, v2;
	(xrf0) =	vmax.scan.msk.u32 $0xffff, v15;
	v10, _, _ =	vpop (xrf0)  }
0x4a6: {  	v13 =	vxor.u32 $0x80000000, v13;
	v10 =	vperm.xlane v10, v2;
	(xrf0) =	vmax.scan.msk.u32 $0xffff, v17;
	v11, _, _ =	vpop (xrf0)  }
0x4a7: {  	v14 =	vxor.u32 $0x80000000, v14;
	v11 =	vperm.xlane v11, v2;
	v15, _, _ =	vpop (xrf0);
	(xrf0) =	vadd.scan.msk.s32 $0xffff, v25  }
0x4a8: {  	v10 =	vxor.u32 $0x80000000, v10;
	v15 =	vperm.xlane v15, v2;
	(xrf0) =	vmax.scan.msk.u32 $0xffff, v12;
	v12, _, _ =	vpop (xrf0)  }
0x4a9: {  	v11 =	vxor.u32 $0x80000000, v11;
	v12 =	vperm.xlane v12, v2;
	v17, _, _ =	vpop (xrf0);
	(xrf0) =	vadd.scan.msk.s32 $0xffff, v16  }
0x4aa: {  	v15 =	vxor.u32 $0x80000000, v15;
	v18 =	vperm.xlane v17, v2;
	(xrf0) =	vmax.scan.msk.u32 $0xffff, v13;
	v13, _, _ =	vpop (xrf0)  }
0x4ab: {  	v12 =	vxor.u32 $0x80000000, v12;
	v13 =	vperm.xlane v13, v2;
	v17, _, _ =	vpop (xrf0);
	(xrf0) =	vadd.scan.msk.s32 $0xffff, v9  }
0x4ac: {  	v9 =	vxor.u32 $0x80000000, v18;
	v16, _, _ =	vpop (xrf0);
	(xrf0) =	vmax.scan.msk.u32 $0xffff, v14  }
0x4ad: {  	v17 =	vsel vm0, v17, v16;
	v13 =	vxor.u32 $0x80000000, v13;
	v16, _, _ =	vpop (xrf0);
	(xrf0) =	vadd.scan.msk.s32 $0xffff, v8  }
0x4ae: {  	v8 =	vperm.xlane v16, v2;
	v16, _, _ =	vpop (xrf0);
	(xrf0) =	vmax.scan.msk.u32 $0xffff, v10  }
0x4af: {  	v10 =	vsel vm4, v17, v16;
	v14, _, _ =	vpop (xrf0);
	(xrf0) =	vadd.scan.msk.s32 $0xffff, v5  }
.Ltmp26:
0x4b0: {  	v8 =	vxor.u32 $0x80000000, v8;
	v5 =	vperm.xlane v14, v2;
	v14, _, _ =	vpop (xrf0);
	(xrf0) =	vmax.scan.msk.u32 $0xffff, v11;
	(pc) =	sbr.rel @p0 .LBB2_41-.Ltmp26, $4  }
0x4b1: {  	v16 =	vsel vm5, v10, v14;
	(xrf0) =	vmax.scan.msk.u32 $0xffff, v15;
	v11, _, _ =	vpop (xrf0)  }
0x4b2: {  	v5 =	vxor.u32 $0x80000000, v5;
	v14 =	vperm.xlane v11, v2;
	v11, _, _ =	vpop (xrf0);
	(xrf0) =	vmax.scan.msk.u32 $0xffff, v12  }
0x4b3: {  	v11 =	vsel vm6, v16, v11;
	(xrf0) =	vmax.scan.msk.u32 $0xffff, v9;
	v10, _, _ =	vpop (xrf0)  }
0x4b4: {  	s15 =	sadd.s32 $0x200, s15;
	v9 =	vxor.u32 $0x80000000, v14;
	v10 =	vperm.xlane v10, v2;
	v12, _, _ =	vpop (xrf0);
	(xrf0) =	vmax.scan.msk.u32 $0xffff, v13  }
0x4b5: {  	v11 =	vsel vm7, v11, v12  }
0x4b6: {  	(xrf0) =	vmax.scan.msk.u32 $0xffff, v8;
	v8, _, _ =	vpop (xrf0)  }
0x4b7: {  	v12, _, _ =	vpop (xrf0)  }
0x4b8: {  	v8 =	vperm.xlane v8, v2;
	(xrf0) =	vmax.scan.msk.u32 $0xffff, v5;
	v5 =	vxor.u32 $0x80000000, v10;
	v10 =	vsel vm8, v11, v12;
	v11, _, _ =	vpop (xrf0)  }
0x4b9: {  	(xrf0) =	vmax.scan.msk.u32 $0xffff, v9;
	v9 =	vsel vm9, v10, v11  }
0x4ba: {  	v8 =	vxor.u32 $0x80000000, v8  }
0x4bb: {  	(xrf0) =	vmax.scan.msk.u32 $0xffff, v5;
	v10, _, _ =	vpop (xrf0)  }
0x4bc: {  	v5 =	vsel vm10, v9, v10;
	v9, _, _ =	vpop (xrf0);
	(xrf0) =	vmax.scan.msk.u32 $0xffff, v8  }
0x4bd: {  	v5 =	vsel vm11, v5, v9;
	v8, _, _ =	vpop (xrf0)  }
0x4be: {  	v5 =	vsel vm12, v5, v8;
	v8, _, _ =	vpop (xrf0)  }
0x4bf: {  	v5 =	vsel vm13, v5, v8;
	v8, _, _ =	vpop (xrf0)  }
0x4c0: {  	v5 =	vsel vm1, v5, v8;
	v8, _, _ =	vpop (xrf0)  }
0x4c1: {  	v5 =	vsel vm14, v5, v8;
	v8, _, _ =	vpop (xrf0)  }
0x4c2: {  	v5 =	vsel vm2, v5, v8;
	v8, _, _ =	vpop (xrf0)  }
0x4c3: {  	v5 =	vsel vm3, v5, v8  }
0x4c4: {  	v5 =	vxor.u32 $0x80000000, v5  }
0x4c5: {  	s14 =	simm.s32 $0xF0;
	[tilespmem:s13+$0xFFFFFFF0] =	vst v5  }
0x4c6: {  	v5 =	vld [tilespmem:s14+$0xD000];
	_ =	sdelay $0x4  }
0x4c7: {  	v5 =	vperm.xlane v5, v2;
	_ =	sdelay $0x1  }
0x4c8: {  	s15 =	simm.s32 $0xE0;
	(xrf0) =	vadd.scan.msk.s32 $0xffff, v5  }
0x4c9: {  	v8 =	vld [tilespmem:s15+$0xD000];
	_ =	sdelay $0x4  }
0x4ca: {  	v9 =	vperm.xlane v8, v2;
	v8, _, _ =	vpop (xrf0)  }
0x4cb: {  	v10 =	vperm.xlane v8, v2  }
0x4cc: {  	(xrf0) =	vadd.scan.msk.s32 $0xffff, v9  }
0x4cd: {  	s16 =	simm.s32 $0xD0;
	v10 =	vxor.u32 $0x80000000, v10  }
0x4ce: {  	v11 =	vld [tilespmem:s16+$0xD000];
	(xrf0) =	vmax.scan.msk.u32 $0xffff, v10;
	_ =	sdelay $0x1  }
0x4cf: {  	v8 =	vadd.s32 v4, v8  }
0x4d0: {  	vm0 =	vgt.s32 v8, $0x3FF  }
0x4d1: {  	v5 =	vsel vm0, $0x0, v5;
	v10, _, _ =	vpop (xrf0)  }
0x4d2: {  	v8 =	vperm.xlane v11, v2;
	(xrf0) =	vadd.scan.msk.s32 $0xffff, v5;
	v5 =	vperm.xlane v10, v2  }
0x4d3: {  	v11, _, _ =	vpop (xrf0)  }
0x4d4: {  	v12 =	vmpcnt.ones.xlane vm0;
	(xrf0) =	vadd.scan.msk.s32 $0xffff, v8;
	v5 =	vxor.u32 $0x80000000, v5;
	v11 =	vxor.u32 $0x80000000, v11  }
0x4d5: {  	s17 =	simm.s32 $0xC0;
	(xrf0) =	vmax.scan.msk.u32 $0xffff, v5;
	v5 =	vadd.s32 v4, v11;
	v11 =	vmctz.xlane vm0  }
0x4d6: {  	vm1 =	vlt.s32 v7, $0x0;
	v13 =	vld [tilespmem:s17+$0xD000];
	vm0 =	vgt.s32 v12, $0x0;
	v10 =	vadd.s32 v5, v10  }
0x4d7: {  	vm0 =	vmand vm1, vm0;
	vm2 =	vgt.s32 v10, $0x3FF;
	v10 =	vsub.s32 v6, v11  }
0x4d8: {  	v7 =	vsel vm0, v10, v7;
	v10 =	vmpcnt.ones.xlane vm2;
	_ =	sdelay $0x1  }
0x4d9: {  	v14 =	vmctz.xlane vm2;
	v11, _, _ =	vpop (xrf0)  }
0x4da: {  	v9 =	vsel vm2, $0x0, v9;
	v12 =	vperm.xlane v11, v2;
	v11 =	vperm.xlane v13, v2;
	v13, _, _ =	vpop (xrf0)  }
0x4db: {  	(xrf0) =	vadd.scan.msk.s32 $0xffff, v9;
	v9 =	vadd.s32 $0xFFFFFFF0, v6;
	vm2 =	vlt.s32 v7, $0x0;
	vm1 =	vgt.s32 v10, $0x0;
	v10, _, _ =	vpop (xrf0)  }
0x4dc: {  	v14 =	vsub.s32 v9, v14;
	v6 =	vperm.xlane v13, v2;
	v10 =	vxor.u32 $0x80000000, v10  }
0x4dd: {  	vm1 =	vmand vm2, vm1;
	v15 =	vxor.u32 $0x80000000, v12;
	v12 =	vadd.s32 v5, v10  }
0x4de: {  	s15 =	simm.s32 $0xB0;
	(xrf0) =	vadd.scan.msk.s32 $0xffff, v11;
	v10 =	vsel vm1, v14, v7;
	v7 =	vadd.s32 v12, v13  }
0x4df: {  	vm0 =	vmmov vm0;
	v6 =	vxor.u32 $0x80000000, v6;
	(xrf0) =	vmax.scan.msk.u32 $0xffff, v15;
	v13 =	vld [tilespmem:s15+$0xD000]  }
0x4e0: {  	vm0 =	vmmov vm0;
	(xrf0) =	vmax.scan.msk.u32 $0xffff, v6  }
0x4e1: {  	s13 =	simm.s32 $0x240;
	s14 =	simm.s32 $0x280;
	v6 =	vimm.s32 $0x0;
	s15 =	simm.s32 $0x200;
	v14, _, _ =	vpop (xrf0);
	vm2 =	vgt.s32 v7, $0x3FF;
	v7 =	vmov v12  }
.LBB2_43:
0x4e2: {  	v15 =	vsel vm2, $0x0, v8  }
0x4e3: {  	p0 =	sne.s32 s15, $0x0;
	v18 =	vmpcnt.ones.xlane vm2;
	v14 =	vperm.xlane v14, v2;
	v8 =	vmovc v11;
	vm3 =	vmmov vm1  }
0x4e4: {  	v9 =	vadd.s32 $0xFFFFFFF0, v9;
	v11 =	vperm.xlane v13, v2;
	v17, _, _ =	vpop (xrf0);
	v13 =	vmctz.xlane vm2;
	(xrf0) =	vadd.scan.msk.s32 $0xffff, v15  }
0x4e5: {  	vm2 =	vlt.s32 v10, $0x0;
	v15 =	vperm.xlane v17, v2;
	vm1 =	vgt.s32 v18, $0x0;
	v16, _, _ =	vpop (xrf0)  }
.Ltmp27:
0x4e6: {  	s16 =	sshra.s32 s14, $0x2;
	s14 =	smov.u32 s13;
	v14 =	vxor.u32 $0x80000000, v14;
	(xrf0) =	vadd.scan.msk.s32 $0xffff, v11;
	v18 =	vsub.s32 v9, v13;
	vm1 =	vmand vm2, vm1;
	v19, _, _ =	vpop (xrf0);
	(pc) =	sbr.rel @p0 .LBB2_43-.Ltmp27, $4  }
0x4e7: {  	s13 =	smov.u32 s15;
	v13 =	vld [tilespmem:s16+$0xD000];
	v15 =	vxor.u32 $0x80000000, v15;
	v19 =	vxor.u32 $0x80000000, v19;
	v10 =	vsel vm1, v18, v10;
	(xrf0) =	vmax.scan.msk.u32 $0xffff, v14  }
0x4e8: {  	v18 =	vxor.u32 $0x80000000, v16;
	(xrf0) =	vmax.scan.msk.u32 $0xffff, v15;
	v12 =	vadd.s32 v12, v19  }
0x4e9: {  	v16 =	vadd.s32 v4, v18;
	v4 =	vmovc v5;
	v5 =	vmovc v7;
	v15 =	vadd.s32 v12, v17;
	v7 =	vmov v12  }
0x4ea: {  	s15 =	sadd.s32 $0xFFFFFFC0, s15;
	v6 =	vsel vm0, v16, v6;
	vm0 =	vmmov vm3;
	vm2 =	vgt.s32 v15, $0x3FF;
	v14, _, _ =	vpop (xrf0)  }
0x4eb: {  	_ = 	snop  }
0x4ec: {  	v8 =	vsel vm2, $0x0, v8;
	v14 =	vperm.xlane v14, v2;
	v13 =	vperm.xlane v13, v2;
	v15, _, _ =	vpop (xrf0)  }
0x4ed: {  	(xrf0) =	vadd.scan.msk.s32 $0xffff, v8;
	v8 =	vperm.xlane v15, v2;
	v16, _, _ =	vpop (xrf0)  }
0x4ee: {  	s14 =	sshra.s32 s14, $0x2;
	v14 =	vxor.u32 $0x80000000, v14;
	(xrf0) =	vadd.scan.msk.s32 $0xffff, v13;
	v17, _, _ =	vpop (xrf0)  }
0x4ef: {  	v18 =	vld [tilespmem:s14+$0xD000];
	v8 =	vxor.u32 $0x80000000, v8;
	v17 =	vxor.u32 $0x80000000, v17;
	(xrf0) =	vmax.scan.msk.u32 $0xffff, v14  }
0x4f0: {  	(xrf0) =	vmax.scan.msk.u32 $0xffff, v8;
	v8 =	vadd.s32 v12, v17  }
0x4f1: {  	v12 =	vadd.s32 v8, v15  }
0x4f2: {  	vm3 =	vgt.s32 v12, $0x3FF  }
0x4f3: {  	v11 =	vsel vm3, $0x0, v11  }
0x4f4: {  	v14 =	vperm.xlane v18, v2;
	v12, _, _ =	vpop (xrf0)  }
0x4f5: {  	v15, _, _ =	vpop (xrf0);
	(xrf0) =	vadd.scan.msk.s32 $0xffff, v11  }
0x4f6: {  	s13 =	sshra.s32 s13, $0x2;
	v12 =	vperm.xlane v12, v2;
	v11, _, _ =	vpop (xrf0);
	(xrf0) =	vadd.scan.msk.s32 $0xffff, v14  }
0x4f7: {  	v18 =	vld [tilespmem:s13+$0xD000];
	v17, _, _ =	vpop (xrf0)  }
0x4f8: {  	v12 =	vxor.u32 $0x80000000, v12;
	v17 =	vxor.u32 $0x80000000, v17  }
0x4f9: {  	v19 =	vperm.xlane v15, v2;
	v17 =	vadd.s32 v8, v17  }
0x4fa: {  	v15 =	vadd.s32 v17, v15  }
0x4fb: {  	v19 =	vxor.u32 $0x80000000, v19;
	(xrf0) =	vmax.scan.msk.u32 $0xffff, v12;
	vm4 =	vgt.s32 v15, $0x3FF;
	v12, _, _ =	vpop (xrf0)  }
0x4fc: {  	(xrf0) =	vmax.scan.msk.u32 $0xffff, v19;
	v19 =	vmpcnt.ones.xlane vm2;
	v15 =	vperm.xlane v18, v2;
	v13 =	vsel vm4, $0x0, v13;
	v18, _, _ =	vpop (xrf0)  }
0x4fd: {  	v12 =	vperm.xlane v12, v2;
	(xrf0) =	vadd.scan.msk.s32 $0xffff, v13;
	v13 =	vperm.xlane v18, v2  }
0x4fe: {  	v20 =	vmctz.xlane vm2;
	vm2 =	vgt.s32 v19, $0x0  }
0x4ff: {  	v19 =	vmpcnt.ones.xlane vm3;
	(xrf0) =	vadd.scan.msk.s32 $0xffff, v15;
	v12 =	vxor.u32 $0x80000000, v12;
	v13 =	vxor.u32 $0x80000000, v13  }
0x500: {  	v9 =	vadd.s32 $0xFFFFFFF0, v9;
	vm5 =	vlt.s32 v10, $0x0;
	(xrf0) =	vmax.scan.msk.u32 $0xffff, v12  }
0x501: {  	vm2 =	vmand vm5, vm2;
	v12 =	vsub.s32 v9, v20;
	(xrf0) =	vmax.scan.msk.u32 $0xffff, v13  }
0x502: {  	v20 =	vmpcnt.ones.xlane vm4;
	v10 =	vsel vm2, v12, v10;
	v12 =	vmctz.xlane vm3;
	v13, _, _ =	vpop (xrf0)  }
0x503: {  	v9 =	vadd.s32 $0xFFFFFFF0, v9;
	vm3 =	vgt.s32 v19, $0x0;
	vm5 =	vlt.s32 v10, $0x0;
	v19, _, _ =	vpop (xrf0)  }
0x504: {  	v12 =	vsub.s32 v9, v12;
	vm3 =	vmand vm5, vm3;
	v21, _, _ =	vpop (xrf0)  }
0x505: {  	v10 =	vsel vm3, v12, v10;
	v12 =	vmctz.xlane vm4;
	v19 =	vxor.u32 $0x80000000, v19;
	v22, _, _ =	vpop (xrf0)  }
0x506: {  	v9 =	vadd.s32 $0xFFFFFFF0, v9;
	vm4 =	vgt.s32 v20, $0x0;
	v19 =	vadd.s32 v17, v19;
	v20, _, _ =	vpop (xrf0)  }
0x507: {  	vm5 =	vlt.s32 v10, $0x0;
	v12 =	vsub.s32 v9, v12;
	v18 =	vadd.s32 v19, v18;
	v23, _, _ =	vpop (xrf0)  }
0x508: {  	vm4 =	vmand vm5, vm4;
	vm7 =	vgt.s32 v18, $0x3FF;
	v18 =	vxor.u32 $0x80000000, v23  }
0x509: {  	v10 =	vsel vm4, v12, v10;
	v12 =	vmpcnt.ones.xlane vm7;
	v18 =	vadd.s32 v19, v18  }
0x50a: {  	v9 =	vadd.s32 $0xFFFFFFF0, v9;
	v23 =	vmctz.xlane vm7;
	v24 =	vadd.s32 v18, v22  }
0x50b: {  	vm6 =	vlt.s32 v10, $0x0;
	vm5 =	vgt.s32 v12, $0x0;
	vm8 =	vgt.s32 v24, $0x3FF  }
0x50c: {  	v12 =	vsub.s32 v9, v23;
	vm5 =	vmand vm6, vm5;
	v23 =	vmpcnt.ones.xlane vm8  }
0x50d: {  	v10 =	vsel vm5, v12, v10;
	v12 =	vmctz.xlane vm8  }
0x50e: {  	v9 =	vadd.s32 $0xFFFFFFF0, v9;
	vm9 =	vlt.s32 v10, $0x0;
	vm6 =	vgt.s32 v23, $0x0  }
0x50f: {  	v9 =	vsub.s32 v9, v12;
	vm6 =	vmand vm9, vm6  }
0x510: {  	v9 =	vsel vm6, v9, v10  }
0x511: {  	(v2sf) =	vpush v9, $0x0;
	_ =	sdelay $0x6  }
0x512: {  	v10 =	vperm.xlane v21, v2  }
0x513: {  	v12 =	vsel vm7, $0x0, v14;
	v14 =	vperm.xlane v22, v2  }
0x514: {  	(xrf0) =	vadd.scan.msk.s32 $0xffff, v12;
	v10 =	vxor.u32 $0x80000000, v10  }
0x515: {  	v12 =	vxor.u32 $0x80000000, v14;
	(xrf0) =	vmax.scan.msk.u32 $0xffff, v10  }
0x516: {  	v10 =	vsel vm8, $0x0, v15;
	(xrf0) =	vmax.scan.msk.u32 $0xffff, v12  }
0x517: {  	(xrf0) =	vadd.scan.msk.s32 $0xffff, v10;
	_ =	sdelay $0x2  }
0x518: {  	v14 =	vxor.u32 $0x80000000, v16;
	v10, _, _ =	vpop (xrf0);
	s17 =	spop (v2sf)  }
0x519: {  	v11 =	vxor.u32 $0x80000000, v11;
	v4 =	vadd.s32 v4, v14;
	v10 =	vperm.xlane v10, v2;
	v12, _, _ =	vpop (xrf0);
	s13 =	sshll.u32 s17, $0x6  }
0x51a: {  	vm1 =	vmmov vm1;
	v5 =	vadd.s32 v5, v11;
	v4 =	vsel vm0, v4, v6;
	v15, _, _ =	vpop (xrf0);
	s13 =	sshra.s32 s13, $0x2  }
0x51b: {  	v6 =	vlaneseq.u32;
	vm0 =	vmmov vm1;
	v10 =	vxor.u32 $0x80000000, v10;
	v14, _, _ =	vpop (xrf0);
	v15 =	vld [tilespmem:s13+$0xC000]  }
0x51c: {  	vm1 =	vmmov vm2;
	v16 =	vmul.u32 $0xFFFFFFFF, v6;
	(xrf0) =	vmax.scan.msk.u32 $0xffff, v10;
	v14 =	vperm.xlane v14, v2  }
0x51d: {  	v4 =	vsel vm0, v5, v4;
	vm0 =	vmmov vm1;
	v5 =	vxor.u32 $0x80000000, v13  }
0x51e: {  	vm1 =	vmmov vm3;
	v5 =	vadd.s32 v7, v5;
	v10 =	vxor.u32 $0x80000000, v14  }
0x51f: {  	v7 =	vxor.u32 $0x80000000, v20;
	v4 =	vsel vm0, v5, v4;
	v14 =	vadd.s32 $0xF, v16;
	(xrf0) =	vmax.scan.msk.u32 $0xffff, v10  }
0x520: {  	vm0 =	vmmov vm1;
	v5 =	vadd.s32 v8, v7;
	v10 =	vperm.xlane v15, v14  }
0x521: {  	vm1 =	vmmov vm4;
	v4 =	vsel vm0, v5, v4;
	v5 =	vxor.u32 $0x80000000, v12  }
0x522: {  	vm0 =	vmmov vm1;
	v5 =	vadd.s32 v17, v5;
	v7, _, _ =	vpop (xrf0);
	(xrf0) =	vadd.scan.msk.s32 $0xffff, v10  }
0x523: {  	vm1 =	vmmov vm5;
	v4 =	vsel vm0, v5, v4;
	v5 =	vxor.u32 $0x80000000, v7  }
0x524: {  	vm0 =	vmmov vm1;
	v5 =	vadd.s32 v19, v5  }
0x525: {  	v4 =	vsel vm0, v5, v4;
	v7, _, _ =	vpop (xrf0)  }
0x526: {  	vm1 =	vmmov vm6;
	s13 =	simm.s32 $0x40;
	v7 =	vxor.u32 $0x80000000, v7  }
0x527: {  	vm0 =	vmmov vm1;
	v16 =	vld [tilespmem:s13+$0xFFFFFFF0];
	v5 =	vadd.s32 v18, v7  }
0x528: {  	v19 =	vld [tilespmem:s13+$0xFFFFFFD0];
	v7 =	vsel vm0, v5, v4;
	v4, _, _ =	vpop (xrf0)  }
0x529: {  	v21 =	vld [tilespmem:s13+$0xFFFFFFC0];
	v4 =	vadd.s32 v7, v4  }
0x52a: {  	v15 =	vld [tilespmem:s13+$0xFFFFFFE0];
	vm0 =	vgt.s32 v4, $0x3FF  }
0x52b: {  	v23 =	vld [tilespmem:s13+$0x0];
	v4 =	vsel vm0, $0x0, v10  }
0x52c: {  	v5 =	vmctz.xlane vm0;
	(xrf0) =	vadd.scan.msk.s32 $0xffff, v4;
	v4 =	vshll.u32 v9, $0x4  }
0x52d: {  	v11 =	vimm.s32 $0x0;
	v4 =	vor.u32 $0xF, v4  }
0x52e: {  	v13 =	vand.u32 $0x7FFFFFFF, v16;
	v18 =	vand.u32 $0x7FFFFFFF, v19;
	v4 =	vsub.s32 v4, v5  }
0x52f: {  	v24 =	vld [tilespmem:s13+$0x20];
	v17 =	vand.u32 $0x7FFFFFFF, v21;
	v10 =	vand.u32 $0x7FFFFFFF, v15;
	v4 =	vshll.u32 v4, $0x13  }
0x530: {  	v12 =	vld [tilespmem:s13+$0x10];
	v20 =	vand.u32 $0x7FFFFFFF, v23;
	v5 =	vadd.s32 $0x80000, v4;
	vm0 =	vle.s32 v4, v10  }
0x531: {  	vm3 =	vle.s32 v4, v18;
	vm2 =	vgt.s32 v5, v10;
	vm1 =	vgt.s32 v5, v18  }
0x532: {  	vm8 =	vgt.s32 v5, v13;
	vm12 =	vgt.s32 v5, v20;
	vm13 =	vgt.s32 v5, v17  }
0x533: {  	vm5 =	vmand vm0, vm2;
	vm15 =	vmand vm3, vm1;
	vm3 =	vle.s32 v4, v13  }
0x534: {  	v8, _, _ =	vpop (xrf0);
	v29 =	vnsel vm1, $0x0, v19;
	v19 =	vand.u32 $0x7FFFFFFF, v24;
	vm1 =	vle.s32 v4, v20  }
0x535: {  	v22 =	vld [tilespmem:s13+$0x30];
	v23 =	vnsel vm12, $0x0, v23;
	v9 =	vperm.xlane v8, v14;
	v8 =	vand.u32 $0x7FFFFFFF, v12  }
0x536: {  	v14 =	vsel vm5, $0x1, v0;
	v25 =	vsel vm15, $0x1, v0;
	v26 =	vmpcnt.ones.xlane vm15  }
0x537: {  	vm4 =	vmand vm3, vm8;
	v30 =	vmpcnt.ones.xlane vm5;
	vm6 =	vle.s32 v4, v19  }
0x538: {  	vm3 =	vmand vm1, vm12;
	vm0 =	vle.s32 v4, v8;
	vm7 =	vgt.s32 v5, v8  }
0x539: {  	vm11 =	vgt.s32 v5, v19;
	v28 =	vsel vm4, $0x1, v0;
	(xrf0) =	vadd.scan.msk.s32 $0xffff, v14;
	vm9 =	vmand vm0, vm7  }
0x53a: {  	v14 =	vand.u32 $0x7FFFFFFF, v22;
	v32 =	vmpcnt.ones.xlane vm3;
	(xrf0) =	vadd.scan.msk.s32 $0xffff, v25;
	v27 =	vsel vm9, $0x1, v0  }
0x53b: {  	vm6 =	vmand vm6, vm11;
	vm0 =	vle.s32 v4, v17;
	vm10 =	vgt.s32 v5, v14;
	(xrf0) =	vadd.scan.msk.s32 $0xffff, v27  }
0x53c: {  	vm1 =	vle.s32 v4, v14;
	vm0 =	vmand vm0, vm13;
	v27 =	vsel vm3, $0x1, v0;
	(xrf0) =	vadd.scan.msk.s32 $0xffff, v28  }
0x53d: {  	v31 =	vsel vm6, $0x1, v0;
	vm1 =	vmand vm1, vm10;
	v28 =	vmpcnt.ones.xlane vm0;
	(xrf0) =	vadd.scan.msk.s32 $0xffff, v27  }
0x53e: {  	v24 =	vnsel vm11, $0x0, v24;
	v27 =	vnsel vm13, $0x0, v21;
	v21 =	vsel vm1, $0x1, v0;
	(xrf0) =	vadd.scan.msk.s32 $0xffff, v31  }
0x53f: {  	v25 =	vmpcnt.ones.xlane vm4;
	v35 =	vsel vm0, $0x1, v0;
	v33, _, _ =	vpop (xrf0);
	v28 =	vadd.s32 v11, v28;
	(xrf0) =	vadd.scan.msk.s32 $0xffff, v21  }
0x540: {  	v59 =	vmpcnt.ones.xlane vm6;
	v34 =	vmpcnt.ones.xlane vm9;
	v31, _, _ =	vpop (xrf0);
	v26 =	vadd.s32 v28, v26;
	(xrf0) =	vadd.scan.msk.s32 $0xffff, v35  }
0x541: {  	v36 =	vadd.s32 v31, v28;
	v28 =	vadd.s32 v33, v26;
	v26 =	vadd.s32 v26, v30;
	v58, _, _ =	vpop (xrf0)  }
0x542: {  	v21 =	vadd.s32 $0x80, v6;
	v31 =	vmpcnt.ones.xlane vm1;
	v37 =	vadd.s32 v26, v25;
	v30, _, _ =	vpop (xrf0)  }
0x543: {  	v25 =	vadd.s32 $0xFFFFFFFF, v36;
	v30 =	vadd.s32 v30, v26;
	v26 =	vadd.s32 v37, v32;
	v60, _, _ =	vpop (xrf0)  }
0x544: {  	[tilespmem:s13+$0x0] =	vst v23;
	v23 =	vadd.s32 v60, v37;
	v61 =	vadd.s32 v58, v26;
	v26 =	vadd.s32 v26, v34;
	v62, _, _ =	vpop (xrf0)  }
0x545: {  	[tilespmem:s13+$0xFFFFFFD0] =	vst v29;
	v23 =	vadd.s32 $0xFFFFFFFF, v23;
	v29 =	vadd.s32 v62, v26;
	v33 =	vadd.s32 v26, v59;
	v63, _, _ =	vpop (xrf0)  }
0x546: {  	s15 =	simm.s32 $0xC0;
	s14 =	simm.s32 $0x0;
	[tilespmem:s13+$0x20] =	vst v24;
	v26 =	vadd.s32 $0xFFFFFFFF, v61;
	v24 =	vadd.s32 $0xFFFFFFFF, v29;
	v29 =	vadd.s32 v63, v33;
	v32, _, _ =	vpop (xrf0)  }
.LBB2_45:
0x547: {  	[tilespmem:s13+$0xFFFFFFC0] =	vst v27;
	v16 =	vnsel vm8, $0x0, v16;
	v27 =	vnsel vm7, $0x0, v12  }
0x548: {  	v34 =	vld [tilespmem:s15+$0xFFFFFFE0];
	s14 =	sadd.s32 $0x8, s14;
	v22 =	vnsel vm10, $0x0, v22;
	vm10 =	vmmov vm5;
	vm11 =	vmmov vm9  }
0x549: {  	v28 =	vadd.s32 $0xFFFFFFFF, v28;
	v30 =	vadd.s32 $0xFFFFFFFF, v30;
	v31 =	vadd.s32 v33, v31;
	v12 =	vld [tilespmem:s15+$0x10];
	p0 =	slt.u32 s14, $0x7F8;
	[tilespmem:s13+$0xFFFFFFF0] =	vst v16  }
0x54a: {  	v15 =	vnsel vm2, $0x0, v15;
	v16 =	vld [tilespmem:s15+$0xFFFFFFF0];
	[tilespmem:s13+$0x10] =	vst v27;
	v27 =	vadd.s32 $0x70, v6  }
0x54b: {  	v35 =	vadd.s32 $0x20, v6;
	v36 =	vadd.s32 $0x40, v6;
	v37 =	vadd.s32 $0x60, v6;
	v33 =	vld [tilespmem:s15+$0xFFFFFFD0];
	[tilespmem:s13+$0xFFFFFFE0] =	vst v15  }
0x54c: {  	v39 =	vadd.s32 $0x10, v6;
	v40 =	vadd.s32 $0x30, v6;
	v41 =	vadd.s32 $0x50, v6;
	v38 =	vld [tilespmem:s15+$0x0];
	[tilespmem:s13+$0x30] =	vst v22;
	s13 =	smov.u32 s15  }
0x54d: {  	v32 =	vadd.s32 v32, v11;
	v29 =	vadd.s32 $0xFFFFFFFF, v29;
	v42 =	vand.u32 $0x7FFFFFFF, v34;
	v22 =	vld [tilespmem:s15+$0x30];
	[tilespmem:v25+s5+$0x0] =	vst.idx.msk vm15, v18;
	v15 =	vmovc v34  }
0x54e: {  	v34 =	vld [tilespmem:s15+$0xFFFFFFC0];
	vm2 =	vgt.s32 v5, v42;
	vm5 =	vle.s32 v4, v42;
	v43 =	vand.u32 $0x7FFFFFFF, v12;
	[tilespmem:v30+s5+$0x0] =	vst.idx.msk vm4, v13  }
0x54f: {  	v11 =	vmovc v31;
	vm5 =	vmand vm5, vm2;
	v13 =	vand.u32 $0x7FFFFFFF, v16;
	vm9 =	vle.s32 v4, v43;
	[tilespmem:v30+s6+$0x0] =	vst.idx.msk vm4, v40  }
0x550: {  	vm7 =	vgt.s32 v5, v43;
	v30 =	vadd.s32 $0xFFFFFFFF, v32;
	v18 =	vand.u32 $0x7FFFFFFF, v33;
	[tilespmem:v23+s5+$0x0] =	vst.idx.msk vm3, v20  }
0x551: {  	v20 =	vsel vm5, $0x1, v0;
	vm12 =	vgt.s32 v5, v18;
	vm4 =	vle.s32 v4, v18;
	[tilespmem:v25+s6+$0x0] =	vst.idx.msk vm15, v39  }
0x552: {  	vm8 =	vgt.s32 v5, v13;
	vm15 =	vmand vm4, vm12;
	vm4 =	vle.s32 v4, v13;
	v25 =	vld [tilespmem:s15+$0x20];
	[tilespmem:v28+s5+$0x0] =	vst.idx.msk vm10, v10  }
0x553: {  	v10 =	vmovc v42;
	v32 =	vsel vm15, $0x1, v0;
	v39 =	vmpcnt.ones.xlane vm15;
	(xrf0) =	vadd.scan.msk.s32 $0xffff, v20;
	[tilespmem:v24+s5+$0x0] =	vst.idx.msk vm6, v19  }
0x554: {  	vm9 =	vmand vm9, vm7;
	vm4 =	vmand vm4, vm8;
	(xrf0) =	vadd.scan.msk.s32 $0xffff, v32;
	[tilespmem:v26+s5+$0x0] =	vst.idx.msk vm11, v8;
	v8 =	vmovc v43  }
0x555: {  	v20 =	vand.u32 $0x7FFFFFFF, v38;
	v19 =	vsel vm9, $0x1, v0;
	v32 =	vand.u32 $0x7FFFFFFF, v34;
	[tilespmem:v26+s6+$0x0] =	vst.idx.msk vm11, v41  }
0x556: {  	vm14 =	vle.s32 v4, v32;
	v26 =	vsel vm4, $0x1, v0;
	(xrf0) =	vadd.scan.msk.s32 $0xffff, v19;
	[tilespmem:v24+s6+$0x0] =	vst.idx.msk vm6, v37  }
0x557: {  	vm11 =	vgt.s32 v5, v20;
	v24 =	vnsel vm12, $0x0, v33;
	v19 =	vand.u32 $0x7FFFFFFF, v25;
	[tilespmem:v23+s6+$0x0] =	vst.idx.msk vm3, v36  }
0x558: {  	vm13 =	vgt.s32 v5, v32;
	v23 =	vmpcnt.ones.xlane vm5;
	vm3 =	vle.s32 v4, v20;
	[tilespmem:v30+s5+$0x0] =	vst.idx.msk vm0, v17  }
0x559: {  	vm6 =	vle.s32 v4, v19;
	v33, _, _ =	vpop (xrf0);
	(xrf0) =	vadd.scan.msk.s32 $0xffff, v26;
	[tilespmem:v29+s5+$0x0] =	vst.idx.msk vm1, v14;
	v14 =	vand.u32 $0x7FFFFFFF, v22  }
0x55a: {  	vm3 =	vmand vm3, vm11;
	vm12 =	vgt.s32 v5, v19;
	v26 =	vmpcnt.ones.xlane vm4;
	v36, _, _ =	vpop (xrf0);
	[tilespmem:v28+s6+$0x0] =	vst.idx.msk vm10, v35  }
0x55b: {  	v17 =	vmovc v32;
	vm6 =	vmand vm6, vm12;
	v35 =	vmpcnt.ones.xlane vm3;
	[tilespmem:v30+s6+$0x0] =	vst.idx.msk vm0, v6;
	vm0 =	vmand vm14, vm13;
	v6 =	vmovc v21  }
0x55c: {  	v28 =	vsel vm3, $0x1, v0;
	vm10 =	vgt.s32 v5, v14;
	vm14 =	vle.s32 v4, v14;
	v32, _, _ =	vpop (xrf0);
	[tilespmem:v29+s6+$0x0] =	vst.idx.msk vm1, v27  }
0x55d: {  	v30 =	vsel vm6, $0x1, v0;
	v29 =	vmpcnt.ones.xlane vm0;
	vm1 =	vmand vm14, vm10;
	(xrf0) =	vadd.scan.msk.s32 $0xffff, v28  }
0x55e: {  	v27 =	vnsel vm13, $0x0, v34;
	v34 =	vmpcnt.ones.xlane vm9;
	v28 =	vsel vm1, $0x1, v0;
	(xrf0) =	vadd.scan.msk.s32 $0xffff, v30  }
0x55f: {  	v37 =	vnsel vm11, $0x0, v38;
	v30 =	vsel vm0, $0x1, v0;
	v29 =	vadd.s32 v31, v29;
	v38, _, _ =	vpop (xrf0);
	(xrf0) =	vadd.scan.msk.s32 $0xffff, v28  }
0x560: {  	v21 =	vadd.s32 $0x80, v21;
	v36 =	vadd.s32 v36, v29;
	v29 =	vadd.s32 v29, v39;
	(xrf0) =	vadd.scan.msk.s32 $0xffff, v30  }
0x561: {  	v28 =	vadd.s32 v33, v29;
	v23 =	vadd.s32 v29, v23;
	v29 =	vmpcnt.ones.xlane vm6  }
.Ltmp28:
0x562: {  	v31 =	vmpcnt.ones.xlane vm1;
	v33 =	vnsel vm12, $0x0, v25;
	v26 =	vadd.s32 v23, v26;
	(pc) =	sbr.rel @p0 .LBB2_45-.Ltmp28, $4  }
0x563: {  	v25 =	vadd.s32 $0xFFFFFFFF, v36;
	v30 =	vadd.s32 v38, v23;
	v23 =	vadd.s32 v26, v35;
	[tilespmem:s15+$0x0] =	vst v37;
	v35, _, _ =	vpop (xrf0)  }
0x564: {  	[tilespmem:s15+$0xFFFFFFD0] =	vst v24;
	v24 =	vadd.s32 v35, v26;
	v26 =	vadd.s32 v32, v23;
	v35 =	vadd.s32 v23, v34;
	v34, _, _ =	vpop (xrf0)  }
0x565: {  	v23 =	vadd.s32 $0xFFFFFFFF, v24;
	[tilespmem:s15+$0x20] =	vst v33;
	v24 =	vadd.s32 v34, v35;
	v33 =	vadd.s32 v35, v29;
	v29, _, _ =	vpop (xrf0)  }
0x566: {  	v26 =	vadd.s32 $0xFFFFFFFF, v26;
	s15 =	sadd.s32 $0x80, s15;
	v24 =	vadd.s32 $0xFFFFFFFF, v24;
	v29 =	vadd.s32 v29, v33;
	v32, _, _ =	vpop (xrf0)  }
0x567: {  	_ =	sdelay $0x3  }
0x568: {  	[tilespmem:s13+$0xFFFFFFC0] =	vst v27  }
0x569: {  	[tilespmem:v25+s5+$0x0] =	vst.idx.msk vm15, v18  }
0x56a: {  	[tilespmem:v23+s5+$0x0] =	vst.idx.msk vm3, v20  }
0x56b: {  	v16 =	vnsel vm8, $0x0, v16;
	[tilespmem:v24+s5+$0x0] =	vst.idx.msk vm6, v19  }
0x56c: {  	v12 =	vnsel vm7, $0x0, v12;
	[tilespmem:s13+$0xFFFFFFF0] =	vst v16  }
0x56d: {  	v15 =	vnsel vm2, $0x0, v15;
	[tilespmem:s13+$0x10] =	vst v12  }
0x56e: {  	v54 =	vnsel vm10, $0x0, v22;
	[tilespmem:s13+$0xFFFFFFE0] =	vst v15  }
0x56f: {  	v57 =	vadd.s32 $0x10, v6;
	[tilespmem:s13+$0x30] =	vst v54  }
0x570: {  	v53 =	vadd.s32 $0xFFFFFFFF, v30;
	v61 =	vadd.s32 $0x40, v6;
	[tilespmem:v25+s6+$0x0] =	vst.idx.msk vm15, v57  }
0x571: {  	v60 =	vadd.s32 $0xFFFFFFFF, v29;
	[tilespmem:v23+s6+$0x0] =	vst.idx.msk vm3, v61  }
0x572: {  	vm2 =	vmmov vm5;
	v59 =	vadd.s32 $0x50, v6;
	[tilespmem:v26+s5+$0x0] =	vst.idx.msk vm9, v8  }
0x573: {  	v55 =	vadd.s32 $0xFFFFFFFF, v28;
	v11 =	vadd.s32 v32, v11;
	v8 =	vadd.s32 $0x60, v6;
	[tilespmem:v26+s6+$0x0] =	vst.idx.msk vm9, v59  }
0x574: {  	v9 =	vxor.u32 $0x80000000, v9;
	v58 =	vadd.s32 $0xFFFFFFFF, v11;
	[tilespmem:v24+s6+$0x0] =	vst.idx.msk vm6, v8  }
0x575: {  	(xrf0) =	vmax.scan.msk.u32 $0xffff, v9;
	[tilespmem:v53+s5+$0x0] =	vst.idx.msk vm4, v13  }
0x576: {  	v56 =	vadd.s32 $0x30, v6;
	[tilespmem:v60+s5+$0x0] =	vst.idx.msk vm1, v14  }
0x577: {  	[tilespmem:v53+s6+$0x0] =	vst.idx.msk vm4, v56  }
0x578: {  	[tilespmem:v55+s5+$0x0] =	vst.idx.msk vm2, v10  }
0x579: {  	v63 =	vadd.s32 $0x70, v6;
	[tilespmem:v58+s5+$0x0] =	vst.idx.msk vm0, v17  }
0x57a: {  	v8 =	vadd.s32 $0x20, v6;
	[tilespmem:v60+s6+$0x0] =	vst.idx.msk vm1, v63  }
0x57b: {  	v62, _, _ =	vpop (xrf0);
	[tilespmem:v55+s6+$0x0] =	vst.idx.msk vm2, v8  }
0x57c: {  	[tilespmem:v58+s6+$0x0] =	vst.idx.msk vm0, v6;
	v8 =	vxor.u32 $0x7FFFFFFF, v62  }
0x57d: {  	v6 =	vsub.s32 v8, v7;
	v7 =	vld [tilespmem:$0x1FF20];
	_ =	sdelay $0x4  }
0x57e: {  	vm4 =	vnez.u8 v7;
	v7 =	vld [tilespmem:$0x1FF30];
	_ =	sdelay $0x3  }
0x57f: {  	vm5 =	vmmov vm9  }
0x580: {  	vm5 =	vnez.u8 v7;
	v7 =	vld [tilespmem:$0x1FF40];
	_ =	sdelay $0x4  }
0x581: {  	vm6 =	vnez.u8 v7;
	v7 =	vld [tilespmem:$0x1FF50];
	_ =	sdelay $0x4  }
0x582: {  	vm7 =	vnez.u8 v7;
	v7 =	vld [tilespmem:$0x1FF60];
	_ =	sdelay $0x4  }
0x583: {  	vm8 =	vnez.u8 v7;
	v7 =	vld [tilespmem:$0x1FF70];
	_ =	sdelay $0x4  }
0x584: {  	vm9 =	vnez.u8 v7;
	v7 =	vld [tilespmem:$0x1FF80];
	_ =	sdelay $0x4  }
0x585: {  	vm10 =	vnez.u8 v7;
	v7 =	vld [tilespmem:$0x1FF90];
	_ =	sdelay $0x4  }
0x586: {  	vm11 =	vnez.u8 v7;
	v7 =	vld [tilespmem:$0x1FFA0];
	_ =	sdelay $0x4  }
0x587: {  	vm12 =	vnez.u8 v7;
	v7 =	vld [tilespmem:$0x1FFB0];
	_ =	sdelay $0x3  }
0x588: {  	v21 =	vadd.s32 v33, v31  }
0x589: {  	(v2sf) =	vpush v21, $0x0;
	vm13 =	vnez.u8 v7;
	v7 =	vld [tilespmem:$0x1FFC0];
	_ =	sdelay $0x4  }
0x58a: {  	vm14 =	vnez.u8 v7;
	v7 =	vld [tilespmem:$0x1FFD0];
	_ =	sdelay $0x4  }
0x58b: {  	vm15 =	vnez.u8 v7;
	v7 =	vld [tilespmem:$0x1FFE0];
	_ =	sdelay $0x4  }
0x58c: {  	s17 =	spop (v2sf);
	vm2 =	vnez.u8 v7;
	v7 =	vld [tilespmem:$0x1FFF0]  }
.Ltmp29:
0x58d: {  	s15 =	sadd.s32 $0xF, s17;
	(pc) =	sbr.rel .LBB2_47-.Ltmp29, $4  }
0x58e: {  	s13 =	sshra.s32 s15, $0x1F  }
0x58f: {  	s13 =	sshrl.u32 s13, $0x1C  }
0x590: {  	s13 =	sadd.s32 s13, s15  }
0x591: {  	v6 =	vadd.s32 $0x401, v6;
	p1 =	slt.s32 s15, $0x10;
	s14 =	sshra.s32 s13, $0x4;
	s13 =	simm.s32 $0x0;
	vm3 =	vnez.u8 v7  }
.LBB2_62:
0x592: {  	s13 =	sadd.s32 $0x1, s13  }
0x593: {  	p0 =	seq.s32 s13, $0x13  }
.Ltmp30:
0x594: {  	_ = 	snop;
	(pc) =	sbr.rel @p0 .LBB2_59-.Ltmp30, $3  }
0x595: {  	_ =	sdelay $0x1  }
0x596: {  	vm0 =	vgt.s32 v6, $0x0  }
0x597: {  	v4 =	vsel vm0, v4, v7;
	v5 =	vsel vm0, v7, v5  }
.LBB2_47:
.Ltmp31:
0x598: {  	(pc) =	sbr.rel @p1 .LBB2_62-.Ltmp31, $3  }
0x599: {  	_ =	sdelay $0x1  }
0x59a: {  	v7 =	vadd.s32 v4, v5  }
0x59b: {  	v7 =	vshrl.u32 v7, $0x1  }
0x59c: {  	s15 =	simm.s32 $0xD100  }
0x59d: {  	p0 =	sne.s32 s14, $0x1;
	v10 =	vld [tilespmem:s15+$0x0]  }
.Ltmp32:
0x59e: {  	_ = 	snop;
	(pc) =	sbr.rel @!p0 .LBB2_50-.Ltmp32, $3  }
0x59f: {  	_ =	sdelay $0x1  }
0x5a0: {  	v9 =	vlaneseq.u32  }
0x5a1: {  	v8 =	vimm.s32 $0x0;
	s16 =	simm.s32 $0xD110;
	s15 =	sadd.s32 $0xFFFFFFFF, s14;
	vm1 =	vlt.s32 v9, v21;
	vm0 =	vge.s32 v10, v7  }
.LBB2_49:
0x5a2: {  	v10 =	vld [tilespmem:s16+$0x0];
	p2 =	sne.s32 s15, $0x1;
	s15 =	sadd.s32 $0xFFFFFFFF, s15;
	vm0 =	vmand vm1, vm0  }
.Ltmp33:
0x5a3: {  	v11 =	vmpcnt.ones.xlane vm0;
	(pc) =	sbr.rel @p2 .LBB2_49-.Ltmp33, $4  }
0x5a4: {  	_ = 	snop  }
0x5a5: {  	v8 =	vadd.s32 v8, v11  }
0x5a6: {  	v9 =	vadd.s32 $0x10, v9  }
0x5a7: {  	s16 =	sadd.s32 $0x10, s16;
	vm1 =	vlt.s32 v9, v21;
	vm0 =	vge.s32 v10, v7  }
.LBB2_50:
0x5a8: {  	s13 =	sadd.s32 $0x1, s13  }
0x5a9: {  	vm0 =	vmand vm1, vm0;
	p2 =	seq.s32 s13, $0x13  }
.Ltmp34:
0x5aa: {  	v9 =	vmpcnt.ones.xlane vm0;
	(pc) =	sbr.rel @!p2 .LBB2_47-.Ltmp34, $4  }
0x5ab: {  	_ = 	snop  }
0x5ac: {  	v8 =	vadd.s32 v8, v9  }
0x5ad: {  	vm0 =	vlt.s32 v8, v6  }
0x5ae: {  	v4 =	vsel vm0, v4, v7;
	v5 =	vsel vm0, v7, v5  }
0x5af: {  	s15 =	simm.s32 $0xD100  }
0x5b0: {  	v9 =	vld [tilespmem:s15+$0x0]  }
.Ltmp35:
0x5b1: {  	_ = 	snop;
	(pc) =	sbr.rel @!p0 .LBB2_53-.Ltmp35, $4  }
0x5b2: {  	_ = 	snop  }
0x5b3: {  	v7 =	vadd.s32 $0x1, v4  }
0x5b4: {  	v8 =	vimm.s32 $0x0;
	v5 =	vlaneseq.u32;
	v10 =	vlaneseq.u32  }
0x5b5: {  	s13 =	sadd.s32 $0xFFFFFFFF, s14;
	s16 =	simm.s32 $0xD110;
	vm1 =	vlt.s32 v5, v21;
	vm0 =	vge.s32 v9, v7;
	v9 =	vimm.s32 $0x0  }
.LBB2_52:
0x5b6: {  	v11 =	vld [tilespmem:s16+$0x0];
	p1 =	sne.s32 s13, $0x1;
	s13 =	sadd.s32 $0xFFFFFFFF, s13;
	vm0 =	vmand vm1, vm0  }
.Ltmp36:
0x5b7: {  	v12 =	vmpcnt.ones.xlane vm0;
	(pc) =	sbr.rel @p1 .LBB2_52-.Ltmp36, $4  }
0x5b8: {  	_ = 	snop  }
0x5b9: {  	v9 =	vadd.s32 v9, v12  }
0x5ba: {  	v10 =	vadd.s32 $0x10, v10  }
0x5bb: {  	s16 =	sadd.s32 $0x10, s16;
	vm1 =	vlt.s32 v10, v21;
	vm0 =	vge.s32 v11, v7  }
.LBB2_53:
0x5bc: {  	vm0 =	vmand vm1, vm0  }
0x5bd: {  	v7 =	vmpcnt.ones.xlane vm0  }
.Ltmp37:
0x5be: {  	_ = 	snop;
	(pc) =	sbr.rel @!p0 .LBB2_54-.Ltmp37, $3  }
0x5bf: {  	v7 =	vadd.s32 v9, v7  }
0x5c0: {  	v6 =	vsub.s32 v6, v7;
	v7 =	vld [tilespmem:s15+$0x0];
	_ =	sdelay $0x1  }
0x5c1: {  	s13 =	simm.s32 $0x15180;
	s14 =	sadd.s32 $0xFFFFFFFF, s14;
	p1 =	por $0x0, $0x0  }
0x5c2: {  	_ =	sdelay $0x1  }
0x5c3: {  	vm0 =	vlt.s32 v5, v21;
	vm1 =	veq.s32 v7, v4  }
0x5c4: {  	vm1 =	vmand vm0, vm1  }
0x5c5: {  	v9 =	vsel vm1, $0x1, v0  }
0x5c6: {  	(xrf0) =	vadd.scan.msk.s32 $0xffff, v9;
	_ =	sdelay $0x5  }
0x5c7: {  	v9, _, _ =	vpop (xrf0)  }
0x5c8: {  	v9 =	vadd.s32 v8, v9  }
0x5c9: {  	vm2 =	vgt.s32 v7, v4;
	v7 =	vld [tilespmem:s13+$0x0];
	vm3 =	vle.s32 v9, v6  }
0x5ca: {  	vm0 =	vmand vm0, vm2;
	vm2 =	vmand vm1, vm3  }
0x5cb: {  	vm0 =	vmor vm0, vm2;
	_ =	sdelay $0x3  }
0x5cc: {  	p0 =	sne.s32 s14, $0x1  }
.Ltmp38:
0x5cd: {  	_ = 	snop;
	(pc) =	sbr.rel @!p0 .LBB2_56-.Ltmp38, $4  }
0x5ce: {  	s15 =	simm.s32 $0xD110;
	v9 =	vmpcnt.ones.xlane vm1;
	[tilespmem:v7+s3+$0x0] =	vst.idx.msk vm0, v3  }
0x5cf: {  	v7 =	vld [tilespmem:s15+$0x0]  }
0x5d0: {  	v8 =	vadd.s32 v8, v9  }
0x5d1: {  	s16 =	sadd.s32 $0xFFFFFFFF, s14;
	p1 =	por $0x1, $0x1;
	s14 =	simm.s32 $0x15180;
	v9 =	vlaneseq.u32;
	v10 =	vmov v8  }
.LBB2_57:
0x5d2: {  	p0 =	sne.s32 s16, $0x1;
	_ =	sdelay $0x2  }
0x5d3: {  	v9 =	vadd.s32 $0x10, v9  }
0x5d4: {  	vm1 =	veq.s32 v7, v4;
	vm0 =	vlt.s32 v9, v21  }
0x5d5: {  	vm1 =	vmand vm0, vm1  }
0x5d6: {  	v11 =	vsel vm1, $0x1, v0;
	v12 =	vmpcnt.ones.xlane vm1  }
0x5d7: {  	(xrf0) =	vadd.scan.msk.s32 $0xffff, v11  }
0x5d8: {  	v10 =	vadd.s32 v10, v12;
	_ =	sdelay $0x4  }
0x5d9: {  	v11, _, _ =	vpop (xrf0)  }
0x5da: {  	s14 =	sadd.s32 $0x10, s14;
	v11 =	vadd.s32 v8, v11;
	v8 =	vmov v10  }
0x5db: {  	vm2 =	vgt.s32 v7, v4;
	vm3 =	vle.s32 v11, v6;
	v7 =	vld [tilespmem:s14+$0x0]  }
0x5dc: {  	vm0 =	vmand vm0, vm2;
	vm1 =	vmand vm1, vm3  }
0x5dd: {  	vm0 =	vmor vm0, vm1;
	_ =	sdelay $0x2  }
.Ltmp39:
0x5de: {  	(pc) =	sbr.rel @p0 .LBB2_57-.Ltmp39, $3  }
0x5df: {  	_ =	sdelay $0x1  }
0x5e0: {  	s15 =	sadd.s32 $0x10, s15;
	[tilespmem:v7+s3+$0x0] =	vst.idx.msk vm0, v3  }
0x5e1: {  	s16 =	sadd.s32 $0xFFFFFFFF, s16;
	v7 =	vld [tilespmem:s15+$0x0]  }
.Ltmp40:
0x5e2: {  	_ = 	snop;
	(pc) =	sbr.rel .LBB2_58-.Ltmp40, $1  }
0x5e3: {  	_ =	sdelay $0x3  }
.LBB2_25:
.Ltmp41:
0x5e4: {  	(pc) =	sbr.rel .LBB2_29-.Ltmp41, $2  }
0x5e5: {  	_ =	sdelay $0x2  }
0x5e6: {  	v9 =	vlaneseq.u32;
	s14 =	simm.s32 $0x15180  }
.LBB2_27:
.Ltmp42:
0x5e7: {  	(pc) =	sbr.rel .LBB2_29-.Ltmp42, $2  }
0x5e8: {  	_ =	sdelay $0x2  }
0x5e9: {  	v9 =	vlaneseq.u32;
	s14 =	simm.s32 $0x15180  }
.LBB2_56:
.Ltmp43:
0x5ea: {  	(pc) =	sbr.rel .LBB2_58-.Ltmp43, $2  }
0x5eb: {  	_ =	sdelay $0x2  }
0x5ec: {  	v9 =	vlaneseq.u32;
	s14 =	simm.s32 $0x15180  }
.LBB2_60:
0x5ed: {  	_ =	sfence.sel $0x180000  }
0x5ee: {  	[bflag:$0x0] =	sbarrier.arrive $0xFFFF  }
0x5ef: {  	_ =	strace $0x90000047  }
0x5f0: {  	s0 =	stileid.u32;
	[bflag:$0x2] =	sbarrier.arrive $0xFFFF  }
0x5f1: {  	p0 =	sne.s32 s0, $0x0;
	s0 =	rddreg [dreg:$0x4]  }
0x5f2: {  	s0 =	sadd.s32 @!p0 $0x100000, s0  }
0x5f3: {  	[sflag:s0] =	ssyncadd.tile.s32 @!p0 $0x1;
	_ =	shalt  }
.Lfunc_end2:
_tile_overlayer_lowered:
.L_overlay_start_2:
0x5f4: {  	(tag) =	ssettag $0x2  }
0x5f5: {  	s0 =	rddreg [dreg:$0x0];
	s2 =	stileid.u32  }
0x5f6: {  	s1 =	rddreg [dreg:$0x1];
	p0 =	sne.s32 s2, $0x0  }
0x5f7: {  	s3 =	rddreg [dreg:$0x2];
	[bflag:$0x3] =	sbarrier.arrive $0xFFFF;
	s2 =	simm.s32 @!p0 $0x1C07  }
0x5f8: {  	[timem:s3], [sflag:s2] =	dma.local @!p0 [hbm:s0], s1  }
0x5f9: {  	s0 =	simm.s32 @!p0 $0x7  }
0x5fa: {  	_ =	swait.ge @!p0 [sflag:s0], s1  }
0x5fb: {  	s1 =	ssub.s32 @!p0 $0x0, s1;
	[sflag:s0] =	ssyncset.done @!p0 $0x0  }
0x5fc: {  	[sflag:s0] =	ssyncadd.s32 @!p0 s1  }
0x5fd: {  	[bflag:$0x3] =	sbarrier.arrive $0xFFFF  }
0x5fe: {  	_ =	shalt  }

</sc_bundles>
